<compile_context>
chip_gen: v7x
topology: tpu7x:2x2x1
jax: 0.10.2.dev20260603
libtpu: 0.0.44.dev20260713+nightly
codegen_flags: <defaults>
</compile_context>

<pallas_src>
import functools

import jax
import jax.numpy as jnp
from jax import lax
from jax.experimental import pallas as pl
from jax.experimental.pallas import tpu as pltpu
from jax.experimental.pallas import tpu_sc as plsc

N = 10000
E = 320000
D = 128

NC = 2
NS = 16
NW = NC * NS
L = 16

NPAD = 10240
NROWS = NPAD // 128
EPW = 10112
CH = 64
ECH = EPW // CH
NB = 4
STG = 40
ROWS_PER_TILE = NPAD // NS

_mesh = plsc.VectorSubcoreMesh(
    core_axis_name="c", subcore_axis_name="s", num_cores=NC, num_subcores=NS)



@functools.partial(
    pl.kernel,
    out_type=jax.ShapeDtypeStruct((NW, NPAD), jnp.float32),
    mesh=_mesh,
    compiler_params=pltpu.CompilerParams(needs_layout_passes=False),
    scratch_types=[
        pltpu.VMEM((EPW,), jnp.int32),
        pltpu.VMEM((EPW,), jnp.int32),
        pltpu.VMEM((NPAD,), jnp.float32),
        pltpu.VMEM((NPAD,), jnp.float32),
    ],
)
def _sc_scalar_scatter(gidx_hbm, sidx_hbm, tab_hbm, zeros_hbm, out_hbm,
                       gidx_v, sidx_v, tab_v, acc_v):
    wid = lax.axis_index("c") * NS + lax.axis_index("s")
    pltpu.sync_copy(gidx_hbm.at[wid], gidx_v)
    pltpu.sync_copy(sidx_hbm.at[wid], sidx_v)
    pltpu.sync_copy(tab_hbm, tab_v)
    pltpu.sync_copy(zeros_hbm, acc_v)

    def step(i, _):
        gi = gidx_v[pl.ds(i * L, L)]
        vals = plsc.load_gather(tab_v, [gi])
        si = sidx_v[pl.ds(i * L, L)]
        plsc.addupdate_scatter(acc_v, [si], vals)
        return 0

    lax.fori_loop(0, EPW // L, step, 0)
    pltpu.sync_copy(acc_v, out_hbm.at[wid])


@functools.partial(
    pl.kernel,
    out_type=jax.ShapeDtypeStruct((NC, NPAD, 128), jnp.float32),
    mesh=_mesh,
    compiler_params=pltpu.CompilerParams(needs_layout_passes=False),
    scratch_types=[
        pltpu.VMEM((STG, CH), jnp.int32),
        pltpu.VMEM((STG, CH), jnp.int32),
        pltpu.VMEM((NB, CH, 128), jnp.float32),
        pltpu.VMEM_SHARED((NPAD, 128), jnp.float32),
        pltpu.SemaphoreType.DMA,
        pltpu.SemaphoreType.DMA,
        pltpu.SemaphoreType.DMA,
        pltpu.SemaphoreType.DMA,
        pltpu.SemaphoreType.DMA,
        pltpu.SemaphoreType.DMA,
        pltpu.SemaphoreType.DMA,
        pltpu.SemaphoreType.DMA,
    ],
)
def _sc_row_scatter(u_hbm, src_hbm, dst_hbm, zeros_hbm, out_hbm,
                    sidx_v, didx_v, ring_v, acc_sh,
                    gsem0, gsem1, gsem2, gsem3, ssem0, ssem1, ssem2, ssem3):
    cid = lax.axis_index("c")
    sid = lax.axis_index("s")
    wid = cid * NS + sid
    rows = tuple(ring_v.at[b] for b in range(NB))
    gsems = (gsem0, gsem1, gsem2, gsem3)
    ssems = (ssem0, ssem1, ssem2, ssem3)
    pltpu.sync_copy(zeros_hbm, rows[0])
    base = sid * ROWS_PER_TILE
    for k in range(ROWS_PER_TILE // CH):
        pltpu.sync_copy(rows[0], acc_sh.at[pl.ds(base + k * CH, CH)])
    plsc.subcore_barrier()

    for h in range(ECH // STG + 1):
        nh = min(STG, ECH - h * STG)
        if nh <= 0:
            break
        pltpu.sync_copy(src_hbm.at[wid].at[pl.ds(h * STG, nh)],
                        sidx_v.at[pl.ds(0, nh)])
        pltpu.sync_copy(dst_hbm.at[wid].at[pl.ds(h * STG, nh)],
                        didx_v.at[pl.ds(0, nh)])
        for b in range(NB - 1):
            pltpu.async_copy(u_hbm.at[sidx_v.at[b]], rows[b], gsems[b])

        def step(j, _):
            for p in range(NB):
                @pl.when(j % NB == p)
                def _():
                    @pl.when(j + NB - 1 < nh)
                    def _():
                        q = (p + NB - 1) % NB

                        @pl.when(j >= 1)
                        def _():
                            pltpu.make_async_copy(
                                rows[q], acc_sh.at[didx_v.at[j - 1]],
                                ssems[q]).wait()

                        pltpu.async_copy(
                            u_hbm.at[sidx_v.at[j + NB - 1]], rows[q],
                            gsems[q])

                    pltpu.make_async_copy(
                        u_hbm.at[sidx_v.at[j]], rows[p], gsems[p]).wait()
                    pltpu.async_copy(
                        rows[p], acc_sh.at[didx_v.at[j]], ssems[p], add=True)

            return 0

        lax.fori_loop(0, nh, step, 0)
        for k in range(max(0, nh - NB), nh):
            pltpu.make_async_copy(
                rows[k % NB], acc_sh.at[didx_v.at[k]], ssems[k % NB]).wait()
    plsc.subcore_barrier()
    pltpu.sync_copy(acc_sh.at[pl.ds(base, ROWS_PER_TILE)],
                    out_hbm.at[cid].at[pl.ds(base, ROWS_PER_TILE)])



def _tc_w_body(hpart_ref, dr_ref, w_ref):
    dr = jnp.sum(hpart_ref[...], axis=0)
    dr_ref[...] = dr
    w_ref[...] = jnp.where(dr > 0, 1.0 / dr, 0.0)


def _tc_c_body(gpart_ref, dr_ref, w_ref, c_ref, dis2_ref):
    g = jnp.sum(gpart_ref[...], axis=0)
    w = w_ref[...]
    deg = w * g + 1.0
    dis2 = 1.0 / deg
    c_ref[...] = lax.rsqrt(deg) * w
    dis2_ref[...] = dis2
    del dr_ref


def _tc_h_body(feat_ref, w1_ref, c_ref, h_ref, u_ref):
    f = feat_ref[...]
    fn = f / jnp.sum(f, axis=1, keepdims=True)
    h = jnp.dot(fn, w1_ref[...], preferred_element_type=jnp.float32)
    h_ref[...] = h
    u_ref[...] = c_ref[...] * h


def _tc_z_body(ypart_ref, h_ref, c_ref, dis2_ref, b1_ref, w2_ref,
               t_ref, s2_ref):
    yp = ypart_ref[...]
    y = c_ref[...] * (yp[0] + yp[1]) + dis2_ref[...] * h_ref[...] + b1_ref[...]
    y1 = jnp.maximum(y, 0.0)
    z = jnp.dot(y1, w2_ref[...], preferred_element_type=jnp.float32)
    t_ref[...] = c_ref[...] * z
    s2_ref[...] = dis2_ref[...] * z


def _tc_out_body(zpart_ref, c_ref, s2_ref, b2_ref, out_ref):
    zs = jnp.sum(zpart_ref[...], axis=0)
    out_ref[...] = c_ref[...] * zs + s2_ref[...] + b2_ref[0, 0]


def _sds(shape):
    return jax.ShapeDtypeStruct(shape, jnp.float32)



def kernel(feat, edge_index, W1, b1, W2, b2):
    src = edge_index[0]
    dst = edge_index[1]
    pad = N + (jnp.arange(NW * EPW - E, dtype=jnp.int32) % (NPAD - N))
    src_p = jnp.concatenate([src, pad])
    dst_p = jnp.concatenate([dst, pad])
    src2 = src_p.reshape(NW, EPW)
    dst2 = dst_p.reshape(NW, EPW)
    src3 = src_p.reshape(NW, ECH, CH)
    dst3 = dst_p.reshape(NW, ECH, CH)

    zeros_n = jnp.zeros((NPAD,), jnp.float32)
    zeros_ch = jnp.zeros((CH, 128), jnp.float32)
    ones_n = jnp.ones((NPAD,), jnp.float32)
    feat_p = jnp.concatenate(
        [feat, jnp.ones((NPAD - N, D), jnp.float32)], axis=0)

    hpart = _sc_scalar_scatter(src2, src2, ones_n, zeros_n)
    dr80, w80 = pl.pallas_call(
        _tc_w_body,
        out_shape=(_sds((NROWS, 128)), _sds((NROWS, 128))),
    )(hpart.reshape(NW, NROWS, 128))

    gpart = _sc_scalar_scatter(src2, dst2, w80.reshape(NPAD), zeros_n)
    c80, dis280 = pl.pallas_call(
        _tc_c_body,
        out_shape=(_sds((NROWS, 128)), _sds((NROWS, 128))),
    )(gpart.reshape(NW, NROWS, 128), dr80, w80)

    c_col = c80.reshape(NPAD, 1)
    dis2_col = dis280.reshape(NPAD, 1)

    BR = 512
    grid = NPAD // BR
    h, u = pl.pallas_call(
        _tc_h_body,
        grid=(grid,),
        in_specs=[
            pl.BlockSpec((BR, D), lambda i: (i, 0)),
            pl.BlockSpec((D, D), lambda i: (0, 0)),
            pl.BlockSpec((BR, 1), lambda i: (i, 0)),
        ],
        out_specs=(pl.BlockSpec((BR, D), lambda i: (i, 0)),
                   pl.BlockSpec((BR, D), lambda i: (i, 0))),
        out_shape=(_sds((NPAD, D)), _sds((NPAD, D))),
    )(feat_p, W1, c_col)

    ypart = _sc_row_scatter(u, src3, dst3, zeros_ch)

    t_col, s2_col = pl.pallas_call(
        _tc_z_body,
        grid=(grid,),
        in_specs=[
            pl.BlockSpec((NC, BR, D), lambda i: (0, i, 0)),
            pl.BlockSpec((BR, D), lambda i: (i, 0)),
            pl.BlockSpec((BR, 1), lambda i: (i, 0)),
            pl.BlockSpec((BR, 1), lambda i: (i, 0)),
            pl.BlockSpec((1, D), lambda i: (0, 0)),
            pl.BlockSpec((D, 1), lambda i: (0, 0)),
        ],
        out_specs=(pl.BlockSpec((BR, 1), lambda i: (i, 0)),
                   pl.BlockSpec((BR, 1), lambda i: (i, 0))),
        out_shape=(_sds((NPAD, 1)), _sds((NPAD, 1))),
    )(ypart, h, c_col, dis2_col, b1.reshape(1, D), W2)

    zpart = _sc_scalar_scatter(src2, dst2, t_col.reshape(NPAD), zeros_n)

    out80 = pl.pallas_call(
        _tc_out_body,
        out_shape=_sds((NROWS, 128)),
    )(zpart.reshape(NW, NROWS, 128), c80, s2_col.reshape(NROWS, 128),
      b2.reshape(1, 1))

    return out80.reshape(NPAD, 1)[:N]

# --- scband reference (transcript-rebuilt; emitter-appended) ---
"""Pipeline reference for scband-std-gcn-31619549233339 (READ-ONLY COPY).

The authoritative reference and input builder live on the scoring server;
editing this copy changes nothing except your own understanding.
"""

import jax, jax.numpy as jnp
import numpy as np

N = 10000
E = 320000
D_IN = 128
D_HID = 128


def setup_inputs(seed: int = 0) -> dict:
    key = jax.random.key(seed)
    k1, k2, k3, k4, k5 = jax.random.split(key, 5)
    # feat: strictly positive so feat.sum(dim=1) is never zero (matches rand fill)
    feat = jax.random.uniform(k1, (N, D_IN), dtype=jnp.float32) + 0.01
    # adjacency as edge list; first N edges have src = arange(N) so every
    # row-sum of the dense adj is >= 1 (torch.inverse(D) would otherwise fail)
    src = jnp.concatenate([
        jnp.arange(N, dtype=jnp.int32),
        jax.random.randint(k2, (E - N,), 0, N, dtype=jnp.int32),
    ])
    dst = jax.random.randint(k3, (E,), 0, N, dtype=jnp.int32)
    edge_index = jnp.stack([src, dst])
    # GCN params: layer_num=2 -> GCNConv(128,128), GCNConv(128,1)
    W1 = (jax.random.normal(k4, (D_IN, D_HID), dtype=jnp.float32) / np.sqrt(D_IN)).astype(jnp.float32)
    b1 = jnp.zeros((D_HID,), dtype=jnp.float32)
    W2 = (jax.random.normal(k5, (D_HID, 1), dtype=jnp.float32) / np.sqrt(D_HID)).astype(jnp.float32)
    b2 = jnp.zeros((1,), dtype=jnp.float32)
    return {"feat": feat, "edge_index": edge_index, "W1": W1, "b1": b1, "W2": W2, "b2": b2}


def _gcn_norm(edge_index, edge_weight, num_nodes):
    # PyG gcn_norm: add self-loops (fill_value=1), deg from dst, sym-normalize
    loop = jnp.arange(num_nodes, dtype=edge_index.dtype)
    row = jnp.concatenate([edge_index[0], loop])
    col = jnp.concatenate([edge_index[1], loop])
    ew = jnp.concatenate([edge_weight, jnp.ones((num_nodes,), dtype=edge_weight.dtype)])
    deg = jax.ops.segment_sum(ew, col, num_segments=num_nodes)
    deg_inv_sqrt = jnp.where(deg > 0, jax.lax.rsqrt(jnp.where(deg > 0, deg, 1.0)), 0.0)
    norm = deg_inv_sqrt[row] * ew * deg_inv_sqrt[col]
    return row, col, norm


def _gcn_conv(x, row, col, norm, W, b, num_nodes):
    h = x @ W
    out = jax.ops.segment_sum(norm[:, None] * h[row], col, num_segments=num_nodes)
    return out + b


def reference(feat, edge_index, W1, b1, W2, b2):
    # forward: feat = feat / feat.sum(dim=1, keepdim=True)
    feat = feat / jnp.sum(feat, axis=1, keepdims=True)
    # __init__: A_hat = D^-1 A D^-1 with D = diag(rowsum(A));
    # edge weight for edge (r, c) with A[r,c]=1 is 1/(deg_r * deg_c)
    ones_e = jnp.ones((edge_index.shape[1],), dtype=jnp.float32)
    deg_row = jax.ops.segment_sum(ones_e, edge_index[0], num_segments=N)
    ew = 1.0 / (deg_row[edge_index[0]] * deg_row[edge_index[1]])
    # torch_geometric.nn.models.GCN, num_layers=2, out_channels=1, dropout=0
    row, col, norm = _gcn_norm(edge_index, ew, N)
    h = _gcn_conv(feat, row, col, norm, W1, b1, N)
    h = jax.nn.relu(h)
    out = _gcn_conv(h, row, col, norm, W2, b2, N)
    return out

if __name__ == "__main__":
    import jax
    _d = setup_inputs()
    print(jax.jit(kernel)(*tuple(_d.values())))

</pallas_src>

<mosaic_0001>
#map = affine_map<(d0, d1) -> (0, 0)>
#map1 = affine_map<(d0, d1) -> (0)>
module attributes {stable_mosaic.version = 14 : i64} {
  func.func @_sc_scalar_scatter(%arg0: i32, %arg1: i32, %arg2: memref<32x10112xi32, #tpu.memory_space<hbm>>, %arg3: memref<32x10112xi32, #tpu.memory_space<hbm>>, %arg4: memref<10240xf32, #tpu.memory_space<hbm>>, %arg5: memref<10240xf32, #tpu.memory_space<hbm>>, %arg6: memref<32x10240xf32, #tpu.memory_space<hbm>>, %arg7: memref<10112xi32, #tpu.memory_space<vmem>>, %arg8: memref<10112xi32, #tpu.memory_space<vmem>>, %arg9: memref<10240xf32, #tpu.memory_space<vmem>>, %arg10: memref<10240xf32, #tpu.memory_space<vmem>>) attributes {dimension_semantics = [#tpu.dimension_semantics<core_parallel>, #tpu.dimension_semantics<subcore_parallel>], iteration_bounds = array<i64: 2, 16>, scalar_prefetch = 0 : i64, scratch_operands = 4 : i64, tpu.core_type = #tpu.core_type<sc_vector_subcore>, window_params = [{transform_indices = #map}, {transform_indices = #map}, {transform_indices = #map1}, {transform_indices = #map1}, {transform_indices = #map}]} {
    %mul3A = arith.constant 16 : i32
    %mul3A_0 = arith.muli %arg0, %mul3A : i32
    %add3A = arith.addi %mul3A_0, %arg1 : i32
    "tpu.region"() ({
      %run_scoped3A = tpu.sem_alloc : memref<!tpu.dma_semaphore, #tpu.memory_space<semaphore_mem>>
      %dma_start3A = arith.constant 0 : i32
      %dma_start3A_7 = tpu.memref_slice %arg2[%add3A, %dma_start3A] : memref<32x10112xi32, #tpu.memory_space<hbm>> -> memref<1x10112xi32, #tpu.memory_space<hbm>>
      %dma_start3A_8 = tpu.memref_squeeze %dma_start3A_7 : memref<1x10112xi32, #tpu.memory_space<hbm>> -> memref<10112xi32, #tpu.memory_space<hbm>>
      %dma_start3A_9 = arith.constant 0 : i32
      %dma_start3A_10 = tpu.memref_slice %arg2[%add3A, %dma_start3A_9] : memref<32x10112xi32, #tpu.memory_space<hbm>> -> memref<1x10112xi32, #tpu.memory_space<hbm>>
      %dma_start3A_11 = tpu.memref_squeeze %dma_start3A_10 : memref<1x10112xi32, #tpu.memory_space<hbm>> -> memref<10112xi32, #tpu.memory_space<hbm>>
      tpu.enqueue_dma source(%dma_start3A_11 : memref<10112xi32, #tpu.memory_space<hbm>>) target(%arg7 : memref<10112xi32, #tpu.memory_space<vmem>>) target_semaphore(%run_scoped3A : memref<!tpu.dma_semaphore, #tpu.memory_space<semaphore_mem>>)
      %dma_wait3A = arith.constant 0 : i32
      %dma_wait3A_12 = tpu.memref_slice %arg2[%add3A, %dma_wait3A] : memref<32x10112xi32, #tpu.memory_space<hbm>> -> memref<1x10112xi32, #tpu.memory_space<hbm>>
      %dma_wait3A_13 = tpu.memref_squeeze %dma_wait3A_12 : memref<1x10112xi32, #tpu.memory_space<hbm>> -> memref<10112xi32, #tpu.memory_space<hbm>>
      %dma_wait3A_14 = arith.constant 0 : i32
      %dma_wait3A_15 = tpu.memref_slice %arg2[%add3A, %dma_wait3A_14] : memref<32x10112xi32, #tpu.memory_space<hbm>> -> memref<1x10112xi32, #tpu.memory_space<hbm>>
      %dma_wait3A_16 = tpu.memref_squeeze %dma_wait3A_15 : memref<1x10112xi32, #tpu.memory_space<hbm>> -> memref<10112xi32, #tpu.memory_space<hbm>>
      tpu.wait_dma2 semaphore(%run_scoped3A : memref<!tpu.dma_semaphore, #tpu.memory_space<semaphore_mem>>) src(%dma_wait3A_16 : memref<10112xi32, #tpu.memory_space<hbm>>) dst(%arg7 : memref<10112xi32, #tpu.memory_space<vmem>>)
      tpu.yield
    }) : () -> ()
    "tpu.region"() ({
      %run_scoped3A = tpu.sem_alloc : memref<!tpu.dma_semaphore, #tpu.memory_space<semaphore_mem>>
      %dma_start3A = arith.constant 0 : i32
      %dma_start3A_7 = tpu.memref_slice %arg3[%add3A, %dma_start3A] : memref<32x10112xi32, #tpu.memory_space<hbm>> -> memref<1x10112xi32, #tpu.memory_space<hbm>>
      %dma_start3A_8 = tpu.memref_squeeze %dma_start3A_7 : memref<1x10112xi32, #tpu.memory_space<hbm>> -> memref<10112xi32, #tpu.memory_space<hbm>>
      %dma_start3A_9 = arith.constant 0 : i32
      %dma_start3A_10 = tpu.memref_slice %arg3[%add3A, %dma_start3A_9] : memref<32x10112xi32, #tpu.memory_space<hbm>> -> memref<1x10112xi32, #tpu.memory_space<hbm>>
      %dma_start3A_11 = tpu.memref_squeeze %dma_start3A_10 : memref<1x10112xi32, #tpu.memory_space<hbm>> -> memref<10112xi32, #tpu.memory_space<hbm>>
      tpu.enqueue_dma source(%dma_start3A_11 : memref<10112xi32, #tpu.memory_space<hbm>>) target(%arg8 : memref<10112xi32, #tpu.memory_space<vmem>>) target_semaphore(%run_scoped3A : memref<!tpu.dma_semaphore, #tpu.memory_space<semaphore_mem>>)
      %dma_wait3A = arith.constant 0 : i32
      %dma_wait3A_12 = tpu.memref_slice %arg3[%add3A, %dma_wait3A] : memref<32x10112xi32, #tpu.memory_space<hbm>> -> memref<1x10112xi32, #tpu.memory_space<hbm>>
      %dma_wait3A_13 = tpu.memref_squeeze %dma_wait3A_12 : memref<1x10112xi32, #tpu.memory_space<hbm>> -> memref<10112xi32, #tpu.memory_space<hbm>>
      %dma_wait3A_14 = arith.constant 0 : i32
      %dma_wait3A_15 = tpu.memref_slice %arg3[%add3A, %dma_wait3A_14] : memref<32x10112xi32, #tpu.memory_space<hbm>> -> memref<1x10112xi32, #tpu.memory_space<hbm>>
      %dma_wait3A_16 = tpu.memref_squeeze %dma_wait3A_15 : memref<1x10112xi32, #tpu.memory_space<hbm>> -> memref<10112xi32, #tpu.memory_space<hbm>>
      tpu.wait_dma2 semaphore(%run_scoped3A : memref<!tpu.dma_semaphore, #tpu.memory_space<semaphore_mem>>) src(%dma_wait3A_16 : memref<10112xi32, #tpu.memory_space<hbm>>) dst(%arg8 : memref<10112xi32, #tpu.memory_space<vmem>>)
      tpu.yield
    }) : () -> ()
    "tpu.region"() ({
      %run_scoped3A = tpu.sem_alloc : memref<!tpu.dma_semaphore, #tpu.memory_space<semaphore_mem>>
      tpu.enqueue_dma source(%arg4 : memref<10240xf32, #tpu.memory_space<hbm>>) target(%arg9 : memref<10240xf32, #tpu.memory_space<vmem>>) target_semaphore(%run_scoped3A : memref<!tpu.dma_semaphore, #tpu.memory_space<semaphore_mem>>)
      tpu.wait_dma2 semaphore(%run_scoped3A : memref<!tpu.dma_semaphore, #tpu.memory_space<semaphore_mem>>) src(%arg4 : memref<10240xf32, #tpu.memory_space<hbm>>) dst(%arg9 : memref<10240xf32, #tpu.memory_space<vmem>>)
      tpu.yield
    }) : () -> ()
    "tpu.region"() ({
      %run_scoped3A = tpu.sem_alloc : memref<!tpu.dma_semaphore, #tpu.memory_space<semaphore_mem>>
      tpu.enqueue_dma source(%arg5 : memref<10240xf32, #tpu.memory_space<hbm>>) target(%arg10 : memref<10240xf32, #tpu.memory_space<vmem>>) target_semaphore(%run_scoped3A : memref<!tpu.dma_semaphore, #tpu.memory_space<semaphore_mem>>)
      tpu.wait_dma2 semaphore(%run_scoped3A : memref<!tpu.dma_semaphore, #tpu.memory_space<semaphore_mem>>) src(%arg5 : memref<10240xf32, #tpu.memory_space<hbm>>) dst(%arg10 : memref<10240xf32, #tpu.memory_space<vmem>>)
      tpu.yield
    }) : () -> ()
    %scan3A = arith.constant 0 : i32
    %scan3A_1 = arith.constant 0 : i32
    %scan3A_2 = arith.constant 632 : i32
    %scan3A_3 = arith.addi %scan3A_1, %scan3A_2 : i32
    %scan3A_4 = arith.constant 1 : i32
    %scan3A_5 = scf.for %scan3A_7 = %scan3A_1 to %scan3A_3 step %scan3A_4 iter_args(%scan3A_8 = %scan3A) -> (i32)  : i32 {
      %mul3A_9 = arith.constant 16 : i32
      %mul3A_10 = arith.muli %scan3A_7, %mul3A_9 : i32
      %get3A = arith.index_cast %mul3A_10 : i32 to index
      %get3A_11 = tpu.vector_load %arg7[%get3A] {strides = array<i32>} : memref<10112xi32, #tpu.memory_space<vmem>>, vector<16xi32>,
      %gather3A = tpu.vector_load_idx %arg9[%get3A_11] : memref<10240xf32, #tpu.memory_space<vmem>>[vector<16xi32>], vector<16xf32>,
      %mul3A_12 = arith.constant 16 : i32
      %mul3A_13 = arith.muli %scan3A_7, %mul3A_12 : i32
      %get3A_14 = arith.index_cast %mul3A_13 : i32 to index
      %get3A_15 = tpu.vector_load %arg8[%get3A_14] {strides = array<i32>} : memref<10112xi32, #tpu.memory_space<vmem>>, vector<16xi32>,
      tpu.vector_store_idx %arg10[%get3A_15], %gather3A {add = true} : memref<10240xf32, #tpu.memory_space<vmem>>[vector<16xi32>], vector<16xf32>,
      %scan3A_16 = arith.constant 0 : i32
      scf.yield %scan3A_16 : i32
    }
    %scan3A_6 = arith.constant 632 : i32
    "tpu.region"() ({
      %run_scoped3A = tpu.sem_alloc : memref<!tpu.dma_semaphore, #tpu.memory_space<semaphore_mem>>
      %dma_start3A = arith.constant 0 : i32
      %dma_start3A_7 = tpu.memref_slice %arg6[%add3A, %dma_start3A] : memref<32x10240xf32, #tpu.memory_space<hbm>> -> memref<1x10240xf32, #tpu.memory_space<hbm>>
      %dma_start3A_8 = tpu.memref_squeeze %dma_start3A_7 : memref<1x10240xf32, #tpu.memory_space<hbm>> -> memref<10240xf32, #tpu.memory_space<hbm>>
      %dma_start3A_9 = arith.constant 0 : i32
      %dma_start3A_10 = tpu.memref_slice %arg6[%add3A, %dma_start3A_9] : memref<32x10240xf32, #tpu.memory_space<hbm>> -> memref<1x10240xf32, #tpu.memory_space<hbm>>
      %dma_start3A_11 = tpu.memref_squeeze %dma_start3A_10 : memref<1x10240xf32, #tpu.memory_space<hbm>> -> memref<10240xf32, #tpu.memory_space<hbm>>
      tpu.enqueue_dma source(%arg10 : memref<10240xf32, #tpu.memory_space<vmem>>) target(%dma_start3A_11 : memref<10240xf32, #tpu.memory_space<hbm>>) target_semaphore(%run_scoped3A : memref<!tpu.dma_semaphore, #tpu.memory_space<semaphore_mem>>)
      %dma_wait3A = arith.constant 0 : i32
      %dma_wait3A_12 = tpu.memref_slice %arg6[%add3A, %dma_wait3A] : memref<32x10240xf32, #tpu.memory_space<hbm>> -> memref<1x10240xf32, #tpu.memory_space<hbm>>
      %dma_wait3A_13 = tpu.memref_squeeze %dma_wait3A_12 : memref<1x10240xf32, #tpu.memory_space<hbm>> -> memref<10240xf32, #tpu.memory_space<hbm>>
      %dma_wait3A_14 = arith.constant 0 : i32
      %dma_wait3A_15 = tpu.memref_slice %arg6[%add3A, %dma_wait3A_14] : memref<32x10240xf32, #tpu.memory_space<hbm>> -> memref<1x10240xf32, #tpu.memory_space<hbm>>
      %dma_wait3A_16 = tpu.memref_squeeze %dma_wait3A_15 : memref<1x10240xf32, #tpu.memory_space<hbm>> -> memref<10240xf32, #tpu.memory_space<hbm>>
      tpu.wait_dma2 semaphore(%run_scoped3A : memref<!tpu.dma_semaphore, #tpu.memory_space<semaphore_mem>>) src(%arg10 : memref<10240xf32, #tpu.memory_space<vmem>>) dst(%dma_wait3A_16 : memref<10240xf32, #tpu.memory_space<hbm>>)
      tpu.yield
    }) : () -> ()
    return
  }
}

#map = affine_map<(d0, d1) -> (0, 0)>
#map1 = affine_map<(d0, d1) -> (0, 0, 0)>
module attributes {stable_mosaic.version = 14 : i64} {
  func.func @_sc_row_scatter(%arg0: i32, %arg1: i32, %arg2: memref<10240x128xf32, #tpu.memory_space<hbm>>, %arg3: memref<32x158x64xi32, #tpu.memory_space<hbm>>, %arg4: memref<32x158x64xi32, #tpu.memory_space<hbm>>, %arg5: memref<64x128xf32, #tpu.memory_space<hbm>>, %arg6: memref<2x10240x128xf32, #tpu.memory_space<hbm>>, %arg7: memref<40x64xi32, #tpu.memory_space<vmem>>, %arg8: memref<40x64xi32, #tpu.memory_space<vmem>>, %arg9: memref<4x64x128xf32, #tpu.memory_space<vmem>>, %arg10: memref<10240x128xf32, #tpu.memory_space<vmem_shared>>, %arg11: memref<!tpu.dma_semaphore, #tpu.memory_space<semaphore_mem>>, %arg12: memref<!tpu.dma_semaphore, #tpu.memory_space<semaphore_mem>>, %arg13: memref<!tpu.dma_semaphore, #tpu.memory_space<semaphore_mem>>, %arg14: memref<!tpu.dma_semaphore, #tpu.memory_space<semaphore_mem>>, %arg15: memref<!tpu.dma_semaphore, #tpu.memory_space<semaphore_mem>>, %arg16: memref<!tpu.dma_semaphore, #tpu.memory_space<semaphore_mem>>, %arg17: memref<!tpu.dma_semaphore, #tpu.memory_space<semaphore_mem>>, %arg18: memref<!tpu.dma_semaphore, #tpu.memory_space<semaphore_mem>>) attributes {dimension_semantics = [#tpu.dimension_semantics<core_parallel>, #tpu.dimension_semantics<subcore_parallel>], iteration_bounds = array<i64: 2, 16>, scalar_prefetch = 0 : i64, scratch_operands = 12 : i64, tpu.core_type = #tpu.core_type<sc_vector_subcore>, window_params = [{transform_indices = #map}, {transform_indices = #map1}, {transform_indices = #map1}, {transform_indices = #map}, {transform_indices = #map1}]} {
    %mul3A = arith.constant 16 : i32
    %mul3A_0 = arith.muli %arg0, %mul3A : i32
    %add3A = arith.addi %mul3A_0, %arg1 : i32
    %run_scoped3A = arith.constant 0 : i32
    "tpu.region"() ({
      %run_scoped3A_411 = tpu.sem_alloc : memref<!tpu.dma_semaphore, #tpu.memory_space<semaphore_mem>>
      %dma_start3A_412 = arith.constant 0 : i32
      %dma_start3A_413 = arith.constant 0 : i32
      %dma_start3A_414 = tpu.memref_slice %arg9[%run_scoped3A, %dma_start3A_412, %dma_start3A_413] : memref<4x64x128xf32, #tpu.memory_space<vmem>> -> memref<1x64x128xf32, #tpu.memory_space<vmem>>
      %dma_start3A_415 = tpu.memref_squeeze %dma_start3A_414 : memref<1x64x128xf32, #tpu.memory_space<vmem>> -> memref<64x128xf32, #tpu.memory_space<vmem>>
      %dma_start3A_416 = arith.constant 0 : i32
      %dma_start3A_417 = arith.constant 0 : i32
      %dma_start3A_418 = tpu.memref_slice %arg9[%run_scoped3A, %dma_start3A_416, %dma_start3A_417] : memref<4x64x128xf32, #tpu.memory_space<vmem>> -> memref<1x64x128xf32, #tpu.memory_space<vmem>>
      %dma_start3A_419 = tpu.memref_squeeze %dma_start3A_418 : memref<1x64x128xf32, #tpu.memory_space<vmem>> -> memref<64x128xf32, #tpu.memory_space<vmem>>
      tpu.enqueue_dma source(%arg5 : memref<64x128xf32, #tpu.memory_space<hbm>>) target(%dma_start3A_419 : memref<64x128xf32, #tpu.memory_space<vmem>>) target_semaphore(%run_scoped3A_411 : memref<!tpu.dma_semaphore, #tpu.memory_space<semaphore_mem>>)
      %dma_wait3A_420 = arith.constant 0 : i32
      %dma_wait3A_421 = arith.constant 0 : i32
      %dma_wait3A_422 = tpu.memref_slice %arg9[%run_scoped3A, %dma_wait3A_420, %dma_wait3A_421] : memref<4x64x128xf32, #tpu.memory_space<vmem>> -> memref<1x64x128xf32, #tpu.memory_space<vmem>>
      %dma_wait3A_423 = tpu.memref_squeeze %dma_wait3A_422 : memref<1x64x128xf32, #tpu.memory_space<vmem>> -> memref<64x128xf32, #tpu.memory_space<vmem>>
      %dma_wait3A_424 = arith.constant 0 : i32
      %dma_wait3A_425 = arith.constant 0 : i32
      %dma_wait3A_426 = tpu.memref_slice %arg9[%run_scoped3A, %dma_wait3A_424, %dma_wait3A_425] : memref<4x64x128xf32, #tpu.memory_space<vmem>> -> memref<1x64x128xf32, #tpu.memory_space<vmem>>
      %dma_wait3A_427 = tpu.memref_squeeze %dma_wait3A_426 : memref<1x64x128xf32, #tpu.memory_space<vmem>> -> memref<64x128xf32, #tpu.memory_space<vmem>>
      tpu.wait_dma2 semaphore(%run_scoped3A_411 : memref<!tpu.dma_semaphore, #tpu.memory_space<semaphore_mem>>) src(%arg5 : memref<64x128xf32, #tpu.memory_space<hbm>>) dst(%dma_wait3A_427 : memref<64x128xf32, #tpu.memory_space<vmem>>)
      tpu.yield
    }) : () -> ()
    %mul3A_1 = arith.constant 640 : i32
    %mul3A_2 = arith.muli %arg1, %mul3A_1 : i32
    %add3A_3 = arith.constant 0 : i32
    %add3A_4 = arith.addi %mul3A_2, %add3A_3 : i32
    %run_scoped3A_5 = arith.constant 0 : i32
    "tpu.region"() ({
      %run_scoped3A_411 = tpu.sem_alloc : memref<!tpu.dma_semaphore, #tpu.memory_space<semaphore_mem>>
      %dma_start3A_412 = arith.constant 0 : i32
      %dma_start3A_413 = arith.constant 0 : i32
      %dma_start3A_414 = tpu.memref_slice %arg9[%run_scoped3A_5, %dma_start3A_412, %dma_start3A_413] : memref<4x64x128xf32, #tpu.memory_space<vmem>> -> memref<1x64x128xf32, #tpu.memory_space<vmem>>
      %dma_start3A_415 = tpu.memref_squeeze %dma_start3A_414 : memref<1x64x128xf32, #tpu.memory_space<vmem>> -> memref<64x128xf32, #tpu.memory_space<vmem>>
      %dma_start3A_416 = arith.constant 0 : i32
      %dma_start3A_417 = tpu.memref_slice %arg10[%add3A_4, %dma_start3A_416] : memref<10240x128xf32, #tpu.memory_space<vmem_shared>> -> memref<64x128xf32, #tpu.memory_space<vmem_shared>>
      %dma_start3A_418 = arith.constant 0 : i32
      %dma_start3A_419 = tpu.memref_slice %arg10[%add3A_4, %dma_start3A_418] : memref<10240x128xf32, #tpu.memory_space<vmem_shared>> -> memref<64x128xf32, #tpu.memory_space<vmem_shared>>
      %dma_start3A_420 = arith.constant 0 : i32
      %dma_start3A_421 = arith.constant 0 : i32
      %dma_start3A_422 = tpu.memref_slice %arg9[%run_scoped3A_5, %dma_start3A_420, %dma_start3A_421] : memref<4x64x128xf32, #tpu.memory_space<vmem>> -> memref<1x64x128xf32, #tpu.memory_space<vmem>>
      %dma_start3A_423 = tpu.memref_squeeze %dma_start3A_422 : memref<1x64x128xf32, #tpu.memory_space<vmem>> -> memref<64x128xf32, #tpu.memory_space<vmem>>
      tpu.enqueue_dma source(%dma_start3A_423 : memref<64x128xf32, #tpu.memory_space<vmem>>) target(%dma_start3A_419 : memref<64x128xf32, #tpu.memory_space<vmem_shared>>) target_semaphore(%run_scoped3A_411 : memref<!tpu.dma_semaphore, #tpu.memory_space<semaphore_mem>>)
      %dma_wait3A_424 = arith.constant 0 : i32
      %dma_wait3A_425 = arith.constant 0 : i32
      %dma_wait3A_426 = tpu.memref_slice %arg9[%run_scoped3A_5, %dma_wait3A_424, %dma_wait3A_425] : memref<4x64x128xf32, #tpu.memory_space<vmem>> -> memref<1x64x128xf32, #tpu.memory_space<vmem>>
      %dma_wait3A_427 = tpu.memref_squeeze %dma_wait3A_426 : memref<1x64x128xf32, #tpu.memory_space<vmem>> -> memref<64x128xf32, #tpu.memory_space<vmem>>
      %dma_wait3A_428 = arith.constant 0 : i32
      %dma_wait3A_429 = tpu.memref_slice %arg10[%add3A_4, %dma_wait3A_428] : memref<10240x128xf32, #tpu.memory_space<vmem_shared>> -> memref<64x128xf32, #tpu.memory_space<vmem_shared>>
      %dma_wait3A_430 = arith.constant 0 : i32
      %dma_wait3A_431 = tpu.memref_slice %arg10[%add3A_4, %dma_wait3A_430] : memref<10240x128xf32, #tpu.memory_space<vmem_shared>> -> memref<64x128xf32, #tpu.memory_space<vmem_shared>>
      %dma_wait3A_432 = arith.constant 0 : i32
      %dma_wait3A_433 = arith.constant 0 : i32
      %dma_wait3A_434 = tpu.memref_slice %arg9[%run_scoped3A_5, %dma_wait3A_432, %dma_wait3A_433] : memref<4x64x128xf32, #tpu.memory_space<vmem>> -> memref<1x64x128xf32, #tpu.memory_space<vmem>>
      %dma_wait3A_435 = tpu.memref_squeeze %dma_wait3A_434 : memref<1x64x128xf32, #tpu.memory_space<vmem>> -> memref<64x128xf32, #tpu.memory_space<vmem>>
      tpu.wait_dma2 semaphore(%run_scoped3A_411 : memref<!tpu.dma_semaphore, #tpu.memory_space<semaphore_mem>>) src(%dma_wait3A_435 : memref<64x128xf32, #tpu.memory_space<vmem>>) dst(%dma_wait3A_431 : memref<64x128xf32, #tpu.memory_space<vmem_shared>>)
      tpu.yield
    }) : () -> ()
    %add3A_6 = arith.constant 64 : i32
    %add3A_7 = arith.addi %mul3A_2, %add3A_6 : i32
    %run_scoped3A_8 = arith.constant 0 : i32
    "tpu.region"() ({
      %run_scoped3A_411 = tpu.sem_alloc : memref<!tpu.dma_semaphore, #tpu.memory_space<semaphore_mem>>
      %dma_start3A_412 = arith.constant 0 : i32
      %dma_start3A_413 = arith.constant 0 : i32
      %dma_start3A_414 = tpu.memref_slice %arg9[%run_scoped3A_8, %dma_start3A_412, %dma_start3A_413] : memref<4x64x128xf32, #tpu.memory_space<vmem>> -> memref<1x64x128xf32, #tpu.memory_space<vmem>>
      %dma_start3A_415 = tpu.memref_squeeze %dma_start3A_414 : memref<1x64x128xf32, #tpu.memory_space<vmem>> -> memref<64x128xf32, #tpu.memory_space<vmem>>
      %dma_start3A_416 = arith.constant 0 : i32
      %dma_start3A_417 = tpu.memref_slice %arg10[%add3A_7, %dma_start3A_416] : memref<10240x128xf32, #tpu.memory_space<vmem_shared>> -> memref<64x128xf32, #tpu.memory_space<vmem_shared>>
      %dma_start3A_418 = arith.constant 0 : i32
      %dma_start3A_419 = tpu.memref_slice %arg10[%add3A_7, %dma_start3A_418] : memref<10240x128xf32, #tpu.memory_space<vmem_shared>> -> memref<64x128xf32, #tpu.memory_space<vmem_shared>>
      %dma_start3A_420 = arith.constant 0 : i32
      %dma_start3A_421 = arith.constant 0 : i32
      %dma_start3A_422 = tpu.memref_slice %arg9[%run_scoped3A_8, %dma_start3A_420, %dma_start3A_421] : memref<4x64x128xf32, #tpu.memory_space<vmem>> -> memref<1x64x128xf32, #tpu.memory_space<vmem>>
      %dma_start3A_423 = tpu.memref_squeeze %dma_start3A_422 : memref<1x64x128xf32, #tpu.memory_space<vmem>> -> memref<64x128xf32, #tpu.memory_space<vmem>>
      tpu.enqueue_dma source(%dma_start3A_423 : memref<64x128xf32, #tpu.memory_space<vmem>>) target(%dma_start3A_419 : memref<64x128xf32, #tpu.memory_space<vmem_shared>>) target_semaphore(%run_scoped3A_411 : memref<!tpu.dma_semaphore, #tpu.memory_space<semaphore_mem>>)
      %dma_wait3A_424 = arith.constant 0 : i32
      %dma_wait3A_425 = arith.constant 0 : i32
      %dma_wait3A_426 = tpu.memref_slice %arg9[%run_scoped3A_8, %dma_wait3A_424, %dma_wait3A_425] : memref<4x64x128xf32, #tpu.memory_space<vmem>> -> memref<1x64x128xf32, #tpu.memory_space<vmem>>
      %dma_wait3A_427 = tpu.memref_squeeze %dma_wait3A_426 : memref<1x64x128xf32, #tpu.memory_space<vmem>> -> memref<64x128xf32, #tpu.memory_space<vmem>>
      %dma_wait3A_428 = arith.constant 0 : i32
      %dma_wait3A_429 = tpu.memref_slice %arg10[%add3A_7, %dma_wait3A_428] : memref<10240x128xf32, #tpu.memory_space<vmem_shared>> -> memref<64x128xf32, #tpu.memory_space<vmem_shared>>
      %dma_wait3A_430 = arith.constant 0 : i32
      %dma_wait3A_431 = tpu.memref_slice %arg10[%add3A_7, %dma_wait3A_430] : memref<10240x128xf32, #tpu.memory_space<vmem_shared>> -> memref<64x128xf32, #tpu.memory_space<vmem_shared>>
      %dma_wait3A_432 = arith.constant 0 : i32
      %dma_wait3A_433 = arith.constant 0 : i32
      %dma_wait3A_434 = tpu.memref_slice %arg9[%run_scoped3A_8, %dma_wait3A_432, %dma_wait3A_433] : memref<4x64x128xf32, #tpu.memory_space<vmem>> -> memref<1x64x128xf32, #tpu.memory_space<vmem>>
      %dma_wait3A_435 = tpu.memref_squeeze %dma_wait3A_434 : memref<1x64x128xf32, #tpu.memory_space<vmem>> -> memref<64x128xf32, #tpu.memory_space<vmem>>
      tpu.wait_dma2 semaphore(%run_scoped3A_411 : memref<!tpu.dma_semaphore, #tpu.memory_space<semaphore_mem>>) src(%dma_wait3A_435 : memref<64x128xf32, #tpu.memory_space<vmem>>) dst(%dma_wait3A_431 : memref<64x128xf32, #tpu.memory_space<vmem_shared>>)
      tpu.yield
    }) : () -> ()
    %add3A_9 = arith.constant 128 : i32
    %add3A_10 = arith.addi %mul3A_2, %add3A_9 : i32
    %run_scoped3A_11 = arith.constant 0 : i32
    "tpu.region"() ({
      %run_scoped3A_411 = tpu.sem_alloc : memref<!tpu.dma_semaphore, #tpu.memory_space<semaphore_mem>>
      %dma_start3A_412 = arith.constant 0 : i32
      %dma_start3A_413 = arith.constant 0 : i32
      %dma_start3A_414 = tpu.memref_slice %arg9[%run_scoped3A_11, %dma_start3A_412, %dma_start3A_413] : memref<4x64x128xf32, #tpu.memory_space<vmem>> -> memref<1x64x128xf32, #tpu.memory_space<vmem>>
      %dma_start3A_415 = tpu.memref_squeeze %dma_start3A_414 : memref<1x64x128xf32, #tpu.memory_space<vmem>> -> memref<64x128xf32, #tpu.memory_space<vmem>>
      %dma_start3A_416 = arith.constant 0 : i32
      %dma_start3A_417 = tpu.memref_slice %arg10[%add3A_10, %dma_start3A_416] : memref<10240x128xf32, #tpu.memory_space<vmem_shared>> -> memref<64x128xf32, #tpu.memory_space<vmem_shared>>
      %dma_start3A_418 = arith.constant 0 : i32
      %dma_start3A_419 = tpu.memref_slice %arg10[%add3A_10, %dma_start3A_418] : memref<10240x128xf32, #tpu.memory_space<vmem_shared>> -> memref<64x128xf32, #tpu.memory_space<vmem_shared>>
      %dma_start3A_420 = arith.constant 0 : i32
      %dma_start3A_421 = arith.constant 0 : i32
      %dma_start3A_422 = tpu.memref_slice %arg9[%run_scoped3A_11, %dma_start3A_420, %dma_start3A_421] : memref<4x64x128xf32, #tpu.memory_space<vmem>> -> memref<1x64x128xf32, #tpu.memory_space<vmem>>
      %dma_start3A_423 = tpu.memref_squeeze %dma_start3A_422 : memref<1x64x128xf32, #tpu.memory_space<vmem>> -> memref<64x128xf32, #tpu.memory_space<vmem>>
      tpu.enqueue_dma source(%dma_start3A_423 : memref<64x128xf32, #tpu.memory_space<vmem>>) target(%dma_start3A_419 : memref<64x128xf32, #tpu.memory_space<vmem_shared>>) target_semaphore(%run_scoped3A_411 : memref<!tpu.dma_semaphore, #tpu.memory_space<semaphore_mem>>)
      %dma_wait3A_424 = arith.constant 0 : i32
      %dma_wait3A_425 = arith.constant 0 : i32
      %dma_wait3A_426 = tpu.memref_slice %arg9[%run_scoped3A_11, %dma_wait3A_424, %dma_wait3A_425] : memref<4x64x128xf32, #tpu.memory_space<vmem>> -> memref<1x64x128xf32, #tpu.memory_space<vmem>>
      %dma_wait3A_427 = tpu.memref_squeeze %dma_wait3A_426 : memref<1x64x128xf32, #tpu.memory_space<vmem>> -> memref<64x128xf32, #tpu.memory_space<vmem>>
      %dma_wait3A_428 = arith.constant 0 : i32
      %dma_wait3A_429 = tpu.memref_slice %arg10[%add3A_10, %dma_wait3A_428] : memref<10240x128xf32, #tpu.memory_space<vmem_shared>> -> memref<64x128xf32, #tpu.memory_space<vmem_shared>>
      %dma_wait3A_430 = arith.constant 0 : i32
      %dma_wait3A_431 = tpu.memref_slice %arg10[%add3A_10, %dma_wait3A_430] : memref<10240x128xf32, #tpu.memory_space<vmem_shared>> -> memref<64x128xf32, #tpu.memory_space<vmem_shared>>
      %dma_wait3A_432 = arith.constant 0 : i32
      %dma_wait3A_433 = arith.constant 0 : i32
      %dma_wait3A_434 = tpu.memref_slice %arg9[%run_scoped3A_11, %dma_wait3A_432, %dma_wait3A_433] : memref<4x64x128xf32, #tpu.memory_space<vmem>> -> memref<1x64x128xf32, #tpu.memory_space<vmem>>
      %dma_wait3A_435 = tpu.memref_squeeze %dma_wait3A_434 : memref<1x64x128xf32, #tpu.memory_space<vmem>> -> memref<64x128xf32, #tpu.memory_space<vmem>>
      tpu.wait_dma2 semaphore(%run_scoped3A_411 : memref<!tpu.dma_semaphore, #tpu.memory_space<semaphore_mem>>) src(%dma_wait3A_435 : memref<64x128xf32, #tpu.memory_space<vmem>>) dst(%dma_wait3A_431 : memref<64x128xf32, #tpu.memory_space<vmem_shared>>)
      tpu.yield
    }) : () -> ()
    %add3A_12 = arith.constant 192 : i32
    %add3A_13 = arith.addi %mul3A_2, %add3A_12 : i32
    %run_scoped3A_14 = arith.constant 0 : i32
    "tpu.region"() ({
      %run_scoped3A_411 = tpu.sem_alloc : memref<!tpu.dma_semaphore, #tpu.memory_space<semaphore_mem>>
      %dma_start3A_412 = arith.constant 0 : i32
      %dma_start3A_413 = arith.constant 0 : i32
      %dma_start3A_414 = tpu.memref_slice %arg9[%run_scoped3A_14, %dma_start3A_412, %dma_start3A_413] : memref<4x64x128xf32, #tpu.memory_space<vmem>> -> memref<1x64x128xf32, #tpu.memory_space<vmem>>
      %dma_start3A_415 = tpu.memref_squeeze %dma_start3A_414 : memref<1x64x128xf32, #tpu.memory_space<vmem>> -> memref<64x128xf32, #tpu.memory_space<vmem>>
      %dma_start3A_416 = arith.constant 0 : i32
      %dma_start3A_417 = tpu.memref_slice %arg10[%add3A_13, %dma_start3A_416] : memref<10240x128xf32, #tpu.memory_space<vmem_shared>> -> memref<64x128xf32, #tpu.memory_space<vmem_shared>>
      %dma_start3A_418 = arith.constant 0 : i32
      %dma_start3A_419 = tpu.memref_slice %arg10[%add3A_13, %dma_start3A_418] : memref<10240x128xf32, #tpu.memory_space<vmem_shared>> -> memref<64x128xf32, #tpu.memory_space<vmem_shared>>
      %dma_start3A_420 = arith.constant 0 : i32
      %dma_start3A_421 = arith.constant 0 : i32
      %dma_start3A_422 = tpu.memref_slice %arg9[%run_scoped3A_14, %dma_start3A_420, %dma_start3A_421] : memref<4x64x128xf32, #tpu.memory_space<vmem>> -> memref<1x64x128xf32, #tpu.memory_space<vmem>>
      %dma_start3A_423 = tpu.memref_squeeze %dma_start3A_422 : memref<1x64x128xf32, #tpu.memory_space<vmem>> -> memref<64x128xf32, #tpu.memory_space<vmem>>
      tpu.enqueue_dma source(%dma_start3A_423 : memref<64x128xf32, #tpu.memory_space<vmem>>) target(%dma_start3A_419 : memref<64x128xf32, #tpu.memory_space<vmem_shared>>) target_semaphore(%run_scoped3A_411 : memref<!tpu.dma_semaphore, #tpu.memory_space<semaphore_mem>>)
      %dma_wait3A_424 = arith.constant 0 : i32
      %dma_wait3A_425 = arith.constant 0 : i32
      %dma_wait3A_426 = tpu.memref_slice %arg9[%run_scoped3A_14, %dma_wait3A_424, %dma_wait3A_425] : memref<4x64x128xf32, #tpu.memory_space<vmem>> -> memref<1x64x128xf32, #tpu.memory_space<vmem>>
      %dma_wait3A_427 = tpu.memref_squeeze %dma_wait3A_426 : memref<1x64x128xf32, #tpu.memory_space<vmem>> -> memref<64x128xf32, #tpu.memory_space<vmem>>
      %dma_wait3A_428 = arith.constant 0 : i32
      %dma_wait3A_429 = tpu.memref_slice %arg10[%add3A_13, %dma_wait3A_428] : memref<10240x128xf32, #tpu.memory_space<vmem_shared>> -> memref<64x128xf32, #tpu.memory_space<vmem_shared>>
      %dma_wait3A_430 = arith.constant 0 : i32
      %dma_wait3A_431 = tpu.memref_slice %arg10[%add3A_13, %dma_wait3A_430] : memref<10240x128xf32, #tpu.memory_space<vmem_shared>> -> memref<64x128xf32, #tpu.memory_space<vmem_shared>>
      %dma_wait3A_432 = arith.constant 0 : i32
      %dma_wait3A_433 = arith.constant 0 : i32
      %dma_wait3A_434 = tpu.memref_slice %arg9[%run_scoped3A_14, %dma_wait3A_432, %dma_wait3A_433] : memref<4x64x128xf32, #tpu.memory_space<vmem>> -> memref<1x64x128xf32, #tpu.memory_space<vmem>>
      %dma_wait3A_435 = tpu.memref_squeeze %dma_wait3A_434 : memref<1x64x128xf32, #tpu.memory_space<vmem>> -> memref<64x128xf32, #tpu.memory_space<vmem>>
      tpu.wait_dma2 semaphore(%run_scoped3A_411 : memref<!tpu.dma_semaphore, #tpu.memory_space<semaphore_mem>>) src(%dma_wait3A_435 : memref<64x128xf32, #tpu.memory_space<vmem>>) dst(%dma_wait3A_431 : memref<64x128xf32, #tpu.memory_space<vmem_shared>>)
      tpu.yield
    }) : () -> ()
    %add3A_15 = arith.constant 256 : i32
    %add3A_16 = arith.addi %mul3A_2, %add3A_15 : i32
    %run_scoped3A_17 = arith.constant 0 : i32
    "tpu.region"() ({
      %run_scoped3A_411 = tpu.sem_alloc : memref<!tpu.dma_semaphore, #tpu.memory_space<semaphore_mem>>
      %dma_start3A_412 = arith.constant 0 : i32
      %dma_start3A_413 = arith.constant 0 : i32
      %dma_start3A_414 = tpu.memref_slice %arg9[%run_scoped3A_17, %dma_start3A_412, %dma_start3A_413] : memref<4x64x128xf32, #tpu.memory_space<vmem>> -> memref<1x64x128xf32, #tpu.memory_space<vmem>>
      %dma_start3A_415 = tpu.memref_squeeze %dma_start3A_414 : memref<1x64x128xf32, #tpu.memory_space<vmem>> -> memref<64x128xf32, #tpu.memory_space<vmem>>
      %dma_start3A_416 = arith.constant 0 : i32
      %dma_start3A_417 = tpu.memref_slice %arg10[%add3A_16, %dma_start3A_416] : memref<10240x128xf32, #tpu.memory_space<vmem_shared>> -> memref<64x128xf32, #tpu.memory_space<vmem_shared>>
      %dma_start3A_418 = arith.constant 0 : i32
      %dma_start3A_419 = tpu.memref_slice %arg10[%add3A_16, %dma_start3A_418] : memref<10240x128xf32, #tpu.memory_space<vmem_shared>> -> memref<64x128xf32, #tpu.memory_space<vmem_shared>>
      %dma_start3A_420 = arith.constant 0 : i32
      %dma_start3A_421 = arith.constant 0 : i32
      %dma_start3A_422 = tpu.memref_slice %arg9[%run_scoped3A_17, %dma_start3A_420, %dma_start3A_421] : memref<4x64x128xf32, #tpu.memory_space<vmem>> -> memref<1x64x128xf32, #tpu.memory_space<vmem>>
      %dma_start3A_423 = tpu.memref_squeeze %dma_start3A_422 : memref<1x64x128xf32, #tpu.memory_space<vmem>> -> memref<64x128xf32, #tpu.memory_space<vmem>>
      tpu.enqueue_dma source(%dma_start3A_423 : memref<64x128xf32, #tpu.memory_space<vmem>>) target(%dma_start3A_419 : memref<64x128xf32, #tpu.memory_space<vmem_shared>>) target_semaphore(%run_scoped3A_411 : memref<!tpu.dma_semaphore, #tpu.memory_space<semaphore_mem>>)
      %dma_wait3A_424 = arith.constant 0 : i32
      %dma_wait3A_425 = arith.constant 0 : i32
      %dma_wait3A_426 = tpu.memref_slice %arg9[%run_scoped3A_17, %dma_wait3A_424, %dma_wait3A_425] : memref<4x64x128xf32, #tpu.memory_space<vmem>> -> memref<1x64x128xf32, #tpu.memory_space<vmem>>
      %dma_wait3A_427 = tpu.memref_squeeze %dma_wait3A_426 : memref<1x64x128xf32, #tpu.memory_space<vmem>> -> memref<64x128xf32, #tpu.memory_space<vmem>>
      %dma_wait3A_428 = arith.constant 0 : i32
      %dma_wait3A_429 = tpu.memref_slice %arg10[%add3A_16, %dma_wait3A_428] : memref<10240x128xf32, #tpu.memory_space<vmem_shared>> -> memref<64x128xf32, #tpu.memory_space<vmem_shared>>
      %dma_wait3A_430 = arith.constant 0 : i32
      %dma_wait3A_431 = tpu.memref_slice %arg10[%add3A_16, %dma_wait3A_430] : memref<10240x128xf32, #tpu.memory_space<vmem_shared>> -> memref<64x128xf32, #tpu.memory_space<vmem_shared>>
      %dma_wait3A_432 = arith.constant 0 : i32
      %dma_wait3A_433 = arith.constant 0 : i32
      %dma_wait3A_434 = tpu.memref_slice %arg9[%run_scoped3A_17, %dma_wait3A_432, %dma_wait3A_433] : memref<4x64x128xf32, #tpu.memory_space<vmem>> -> memref<1x64x128xf32, #tpu.memory_space<vmem>>
      %dma_wait3A_435 = tpu.memref_squeeze %dma_wait3A_434 : memref<1x64x128xf32, #tpu.memory_space<vmem>> -> memref<64x128xf32, #tpu.memory_space<vmem>>
      tpu.wait_dma2 semaphore(%run_scoped3A_411 : memref<!tpu.dma_semaphore, #tpu.memory_space<semaphore_mem>>) src(%dma_wait3A_435 : memref<64x128xf32, #tpu.memory_space<vmem>>) dst(%dma_wait3A_431 : memref<64x128xf32, #tpu.memory_space<vmem_shared>>)
      tpu.yield
    }) : () -> ()
    %add3A_18 = arith.constant 320 : i32
    %add3A_19 = arith.addi %mul3A_2, %add3A_18 : i32
    %run_scoped3A_20 = arith.constant 0 : i32
    "tpu.region"() ({
      %run_scoped3A_411 = tpu.sem_alloc : memref<!tpu.dma_semaphore, #tpu.memory_space<semaphore_mem>>
      %dma_start3A_412 = arith.constant 0 : i32
      %dma_start3A_413 = arith.constant 0 : i32
      %dma_start3A_414 = tpu.memref_slice %arg9[%run_scoped3A_20, %dma_start3A_412, %dma_start3A_413] : memref<4x64x128xf32, #tpu.memory_space<vmem>> -> memref<1x64x128xf32, #tpu.memory_space<vmem>>
      %dma_start3A_415 = tpu.memref_squeeze %dma_start3A_414 : memref<1x64x128xf32, #tpu.memory_space<vmem>> -> memref<64x128xf32, #tpu.memory_space<vmem>>
      %dma_start3A_416 = arith.constant 0 : i32
      %dma_start3A_417 = tpu.memref_slice %arg10[%add3A_19, %dma_start3A_416] : memref<10240x128xf32, #tpu.memory_space<vmem_shared>> -> memref<64x128xf32, #tpu.memory_space<vmem_shared>>
      %dma_start3A_418 = arith.constant 0 : i32
      %dma_start3A_419 = tpu.memref_slice %arg10[%add3A_19, %dma_start3A_418] : memref<10240x128xf32, #tpu.memory_space<vmem_shared>> -> memref<64x128xf32, #tpu.memory_space<vmem_shared>>
      %dma_start3A_420 = arith.constant 0 : i32
      %dma_start3A_421 = arith.constant 0 : i32
      %dma_start3A_422 = tpu.memref_slice %arg9[%run_scoped3A_20, %dma_start3A_420, %dma_start3A_421] : memref<4x64x128xf32, #tpu.memory_space<vmem>> -> memref<1x64x128xf32, #tpu.memory_space<vmem>>
      %dma_start3A_423 = tpu.memref_squeeze %dma_start3A_422 : memref<1x64x128xf32, #tpu.memory_space<vmem>> -> memref<64x128xf32, #tpu.memory_space<vmem>>
      tpu.enqueue_dma source(%dma_start3A_423 : memref<64x128xf32, #tpu.memory_space<vmem>>) target(%dma_start3A_419 : memref<64x128xf32, #tpu.memory_space<vmem_shared>>) target_semaphore(%run_scoped3A_411 : memref<!tpu.dma_semaphore, #tpu.memory_space<semaphore_mem>>)
      %dma_wait3A_424 = arith.constant 0 : i32
      %dma_wait3A_425 = arith.constant 0 : i32
      %dma_wait3A_426 = tpu.memref_slice %arg9[%run_scoped3A_20, %dma_wait3A_424, %dma_wait3A_425] : memref<4x64x128xf32, #tpu.memory_space<vmem>> -> memref<1x64x128xf32, #tpu.memory_space<vmem>>
      %dma_wait3A_427 = tpu.memref_squeeze %dma_wait3A_426 : memref<1x64x128xf32, #tpu.memory_space<vmem>> -> memref<64x128xf32, #tpu.memory_space<vmem>>
      %dma_wait3A_428 = arith.constant 0 : i32
      %dma_wait3A_429 = tpu.memref_slice %arg10[%add3A_19, %dma_wait3A_428] : memref<10240x128xf32, #tpu.memory_space<vmem_shared>> -> memref<64x128xf32, #tpu.memory_space<vmem_shared>>
      %dma_wait3A_430 = arith.constant 0 : i32
      %dma_wait3A_431 = tpu.memref_slice %arg10[%add3A_19, %dma_wait3A_430] : memref<10240x128xf32, #tpu.memory_space<vmem_shared>> -> memref<64x128xf32, #tpu.memory_space<vmem_shared>>
      %dma_wait3A_432 = arith.constant 0 : i32
      %dma_wait3A_433 = arith.constant 0 : i32
      %dma_wait3A_434 = tpu.memref_slice %arg9[%run_scoped3A_20, %dma_wait3A_432, %dma_wait3A_433] : memref<4x64x128xf32, #tpu.memory_space<vmem>> -> memref<1x64x128xf32, #tpu.memory_space<vmem>>
      %dma_wait3A_435 = tpu.memref_squeeze %dma_wait3A_434 : memref<1x64x128xf32, #tpu.memory_space<vmem>> -> memref<64x128xf32, #tpu.memory_space<vmem>>
      tpu.wait_dma2 semaphore(%run_scoped3A_411 : memref<!tpu.dma_semaphore, #tpu.memory_space<semaphore_mem>>) src(%dma_wait3A_435 : memref<64x128xf32, #tpu.memory_space<vmem>>) dst(%dma_wait3A_431 : memref<64x128xf32, #tpu.memory_space<vmem_shared>>)
      tpu.yield
    }) : () -> ()
    %add3A_21 = arith.constant 384 : i32
    %add3A_22 = arith.addi %mul3A_2, %add3A_21 : i32
    %run_scoped3A_23 = arith.constant 0 : i32
    "tpu.region"() ({
      %run_scoped3A_411 = tpu.sem_alloc : memref<!tpu.dma_semaphore, #tpu.memory_space<semaphore_mem>>
      %dma_start3A_412 = arith.constant 0 : i32
      %dma_start3A_413 = arith.constant 0 : i32
      %dma_start3A_414 = tpu.memref_slice %arg9[%run_scoped3A_23, %dma_start3A_412, %dma_start3A_413] : memref<4x64x128xf32, #tpu.memory_space<vmem>> -> memref<1x64x128xf32, #tpu.memory_space<vmem>>
      %dma_start3A_415 = tpu.memref_squeeze %dma_start3A_414 : memref<1x64x128xf32, #tpu.memory_space<vmem>> -> memref<64x128xf32, #tpu.memory_space<vmem>>
      %dma_start3A_416 = arith.constant 0 : i32
      %dma_start3A_417 = tpu.memref_slice %arg10[%add3A_22, %dma_start3A_416] : memref<10240x128xf32, #tpu.memory_space<vmem_shared>> -> memref<64x128xf32, #tpu.memory_space<vmem_shared>>
      %dma_start3A_418 = arith.constant 0 : i32
      %dma_start3A_419 = tpu.memref_slice %arg10[%add3A_22, %dma_start3A_418] : memref<10240x128xf32, #tpu.memory_space<vmem_shared>> -> memref<64x128xf32, #tpu.memory_space<vmem_shared>>
      %dma_start3A_420 = arith.constant 0 : i32
      %dma_start3A_421 = arith.constant 0 : i32
      %dma_start3A_422 = tpu.memref_slice %arg9[%run_scoped3A_23, %dma_start3A_420, %dma_start3A_421] : memref<4x64x128xf32, #tpu.memory_space<vmem>> -> memref<1x64x128xf32, #tpu.memory_space<vmem>>
      %dma_start3A_423 = tpu.memref_squeeze %dma_start3A_422 : memref<1x64x128xf32, #tpu.memory_space<vmem>> -> memref<64x128xf32, #tpu.memory_space<vmem>>
      tpu.enqueue_dma source(%dma_start3A_423 : memref<64x128xf32, #tpu.memory_space<vmem>>) target(%dma_start3A_419 : memref<64x128xf32, #tpu.memory_space<vmem_shared>>) target_semaphore(%run_scoped3A_411 : memref<!tpu.dma_semaphore, #tpu.memory_space<semaphore_mem>>)
      %dma_wait3A_424 = arith.constant 0 : i32
      %dma_wait3A_425 = arith.constant 0 : i32
      %dma_wait3A_426 = tpu.memref_slice %arg9[%run_scoped3A_23, %dma_wait3A_424, %dma_wait3A_425] : memref<4x64x128xf32, #tpu.memory_space<vmem>> -> memref<1x64x128xf32, #tpu.memory_space<vmem>>
      %dma_wait3A_427 = tpu.memref_squeeze %dma_wait3A_426 : memref<1x64x128xf32, #tpu.memory_space<vmem>> -> memref<64x128xf32, #tpu.memory_space<vmem>>
      %dma_wait3A_428 = arith.constant 0 : i32
      %dma_wait3A_429 = tpu.memref_slice %arg10[%add3A_22, %dma_wait3A_428] : memref<10240x128xf32, #tpu.memory_space<vmem_shared>> -> memref<64x128xf32, #tpu.memory_space<vmem_shared>>
      %dma_wait3A_430 = arith.constant 0 : i32
      %dma_wait3A_431 = tpu.memref_slice %arg10[%add3A_22, %dma_wait3A_430] : memref<10240x128xf32, #tpu.memory_space<vmem_shared>> -> memref<64x128xf32, #tpu.memory_space<vmem_shared>>
      %dma_wait3A_432 = arith.constant 0 : i32
      %dma_wait3A_433 = arith.constant 0 : i32
      %dma_wait3A_434 = tpu.memref_slice %arg9[%run_scoped3A_23, %dma_wait3A_432, %dma_wait3A_433] : memref<4x64x128xf32, #tpu.memory_space<vmem>> -> memref<1x64x128xf32, #tpu.memory_space<vmem>>
      %dma_wait3A_435 = tpu.memref_squeeze %dma_wait3A_434 : memref<1x64x128xf32, #tpu.memory_space<vmem>> -> memref<64x128xf32, #tpu.memory_space<vmem>>
      tpu.wait_dma2 semaphore(%run_scoped3A_411 : memref<!tpu.dma_semaphore, #tpu.memory_space<semaphore_mem>>) src(%dma_wait3A_435 : memref<64x128xf32, #tpu.memory_space<vmem>>) dst(%dma_wait3A_431 : memref<64x128xf32, #tpu.memory_space<vmem_shared>>)
      tpu.yield
    }) : () -> ()
    %add3A_24 = arith.constant 448 : i32
    %add3A_25 = arith.addi %mul3A_2, %add3A_24 : i32
    %run_scoped3A_26 = arith.constant 0 : i32
    "tpu.region"() ({
      %run_scoped3A_411 = tpu.sem_alloc : memref<!tpu.dma_semaphore, #tpu.memory_space<semaphore_mem>>
      %dma_start3A_412 = arith.constant 0 : i32
      %dma_start3A_413 = arith.constant 0 : i32
      %dma_start3A_414 = tpu.memref_slice %arg9[%run_scoped3A_26, %dma_start3A_412, %dma_start3A_413] : memref<4x64x128xf32, #tpu.memory_space<vmem>> -> memref<1x64x128xf32, #tpu.memory_space<vmem>>
      %dma_start3A_415 = tpu.memref_squeeze %dma_start3A_414 : memref<1x64x128xf32, #tpu.memory_space<vmem>> -> memref<64x128xf32, #tpu.memory_space<vmem>>
      %dma_start3A_416 = arith.constant 0 : i32
      %dma_start3A_417 = tpu.memref_slice %arg10[%add3A_25, %dma_start3A_416] : memref<10240x128xf32, #tpu.memory_space<vmem_shared>> -> memref<64x128xf32, #tpu.memory_space<vmem_shared>>
      %dma_start3A_418 = arith.constant 0 : i32
      %dma_start3A_419 = tpu.memref_slice %arg10[%add3A_25, %dma_start3A_418] : memref<10240x128xf32, #tpu.memory_space<vmem_shared>> -> memref<64x128xf32, #tpu.memory_space<vmem_shared>>
      %dma_start3A_420 = arith.constant 0 : i32
      %dma_start3A_421 = arith.constant 0 : i32
      %dma_start3A_422 = tpu.memref_slice %arg9[%run_scoped3A_26, %dma_start3A_420, %dma_start3A_421] : memref<4x64x128xf32, #tpu.memory_space<vmem>> -> memref<1x64x128xf32, #tpu.memory_space<vmem>>
      %dma_start3A_423 = tpu.memref_squeeze %dma_start3A_422 : memref<1x64x128xf32, #tpu.memory_space<vmem>> -> memref<64x128xf32, #tpu.memory_space<vmem>>
      tpu.enqueue_dma source(%dma_start3A_423 : memref<64x128xf32, #tpu.memory_space<vmem>>) target(%dma_start3A_419 : memref<64x128xf32, #tpu.memory_space<vmem_shared>>) target_semaphore(%run_scoped3A_411 : memref<!tpu.dma_semaphore, #tpu.memory_space<semaphore_mem>>)
      %dma_wait3A_424 = arith.constant 0 : i32
      %dma_wait3A_425 = arith.constant 0 : i32
      %dma_wait3A_426 = tpu.memref_slice %arg9[%run_scoped3A_26, %dma_wait3A_424, %dma_wait3A_425] : memref<4x64x128xf32, #tpu.memory_space<vmem>> -> memref<1x64x128xf32, #tpu.memory_space<vmem>>
      %dma_wait3A_427 = tpu.memref_squeeze %dma_wait3A_426 : memref<1x64x128xf32, #tpu.memory_space<vmem>> -> memref<64x128xf32, #tpu.memory_space<vmem>>
      %dma_wait3A_428 = arith.constant 0 : i32
      %dma_wait3A_429 = tpu.memref_slice %arg10[%add3A_25, %dma_wait3A_428] : memref<10240x128xf32, #tpu.memory_space<vmem_shared>> -> memref<64x128xf32, #tpu.memory_space<vmem_shared>>
      %dma_wait3A_430 = arith.constant 0 : i32
      %dma_wait3A_431 = tpu.memref_slice %arg10[%add3A_25, %dma_wait3A_430] : memref<10240x128xf32, #tpu.memory_space<vmem_shared>> -> memref<64x128xf32, #tpu.memory_space<vmem_shared>>
      %dma_wait3A_432 = arith.constant 0 : i32
      %dma_wait3A_433 = arith.constant 0 : i32
      %dma_wait3A_434 = tpu.memref_slice %arg9[%run_scoped3A_26, %dma_wait3A_432, %dma_wait3A_433] : memref<4x64x128xf32, #tpu.memory_space<vmem>> -> memref<1x64x128xf32, #tpu.memory_space<vmem>>
      %dma_wait3A_435 = tpu.memref_squeeze %dma_wait3A_434 : memref<1x64x128xf32, #tpu.memory_space<vmem>> -> memref<64x128xf32, #tpu.memory_space<vmem>>
      tpu.wait_dma2 semaphore(%run_scoped3A_411 : memref<!tpu.dma_semaphore, #tpu.memory_space<semaphore_mem>>) src(%dma_wait3A_435 : memref<64x128xf32, #tpu.memory_space<vmem>>) dst(%dma_wait3A_431 : memref<64x128xf32, #tpu.memory_space<vmem_shared>>)
      tpu.yield
    }) : () -> ()
    %add3A_27 = arith.constant 512 : i32
    %add3A_28 = arith.addi %mul3A_2, %add3A_27 : i32
    %run_scoped3A_29 = arith.constant 0 : i32
    "tpu.region"() ({
      %run_scoped3A_411 = tpu.sem_alloc : memref<!tpu.dma_semaphore, #tpu.memory_space<semaphore_mem>>
      %dma_start3A_412 = arith.constant 0 : i32
      %dma_start3A_413 = arith.constant 0 : i32
      %dma_start3A_414 = tpu.memref_slice %arg9[%run_scoped3A_29, %dma_start3A_412, %dma_start3A_413] : memref<4x64x128xf32, #tpu.memory_space<vmem>> -> memref<1x64x128xf32, #tpu.memory_space<vmem>>
      %dma_start3A_415 = tpu.memref_squeeze %dma_start3A_414 : memref<1x64x128xf32, #tpu.memory_space<vmem>> -> memref<64x128xf32, #tpu.memory_space<vmem>>
      %dma_start3A_416 = arith.constant 0 : i32
      %dma_start3A_417 = tpu.memref_slice %arg10[%add3A_28, %dma_start3A_416] : memref<10240x128xf32, #tpu.memory_space<vmem_shared>> -> memref<64x128xf32, #tpu.memory_space<vmem_shared>>
      %dma_start3A_418 = arith.constant 0 : i32
      %dma_start3A_419 = tpu.memref_slice %arg10[%add3A_28, %dma_start3A_418] : memref<10240x128xf32, #tpu.memory_space<vmem_shared>> -> memref<64x128xf32, #tpu.memory_space<vmem_shared>>
      %dma_start3A_420 = arith.constant 0 : i32
      %dma_start3A_421 = arith.constant 0 : i32
      %dma_start3A_422 = tpu.memref_slice %arg9[%run_scoped3A_29, %dma_start3A_420, %dma_start3A_421] : memref<4x64x128xf32, #tpu.memory_space<vmem>> -> memref<1x64x128xf32, #tpu.memory_space<vmem>>
      %dma_start3A_423 = tpu.memref_squeeze %dma_start3A_422 : memref<1x64x128xf32, #tpu.memory_space<vmem>> -> memref<64x128xf32, #tpu.memory_space<vmem>>
      tpu.enqueue_dma source(%dma_start3A_423 : memref<64x128xf32, #tpu.memory_space<vmem>>) target(%dma_start3A_419 : memref<64x128xf32, #tpu.memory_space<vmem_shared>>) target_semaphore(%run_scoped3A_411 : memref<!tpu.dma_semaphore, #tpu.memory_space<semaphore_mem>>)
      %dma_wait3A_424 = arith.constant 0 : i32
      %dma_wait3A_425 = arith.constant 0 : i32
      %dma_wait3A_426 = tpu.memref_slice %arg9[%run_scoped3A_29, %dma_wait3A_424, %dma_wait3A_425] : memref<4x64x128xf32, #tpu.memory_space<vmem>> -> memref<1x64x128xf32, #tpu.memory_space<vmem>>
      %dma_wait3A_427 = tpu.memref_squeeze %dma_wait3A_426 : memref<1x64x128xf32, #tpu.memory_space<vmem>> -> memref<64x128xf32, #tpu.memory_space<vmem>>
      %dma_wait3A_428 = arith.constant 0 : i32
      %dma_wait3A_429 = tpu.memref_slice %arg10[%add3A_28, %dma_wait3A_428] : memref<10240x128xf32, #tpu.memory_space<vmem_shared>> -> memref<64x128xf32, #tpu.memory_space<vmem_shared>>
      %dma_wait3A_430 = arith.constant 0 : i32
      %dma_wait3A_431 = tpu.memref_slice %arg10[%add3A_28, %dma_wait3A_430] : memref<10240x128xf32, #tpu.memory_space<vmem_shared>> -> memref<64x128xf32, #tpu.memory_space<vmem_shared>>
      %dma_wait3A_432 = arith.constant 0 : i32
      %dma_wait3A_433 = arith.constant 0 : i32
      %dma_wait3A_434 = tpu.memref_slice %arg9[%run_scoped3A_29, %dma_wait3A_432, %dma_wait3A_433] : memref<4x64x128xf32, #tpu.memory_space<vmem>> -> memref<1x64x128xf32, #tpu.memory_space<vmem>>
      %dma_wait3A_435 = tpu.memref_squeeze %dma_wait3A_434 : memref<1x64x128xf32, #tpu.memory_space<vmem>> -> memref<64x128xf32, #tpu.memory_space<vmem>>
      tpu.wait_dma2 semaphore(%run_scoped3A_411 : memref<!tpu.dma_semaphore, #tpu.memory_space<semaphore_mem>>) src(%dma_wait3A_435 : memref<64x128xf32, #tpu.memory_space<vmem>>) dst(%dma_wait3A_431 : memref<64x128xf32, #tpu.memory_space<vmem_shared>>)
      tpu.yield
    }) : () -> ()
    %add3A_30 = arith.constant 576 : i32
    %add3A_31 = arith.addi %mul3A_2, %add3A_30 : i32
    %run_scoped3A_32 = arith.constant 0 : i32
    "tpu.region"() ({
      %run_scoped3A_411 = tpu.sem_alloc : memref<!tpu.dma_semaphore, #tpu.memory_space<semaphore_mem>>
      %dma_start3A_412 = arith.constant 0 : i32
      %dma_start3A_413 = arith.constant 0 : i32
      %dma_start3A_414 = tpu.memref_slice %arg9[%run_scoped3A_32, %dma_start3A_412, %dma_start3A_413] : memref<4x64x128xf32, #tpu.memory_space<vmem>> -> memref<1x64x128xf32, #tpu.memory_space<vmem>>
      %dma_start3A_415 = tpu.memref_squeeze %dma_start3A_414 : memref<1x64x128xf32, #tpu.memory_space<vmem>> -> memref<64x128xf32, #tpu.memory_space<vmem>>
      %dma_start3A_416 = arith.constant 0 : i32
      %dma_start3A_417 = tpu.memref_slice %arg10[%add3A_31, %dma_start3A_416] : memref<10240x128xf32, #tpu.memory_space<vmem_shared>> -> memref<64x128xf32, #tpu.memory_space<vmem_shared>>
      %dma_start3A_418 = arith.constant 0 : i32
      %dma_start3A_419 = tpu.memref_slice %arg10[%add3A_31, %dma_start3A_418] : memref<10240x128xf32, #tpu.memory_space<vmem_shared>> -> memref<64x128xf32, #tpu.memory_space<vmem_shared>>
      %dma_start3A_420 = arith.constant 0 : i32
      %dma_start3A_421 = arith.constant 0 : i32
      %dma_start3A_422 = tpu.memref_slice %arg9[%run_scoped3A_32, %dma_start3A_420, %dma_start3A_421] : memref<4x64x128xf32, #tpu.memory_space<vmem>> -> memref<1x64x128xf32, #tpu.memory_space<vmem>>
      %dma_start3A_423 = tpu.memref_squeeze %dma_start3A_422 : memref<1x64x128xf32, #tpu.memory_space<vmem>> -> memref<64x128xf32, #tpu.memory_space<vmem>>
      tpu.enqueue_dma source(%dma_start3A_423 : memref<64x128xf32, #tpu.memory_space<vmem>>) target(%dma_start3A_419 : memref<64x128xf32, #tpu.memory_space<vmem_shared>>) target_semaphore(%run_scoped3A_411 : memref<!tpu.dma_semaphore, #tpu.memory_space<semaphore_mem>>)
      %dma_wait3A_424 = arith.constant 0 : i32
      %dma_wait3A_425 = arith.constant 0 : i32
      %dma_wait3A_426 = tpu.memref_slice %arg9[%run_scoped3A_32, %dma_wait3A_424, %dma_wait3A_425] : memref<4x64x128xf32, #tpu.memory_space<vmem>> -> memref<1x64x128xf32, #tpu.memory_space<vmem>>
      %dma_wait3A_427 = tpu.memref_squeeze %dma_wait3A_426 : memref<1x64x128xf32, #tpu.memory_space<vmem>> -> memref<64x128xf32, #tpu.memory_space<vmem>>
      %dma_wait3A_428 = arith.constant 0 : i32
      %dma_wait3A_429 = tpu.memref_slice %arg10[%add3A_31, %dma_wait3A_428] : memref<10240x128xf32, #tpu.memory_space<vmem_shared>> -> memref<64x128xf32, #tpu.memory_space<vmem_shared>>
      %dma_wait3A_430 = arith.constant 0 : i32
      %dma_wait3A_431 = tpu.memref_slice %arg10[%add3A_31, %dma_wait3A_430] : memref<10240x128xf32, #tpu.memory_space<vmem_shared>> -> memref<64x128xf32, #tpu.memory_space<vmem_shared>>
      %dma_wait3A_432 = arith.constant 0 : i32
      %dma_wait3A_433 = arith.constant 0 : i32
      %dma_wait3A_434 = tpu.memref_slice %arg9[%run_scoped3A_32, %dma_wait3A_432, %dma_wait3A_433] : memref<4x64x128xf32, #tpu.memory_space<vmem>> -> memref<1x64x128xf32, #tpu.memory_space<vmem>>
      %dma_wait3A_435 = tpu.memref_squeeze %dma_wait3A_434 : memref<1x64x128xf32, #tpu.memory_space<vmem>> -> memref<64x128xf32, #tpu.memory_space<vmem>>
      tpu.wait_dma2 semaphore(%run_scoped3A_411 : memref<!tpu.dma_semaphore, #tpu.memory_space<semaphore_mem>>) src(%dma_wait3A_435 : memref<64x128xf32, #tpu.memory_space<vmem>>) dst(%dma_wait3A_431 : memref<64x128xf32, #tpu.memory_space<vmem_shared>>)
      tpu.yield
    }) : () -> ()
    %barrier3A = arith.constant 0 : index
    tpu.barrier barrier_id(%barrier3A)
    "tpu.region"() ({
      %run_scoped3A_411 = tpu.sem_alloc : memref<!tpu.dma_semaphore, #tpu.memory_space<semaphore_mem>>
      %dma_start3A_412 = arith.constant 0 : i32
      %dma_start3A_413 = arith.constant 0 : i32
      %dma_start3A_414 = tpu.memref_slice %arg7[%dma_start3A_412, %dma_start3A_413] : memref<40x64xi32, #tpu.memory_space<vmem>> -> memref<40x64xi32, #tpu.memory_space<vmem>>
      %dma_start3A_415 = arith.constant 0 : i32
      %dma_start3A_416 = arith.constant 0 : i32
      %dma_start3A_417 = tpu.memref_slice %arg3[%add3A, %dma_start3A_415, %dma_start3A_416] : memref<32x158x64xi32, #tpu.memory_space<hbm>> -> memref<1x158x64xi32, #tpu.memory_space<hbm>>
      %dma_start3A_418 = tpu.memref_squeeze %dma_start3A_417 : memref<1x158x64xi32, #tpu.memory_space<hbm>> -> memref<158x64xi32, #tpu.memory_space<hbm>>
      %dma_start3A_419 = arith.constant 0 : i32
      %dma_start3A_420 = arith.constant 0 : i32
      %dma_start3A_421 = tpu.memref_slice %dma_start3A_418[%dma_start3A_419, %dma_start3A_420] : memref<158x64xi32, #tpu.memory_space<hbm>> -> memref<40x64xi32, #tpu.memory_space<hbm>>
      %dma_start3A_422 = arith.constant 0 : i32
      %dma_start3A_423 = arith.constant 0 : i32
      %dma_start3A_424 = tpu.memref_slice %arg7[%dma_start3A_422, %dma_start3A_423] : memref<40x64xi32, #tpu.memory_space<vmem>> -> memref<40x64xi32, #tpu.memory_space<vmem>>
      %dma_start3A_425 = arith.constant 0 : i32
      %dma_start3A_426 = arith.constant 0 : i32
      %dma_start3A_427 = tpu.memref_slice %arg3[%add3A, %dma_start3A_425, %dma_start3A_426] : memref<32x158x64xi32, #tpu.memory_space<hbm>> -> memref<1x158x64xi32, #tpu.memory_space<hbm>>
      %dma_start3A_428 = tpu.memref_squeeze %dma_start3A_427 : memref<1x158x64xi32, #tpu.memory_space<hbm>> -> memref<158x64xi32, #tpu.memory_space<hbm>>
      %dma_start3A_429 = arith.constant 0 : i32
      %dma_start3A_430 = arith.constant 0 : i32
      %dma_start3A_431 = tpu.memref_slice %dma_start3A_428[%dma_start3A_429, %dma_start3A_430] : memref<158x64xi32, #tpu.memory_space<hbm>> -> memref<40x64xi32, #tpu.memory_space<hbm>>
      tpu.enqueue_dma source(%dma_start3A_431 : memref<40x64xi32, #tpu.memory_space<hbm>>) target(%dma_start3A_424 : memref<40x64xi32, #tpu.memory_space<vmem>>) target_semaphore(%run_scoped3A_411 : memref<!tpu.dma_semaphore, #tpu.memory_space<semaphore_mem>>)
      %dma_wait3A_432 = arith.constant 0 : i32
      %dma_wait3A_433 = arith.constant 0 : i32
      %dma_wait3A_434 = tpu.memref_slice %arg7[%dma_wait3A_432, %dma_wait3A_433] : memref<40x64xi32, #tpu.memory_space<vmem>> -> memref<40x64xi32, #tpu.memory_space<vmem>>
      %dma_wait3A_435 = arith.constant 0 : i32
      %dma_wait3A_436 = arith.constant 0 : i32
      %dma_wait3A_437 = tpu.memref_slice %arg3[%add3A, %dma_wait3A_435, %dma_wait3A_436] : memref<32x158x64xi32, #tpu.memory_space<hbm>> -> memref<1x158x64xi32, #tpu.memory_space<hbm>>
      %dma_wait3A_438 = tpu.memref_squeeze %dma_wait3A_437 : memref<1x158x64xi32, #tpu.memory_space<hbm>> -> memref<158x64xi32, #tpu.memory_space<hbm>>
      %dma_wait3A_439 = arith.constant 0 : i32
      %dma_wait3A_440 = arith.constant 0 : i32
      %dma_wait3A_441 = tpu.memref_slice %dma_wait3A_438[%dma_wait3A_439, %dma_wait3A_440] : memref<158x64xi32, #tpu.memory_space<hbm>> -> memref<40x64xi32, #tpu.memory_space<hbm>>
      %dma_wait3A_442 = arith.constant 0 : i32
      %dma_wait3A_443 = arith.constant 0 : i32
      %dma_wait3A_444 = tpu.memref_slice %arg7[%dma_wait3A_442, %dma_wait3A_443] : memref<40x64xi32, #tpu.memory_space<vmem>> -> memref<40x64xi32, #tpu.memory_space<vmem>>
      %dma_wait3A_445 = arith.constant 0 : i32
      %dma_wait3A_446 = arith.constant 0 : i32
      %dma_wait3A_447 = tpu.memref_slice %arg3[%add3A, %dma_wait3A_445, %dma_wait3A_446] : memref<32x158x64xi32, #tpu.memory_space<hbm>> -> memref<1x158x64xi32, #tpu.memory_space<hbm>>
      %dma_wait3A_448 = tpu.memref_squeeze %dma_wait3A_447 : memref<1x158x64xi32, #tpu.memory_space<hbm>> -> memref<158x64xi32, #tpu.memory_space<hbm>>
      %dma_wait3A_449 = arith.constant 0 : i32
      %dma_wait3A_450 = arith.constant 0 : i32
      %dma_wait3A_451 = tpu.memref_slice %dma_wait3A_448[%dma_wait3A_449, %dma_wait3A_450] : memref<158x64xi32, #tpu.memory_space<hbm>> -> memref<40x64xi32, #tpu.memory_space<hbm>>
      tpu.wait_dma2 semaphore(%run_scoped3A_411 : memref<!tpu.dma_semaphore, #tpu.memory_space<semaphore_mem>>) src(%dma_wait3A_451 : memref<40x64xi32, #tpu.memory_space<hbm>>) dst(%dma_wait3A_444 : memref<40x64xi32, #tpu.memory_space<vmem>>)
      tpu.yield
    }) : () -> ()
    "tpu.region"() ({
      %run_scoped3A_411 = tpu.sem_alloc : memref<!tpu.dma_semaphore, #tpu.memory_space<semaphore_mem>>
      %dma_start3A_412 = arith.constant 0 : i32
      %dma_start3A_413 = arith.constant 0 : i32
      %dma_start3A_414 = tpu.memref_slice %arg8[%dma_start3A_412, %dma_start3A_413] : memref<40x64xi32, #tpu.memory_space<vmem>> -> memref<40x64xi32, #tpu.memory_space<vmem>>
      %dma_start3A_415 = arith.constant 0 : i32
      %dma_start3A_416 = arith.constant 0 : i32
      %dma_start3A_417 = tpu.memref_slice %arg4[%add3A, %dma_start3A_415, %dma_start3A_416] : memref<32x158x64xi32, #tpu.memory_space<hbm>> -> memref<1x158x64xi32, #tpu.memory_space<hbm>>
      %dma_start3A_418 = tpu.memref_squeeze %dma_start3A_417 : memref<1x158x64xi32, #tpu.memory_space<hbm>> -> memref<158x64xi32, #tpu.memory_space<hbm>>
      %dma_start3A_419 = arith.constant 0 : i32
      %dma_start3A_420 = arith.constant 0 : i32
      %dma_start3A_421 = tpu.memref_slice %dma_start3A_418[%dma_start3A_419, %dma_start3A_420] : memref<158x64xi32, #tpu.memory_space<hbm>> -> memref<40x64xi32, #tpu.memory_space<hbm>>
      %dma_start3A_422 = arith.constant 0 : i32
      %dma_start3A_423 = arith.constant 0 : i32
      %dma_start3A_424 = tpu.memref_slice %arg8[%dma_start3A_422, %dma_start3A_423] : memref<40x64xi32, #tpu.memory_space<vmem>> -> memref<40x64xi32, #tpu.memory_space<vmem>>
      %dma_start3A_425 = arith.constant 0 : i32
      %dma_start3A_426 = arith.constant 0 : i32
      %dma_start3A_427 = tpu.memref_slice %arg4[%add3A, %dma_start3A_425, %dma_start3A_426] : memref<32x158x64xi32, #tpu.memory_space<hbm>> -> memref<1x158x64xi32, #tpu.memory_space<hbm>>
      %dma_start3A_428 = tpu.memref_squeeze %dma_start3A_427 : memref<1x158x64xi32, #tpu.memory_space<hbm>> -> memref<158x64xi32, #tpu.memory_space<hbm>>
      %dma_start3A_429 = arith.constant 0 : i32
      %dma_start3A_430 = arith.constant 0 : i32
      %dma_start3A_431 = tpu.memref_slice %dma_start3A_428[%dma_start3A_429, %dma_start3A_430] : memref<158x64xi32, #tpu.memory_space<hbm>> -> memref<40x64xi32, #tpu.memory_space<hbm>>
      tpu.enqueue_dma source(%dma_start3A_431 : memref<40x64xi32, #tpu.memory_space<hbm>>) target(%dma_start3A_424 : memref<40x64xi32, #tpu.memory_space<vmem>>) target_semaphore(%run_scoped3A_411 : memref<!tpu.dma_semaphore, #tpu.memory_space<semaphore_mem>>)
      %dma_wait3A_432 = arith.constant 0 : i32
      %dma_wait3A_433 = arith.constant 0 : i32
      %dma_wait3A_434 = tpu.memref_slice %arg8[%dma_wait3A_432, %dma_wait3A_433] : memref<40x64xi32, #tpu.memory_space<vmem>> -> memref<40x64xi32, #tpu.memory_space<vmem>>
      %dma_wait3A_435 = arith.constant 0 : i32
      %dma_wait3A_436 = arith.constant 0 : i32
      %dma_wait3A_437 = tpu.memref_slice %arg4[%add3A, %dma_wait3A_435, %dma_wait3A_436] : memref<32x158x64xi32, #tpu.memory_space<hbm>> -> memref<1x158x64xi32, #tpu.memory_space<hbm>>
      %dma_wait3A_438 = tpu.memref_squeeze %dma_wait3A_437 : memref<1x158x64xi32, #tpu.memory_space<hbm>> -> memref<158x64xi32, #tpu.memory_space<hbm>>
      %dma_wait3A_439 = arith.constant 0 : i32
      %dma_wait3A_440 = arith.constant 0 : i32
      %dma_wait3A_441 = tpu.memref_slice %dma_wait3A_438[%dma_wait3A_439, %dma_wait3A_440] : memref<158x64xi32, #tpu.memory_space<hbm>> -> memref<40x64xi32, #tpu.memory_space<hbm>>
      %dma_wait3A_442 = arith.constant 0 : i32
      %dma_wait3A_443 = arith.constant 0 : i32
      %dma_wait3A_444 = tpu.memref_slice %arg8[%dma_wait3A_442, %dma_wait3A_443] : memref<40x64xi32, #tpu.memory_space<vmem>> -> memref<40x64xi32, #tpu.memory_space<vmem>>
      %dma_wait3A_445 = arith.constant 0 : i32
      %dma_wait3A_446 = arith.constant 0 : i32
      %dma_wait3A_447 = tpu.memref_slice %arg4[%add3A, %dma_wait3A_445, %dma_wait3A_446] : memref<32x158x64xi32, #tpu.memory_space<hbm>> -> memref<1x158x64xi32, #tpu.memory_space<hbm>>
      %dma_wait3A_448 = tpu.memref_squeeze %dma_wait3A_447 : memref<1x158x64xi32, #tpu.memory_space<hbm>> -> memref<158x64xi32, #tpu.memory_space<hbm>>
      %dma_wait3A_449 = arith.constant 0 : i32
      %dma_wait3A_450 = arith.constant 0 : i32
      %dma_wait3A_451 = tpu.memref_slice %dma_wait3A_448[%dma_wait3A_449, %dma_wait3A_450] : memref<158x64xi32, #tpu.memory_space<hbm>> -> memref<40x64xi32, #tpu.memory_space<hbm>>
      tpu.wait_dma2 semaphore(%run_scoped3A_411 : memref<!tpu.dma_semaphore, #tpu.memory_space<semaphore_mem>>) src(%dma_wait3A_451 : memref<40x64xi32, #tpu.memory_space<hbm>>) dst(%dma_wait3A_444 : memref<40x64xi32, #tpu.memory_space<vmem>>)
      tpu.yield
    }) : () -> ()
    %dma_start3A = arith.constant 0 : i32
    %dma_start3A_33 = arith.constant 0 : i32
    %dma_start3A_34 = arith.constant 0 : i32
    %dma_start3A_35 = arith.constant 0 : i32
    %dma_start3A_36 = tpu.memref_slice %arg9[%dma_start3A_33, %dma_start3A_34, %dma_start3A_35] : memref<4x64x128xf32, #tpu.memory_space<vmem>> -> memref<1x64x128xf32, #tpu.memory_space<vmem>>
    %dma_start3A_37 = tpu.memref_squeeze %dma_start3A_36 : memref<1x64x128xf32, #tpu.memory_space<vmem>> -> memref<64x128xf32, #tpu.memory_space<vmem>>
    %dma_start3A_38 = arith.constant 0 : i32
    %dma_start3A_39 = tpu.memref_slice %arg7[%dma_start3A, %dma_start3A_38] : memref<40x64xi32, #tpu.memory_space<vmem>> -> memref<1x64xi32, #tpu.memory_space<vmem>>
    %dma_start3A_40 = tpu.memref_squeeze %dma_start3A_39 : memref<1x64xi32, #tpu.memory_space<vmem>> -> memref<64xi32, #tpu.memory_space<vmem>>
    %dma_start3A_41 = arith.constant 0 : i32
    %dma_start3A_42 = arith.constant 0 : i32
    %dma_start3A_43 = tpu.memref_slice %arg2[%dma_start3A_41, %dma_start3A_42] : memref<10240x128xf32, #tpu.memory_space<hbm>> -> memref<10240x128xf32, #tpu.memory_space<hbm>>
    tpu.enqueue_indirect_dma source(%dma_start3A_43 : memref<10240x128xf32, #tpu.memory_space<hbm>>) target(%dma_start3A_37 : memref<64x128xf32, #tpu.memory_space<vmem>>) offsets(%dma_start3A_40 : memref<64xi32, #tpu.memory_space<vmem>>) semaphore(%arg11 : memref<!tpu.dma_semaphore, #tpu.memory_space<semaphore_mem>>)
    %dma_start3A_44 = arith.constant 1 : i32
    %dma_start3A_45 = arith.constant 1 : i32
    %dma_start3A_46 = arith.constant 0 : i32
    %dma_start3A_47 = arith.constant 0 : i32
    %dma_start3A_48 = tpu.memref_slice %arg9[%dma_start3A_45, %dma_start3A_46, %dma_start3A_47] : memref<4x64x128xf32, #tpu.memory_space<vmem>> -> memref<1x64x128xf32, #tpu.memory_space<vmem>>
    %dma_start3A_49 = tpu.memref_squeeze %dma_start3A_48 : memref<1x64x128xf32, #tpu.memory_space<vmem>> -> memref<64x128xf32, #tpu.memory_space<vmem>>
    %dma_start3A_50 = arith.constant 0 : i32
    %dma_start3A_51 = tpu.memref_slice %arg7[%dma_start3A_44, %dma_start3A_50] : memref<40x64xi32, #tpu.memory_space<vmem>> -> memref<1x64xi32, #tpu.memory_space<vmem>>
    %dma_start3A_52 = tpu.memref_squeeze %dma_start3A_51 : memref<1x64xi32, #tpu.memory_space<vmem>> -> memref<64xi32, #tpu.memory_space<vmem>>
    %dma_start3A_53 = arith.constant 0 : i32
    %dma_start3A_54 = arith.constant 0 : i32
    %dma_start3A_55 = tpu.memref_slice %arg2[%dma_start3A_53, %dma_start3A_54] : memref<10240x128xf32, #tpu.memory_space<hbm>> -> memref<10240x128xf32, #tpu.memory_space<hbm>>
    tpu.enqueue_indirect_dma source(%dma_start3A_55 : memref<10240x128xf32, #tpu.memory_space<hbm>>) target(%dma_start3A_49 : memref<64x128xf32, #tpu.memory_space<vmem>>) offsets(%dma_start3A_52 : memref<64xi32, #tpu.memory_space<vmem>>) semaphore(%arg12 : memref<!tpu.dma_semaphore, #tpu.memory_space<semaphore_mem>>)
    %dma_start3A_56 = arith.constant 2 : i32
    %dma_start3A_57 = arith.constant 2 : i32
    %dma_start3A_58 = arith.constant 0 : i32
    %dma_start3A_59 = arith.constant 0 : i32
    %dma_start3A_60 = tpu.memref_slice %arg9[%dma_start3A_57, %dma_start3A_58, %dma_start3A_59] : memref<4x64x128xf32, #tpu.memory_space<vmem>> -> memref<1x64x128xf32, #tpu.memory_space<vmem>>
    %dma_start3A_61 = tpu.memref_squeeze %dma_start3A_60 : memref<1x64x128xf32, #tpu.memory_space<vmem>> -> memref<64x128xf32, #tpu.memory_space<vmem>>
    %dma_start3A_62 = arith.constant 0 : i32
    %dma_start3A_63 = tpu.memref_slice %arg7[%dma_start3A_56, %dma_start3A_62] : memref<40x64xi32, #tpu.memory_space<vmem>> -> memref<1x64xi32, #tpu.memory_space<vmem>>
    %dma_start3A_64 = tpu.memref_squeeze %dma_start3A_63 : memref<1x64xi32, #tpu.memory_space<vmem>> -> memref<64xi32, #tpu.memory_space<vmem>>
    %dma_start3A_65 = arith.constant 0 : i32
    %dma_start3A_66 = arith.constant 0 : i32
    %dma_start3A_67 = tpu.memref_slice %arg2[%dma_start3A_65, %dma_start3A_66] : memref<10240x128xf32, #tpu.memory_space<hbm>> -> memref<10240x128xf32, #tpu.memory_space<hbm>>
    tpu.enqueue_indirect_dma source(%dma_start3A_67 : memref<10240x128xf32, #tpu.memory_space<hbm>>) target(%dma_start3A_61 : memref<64x128xf32, #tpu.memory_space<vmem>>) offsets(%dma_start3A_64 : memref<64xi32, #tpu.memory_space<vmem>>) semaphore(%arg13 : memref<!tpu.dma_semaphore, #tpu.memory_space<semaphore_mem>>)
    %scan3A = arith.constant 3 : i32
    %scan3A_68 = arith.constant 0 : i32
    %scan3A_69 = arith.constant 1 : i32
    %scan3A_70 = arith.constant 2 : i32
    %scan3A_71 = arith.constant 0 : i32
    %scan3A_72 = arith.constant 0 : i32
    %scan3A_73 = arith.constant 40 : i32
    %scan3A_74 = arith.addi %scan3A_72, %scan3A_73 : i32
    %scan3A_75 = arith.constant 1 : i32
    %scan3A_76 = scf.for %scan3A_411 = %scan3A_72 to %scan3A_74 step %scan3A_75 iter_args(%scan3A_412 = %scan3A_71) -> (i32)  : i32 {
      %jit3A = arith.constant 4 : i32
      %eq3A = arith.constant 0 : i32
      %eq3A_413 = arith.cmpi eq, %jit3A, %eq3A : i32
      %jit3A_414 = arith.constant 1 : i32
      %select_n3A = arith.select %eq3A_413, %jit3A_414, %jit3A : i32
      %rem3A = arith.remsi %scan3A_411, %select_n3A : i32
      %ne3A = arith.constant 0 : i32
      %ne3A_415 = arith.cmpi ne, %rem3A, %ne3A : i32
      %lt3A = arith.constant 0 : i32
      %lt3A_416 = arith.cmpi slt, %rem3A, %lt3A : i32
      %lt3A_417 = arith.constant 0 : i32
      %lt3A_418 = arith.cmpi slt, %select_n3A, %lt3A_417 : i32
      %ne3A_419 = arith.xori %lt3A_416, %lt3A_418 : i1
      %and3A = arith.andi %ne3A_419, %ne3A_415 : i1
      %add3A_420 = arith.addi %rem3A, %select_n3A : i32
      %select_n3A_421 = arith.select %and3A, %add3A_420, %rem3A : i32
      %eq3A_422 = arith.constant 0 : i32
      %eq3A_423 = arith.cmpi eq, %select_n3A_421, %eq3A_422 : i32
      %convert_element_type3A = arith.extui %eq3A_423 : i1 to i32
      %cond3A = arith.constant 0 : i32
      %cond3A_424 = arith.cmpi ne, %convert_element_type3A, %cond3A : i32
      scf.if %cond3A_424 {
        %add3A_489 = arith.constant 4 : i32
        %add3A_490 = arith.addi %scan3A_411, %add3A_489 : i32
        %sub3A = arith.constant 1 : i32
        %sub3A_491 = arith.subi %add3A_490, %sub3A : i32
        %lt3A_492 = arith.constant 40 : i32
        %lt3A_493 = arith.cmpi slt, %sub3A_491, %lt3A_492 : i32
        %convert_element_type3A_494 = arith.extui %lt3A_493 : i1 to i32
        %cond3A_495 = arith.constant 0 : i32
        %cond3A_496 = arith.cmpi ne, %convert_element_type3A_494, %cond3A_495 : i32
        scf.if %cond3A_496 {
          %ge3A = arith.constant 1 : i32
          %ge3A_517 = arith.cmpi sge, %scan3A_411, %ge3A : i32
          %convert_element_type3A_518 = arith.extui %ge3A_517 : i1 to i32
          %cond3A_519 = arith.constant 0 : i32
          %cond3A_520 = arith.cmpi ne, %convert_element_type3A_518, %cond3A_519 : i32
          scf.if %cond3A_520 {
            %sub3A_535 = arith.constant 1 : i32
            %sub3A_536 = arith.subi %scan3A_411, %sub3A_535 : i32
            %dma_wait3A_537 = arith.constant 0 : i32
            %dma_wait3A_538 = arith.constant 0 : i32
            %dma_wait3A_539 = tpu.memref_slice %arg9[%scan3A, %dma_wait3A_537, %dma_wait3A_538] : memref<4x64x128xf32, #tpu.memory_space<vmem>> -> memref<1x64x128xf32, #tpu.memory_space<vmem>>
            %dma_wait3A_540 = tpu.memref_squeeze %dma_wait3A_539 : memref<1x64x128xf32, #tpu.memory_space<vmem>> -> memref<64x128xf32, #tpu.memory_space<vmem>>
            %dma_wait3A_541 = arith.constant 0 : i32
            %dma_wait3A_542 = tpu.memref_slice %arg8[%sub3A_536, %dma_wait3A_541] : memref<40x64xi32, #tpu.memory_space<vmem>> -> memref<1x64xi32, #tpu.memory_space<vmem>>
            %dma_wait3A_543 = tpu.memref_squeeze %dma_wait3A_542 : memref<1x64xi32, #tpu.memory_space<vmem>> -> memref<64xi32, #tpu.memory_space<vmem>>
            %dma_wait3A_544 = arith.constant 0 : i32
            %dma_wait3A_545 = arith.constant 0 : i32
            %dma_wait3A_546 = tpu.memref_slice %arg10[%dma_wait3A_544, %dma_wait3A_545] : memref<10240x128xf32, #tpu.memory_space<vmem_shared>> -> memref<10240x128xf32, #tpu.memory_space<vmem_shared>>
            tpu.wait_indirect_dma semaphore(%arg18 : memref<!tpu.dma_semaphore, #tpu.memory_space<semaphore_mem>>) src(%dma_wait3A_540 : memref<64x128xf32, #tpu.memory_space<vmem>>) dst(%dma_wait3A_546 : memref<10240x128xf32, #tpu.memory_space<vmem_shared>>)
          } else {
          }
          %add3A_521 = arith.constant 4 : i32
          %add3A_522 = arith.addi %scan3A_411, %add3A_521 : i32
          %sub3A_523 = arith.constant 1 : i32
          %sub3A_524 = arith.subi %add3A_522, %sub3A_523 : i32
          %dma_start3A_525 = arith.constant 0 : i32
          %dma_start3A_526 = arith.constant 0 : i32
          %dma_start3A_527 = tpu.memref_slice %arg9[%scan3A, %dma_start3A_525, %dma_start3A_526] : memref<4x64x128xf32, #tpu.memory_space<vmem>> -> memref<1x64x128xf32, #tpu.memory_space<vmem>>
          %dma_start3A_528 = tpu.memref_squeeze %dma_start3A_527 : memref<1x64x128xf32, #tpu.memory_space<vmem>> -> memref<64x128xf32, #tpu.memory_space<vmem>>
          %dma_start3A_529 = arith.constant 0 : i32
          %dma_start3A_530 = tpu.memref_slice %arg7[%sub3A_524, %dma_start3A_529] : memref<40x64xi32, #tpu.memory_space<vmem>> -> memref<1x64xi32, #tpu.memory_space<vmem>>
          %dma_start3A_531 = tpu.memref_squeeze %dma_start3A_530 : memref<1x64xi32, #tpu.memory_space<vmem>> -> memref<64xi32, #tpu.memory_space<vmem>>
          %dma_start3A_532 = arith.constant 0 : i32
          %dma_start3A_533 = arith.constant 0 : i32
          %dma_start3A_534 = tpu.memref_slice %arg2[%dma_start3A_532, %dma_start3A_533] : memref<10240x128xf32, #tpu.memory_space<hbm>> -> memref<10240x128xf32, #tpu.memory_space<hbm>>
          tpu.enqueue_indirect_dma source(%dma_start3A_534 : memref<10240x128xf32, #tpu.memory_space<hbm>>) target(%dma_start3A_528 : memref<64x128xf32, #tpu.memory_space<vmem>>) offsets(%dma_start3A_531 : memref<64xi32, #tpu.memory_space<vmem>>) semaphore(%arg14 : memref<!tpu.dma_semaphore, #tpu.memory_space<semaphore_mem>>)
        } else {
        }
        %dma_wait3A_497 = arith.constant 0 : i32
        %dma_wait3A_498 = arith.constant 0 : i32
        %dma_wait3A_499 = tpu.memref_slice %arg9[%scan3A_68, %dma_wait3A_497, %dma_wait3A_498] : memref<4x64x128xf32, #tpu.memory_space<vmem>> -> memref<1x64x128xf32, #tpu.memory_space<vmem>>
        %dma_wait3A_500 = tpu.memref_squeeze %dma_wait3A_499 : memref<1x64x128xf32, #tpu.memory_space<vmem>> -> memref<64x128xf32, #tpu.memory_space<vmem>>
        %dma_wait3A_501 = arith.constant 0 : i32
        %dma_wait3A_502 = tpu.memref_slice %arg7[%scan3A_411, %dma_wait3A_501] : memref<40x64xi32, #tpu.memory_space<vmem>> -> memref<1x64xi32, #tpu.memory_space<vmem>>
        %dma_wait3A_503 = tpu.memref_squeeze %dma_wait3A_502 : memref<1x64xi32, #tpu.memory_space<vmem>> -> memref<64xi32, #tpu.memory_space<vmem>>
        %dma_wait3A_504 = arith.constant 0 : i32
        %dma_wait3A_505 = arith.constant 0 : i32
        %dma_wait3A_506 = tpu.memref_slice %arg2[%dma_wait3A_504, %dma_wait3A_505] : memref<10240x128xf32, #tpu.memory_space<hbm>> -> memref<10240x128xf32, #tpu.memory_space<hbm>>
        tpu.wait_indirect_dma semaphore(%arg11 : memref<!tpu.dma_semaphore, #tpu.memory_space<semaphore_mem>>) src(%dma_wait3A_506 : memref<10240x128xf32, #tpu.memory_space<hbm>>) dst(%dma_wait3A_500 : memref<64x128xf32, #tpu.memory_space<vmem>>)
        %dma_start3A_507 = arith.constant 0 : i32
        %dma_start3A_508 = arith.constant 0 : i32
        %dma_start3A_509 = tpu.memref_slice %arg9[%scan3A_68, %dma_start3A_507, %dma_start3A_508] : memref<4x64x128xf32, #tpu.memory_space<vmem>> -> memref<1x64x128xf32, #tpu.memory_space<vmem>>
        %dma_start3A_510 = tpu.memref_squeeze %dma_start3A_509 : memref<1x64x128xf32, #tpu.memory_space<vmem>> -> memref<64x128xf32, #tpu.memory_space<vmem>>
        %dma_start3A_511 = arith.constant 0 : i32
        %dma_start3A_512 = tpu.memref_slice %arg8[%scan3A_411, %dma_start3A_511] : memref<40x64xi32, #tpu.memory_space<vmem>> -> memref<1x64xi32, #tpu.memory_space<vmem>>
        %dma_start3A_513 = tpu.memref_squeeze %dma_start3A_512 : memref<1x64xi32, #tpu.memory_space<vmem>> -> memref<64xi32, #tpu.memory_space<vmem>>
        %dma_start3A_514 = arith.constant 0 : i32
        %dma_start3A_515 = arith.constant 0 : i32
        %dma_start3A_516 = tpu.memref_slice %arg10[%dma_start3A_514, %dma_start3A_515] : memref<10240x128xf32, #tpu.memory_space<vmem_shared>> -> memref<10240x128xf32, #tpu.memory_space<vmem_shared>>
        tpu.enqueue_indirect_dma source(%dma_start3A_510 : memref<64x128xf32, #tpu.memory_space<vmem>>) target(%dma_start3A_516 : memref<10240x128xf32, #tpu.memory_space<vmem_shared>>) offsets(%dma_start3A_513 : memref<64xi32, #tpu.memory_space<vmem>>) semaphore(%arg15 : memref<!tpu.dma_semaphore, #tpu.memory_space<semaphore_mem>>) {add = true}
      } else {
      }
      %jit3A_425 = arith.constant 4 : i32
      %eq3A_426 = arith.constant 0 : i32
      %eq3A_427 = arith.cmpi eq, %jit3A_425, %eq3A_426 : i32
      %jit3A_428 = arith.constant 1 : i32
      %select_n3A_429 = arith.select %eq3A_427, %jit3A_428, %jit3A_425 : i32
      %rem3A_430 = arith.remsi %scan3A_411, %select_n3A_429 : i32
      %ne3A_431 = arith.constant 0 : i32
      %ne3A_432 = arith.cmpi ne, %rem3A_430, %ne3A_431 : i32
      %lt3A_433 = arith.constant 0 : i32
      %lt3A_434 = arith.cmpi slt, %rem3A_430, %lt3A_433 : i32
      %lt3A_435 = arith.constant 0 : i32
      %lt3A_436 = arith.cmpi slt, %select_n3A_429, %lt3A_435 : i32
      %ne3A_437 = arith.xori %lt3A_434, %lt3A_436 : i1
      %and3A_438 = arith.andi %ne3A_437, %ne3A_432 : i1
      %add3A_439 = arith.addi %rem3A_430, %select_n3A_429 : i32
      %select_n3A_440 = arith.select %and3A_438, %add3A_439, %rem3A_430 : i32
      %eq3A_441 = arith.constant 1 : i32
      %eq3A_442 = arith.cmpi eq, %select_n3A_440, %eq3A_441 : i32
      %convert_element_type3A_443 = arith.extui %eq3A_442 : i1 to i32
      %cond3A_444 = arith.constant 0 : i32
      %cond3A_445 = arith.cmpi ne, %convert_element_type3A_443, %cond3A_444 : i32
      scf.if %cond3A_445 {
        %add3A_489 = arith.constant 4 : i32
        %add3A_490 = arith.addi %scan3A_411, %add3A_489 : i32
        %sub3A = arith.constant 1 : i32
        %sub3A_491 = arith.subi %add3A_490, %sub3A : i32
        %lt3A_492 = arith.constant 40 : i32
        %lt3A_493 = arith.cmpi slt, %sub3A_491, %lt3A_492 : i32
        %convert_element_type3A_494 = arith.extui %lt3A_493 : i1 to i32
        %cond3A_495 = arith.constant 0 : i32
        %cond3A_496 = arith.cmpi ne, %convert_element_type3A_494, %cond3A_495 : i32
        scf.if %cond3A_496 {
          %ge3A = arith.constant 1 : i32
          %ge3A_517 = arith.cmpi sge, %scan3A_411, %ge3A : i32
          %convert_element_type3A_518 = arith.extui %ge3A_517 : i1 to i32
          %cond3A_519 = arith.constant 0 : i32
          %cond3A_520 = arith.cmpi ne, %convert_element_type3A_518, %cond3A_519 : i32
          scf.if %cond3A_520 {
            %sub3A_535 = arith.constant 1 : i32
            %sub3A_536 = arith.subi %scan3A_411, %sub3A_535 : i32
            %dma_wait3A_537 = arith.constant 0 : i32
            %dma_wait3A_538 = arith.constant 0 : i32
            %dma_wait3A_539 = tpu.memref_slice %arg9[%scan3A_68, %dma_wait3A_537, %dma_wait3A_538] : memref<4x64x128xf32, #tpu.memory_space<vmem>> -> memref<1x64x128xf32, #tpu.memory_space<vmem>>
            %dma_wait3A_540 = tpu.memref_squeeze %dma_wait3A_539 : memref<1x64x128xf32, #tpu.memory_space<vmem>> -> memref<64x128xf32, #tpu.memory_space<vmem>>
            %dma_wait3A_541 = arith.constant 0 : i32
            %dma_wait3A_542 = tpu.memref_slice %arg8[%sub3A_536, %dma_wait3A_541] : memref<40x64xi32, #tpu.memory_space<vmem>> -> memref<1x64xi32, #tpu.memory_space<vmem>>
            %dma_wait3A_543 = tpu.memref_squeeze %dma_wait3A_542 : memref<1x64xi32, #tpu.memory_space<vmem>> -> memref<64xi32, #tpu.memory_space<vmem>>
            %dma_wait3A_544 = arith.constant 0 : i32
            %dma_wait3A_545 = arith.constant 0 : i32
            %dma_wait3A_546 = tpu.memref_slice %arg10[%dma_wait3A_544, %dma_wait3A_545] : memref<10240x128xf32, #tpu.memory_space<vmem_shared>> -> memref<10240x128xf32, #tpu.memory_space<vmem_shared>>
            tpu.wait_indirect_dma semaphore(%arg15 : memref<!tpu.dma_semaphore, #tpu.memory_space<semaphore_mem>>) src(%dma_wait3A_540 : memref<64x128xf32, #tpu.memory_space<vmem>>) dst(%dma_wait3A_546 : memref<10240x128xf32, #tpu.memory_space<vmem_shared>>)
          } else {
          }
          %add3A_521 = arith.constant 4 : i32
          %add3A_522 = arith.addi %scan3A_411, %add3A_521 : i32
          %sub3A_523 = arith.constant 1 : i32
          %sub3A_524 = arith.subi %add3A_522, %sub3A_523 : i32
          %dma_start3A_525 = arith.constant 0 : i32
          %dma_start3A_526 = arith.constant 0 : i32
          %dma_start3A_527 = tpu.memref_slice %arg9[%scan3A_68, %dma_start3A_525, %dma_start3A_526] : memref<4x64x128xf32, #tpu.memory_space<vmem>> -> memref<1x64x128xf32, #tpu.memory_space<vmem>>
          %dma_start3A_528 = tpu.memref_squeeze %dma_start3A_527 : memref<1x64x128xf32, #tpu.memory_space<vmem>> -> memref<64x128xf32, #tpu.memory_space<vmem>>
          %dma_start3A_529 = arith.constant 0 : i32
          %dma_start3A_530 = tpu.memref_slice %arg7[%sub3A_524, %dma_start3A_529] : memref<40x64xi32, #tpu.memory_space<vmem>> -> memref<1x64xi32, #tpu.memory_space<vmem>>
          %dma_start3A_531 = tpu.memref_squeeze %dma_start3A_530 : memref<1x64xi32, #tpu.memory_space<vmem>> -> memref<64xi32, #tpu.memory_space<vmem>>
          %dma_start3A_532 = arith.constant 0 : i32
          %dma_start3A_533 = arith.constant 0 : i32
          %dma_start3A_534 = tpu.memref_slice %arg2[%dma_start3A_532, %dma_start3A_533] : memref<10240x128xf32, #tpu.memory_space<hbm>> -> memref<10240x128xf32, #tpu.memory_space<hbm>>
          tpu.enqueue_indirect_dma source(%dma_start3A_534 : memref<10240x128xf32, #tpu.memory_space<hbm>>) target(%dma_start3A_528 : memref<64x128xf32, #tpu.memory_space<vmem>>) offsets(%dma_start3A_531 : memref<64xi32, #tpu.memory_space<vmem>>) semaphore(%arg11 : memref<!tpu.dma_semaphore, #tpu.memory_space<semaphore_mem>>)
        } else {
        }
        %dma_wait3A_497 = arith.constant 0 : i32
        %dma_wait3A_498 = arith.constant 0 : i32
        %dma_wait3A_499 = tpu.memref_slice %arg9[%scan3A_69, %dma_wait3A_497, %dma_wait3A_498] : memref<4x64x128xf32, #tpu.memory_space<vmem>> -> memref<1x64x128xf32, #tpu.memory_space<vmem>>
        %dma_wait3A_500 = tpu.memref_squeeze %dma_wait3A_499 : memref<1x64x128xf32, #tpu.memory_space<vmem>> -> memref<64x128xf32, #tpu.memory_space<vmem>>
        %dma_wait3A_501 = arith.constant 0 : i32
        %dma_wait3A_502 = tpu.memref_slice %arg7[%scan3A_411, %dma_wait3A_501] : memref<40x64xi32, #tpu.memory_space<vmem>> -> memref<1x64xi32, #tpu.memory_space<vmem>>
        %dma_wait3A_503 = tpu.memref_squeeze %dma_wait3A_502 : memref<1x64xi32, #tpu.memory_space<vmem>> -> memref<64xi32, #tpu.memory_space<vmem>>
        %dma_wait3A_504 = arith.constant 0 : i32
        %dma_wait3A_505 = arith.constant 0 : i32
        %dma_wait3A_506 = tpu.memref_slice %arg2[%dma_wait3A_504, %dma_wait3A_505] : memref<10240x128xf32, #tpu.memory_space<hbm>> -> memref<10240x128xf32, #tpu.memory_space<hbm>>
        tpu.wait_indirect_dma semaphore(%arg12 : memref<!tpu.dma_semaphore, #tpu.memory_space<semaphore_mem>>) src(%dma_wait3A_506 : memref<10240x128xf32, #tpu.memory_space<hbm>>) dst(%dma_wait3A_500 : memref<64x128xf32, #tpu.memory_space<vmem>>)
        %dma_start3A_507 = arith.constant 0 : i32
        %dma_start3A_508 = arith.constant 0 : i32
        %dma_start3A_509 = tpu.memref_slice %arg9[%scan3A_69, %dma_start3A_507, %dma_start3A_508] : memref<4x64x128xf32, #tpu.memory_space<vmem>> -> memref<1x64x128xf32, #tpu.memory_space<vmem>>
        %dma_start3A_510 = tpu.memref_squeeze %dma_start3A_509 : memref<1x64x128xf32, #tpu.memory_space<vmem>> -> memref<64x128xf32, #tpu.memory_space<vmem>>
        %dma_start3A_511 = arith.constant 0 : i32
        %dma_start3A_512 = tpu.memref_slice %arg8[%scan3A_411, %dma_start3A_511] : memref<40x64xi32, #tpu.memory_space<vmem>> -> memref<1x64xi32, #tpu.memory_space<vmem>>
        %dma_start3A_513 = tpu.memref_squeeze %dma_start3A_512 : memref<1x64xi32, #tpu.memory_space<vmem>> -> memref<64xi32, #tpu.memory_space<vmem>>
        %dma_start3A_514 = arith.constant 0 : i32
        %dma_start3A_515 = arith.constant 0 : i32
        %dma_start3A_516 = tpu.memref_slice %arg10[%dma_start3A_514, %dma_start3A_515] : memref<10240x128xf32, #tpu.memory_space<vmem_shared>> -> memref<10240x128xf32, #tpu.memory_space<vmem_shared>>
        tpu.enqueue_indirect_dma source(%dma_start3A_510 : memref<64x128xf32, #tpu.memory_space<vmem>>) target(%dma_start3A_516 : memref<10240x128xf32, #tpu.memory_space<vmem_shared>>) offsets(%dma_start3A_513 : memref<64xi32, #tpu.memory_space<vmem>>) semaphore(%arg16 : memref<!tpu.dma_semaphore, #tpu.memory_space<semaphore_mem>>) {add = true}
      } else {
      }
      %jit3A_446 = arith.constant 4 : i32
      %eq3A_447 = arith.constant 0 : i32
      %eq3A_448 = arith.cmpi eq, %jit3A_446, %eq3A_447 : i32
      %jit3A_449 = arith.constant 1 : i32
      %select_n3A_450 = arith.select %eq3A_448, %jit3A_449, %jit3A_446 : i32
      %rem3A_451 = arith.remsi %scan3A_411, %select_n3A_450 : i32
      %ne3A_452 = arith.constant 0 : i32
      %ne3A_453 = arith.cmpi ne, %rem3A_451, %ne3A_452 : i32
      %lt3A_454 = arith.constant 0 : i32
      %lt3A_455 = arith.cmpi slt, %rem3A_451, %lt3A_454 : i32
      %lt3A_456 = arith.constant 0 : i32
      %lt3A_457 = arith.cmpi slt, %select_n3A_450, %lt3A_456 : i32
      %ne3A_458 = arith.xori %lt3A_455, %lt3A_457 : i1
      %and3A_459 = arith.andi %ne3A_458, %ne3A_453 : i1
      %add3A_460 = arith.addi %rem3A_451, %select_n3A_450 : i32
      %select_n3A_461 = arith.select %and3A_459, %add3A_460, %rem3A_451 : i32
      %eq3A_462 = arith.constant 2 : i32
      %eq3A_463 = arith.cmpi eq, %select_n3A_461, %eq3A_462 : i32
      %convert_element_type3A_464 = arith.extui %eq3A_463 : i1 to i32
      %cond3A_465 = arith.constant 0 : i32
      %cond3A_466 = arith.cmpi ne, %convert_element_type3A_464, %cond3A_465 : i32
      scf.if %cond3A_466 {
        %add3A_489 = arith.constant 4 : i32
        %add3A_490 = arith.addi %scan3A_411, %add3A_489 : i32
        %sub3A = arith.constant 1 : i32
        %sub3A_491 = arith.subi %add3A_490, %sub3A : i32
        %lt3A_492 = arith.constant 40 : i32
        %lt3A_493 = arith.cmpi slt, %sub3A_491, %lt3A_492 : i32
        %convert_element_type3A_494 = arith.extui %lt3A_493 : i1 to i32
        %cond3A_495 = arith.constant 0 : i32
        %cond3A_496 = arith.cmpi ne, %convert_element_type3A_494, %cond3A_495 : i32
        scf.if %cond3A_496 {
          %ge3A = arith.constant 1 : i32
          %ge3A_517 = arith.cmpi sge, %scan3A_411, %ge3A : i32
          %convert_element_type3A_518 = arith.extui %ge3A_517 : i1 to i32
          %cond3A_519 = arith.constant 0 : i32
          %cond3A_520 = arith.cmpi ne, %convert_element_type3A_518, %cond3A_519 : i32
          scf.if %cond3A_520 {
            %sub3A_535 = arith.constant 1 : i32
            %sub3A_536 = arith.subi %scan3A_411, %sub3A_535 : i32
            %dma_wait3A_537 = arith.constant 0 : i32
            %dma_wait3A_538 = arith.constant 0 : i32
            %dma_wait3A_539 = tpu.memref_slice %arg9[%scan3A_69, %dma_wait3A_537, %dma_wait3A_538] : memref<4x64x128xf32, #tpu.memory_space<vmem>> -> memref<1x64x128xf32, #tpu.memory_space<vmem>>
            %dma_wait3A_540 = tpu.memref_squeeze %dma_wait3A_539 : memref<1x64x128xf32, #tpu.memory_space<vmem>> -> memref<64x128xf32, #tpu.memory_space<vmem>>
            %dma_wait3A_541 = arith.constant 0 : i32
            %dma_wait3A_542 = tpu.memref_slice %arg8[%sub3A_536, %dma_wait3A_541] : memref<40x64xi32, #tpu.memory_space<vmem>> -> memref<1x64xi32, #tpu.memory_space<vmem>>
            %dma_wait3A_543 = tpu.memref_squeeze %dma_wait3A_542 : memref<1x64xi32, #tpu.memory_space<vmem>> -> memref<64xi32, #tpu.memory_space<vmem>>
            %dma_wait3A_544 = arith.constant 0 : i32
            %dma_wait3A_545 = arith.constant 0 : i32
            %dma_wait3A_546 = tpu.memref_slice %arg10[%dma_wait3A_544, %dma_wait3A_545] : memref<10240x128xf32, #tpu.memory_space<vmem_shared>> -> memref<10240x128xf32, #tpu.memory_space<vmem_shared>>
            tpu.wait_indirect_dma semaphore(%arg16 : memref<!tpu.dma_semaphore, #tpu.memory_space<semaphore_mem>>) src(%dma_wait3A_540 : memref<64x128xf32, #tpu.memory_space<vmem>>) dst(%dma_wait3A_546 : memref<10240x128xf32, #tpu.memory_space<vmem_shared>>)
          } else {
          }
          %add3A_521 = arith.constant 4 : i32
          %add3A_522 = arith.addi %scan3A_411, %add3A_521 : i32
          %sub3A_523 = arith.constant 1 : i32
          %sub3A_524 = arith.subi %add3A_522, %sub3A_523 : i32
          %dma_start3A_525 = arith.constant 0 : i32
          %dma_start3A_526 = arith.constant 0 : i32
          %dma_start3A_527 = tpu.memref_slice %arg9[%scan3A_69, %dma_start3A_525, %dma_start3A_526] : memref<4x64x128xf32, #tpu.memory_space<vmem>> -> memref<1x64x128xf32, #tpu.memory_space<vmem>>
          %dma_start3A_528 = tpu.memref_squeeze %dma_start3A_527 : memref<1x64x128xf32, #tpu.memory_space<vmem>> -> memref<64x128xf32, #tpu.memory_space<vmem>>
          %dma_start3A_529 = arith.constant 0 : i32
          %dma_start3A_530 = tpu.memref_slice %arg7[%sub3A_524, %dma_start3A_529] : memref<40x64xi32, #tpu.memory_space<vmem>> -> memref<1x64xi32, #tpu.memory_space<vmem>>
          %dma_start3A_531 = tpu.memref_squeeze %dma_start3A_530 : memref<1x64xi32, #tpu.memory_space<vmem>> -> memref<64xi32, #tpu.memory_space<vmem>>
          %dma_start3A_532 = arith.constant 0 : i32
          %dma_start3A_533 = arith.constant 0 : i32
          %dma_start3A_534 = tpu.memref_slice %arg2[%dma_start3A_532, %dma_start3A_533] : memref<10240x128xf32, #tpu.memory_space<hbm>> -> memref<10240x128xf32, #tpu.memory_space<hbm>>
          tpu.enqueue_indirect_dma source(%dma_start3A_534 : memref<10240x128xf32, #tpu.memory_space<hbm>>) target(%dma_start3A_528 : memref<64x128xf32, #tpu.memory_space<vmem>>) offsets(%dma_start3A_531 : memref<64xi32, #tpu.memory_space<vmem>>) semaphore(%arg12 : memref<!tpu.dma_semaphore, #tpu.memory_space<semaphore_mem>>)
        } else {
        }
        %dma_wait3A_497 = arith.constant 0 : i32
        %dma_wait3A_498 = arith.constant 0 : i32
        %dma_wait3A_499 = tpu.memref_slice %arg9[%scan3A_70, %dma_wait3A_497, %dma_wait3A_498] : memref<4x64x128xf32, #tpu.memory_space<vmem>> -> memref<1x64x128xf32, #tpu.memory_space<vmem>>
        %dma_wait3A_500 = tpu.memref_squeeze %dma_wait3A_499 : memref<1x64x128xf32, #tpu.memory_space<vmem>> -> memref<64x128xf32, #tpu.memory_space<vmem>>
        %dma_wait3A_501 = arith.constant 0 : i32
        %dma_wait3A_502 = tpu.memref_slice %arg7[%scan3A_411, %dma_wait3A_501] : memref<40x64xi32, #tpu.memory_space<vmem>> -> memref<1x64xi32, #tpu.memory_space<vmem>>
        %dma_wait3A_503 = tpu.memref_squeeze %dma_wait3A_502 : memref<1x64xi32, #tpu.memory_space<vmem>> -> memref<64xi32, #tpu.memory_space<vmem>>
        %dma_wait3A_504 = arith.constant 0 : i32
        %dma_wait3A_505 = arith.constant 0 : i32
        %dma_wait3A_506 = tpu.memref_slice %arg2[%dma_wait3A_504, %dma_wait3A_505] : memref<10240x128xf32, #tpu.memory_space<hbm>> -> memref<10240x128xf32, #tpu.memory_space<hbm>>
        tpu.wait_indirect_dma semaphore(%arg13 : memref<!tpu.dma_semaphore, #tpu.memory_space<semaphore_mem>>) src(%dma_wait3A_506 : memref<10240x128xf32, #tpu.memory_space<hbm>>) dst(%dma_wait3A_500 : memref<64x128xf32, #tpu.memory_space<vmem>>)
        %dma_start3A_507 = arith.constant 0 : i32
        %dma_start3A_508 = arith.constant 0 : i32
        %dma_start3A_509 = tpu.memref_slice %arg9[%scan3A_70, %dma_start3A_507, %dma_start3A_508] : memref<4x64x128xf32, #tpu.memory_space<vmem>> -> memref<1x64x128xf32, #tpu.memory_space<vmem>>
        %dma_start3A_510 = tpu.memref_squeeze %dma_start3A_509 : memref<1x64x128xf32, #tpu.memory_space<vmem>> -> memref<64x128xf32, #tpu.memory_space<vmem>>
        %dma_start3A_511 = arith.constant 0 : i32
        %dma_start3A_512 = tpu.memref_slice %arg8[%scan3A_411, %dma_start3A_511] : memref<40x64xi32, #tpu.memory_space<vmem>> -> memref<1x64xi32, #tpu.memory_space<vmem>>
        %dma_start3A_513 = tpu.memref_squeeze %dma_start3A_512 : memref<1x64xi32, #tpu.memory_space<vmem>> -> memref<64xi32, #tpu.memory_space<vmem>>
        %dma_start3A_514 = arith.constant 0 : i32
        %dma_start3A_515 = arith.constant 0 : i32
        %dma_start3A_516 = tpu.memref_slice %arg10[%dma_start3A_514, %dma_start3A_515] : memref<10240x128xf32, #tpu.memory_space<vmem_shared>> -> memref<10240x128xf32, #tpu.memory_space<vmem_shared>>
        tpu.enqueue_indirect_dma source(%dma_start3A_510 : memref<64x128xf32, #tpu.memory_space<vmem>>) target(%dma_start3A_516 : memref<10240x128xf32, #tpu.memory_space<vmem_shared>>) offsets(%dma_start3A_513 : memref<64xi32, #tpu.memory_space<vmem>>) semaphore(%arg17 : memref<!tpu.dma_semaphore, #tpu.memory_space<semaphore_mem>>) {add = true}
      } else {
      }
      %jit3A_467 = arith.constant 4 : i32
      %eq3A_468 = arith.constant 0 : i32
      %eq3A_469 = arith.cmpi eq, %jit3A_467, %eq3A_468 : i32
      %jit3A_470 = arith.constant 1 : i32
      %select_n3A_471 = arith.select %eq3A_469, %jit3A_470, %jit3A_467 : i32
      %rem3A_472 = arith.remsi %scan3A_411, %select_n3A_471 : i32
      %ne3A_473 = arith.constant 0 : i32
      %ne3A_474 = arith.cmpi ne, %rem3A_472, %ne3A_473 : i32
      %lt3A_475 = arith.constant 0 : i32
      %lt3A_476 = arith.cmpi slt, %rem3A_472, %lt3A_475 : i32
      %lt3A_477 = arith.constant 0 : i32
      %lt3A_478 = arith.cmpi slt, %select_n3A_471, %lt3A_477 : i32
      %ne3A_479 = arith.xori %lt3A_476, %lt3A_478 : i1
      %and3A_480 = arith.andi %ne3A_479, %ne3A_474 : i1
      %add3A_481 = arith.addi %rem3A_472, %select_n3A_471 : i32
      %select_n3A_482 = arith.select %and3A_480, %add3A_481, %rem3A_472 : i32
      %eq3A_483 = arith.constant 3 : i32
      %eq3A_484 = arith.cmpi eq, %select_n3A_482, %eq3A_483 : i32
      %convert_element_type3A_485 = arith.extui %eq3A_484 : i1 to i32
      %cond3A_486 = arith.constant 0 : i32
      %cond3A_487 = arith.cmpi ne, %convert_element_type3A_485, %cond3A_486 : i32
      scf.if %cond3A_487 {
        %add3A_489 = arith.constant 4 : i32
        %add3A_490 = arith.addi %scan3A_411, %add3A_489 : i32
        %sub3A = arith.constant 1 : i32
        %sub3A_491 = arith.subi %add3A_490, %sub3A : i32
        %lt3A_492 = arith.constant 40 : i32
        %lt3A_493 = arith.cmpi slt, %sub3A_491, %lt3A_492 : i32
        %convert_element_type3A_494 = arith.extui %lt3A_493 : i1 to i32
        %cond3A_495 = arith.constant 0 : i32
        %cond3A_496 = arith.cmpi ne, %convert_element_type3A_494, %cond3A_495 : i32
        scf.if %cond3A_496 {
          %ge3A = arith.constant 1 : i32
          %ge3A_517 = arith.cmpi sge, %scan3A_411, %ge3A : i32
          %convert_element_type3A_518 = arith.extui %ge3A_517 : i1 to i32
          %cond3A_519 = arith.constant 0 : i32
          %cond3A_520 = arith.cmpi ne, %convert_element_type3A_518, %cond3A_519 : i32
          scf.if %cond3A_520 {
            %sub3A_535 = arith.constant 1 : i32
            %sub3A_536 = arith.subi %scan3A_411, %sub3A_535 : i32
            %dma_wait3A_537 = arith.constant 0 : i32
            %dma_wait3A_538 = arith.constant 0 : i32
            %dma_wait3A_539 = tpu.memref_slice %arg9[%scan3A_70, %dma_wait3A_537, %dma_wait3A_538] : memref<4x64x128xf32, #tpu.memory_space<vmem>> -> memref<1x64x128xf32, #tpu.memory_space<vmem>>
            %dma_wait3A_540 = tpu.memref_squeeze %dma_wait3A_539 : memref<1x64x128xf32, #tpu.memory_space<vmem>> -> memref<64x128xf32, #tpu.memory_space<vmem>>
            %dma_wait3A_541 = arith.constant 0 : i32
            %dma_wait3A_542 = tpu.memref_slice %arg8[%sub3A_536, %dma_wait3A_541] : memref<40x64xi32, #tpu.memory_space<vmem>> -> memref<1x64xi32, #tpu.memory_space<vmem>>
            %dma_wait3A_543 = tpu.memref_squeeze %dma_wait3A_542 : memref<1x64xi32, #tpu.memory_space<vmem>> -> memref<64xi32, #tpu.memory_space<vmem>>
            %dma_wait3A_544 = arith.constant 0 : i32
            %dma_wait3A_545 = arith.constant 0 : i32
            %dma_wait3A_546 = tpu.memref_slice %arg10[%dma_wait3A_544, %dma_wait3A_545] : memref<10240x128xf32, #tpu.memory_space<vmem_shared>> -> memref<10240x128xf32, #tpu.memory_space<vmem_shared>>
            tpu.wait_indirect_dma semaphore(%arg17 : memref<!tpu.dma_semaphore, #tpu.memory_space<semaphore_mem>>) src(%dma_wait3A_540 : memref<64x128xf32, #tpu.memory_space<vmem>>) dst(%dma_wait3A_546 : memref<10240x128xf32, #tpu.memory_space<vmem_shared>>)
          } else {
          }
          %add3A_521 = arith.constant 4 : i32
          %add3A_522 = arith.addi %scan3A_411, %add3A_521 : i32
          %sub3A_523 = arith.constant 1 : i32
          %sub3A_524 = arith.subi %add3A_522, %sub3A_523 : i32
          %dma_start3A_525 = arith.constant 0 : i32
          %dma_start3A_526 = arith.constant 0 : i32
          %dma_start3A_527 = tpu.memref_slice %arg9[%scan3A_70, %dma_start3A_525, %dma_start3A_526] : memref<4x64x128xf32, #tpu.memory_space<vmem>> -> memref<1x64x128xf32, #tpu.memory_space<vmem>>
          %dma_start3A_528 = tpu.memref_squeeze %dma_start3A_527 : memref<1x64x128xf32, #tpu.memory_space<vmem>> -> memref<64x128xf32, #tpu.memory_space<vmem>>
          %dma_start3A_529 = arith.constant 0 : i32
          %dma_start3A_530 = tpu.memref_slice %arg7[%sub3A_524, %dma_start3A_529] : memref<40x64xi32, #tpu.memory_space<vmem>> -> memref<1x64xi32, #tpu.memory_space<vmem>>
          %dma_start3A_531 = tpu.memref_squeeze %dma_start3A_530 : memref<1x64xi32, #tpu.memory_space<vmem>> -> memref<64xi32, #tpu.memory_space<vmem>>
          %dma_start3A_532 = arith.constant 0 : i32
          %dma_start3A_533 = arith.constant 0 : i32
          %dma_start3A_534 = tpu.memref_slice %arg2[%dma_start3A_532, %dma_start3A_533] : memref<10240x128xf32, #tpu.memory_space<hbm>> -> memref<10240x128xf32, #tpu.memory_space<hbm>>
          tpu.enqueue_indirect_dma source(%dma_start3A_534 : memref<10240x128xf32, #tpu.memory_space<hbm>>) target(%dma_start3A_528 : memref<64x128xf32, #tpu.memory_space<vmem>>) offsets(%dma_start3A_531 : memref<64xi32, #tpu.memory_space<vmem>>) semaphore(%arg13 : memref<!tpu.dma_semaphore, #tpu.memory_space<semaphore_mem>>)
        } else {
        }
        %dma_wait3A_497 = arith.constant 0 : i32
        %dma_wait3A_498 = arith.constant 0 : i32
        %dma_wait3A_499 = tpu.memref_slice %arg9[%scan3A, %dma_wait3A_497, %dma_wait3A_498] : memref<4x64x128xf32, #tpu.memory_space<vmem>> -> memref<1x64x128xf32, #tpu.memory_space<vmem>>
        %dma_wait3A_500 = tpu.memref_squeeze %dma_wait3A_499 : memref<1x64x128xf32, #tpu.memory_space<vmem>> -> memref<64x128xf32, #tpu.memory_space<vmem>>
        %dma_wait3A_501 = arith.constant 0 : i32
        %dma_wait3A_502 = tpu.memref_slice %arg7[%scan3A_411, %dma_wait3A_501] : memref<40x64xi32, #tpu.memory_space<vmem>> -> memref<1x64xi32, #tpu.memory_space<vmem>>
        %dma_wait3A_503 = tpu.memref_squeeze %dma_wait3A_502 : memref<1x64xi32, #tpu.memory_space<vmem>> -> memref<64xi32, #tpu.memory_space<vmem>>
        %dma_wait3A_504 = arith.constant 0 : i32
        %dma_wait3A_505 = arith.constant 0 : i32
        %dma_wait3A_506 = tpu.memref_slice %arg2[%dma_wait3A_504, %dma_wait3A_505] : memref<10240x128xf32, #tpu.memory_space<hbm>> -> memref<10240x128xf32, #tpu.memory_space<hbm>>
        tpu.wait_indirect_dma semaphore(%arg14 : memref<!tpu.dma_semaphore, #tpu.memory_space<semaphore_mem>>) src(%dma_wait3A_506 : memref<10240x128xf32, #tpu.memory_space<hbm>>) dst(%dma_wait3A_500 : memref<64x128xf32, #tpu.memory_space<vmem>>)
        %dma_start3A_507 = arith.constant 0 : i32
        %dma_start3A_508 = arith.constant 0 : i32
        %dma_start3A_509 = tpu.memref_slice %arg9[%scan3A, %dma_start3A_507, %dma_start3A_508] : memref<4x64x128xf32, #tpu.memory_space<vmem>> -> memref<1x64x128xf32, #tpu.memory_space<vmem>>
        %dma_start3A_510 = tpu.memref_squeeze %dma_start3A_509 : memref<1x64x128xf32, #tpu.memory_space<vmem>> -> memref<64x128xf32, #tpu.memory_space<vmem>>
        %dma_start3A_511 = arith.constant 0 : i32
        %dma_start3A_512 = tpu.memref_slice %arg8[%scan3A_411, %dma_start3A_511] : memref<40x64xi32, #tpu.memory_space<vmem>> -> memref<1x64xi32, #tpu.memory_space<vmem>>
        %dma_start3A_513 = tpu.memref_squeeze %dma_start3A_512 : memref<1x64xi32, #tpu.memory_space<vmem>> -> memref<64xi32, #tpu.memory_space<vmem>>
        %dma_start3A_514 = arith.constant 0 : i32
        %dma_start3A_515 = arith.constant 0 : i32
        %dma_start3A_516 = tpu.memref_slice %arg10[%dma_start3A_514, %dma_start3A_515] : memref<10240x128xf32, #tpu.memory_space<vmem_shared>> -> memref<10240x128xf32, #tpu.memory_space<vmem_shared>>
        tpu.enqueue_indirect_dma source(%dma_start3A_510 : memref<64x128xf32, #tpu.memory_space<vmem>>) target(%dma_start3A_516 : memref<10240x128xf32, #tpu.memory_space<vmem_shared>>) offsets(%dma_start3A_513 : memref<64xi32, #tpu.memory_space<vmem>>) semaphore(%arg18 : memref<!tpu.dma_semaphore, #tpu.memory_space<semaphore_mem>>) {add = true}
      } else {
      }
      %scan3A_488 = arith.constant 0 : i32
      scf.yield %scan3A_488 : i32
    }
    %scan3A_77 = arith.constant 40 : i32
    %dma_wait3A = arith.constant 0 : i32
    %dma_wait3A_78 = arith.constant 36 : i32
    %dma_wait3A_79 = arith.constant 0 : i32
    %dma_wait3A_80 = arith.constant 0 : i32
    %dma_wait3A_81 = tpu.memref_slice %arg9[%dma_wait3A, %dma_wait3A_79, %dma_wait3A_80] : memref<4x64x128xf32, #tpu.memory_space<vmem>> -> memref<1x64x128xf32, #tpu.memory_space<vmem>>
    %dma_wait3A_82 = tpu.memref_squeeze %dma_wait3A_81 : memref<1x64x128xf32, #tpu.memory_space<vmem>> -> memref<64x128xf32, #tpu.memory_space<vmem>>
    %dma_wait3A_83 = arith.constant 0 : i32
    %dma_wait3A_84 = tpu.memref_slice %arg8[%dma_wait3A_78, %dma_wait3A_83] : memref<40x64xi32, #tpu.memory_space<vmem>> -> memref<1x64xi32, #tpu.memory_space<vmem>>
    %dma_wait3A_85 = tpu.memref_squeeze %dma_wait3A_84 : memref<1x64xi32, #tpu.memory_space<vmem>> -> memref<64xi32, #tpu.memory_space<vmem>>
    %dma_wait3A_86 = arith.constant 0 : i32
    %dma_wait3A_87 = arith.constant 0 : i32
    %dma_wait3A_88 = tpu.memref_slice %arg10[%dma_wait3A_86, %dma_wait3A_87] : memref<10240x128xf32, #tpu.memory_space<vmem_shared>> -> memref<10240x128xf32, #tpu.memory_space<vmem_shared>>
    tpu.wait_indirect_dma semaphore(%arg15 : memref<!tpu.dma_semaphore, #tpu.memory_space<semaphore_mem>>) src(%dma_wait3A_82 : memref<64x128xf32, #tpu.memory_space<vmem>>) dst(%dma_wait3A_88 : memref<10240x128xf32, #tpu.memory_space<vmem_shared>>)
    %dma_wait3A_89 = arith.constant 1 : i32
    %dma_wait3A_90 = arith.constant 37 : i32
    %dma_wait3A_91 = arith.constant 0 : i32
    %dma_wait3A_92 = arith.constant 0 : i32
    %dma_wait3A_93 = tpu.memref_slice %arg9[%dma_wait3A_89, %dma_wait3A_91, %dma_wait3A_92] : memref<4x64x128xf32, #tpu.memory_space<vmem>> -> memref<1x64x128xf32, #tpu.memory_space<vmem>>
    %dma_wait3A_94 = tpu.memref_squeeze %dma_wait3A_93 : memref<1x64x128xf32, #tpu.memory_space<vmem>> -> memref<64x128xf32, #tpu.memory_space<vmem>>
    %dma_wait3A_95 = arith.constant 0 : i32
    %dma_wait3A_96 = tpu.memref_slice %arg8[%dma_wait3A_90, %dma_wait3A_95] : memref<40x64xi32, #tpu.memory_space<vmem>> -> memref<1x64xi32, #tpu.memory_space<vmem>>
    %dma_wait3A_97 = tpu.memref_squeeze %dma_wait3A_96 : memref<1x64xi32, #tpu.memory_space<vmem>> -> memref<64xi32, #tpu.memory_space<vmem>>
    %dma_wait3A_98 = arith.constant 0 : i32
    %dma_wait3A_99 = arith.constant 0 : i32
    %dma_wait3A_100 = tpu.memref_slice %arg10[%dma_wait3A_98, %dma_wait3A_99] : memref<10240x128xf32, #tpu.memory_space<vmem_shared>> -> memref<10240x128xf32, #tpu.memory_space<vmem_shared>>
    tpu.wait_indirect_dma semaphore(%arg16 : memref<!tpu.dma_semaphore, #tpu.memory_space<semaphore_mem>>) src(%dma_wait3A_94 : memref<64x128xf32, #tpu.memory_space<vmem>>) dst(%dma_wait3A_100 : memref<10240x128xf32, #tpu.memory_space<vmem_shared>>)
    %dma_wait3A_101 = arith.constant 2 : i32
    %dma_wait3A_102 = arith.constant 38 : i32
    %dma_wait3A_103 = arith.constant 0 : i32
    %dma_wait3A_104 = arith.constant 0 : i32
    %dma_wait3A_105 = tpu.memref_slice %arg9[%dma_wait3A_101, %dma_wait3A_103, %dma_wait3A_104] : memref<4x64x128xf32, #tpu.memory_space<vmem>> -> memref<1x64x128xf32, #tpu.memory_space<vmem>>
    %dma_wait3A_106 = tpu.memref_squeeze %dma_wait3A_105 : memref<1x64x128xf32, #tpu.memory_space<vmem>> -> memref<64x128xf32, #tpu.memory_space<vmem>>
    %dma_wait3A_107 = arith.constant 0 : i32
    %dma_wait3A_108 = tpu.memref_slice %arg8[%dma_wait3A_102, %dma_wait3A_107] : memref<40x64xi32, #tpu.memory_space<vmem>> -> memref<1x64xi32, #tpu.memory_space<vmem>>
    %dma_wait3A_109 = tpu.memref_squeeze %dma_wait3A_108 : memref<1x64xi32, #tpu.memory_space<vmem>> -> memref<64xi32, #tpu.memory_space<vmem>>
    %dma_wait3A_110 = arith.constant 0 : i32
    %dma_wait3A_111 = arith.constant 0 : i32
    %dma_wait3A_112 = tpu.memref_slice %arg10[%dma_wait3A_110, %dma_wait3A_111] : memref<10240x128xf32, #tpu.memory_space<vmem_shared>> -> memref<10240x128xf32, #tpu.memory_space<vmem_shared>>
    tpu.wait_indirect_dma semaphore(%arg17 : memref<!tpu.dma_semaphore, #tpu.memory_space<semaphore_mem>>) src(%dma_wait3A_106 : memref<64x128xf32, #tpu.memory_space<vmem>>) dst(%dma_wait3A_112 : memref<10240x128xf32, #tpu.memory_space<vmem_shared>>)
    %dma_wait3A_113 = arith.constant 3 : i32
    %dma_wait3A_114 = arith.constant 39 : i32
    %dma_wait3A_115 = arith.constant 0 : i32
    %dma_wait3A_116 = arith.constant 0 : i32
    %dma_wait3A_117 = tpu.memref_slice %arg9[%dma_wait3A_113, %dma_wait3A_115, %dma_wait3A_116] : memref<4x64x128xf32, #tpu.memory_space<vmem>> -> memref<1x64x128xf32, #tpu.memory_space<vmem>>
    %dma_wait3A_118 = tpu.memref_squeeze %dma_wait3A_117 : memref<1x64x128xf32, #tpu.memory_space<vmem>> -> memref<64x128xf32, #tpu.memory_space<vmem>>
    %dma_wait3A_119 = arith.constant 0 : i32
    %dma_wait3A_120 = tpu.memref_slice %arg8[%dma_wait3A_114, %dma_wait3A_119] : memref<40x64xi32, #tpu.memory_space<vmem>> -> memref<1x64xi32, #tpu.memory_space<vmem>>
    %dma_wait3A_121 = tpu.memref_squeeze %dma_wait3A_120 : memref<1x64xi32, #tpu.memory_space<vmem>> -> memref<64xi32, #tpu.memory_space<vmem>>
    %dma_wait3A_122 = arith.constant 0 : i32
    %dma_wait3A_123 = arith.constant 0 : i32
    %dma_wait3A_124 = tpu.memref_slice %arg10[%dma_wait3A_122, %dma_wait3A_123] : memref<10240x128xf32, #tpu.memory_space<vmem_shared>> -> memref<10240x128xf32, #tpu.memory_space<vmem_shared>>
    tpu.wait_indirect_dma semaphore(%arg18 : memref<!tpu.dma_semaphore, #tpu.memory_space<semaphore_mem>>) src(%dma_wait3A_118 : memref<64x128xf32, #tpu.memory_space<vmem>>) dst(%dma_wait3A_124 : memref<10240x128xf32, #tpu.memory_space<vmem_shared>>)
    "tpu.region"() ({
      %run_scoped3A_411 = tpu.sem_alloc : memref<!tpu.dma_semaphore, #tpu.memory_space<semaphore_mem>>
      %dma_start3A_412 = arith.constant 0 : i32
      %dma_start3A_413 = arith.constant 0 : i32
      %dma_start3A_414 = tpu.memref_slice %arg7[%dma_start3A_412, %dma_start3A_413] : memref<40x64xi32, #tpu.memory_space<vmem>> -> memref<40x64xi32, #tpu.memory_space<vmem>>
      %dma_start3A_415 = arith.constant 0 : i32
      %dma_start3A_416 = arith.constant 0 : i32
      %dma_start3A_417 = tpu.memref_slice %arg3[%add3A, %dma_start3A_415, %dma_start3A_416] : memref<32x158x64xi32, #tpu.memory_space<hbm>> -> memref<1x158x64xi32, #tpu.memory_space<hbm>>
      %dma_start3A_418 = tpu.memref_squeeze %dma_start3A_417 : memref<1x158x64xi32, #tpu.memory_space<hbm>> -> memref<158x64xi32, #tpu.memory_space<hbm>>
      %dma_start3A_419 = arith.constant 40 : i32
      %dma_start3A_420 = arith.constant 0 : i32
      %dma_start3A_421 = tpu.memref_slice %dma_start3A_418[%dma_start3A_419, %dma_start3A_420] : memref<158x64xi32, #tpu.memory_space<hbm>> -> memref<40x64xi32, #tpu.memory_space<hbm>>
      %dma_start3A_422 = arith.constant 0 : i32
      %dma_start3A_423 = arith.constant 0 : i32
      %dma_start3A_424 = tpu.memref_slice %arg7[%dma_start3A_422, %dma_start3A_423] : memref<40x64xi32, #tpu.memory_space<vmem>> -> memref<40x64xi32, #tpu.memory_space<vmem>>
      %dma_start3A_425 = arith.constant 0 : i32
      %dma_start3A_426 = arith.constant 0 : i32
      %dma_start3A_427 = tpu.memref_slice %arg3[%add3A, %dma_start3A_425, %dma_start3A_426] : memref<32x158x64xi32, #tpu.memory_space<hbm>> -> memref<1x158x64xi32, #tpu.memory_space<hbm>>
      %dma_start3A_428 = tpu.memref_squeeze %dma_start3A_427 : memref<1x158x64xi32, #tpu.memory_space<hbm>> -> memref<158x64xi32, #tpu.memory_space<hbm>>
      %dma_start3A_429 = arith.constant 40 : i32
      %dma_start3A_430 = arith.constant 0 : i32
      %dma_start3A_431 = tpu.memref_slice %dma_start3A_428[%dma_start3A_429, %dma_start3A_430] : memref<158x64xi32, #tpu.memory_space<hbm>> -> memref<40x64xi32, #tpu.memory_space<hbm>>
      tpu.enqueue_dma source(%dma_start3A_431 : memref<40x64xi32, #tpu.memory_space<hbm>>) target(%dma_start3A_424 : memref<40x64xi32, #tpu.memory_space<vmem>>) target_semaphore(%run_scoped3A_411 : memref<!tpu.dma_semaphore, #tpu.memory_space<semaphore_mem>>)
      %dma_wait3A_432 = arith.constant 0 : i32
      %dma_wait3A_433 = arith.constant 0 : i32
      %dma_wait3A_434 = tpu.memref_slice %arg7[%dma_wait3A_432, %dma_wait3A_433] : memref<40x64xi32, #tpu.memory_space<vmem>> -> memref<40x64xi32, #tpu.memory_space<vmem>>
      %dma_wait3A_435 = arith.constant 0 : i32
      %dma_wait3A_436 = arith.constant 0 : i32
      %dma_wait3A_437 = tpu.memref_slice %arg3[%add3A, %dma_wait3A_435, %dma_wait3A_436] : memref<32x158x64xi32, #tpu.memory_space<hbm>> -> memref<1x158x64xi32, #tpu.memory_space<hbm>>
      %dma_wait3A_438 = tpu.memref_squeeze %dma_wait3A_437 : memref<1x158x64xi32, #tpu.memory_space<hbm>> -> memref<158x64xi32, #tpu.memory_space<hbm>>
      %dma_wait3A_439 = arith.constant 40 : i32
      %dma_wait3A_440 = arith.constant 0 : i32
      %dma_wait3A_441 = tpu.memref_slice %dma_wait3A_438[%dma_wait3A_439, %dma_wait3A_440] : memref<158x64xi32, #tpu.memory_space<hbm>> -> memref<40x64xi32, #tpu.memory_space<hbm>>
      %dma_wait3A_442 = arith.constant 0 : i32
      %dma_wait3A_443 = arith.constant 0 : i32
      %dma_wait3A_444 = tpu.memref_slice %arg7[%dma_wait3A_442, %dma_wait3A_443] : memref<40x64xi32, #tpu.memory_space<vmem>> -> memref<40x64xi32, #tpu.memory_space<vmem>>
      %dma_wait3A_445 = arith.constant 0 : i32
      %dma_wait3A_446 = arith.constant 0 : i32
      %dma_wait3A_447 = tpu.memref_slice %arg3[%add3A, %dma_wait3A_445, %dma_wait3A_446] : memref<32x158x64xi32, #tpu.memory_space<hbm>> -> memref<1x158x64xi32, #tpu.memory_space<hbm>>
      %dma_wait3A_448 = tpu.memref_squeeze %dma_wait3A_447 : memref<1x158x64xi32, #tpu.memory_space<hbm>> -> memref<158x64xi32, #tpu.memory_space<hbm>>
      %dma_wait3A_449 = arith.constant 40 : i32
      %dma_wait3A_450 = arith.constant 0 : i32
      %dma_wait3A_451 = tpu.memref_slice %dma_wait3A_448[%dma_wait3A_449, %dma_wait3A_450] : memref<158x64xi32, #tpu.memory_space<hbm>> -> memref<40x64xi32, #tpu.memory_space<hbm>>
      tpu.wait_dma2 semaphore(%run_scoped3A_411 : memref<!tpu.dma_semaphore, #tpu.memory_space<semaphore_mem>>) src(%dma_wait3A_451 : memref<40x64xi32, #tpu.memory_space<hbm>>) dst(%dma_wait3A_444 : memref<40x64xi32, #tpu.memory_space<vmem>>)
      tpu.yield
    }) : () -> ()
    "tpu.region"() ({
      %run_scoped3A_411 = tpu.sem_alloc : memref<!tpu.dma_semaphore, #tpu.memory_space<semaphore_mem>>
      %dma_start3A_412 = arith.constant 0 : i32
      %dma_start3A_413 = arith.constant 0 : i32
      %dma_start3A_414 = tpu.memref_slice %arg8[%dma_start3A_412, %dma_start3A_413] : memref<40x64xi32, #tpu.memory_space<vmem>> -> memref<40x64xi32, #tpu.memory_space<vmem>>
      %dma_start3A_415 = arith.constant 0 : i32
      %dma_start3A_416 = arith.constant 0 : i32
      %dma_start3A_417 = tpu.memref_slice %arg4[%add3A, %dma_start3A_415, %dma_start3A_416] : memref<32x158x64xi32, #tpu.memory_space<hbm>> -> memref<1x158x64xi32, #tpu.memory_space<hbm>>
      %dma_start3A_418 = tpu.memref_squeeze %dma_start3A_417 : memref<1x158x64xi32, #tpu.memory_space<hbm>> -> memref<158x64xi32, #tpu.memory_space<hbm>>
      %dma_start3A_419 = arith.constant 40 : i32
      %dma_start3A_420 = arith.constant 0 : i32
      %dma_start3A_421 = tpu.memref_slice %dma_start3A_418[%dma_start3A_419, %dma_start3A_420] : memref<158x64xi32, #tpu.memory_space<hbm>> -> memref<40x64xi32, #tpu.memory_space<hbm>>
      %dma_start3A_422 = arith.constant 0 : i32
      %dma_start3A_423 = arith.constant 0 : i32
      %dma_start3A_424 = tpu.memref_slice %arg8[%dma_start3A_422, %dma_start3A_423] : memref<40x64xi32, #tpu.memory_space<vmem>> -> memref<40x64xi32, #tpu.memory_space<vmem>>
      %dma_start3A_425 = arith.constant 0 : i32
      %dma_start3A_426 = arith.constant 0 : i32
      %dma_start3A_427 = tpu.memref_slice %arg4[%add3A, %dma_start3A_425, %dma_start3A_426] : memref<32x158x64xi32, #tpu.memory_space<hbm>> -> memref<1x158x64xi32, #tpu.memory_space<hbm>>
      %dma_start3A_428 = tpu.memref_squeeze %dma_start3A_427 : memref<1x158x64xi32, #tpu.memory_space<hbm>> -> memref<158x64xi32, #tpu.memory_space<hbm>>
      %dma_start3A_429 = arith.constant 40 : i32
      %dma_start3A_430 = arith.constant 0 : i32
      %dma_start3A_431 = tpu.memref_slice %dma_start3A_428[%dma_start3A_429, %dma_start3A_430] : memref<158x64xi32, #tpu.memory_space<hbm>> -> memref<40x64xi32, #tpu.memory_space<hbm>>
      tpu.enqueue_dma source(%dma_start3A_431 : memref<40x64xi32, #tpu.memory_space<hbm>>) target(%dma_start3A_424 : memref<40x64xi32, #tpu.memory_space<vmem>>) target_semaphore(%run_scoped3A_411 : memref<!tpu.dma_semaphore, #tpu.memory_space<semaphore_mem>>)
      %dma_wait3A_432 = arith.constant 0 : i32
      %dma_wait3A_433 = arith.constant 0 : i32
      %dma_wait3A_434 = tpu.memref_slice %arg8[%dma_wait3A_432, %dma_wait3A_433] : memref<40x64xi32, #tpu.memory_space<vmem>> -> memref<40x64xi32, #tpu.memory_space<vmem>>
      %dma_wait3A_435 = arith.constant 0 : i32
      %dma_wait3A_436 = arith.constant 0 : i32
      %dma_wait3A_437 = tpu.memref_slice %arg4[%add3A, %dma_wait3A_435, %dma_wait3A_436] : memref<32x158x64xi32, #tpu.memory_space<hbm>> -> memref<1x158x64xi32, #tpu.memory_space<hbm>>
      %dma_wait3A_438 = tpu.memref_squeeze %dma_wait3A_437 : memref<1x158x64xi32, #tpu.memory_space<hbm>> -> memref<158x64xi32, #tpu.memory_space<hbm>>
      %dma_wait3A_439 = arith.constant 40 : i32
      %dma_wait3A_440 = arith.constant 0 : i32
      %dma_wait3A_441 = tpu.memref_slice %dma_wait3A_438[%dma_wait3A_439, %dma_wait3A_440] : memref<158x64xi32, #tpu.memory_space<hbm>> -> memref<40x64xi32, #tpu.memory_space<hbm>>
      %dma_wait3A_442 = arith.constant 0 : i32
      %dma_wait3A_443 = arith.constant 0 : i32
      %dma_wait3A_444 = tpu.memref_slice %arg8[%dma_wait3A_442, %dma_wait3A_443] : memref<40x64xi32, #tpu.memory_space<vmem>> -> memref<40x64xi32, #tpu.memory_space<vmem>>
      %dma_wait3A_445 = arith.constant 0 : i32
      %dma_wait3A_446 = arith.constant 0 : i32
      %dma_wait3A_447 = tpu.memref_slice %arg4[%add3A, %dma_wait3A_445, %dma_wait3A_446] : memref<32x158x64xi32, #tpu.memory_space<hbm>> -> memref<1x158x64xi32, #tpu.memory_space<hbm>>
      %dma_wait3A_448 = tpu.memref_squeeze %dma_wait3A_447 : memref<1x158x64xi32, #tpu.memory_space<hbm>> -> memref<158x64xi32, #tpu.memory_space<hbm>>
      %dma_wait3A_449 = arith.constant 40 : i32
      %dma_wait3A_450 = arith.constant 0 : i32
      %dma_wait3A_451 = tpu.memref_slice %dma_wait3A_448[%dma_wait3A_449, %dma_wait3A_450] : memref<158x64xi32, #tpu.memory_space<hbm>> -> memref<40x64xi32, #tpu.memory_space<hbm>>
      tpu.wait_dma2 semaphore(%run_scoped3A_411 : memref<!tpu.dma_semaphore, #tpu.memory_space<semaphore_mem>>) src(%dma_wait3A_451 : memref<40x64xi32, #tpu.memory_space<hbm>>) dst(%dma_wait3A_444 : memref<40x64xi32, #tpu.memory_space<vmem>>)
      tpu.yield
    }) : () -> ()
    %dma_start3A_125 = arith.constant 0 : i32
    %dma_start3A_126 = arith.constant 0 : i32
    %dma_start3A_127 = arith.constant 0 : i32
    %dma_start3A_128 = arith.constant 0 : i32
    %dma_start3A_129 = tpu.memref_slice %arg9[%dma_start3A_126, %dma_start3A_127, %dma_start3A_128] : memref<4x64x128xf32, #tpu.memory_space<vmem>> -> memref<1x64x128xf32, #tpu.memory_space<vmem>>
    %dma_start3A_130 = tpu.memref_squeeze %dma_start3A_129 : memref<1x64x128xf32, #tpu.memory_space<vmem>> -> memref<64x128xf32, #tpu.memory_space<vmem>>
    %dma_start3A_131 = arith.constant 0 : i32
    %dma_start3A_132 = tpu.memref_slice %arg7[%dma_start3A_125, %dma_start3A_131] : memref<40x64xi32, #tpu.memory_space<vmem>> -> memref<1x64xi32, #tpu.memory_space<vmem>>
    %dma_start3A_133 = tpu.memref_squeeze %dma_start3A_132 : memref<1x64xi32, #tpu.memory_space<vmem>> -> memref<64xi32, #tpu.memory_space<vmem>>
    %dma_start3A_134 = arith.constant 0 : i32
    %dma_start3A_135 = arith.constant 0 : i32
    %dma_start3A_136 = tpu.memref_slice %arg2[%dma_start3A_134, %dma_start3A_135] : memref<10240x128xf32, #tpu.memory_space<hbm>> -> memref<10240x128xf32, #tpu.memory_space<hbm>>
    tpu.enqueue_indirect_dma source(%dma_start3A_136 : memref<10240x128xf32, #tpu.memory_space<hbm>>) target(%dma_start3A_130 : memref<64x128xf32, #tpu.memory_space<vmem>>) offsets(%dma_start3A_133 : memref<64xi32, #tpu.memory_space<vmem>>) semaphore(%arg11 : memref<!tpu.dma_semaphore, #tpu.memory_space<semaphore_mem>>)
    %dma_start3A_137 = arith.constant 1 : i32
    %dma_start3A_138 = arith.constant 1 : i32
    %dma_start3A_139 = arith.constant 0 : i32
    %dma_start3A_140 = arith.constant 0 : i32
    %dma_start3A_141 = tpu.memref_slice %arg9[%dma_start3A_138, %dma_start3A_139, %dma_start3A_140] : memref<4x64x128xf32, #tpu.memory_space<vmem>> -> memref<1x64x128xf32, #tpu.memory_space<vmem>>
    %dma_start3A_142 = tpu.memref_squeeze %dma_start3A_141 : memref<1x64x128xf32, #tpu.memory_space<vmem>> -> memref<64x128xf32, #tpu.memory_space<vmem>>
    %dma_start3A_143 = arith.constant 0 : i32
    %dma_start3A_144 = tpu.memref_slice %arg7[%dma_start3A_137, %dma_start3A_143] : memref<40x64xi32, #tpu.memory_space<vmem>> -> memref<1x64xi32, #tpu.memory_space<vmem>>
    %dma_start3A_145 = tpu.memref_squeeze %dma_start3A_144 : memref<1x64xi32, #tpu.memory_space<vmem>> -> memref<64xi32, #tpu.memory_space<vmem>>
    %dma_start3A_146 = arith.constant 0 : i32
    %dma_start3A_147 = arith.constant 0 : i32
    %dma_start3A_148 = tpu.memref_slice %arg2[%dma_start3A_146, %dma_start3A_147] : memref<10240x128xf32, #tpu.memory_space<hbm>> -> memref<10240x128xf32, #tpu.memory_space<hbm>>
    tpu.enqueue_indirect_dma source(%dma_start3A_148 : memref<10240x128xf32, #tpu.memory_space<hbm>>) target(%dma_start3A_142 : memref<64x128xf32, #tpu.memory_space<vmem>>) offsets(%dma_start3A_145 : memref<64xi32, #tpu.memory_space<vmem>>) semaphore(%arg12 : memref<!tpu.dma_semaphore, #tpu.memory_space<semaphore_mem>>)
    %dma_start3A_149 = arith.constant 2 : i32
    %dma_start3A_150 = arith.constant 2 : i32
    %dma_start3A_151 = arith.constant 0 : i32
    %dma_start3A_152 = arith.constant 0 : i32
    %dma_start3A_153 = tpu.memref_slice %arg9[%dma_start3A_150, %dma_start3A_151, %dma_start3A_152] : memref<4x64x128xf32, #tpu.memory_space<vmem>> -> memref<1x64x128xf32, #tpu.memory_space<vmem>>
    %dma_start3A_154 = tpu.memref_squeeze %dma_start3A_153 : memref<1x64x128xf32, #tpu.memory_space<vmem>> -> memref<64x128xf32, #tpu.memory_space<vmem>>
    %dma_start3A_155 = arith.constant 0 : i32
    %dma_start3A_156 = tpu.memref_slice %arg7[%dma_start3A_149, %dma_start3A_155] : memref<40x64xi32, #tpu.memory_space<vmem>> -> memref<1x64xi32, #tpu.memory_space<vmem>>
    %dma_start3A_157 = tpu.memref_squeeze %dma_start3A_156 : memref<1x64xi32, #tpu.memory_space<vmem>> -> memref<64xi32, #tpu.memory_space<vmem>>
    %dma_start3A_158 = arith.constant 0 : i32
    %dma_start3A_159 = arith.constant 0 : i32
    %dma_start3A_160 = tpu.memref_slice %arg2[%dma_start3A_158, %dma_start3A_159] : memref<10240x128xf32, #tpu.memory_space<hbm>> -> memref<10240x128xf32, #tpu.memory_space<hbm>>
    tpu.enqueue_indirect_dma source(%dma_start3A_160 : memref<10240x128xf32, #tpu.memory_space<hbm>>) target(%dma_start3A_154 : memref<64x128xf32, #tpu.memory_space<vmem>>) offsets(%dma_start3A_157 : memref<64xi32, #tpu.memory_space<vmem>>) semaphore(%arg13 : memref<!tpu.dma_semaphore, #tpu.memory_space<semaphore_mem>>)
    %scan3A_161 = arith.constant 3 : i32
    %scan3A_162 = arith.constant 0 : i32
    %scan3A_163 = arith.constant 1 : i32
    %scan3A_164 = arith.constant 2 : i32
    %scan3A_165 = arith.constant 0 : i32
    %scan3A_166 = arith.constant 0 : i32
    %scan3A_167 = arith.constant 40 : i32
    %scan3A_168 = arith.addi %scan3A_166, %scan3A_167 : i32
    %scan3A_169 = arith.constant 1 : i32
    %scan3A_170 = scf.for %scan3A_411 = %scan3A_166 to %scan3A_168 step %scan3A_169 iter_args(%scan3A_412 = %scan3A_165) -> (i32)  : i32 {
      %jit3A = arith.constant 4 : i32
      %eq3A = arith.constant 0 : i32
      %eq3A_413 = arith.cmpi eq, %jit3A, %eq3A : i32
      %jit3A_414 = arith.constant 1 : i32
      %select_n3A = arith.select %eq3A_413, %jit3A_414, %jit3A : i32
      %rem3A = arith.remsi %scan3A_411, %select_n3A : i32
      %ne3A = arith.constant 0 : i32
      %ne3A_415 = arith.cmpi ne, %rem3A, %ne3A : i32
      %lt3A = arith.constant 0 : i32
      %lt3A_416 = arith.cmpi slt, %rem3A, %lt3A : i32
      %lt3A_417 = arith.constant 0 : i32
      %lt3A_418 = arith.cmpi slt, %select_n3A, %lt3A_417 : i32
      %ne3A_419 = arith.xori %lt3A_416, %lt3A_418 : i1
      %and3A = arith.andi %ne3A_419, %ne3A_415 : i1
      %add3A_420 = arith.addi %rem3A, %select_n3A : i32
      %select_n3A_421 = arith.select %and3A, %add3A_420, %rem3A : i32
      %eq3A_422 = arith.constant 0 : i32
      %eq3A_423 = arith.cmpi eq, %select_n3A_421, %eq3A_422 : i32
      %convert_element_type3A = arith.extui %eq3A_423 : i1 to i32
      %cond3A = arith.constant 0 : i32
      %cond3A_424 = arith.cmpi ne, %convert_element_type3A, %cond3A : i32
      scf.if %cond3A_424 {
        %add3A_489 = arith.constant 4 : i32
        %add3A_490 = arith.addi %scan3A_411, %add3A_489 : i32
        %sub3A = arith.constant 1 : i32
        %sub3A_491 = arith.subi %add3A_490, %sub3A : i32
        %lt3A_492 = arith.constant 40 : i32
        %lt3A_493 = arith.cmpi slt, %sub3A_491, %lt3A_492 : i32
        %convert_element_type3A_494 = arith.extui %lt3A_493 : i1 to i32
        %cond3A_495 = arith.constant 0 : i32
        %cond3A_496 = arith.cmpi ne, %convert_element_type3A_494, %cond3A_495 : i32
        scf.if %cond3A_496 {
          %ge3A = arith.constant 1 : i32
          %ge3A_517 = arith.cmpi sge, %scan3A_411, %ge3A : i32
          %convert_element_type3A_518 = arith.extui %ge3A_517 : i1 to i32
          %cond3A_519 = arith.constant 0 : i32
          %cond3A_520 = arith.cmpi ne, %convert_element_type3A_518, %cond3A_519 : i32
          scf.if %cond3A_520 {
            %sub3A_535 = arith.constant 1 : i32
            %sub3A_536 = arith.subi %scan3A_411, %sub3A_535 : i32
            %dma_wait3A_537 = arith.constant 0 : i32
            %dma_wait3A_538 = arith.constant 0 : i32
            %dma_wait3A_539 = tpu.memref_slice %arg9[%scan3A_161, %dma_wait3A_537, %dma_wait3A_538] : memref<4x64x128xf32, #tpu.memory_space<vmem>> -> memref<1x64x128xf32, #tpu.memory_space<vmem>>
            %dma_wait3A_540 = tpu.memref_squeeze %dma_wait3A_539 : memref<1x64x128xf32, #tpu.memory_space<vmem>> -> memref<64x128xf32, #tpu.memory_space<vmem>>
            %dma_wait3A_541 = arith.constant 0 : i32
            %dma_wait3A_542 = tpu.memref_slice %arg8[%sub3A_536, %dma_wait3A_541] : memref<40x64xi32, #tpu.memory_space<vmem>> -> memref<1x64xi32, #tpu.memory_space<vmem>>
            %dma_wait3A_543 = tpu.memref_squeeze %dma_wait3A_542 : memref<1x64xi32, #tpu.memory_space<vmem>> -> memref<64xi32, #tpu.memory_space<vmem>>
            %dma_wait3A_544 = arith.constant 0 : i32
            %dma_wait3A_545 = arith.constant 0 : i32
            %dma_wait3A_546 = tpu.memref_slice %arg10[%dma_wait3A_544, %dma_wait3A_545] : memref<10240x128xf32, #tpu.memory_space<vmem_shared>> -> memref<10240x128xf32, #tpu.memory_space<vmem_shared>>
            tpu.wait_indirect_dma semaphore(%arg18 : memref<!tpu.dma_semaphore, #tpu.memory_space<semaphore_mem>>) src(%dma_wait3A_540 : memref<64x128xf32, #tpu.memory_space<vmem>>) dst(%dma_wait3A_546 : memref<10240x128xf32, #tpu.memory_space<vmem_shared>>)
          } else {
          }
          %add3A_521 = arith.constant 4 : i32
          %add3A_522 = arith.addi %scan3A_411, %add3A_521 : i32
          %sub3A_523 = arith.constant 1 : i32
          %sub3A_524 = arith.subi %add3A_522, %sub3A_523 : i32
          %dma_start3A_525 = arith.constant 0 : i32
          %dma_start3A_526 = arith.constant 0 : i32
          %dma_start3A_527 = tpu.memref_slice %arg9[%scan3A_161, %dma_start3A_525, %dma_start3A_526] : memref<4x64x128xf32, #tpu.memory_space<vmem>> -> memref<1x64x128xf32, #tpu.memory_space<vmem>>
          %dma_start3A_528 = tpu.memref_squeeze %dma_start3A_527 : memref<1x64x128xf32, #tpu.memory_space<vmem>> -> memref<64x128xf32, #tpu.memory_space<vmem>>
          %dma_start3A_529 = arith.constant 0 : i32
          %dma_start3A_530 = tpu.memref_slice %arg7[%sub3A_524, %dma_start3A_529] : memref<40x64xi32, #tpu.memory_space<vmem>> -> memref<1x64xi32, #tpu.memory_space<vmem>>
          %dma_start3A_531 = tpu.memref_squeeze %dma_start3A_530 : memref<1x64xi32, #tpu.memory_space<vmem>> -> memref<64xi32, #tpu.memory_space<vmem>>
          %dma_start3A_532 = arith.constant 0 : i32
          %dma_start3A_533 = arith.constant 0 : i32
          %dma_start3A_534 = tpu.memref_slice %arg2[%dma_start3A_532, %dma_start3A_533] : memref<10240x128xf32, #tpu.memory_space<hbm>> -> memref<10240x128xf32, #tpu.memory_space<hbm>>
          tpu.enqueue_indirect_dma source(%dma_start3A_534 : memref<10240x128xf32, #tpu.memory_space<hbm>>) target(%dma_start3A_528 : memref<64x128xf32, #tpu.memory_space<vmem>>) offsets(%dma_start3A_531 : memref<64xi32, #tpu.memory_space<vmem>>) semaphore(%arg14 : memref<!tpu.dma_semaphore, #tpu.memory_space<semaphore_mem>>)
        } else {
        }
        %dma_wait3A_497 = arith.constant 0 : i32
        %dma_wait3A_498 = arith.constant 0 : i32
        %dma_wait3A_499 = tpu.memref_slice %arg9[%scan3A_162, %dma_wait3A_497, %dma_wait3A_498] : memref<4x64x128xf32, #tpu.memory_space<vmem>> -> memref<1x64x128xf32, #tpu.memory_space<vmem>>
        %dma_wait3A_500 = tpu.memref_squeeze %dma_wait3A_499 : memref<1x64x128xf32, #tpu.memory_space<vmem>> -> memref<64x128xf32, #tpu.memory_space<vmem>>
        %dma_wait3A_501 = arith.constant 0 : i32
        %dma_wait3A_502 = tpu.memref_slice %arg7[%scan3A_411, %dma_wait3A_501] : memref<40x64xi32, #tpu.memory_space<vmem>> -> memref<1x64xi32, #tpu.memory_space<vmem>>
        %dma_wait3A_503 = tpu.memref_squeeze %dma_wait3A_502 : memref<1x64xi32, #tpu.memory_space<vmem>> -> memref<64xi32, #tpu.memory_space<vmem>>
        %dma_wait3A_504 = arith.constant 0 : i32
        %dma_wait3A_505 = arith.constant 0 : i32
        %dma_wait3A_506 = tpu.memref_slice %arg2[%dma_wait3A_504, %dma_wait3A_505] : memref<10240x128xf32, #tpu.memory_space<hbm>> -> memref<10240x128xf32, #tpu.memory_space<hbm>>
        tpu.wait_indirect_dma semaphore(%arg11 : memref<!tpu.dma_semaphore, #tpu.memory_space<semaphore_mem>>) src(%dma_wait3A_506 : memref<10240x128xf32, #tpu.memory_space<hbm>>) dst(%dma_wait3A_500 : memref<64x128xf32, #tpu.memory_space<vmem>>)
        %dma_start3A_507 = arith.constant 0 : i32
        %dma_start3A_508 = arith.constant 0 : i32
        %dma_start3A_509 = tpu.memref_slice %arg9[%scan3A_162, %dma_start3A_507, %dma_start3A_508] : memref<4x64x128xf32, #tpu.memory_space<vmem>> -> memref<1x64x128xf32, #tpu.memory_space<vmem>>
        %dma_start3A_510 = tpu.memref_squeeze %dma_start3A_509 : memref<1x64x128xf32, #tpu.memory_space<vmem>> -> memref<64x128xf32, #tpu.memory_space<vmem>>
        %dma_start3A_511 = arith.constant 0 : i32
        %dma_start3A_512 = tpu.memref_slice %arg8[%scan3A_411, %dma_start3A_511] : memref<40x64xi32, #tpu.memory_space<vmem>> -> memref<1x64xi32, #tpu.memory_space<vmem>>
        %dma_start3A_513 = tpu.memref_squeeze %dma_start3A_512 : memref<1x64xi32, #tpu.memory_space<vmem>> -> memref<64xi32, #tpu.memory_space<vmem>>
        %dma_start3A_514 = arith.constant 0 : i32
        %dma_start3A_515 = arith.constant 0 : i32
        %dma_start3A_516 = tpu.memref_slice %arg10[%dma_start3A_514, %dma_start3A_515] : memref<10240x128xf32, #tpu.memory_space<vmem_shared>> -> memref<10240x128xf32, #tpu.memory_space<vmem_shared>>
        tpu.enqueue_indirect_dma source(%dma_start3A_510 : memref<64x128xf32, #tpu.memory_space<vmem>>) target(%dma_start3A_516 : memref<10240x128xf32, #tpu.memory_space<vmem_shared>>) offsets(%dma_start3A_513 : memref<64xi32, #tpu.memory_space<vmem>>) semaphore(%arg15 : memref<!tpu.dma_semaphore, #tpu.memory_space<semaphore_mem>>) {add = true}
      } else {
      }
      %jit3A_425 = arith.constant 4 : i32
      %eq3A_426 = arith.constant 0 : i32
      %eq3A_427 = arith.cmpi eq, %jit3A_425, %eq3A_426 : i32
      %jit3A_428 = arith.constant 1 : i32
      %select_n3A_429 = arith.select %eq3A_427, %jit3A_428, %jit3A_425 : i32
      %rem3A_430 = arith.remsi %scan3A_411, %select_n3A_429 : i32
      %ne3A_431 = arith.constant 0 : i32
      %ne3A_432 = arith.cmpi ne, %rem3A_430, %ne3A_431 : i32
      %lt3A_433 = arith.constant 0 : i32
      %lt3A_434 = arith.cmpi slt, %rem3A_430, %lt3A_433 : i32
      %lt3A_435 = arith.constant 0 : i32
      %lt3A_436 = arith.cmpi slt, %select_n3A_429, %lt3A_435 : i32
      %ne3A_437 = arith.xori %lt3A_434, %lt3A_436 : i1
      %and3A_438 = arith.andi %ne3A_437, %ne3A_432 : i1
      %add3A_439 = arith.addi %rem3A_430, %select_n3A_429 : i32
      %select_n3A_440 = arith.select %and3A_438, %add3A_439, %rem3A_430 : i32
      %eq3A_441 = arith.constant 1 : i32
      %eq3A_442 = arith.cmpi eq, %select_n3A_440, %eq3A_441 : i32
      %convert_element_type3A_443 = arith.extui %eq3A_442 : i1 to i32
      %cond3A_444 = arith.constant 0 : i32
      %cond3A_445 = arith.cmpi ne, %convert_element_type3A_443, %cond3A_444 : i32
      scf.if %cond3A_445 {
        %add3A_489 = arith.constant 4 : i32
        %add3A_490 = arith.addi %scan3A_411, %add3A_489 : i32
        %sub3A = arith.constant 1 : i32
        %sub3A_491 = arith.subi %add3A_490, %sub3A : i32
        %lt3A_492 = arith.constant 40 : i32
        %lt3A_493 = arith.cmpi slt, %sub3A_491, %lt3A_492 : i32
        %convert_element_type3A_494 = arith.extui %lt3A_493 : i1 to i32
        %cond3A_495 = arith.constant 0 : i32
        %cond3A_496 = arith.cmpi ne, %convert_element_type3A_494, %cond3A_495 : i32
        scf.if %cond3A_496 {
          %ge3A = arith.constant 1 : i32
          %ge3A_517 = arith.cmpi sge, %scan3A_411, %ge3A : i32
          %convert_element_type3A_518 = arith.extui %ge3A_517 : i1 to i32
          %cond3A_519 = arith.constant 0 : i32
          %cond3A_520 = arith.cmpi ne, %convert_element_type3A_518, %cond3A_519 : i32
          scf.if %cond3A_520 {
            %sub3A_535 = arith.constant 1 : i32
            %sub3A_536 = arith.subi %scan3A_411, %sub3A_535 : i32
            %dma_wait3A_537 = arith.constant 0 : i32
            %dma_wait3A_538 = arith.constant 0 : i32
            %dma_wait3A_539 = tpu.memref_slice %arg9[%scan3A_162, %dma_wait3A_537, %dma_wait3A_538] : memref<4x64x128xf32, #tpu.memory_space<vmem>> -> memref<1x64x128xf32, #tpu.memory_space<vmem>>
            %dma_wait3A_540 = tpu.memref_squeeze %dma_wait3A_539 : memref<1x64x128xf32, #tpu.memory_space<vmem>> -> memref<64x128xf32, #tpu.memory_space<vmem>>
            %dma_wait3A_541 = arith.constant 0 : i32
            %dma_wait3A_542 = tpu.memref_slice %arg8[%sub3A_536, %dma_wait3A_541] : memref<40x64xi32, #tpu.memory_space<vmem>> -> memref<1x64xi32, #tpu.memory_space<vmem>>
            %dma_wait3A_543 = tpu.memref_squeeze %dma_wait3A_542 : memref<1x64xi32, #tpu.memory_space<vmem>> -> memref<64xi32, #tpu.memory_space<vmem>>
            %dma_wait3A_544 = arith.constant 0 : i32
            %dma_wait3A_545 = arith.constant 0 : i32
            %dma_wait3A_546 = tpu.memref_slice %arg10[%dma_wait3A_544, %dma_wait3A_545] : memref<10240x128xf32, #tpu.memory_space<vmem_shared>> -> memref<10240x128xf32, #tpu.memory_space<vmem_shared>>
            tpu.wait_indirect_dma semaphore(%arg15 : memref<!tpu.dma_semaphore, #tpu.memory_space<semaphore_mem>>) src(%dma_wait3A_540 : memref<64x128xf32, #tpu.memory_space<vmem>>) dst(%dma_wait3A_546 : memref<10240x128xf32, #tpu.memory_space<vmem_shared>>)
          } else {
          }
          %add3A_521 = arith.constant 4 : i32
          %add3A_522 = arith.addi %scan3A_411, %add3A_521 : i32
          %sub3A_523 = arith.constant 1 : i32
          %sub3A_524 = arith.subi %add3A_522, %sub3A_523 : i32
          %dma_start3A_525 = arith.constant 0 : i32
          %dma_start3A_526 = arith.constant 0 : i32
          %dma_start3A_527 = tpu.memref_slice %arg9[%scan3A_162, %dma_start3A_525, %dma_start3A_526] : memref<4x64x128xf32, #tpu.memory_space<vmem>> -> memref<1x64x128xf32, #tpu.memory_space<vmem>>
          %dma_start3A_528 = tpu.memref_squeeze %dma_start3A_527 : memref<1x64x128xf32, #tpu.memory_space<vmem>> -> memref<64x128xf32, #tpu.memory_space<vmem>>
          %dma_start3A_529 = arith.constant 0 : i32
          %dma_start3A_530 = tpu.memref_slice %arg7[%sub3A_524, %dma_start3A_529] : memref<40x64xi32, #tpu.memory_space<vmem>> -> memref<1x64xi32, #tpu.memory_space<vmem>>
          %dma_start3A_531 = tpu.memref_squeeze %dma_start3A_530 : memref<1x64xi32, #tpu.memory_space<vmem>> -> memref<64xi32, #tpu.memory_space<vmem>>
          %dma_start3A_532 = arith.constant 0 : i32
          %dma_start3A_533 = arith.constant 0 : i32
          %dma_start3A_534 = tpu.memref_slice %arg2[%dma_start3A_532, %dma_start3A_533] : memref<10240x128xf32, #tpu.memory_space<hbm>> -> memref<10240x128xf32, #tpu.memory_space<hbm>>
          tpu.enqueue_indirect_dma source(%dma_start3A_534 : memref<10240x128xf32, #tpu.memory_space<hbm>>) target(%dma_start3A_528 : memref<64x128xf32, #tpu.memory_space<vmem>>) offsets(%dma_start3A_531 : memref<64xi32, #tpu.memory_space<vmem>>) semaphore(%arg11 : memref<!tpu.dma_semaphore, #tpu.memory_space<semaphore_mem>>)
        } else {
        }
        %dma_wait3A_497 = arith.constant 0 : i32
        %dma_wait3A_498 = arith.constant 0 : i32
        %dma_wait3A_499 = tpu.memref_slice %arg9[%scan3A_163, %dma_wait3A_497, %dma_wait3A_498] : memref<4x64x128xf32, #tpu.memory_space<vmem>> -> memref<1x64x128xf32, #tpu.memory_space<vmem>>
        %dma_wait3A_500 = tpu.memref_squeeze %dma_wait3A_499 : memref<1x64x128xf32, #tpu.memory_space<vmem>> -> memref<64x128xf32, #tpu.memory_space<vmem>>
        %dma_wait3A_501 = arith.constant 0 : i32
        %dma_wait3A_502 = tpu.memref_slice %arg7[%scan3A_411, %dma_wait3A_501] : memref<40x64xi32, #tpu.memory_space<vmem>> -> memref<1x64xi32, #tpu.memory_space<vmem>>
        %dma_wait3A_503 = tpu.memref_squeeze %dma_wait3A_502 : memref<1x64xi32, #tpu.memory_space<vmem>> -> memref<64xi32, #tpu.memory_space<vmem>>
        %dma_wait3A_504 = arith.constant 0 : i32
        %dma_wait3A_505 = arith.constant 0 : i32
        %dma_wait3A_506 = tpu.memref_slice %arg2[%dma_wait3A_504, %dma_wait3A_505] : memref<10240x128xf32, #tpu.memory_space<hbm>> -> memref<10240x128xf32, #tpu.memory_space<hbm>>
        tpu.wait_indirect_dma semaphore(%arg12 : memref<!tpu.dma_semaphore, #tpu.memory_space<semaphore_mem>>) src(%dma_wait3A_506 : memref<10240x128xf32, #tpu.memory_space<hbm>>) dst(%dma_wait3A_500 : memref<64x128xf32, #tpu.memory_space<vmem>>)
        %dma_start3A_507 = arith.constant 0 : i32
        %dma_start3A_508 = arith.constant 0 : i32
        %dma_start3A_509 = tpu.memref_slice %arg9[%scan3A_163, %dma_start3A_507, %dma_start3A_508] : memref<4x64x128xf32, #tpu.memory_space<vmem>> -> memref<1x64x128xf32, #tpu.memory_space<vmem>>
        %dma_start3A_510 = tpu.memref_squeeze %dma_start3A_509 : memref<1x64x128xf32, #tpu.memory_space<vmem>> -> memref<64x128xf32, #tpu.memory_space<vmem>>
        %dma_start3A_511 = arith.constant 0 : i32
        %dma_start3A_512 = tpu.memref_slice %arg8[%scan3A_411, %dma_start3A_511] : memref<40x64xi32, #tpu.memory_space<vmem>> -> memref<1x64xi32, #tpu.memory_space<vmem>>
        %dma_start3A_513 = tpu.memref_squeeze %dma_start3A_512 : memref<1x64xi32, #tpu.memory_space<vmem>> -> memref<64xi32, #tpu.memory_space<vmem>>
        %dma_start3A_514 = arith.constant 0 : i32
        %dma_start3A_515 = arith.constant 0 : i32
        %dma_start3A_516 = tpu.memref_slice %arg10[%dma_start3A_514, %dma_start3A_515] : memref<10240x128xf32, #tpu.memory_space<vmem_shared>> -> memref<10240x128xf32, #tpu.memory_space<vmem_shared>>
        tpu.enqueue_indirect_dma source(%dma_start3A_510 : memref<64x128xf32, #tpu.memory_space<vmem>>) target(%dma_start3A_516 : memref<10240x128xf32, #tpu.memory_space<vmem_shared>>) offsets(%dma_start3A_513 : memref<64xi32, #tpu.memory_space<vmem>>) semaphore(%arg16 : memref<!tpu.dma_semaphore, #tpu.memory_space<semaphore_mem>>) {add = true}
      } else {
      }
      %jit3A_446 = arith.constant 4 : i32
      %eq3A_447 = arith.constant 0 : i32
      %eq3A_448 = arith.cmpi eq, %jit3A_446, %eq3A_447 : i32
      %jit3A_449 = arith.constant 1 : i32
      %select_n3A_450 = arith.select %eq3A_448, %jit3A_449, %jit3A_446 : i32
      %rem3A_451 = arith.remsi %scan3A_411, %select_n3A_450 : i32
      %ne3A_452 = arith.constant 0 : i32
      %ne3A_453 = arith.cmpi ne, %rem3A_451, %ne3A_452 : i32
      %lt3A_454 = arith.constant 0 : i32
      %lt3A_455 = arith.cmpi slt, %rem3A_451, %lt3A_454 : i32
      %lt3A_456 = arith.constant 0 : i32
      %lt3A_457 = arith.cmpi slt, %select_n3A_450, %lt3A_456 : i32
      %ne3A_458 = arith.xori %lt3A_455, %lt3A_457 : i1
      %and3A_459 = arith.andi %ne3A_458, %ne3A_453 : i1
      %add3A_460 = arith.addi %rem3A_451, %select_n3A_450 : i32
      %select_n3A_461 = arith.select %and3A_459, %add3A_460, %rem3A_451 : i32
      %eq3A_462 = arith.constant 2 : i32
      %eq3A_463 = arith.cmpi eq, %select_n3A_461, %eq3A_462 : i32
      %convert_element_type3A_464 = arith.extui %eq3A_463 : i1 to i32
      %cond3A_465 = arith.constant 0 : i32
      %cond3A_466 = arith.cmpi ne, %convert_element_type3A_464, %cond3A_465 : i32
      scf.if %cond3A_466 {
        %add3A_489 = arith.constant 4 : i32
        %add3A_490 = arith.addi %scan3A_411, %add3A_489 : i32
        %sub3A = arith.constant 1 : i32
        %sub3A_491 = arith.subi %add3A_490, %sub3A : i32
        %lt3A_492 = arith.constant 40 : i32
        %lt3A_493 = arith.cmpi slt, %sub3A_491, %lt3A_492 : i32
        %convert_element_type3A_494 = arith.extui %lt3A_493 : i1 to i32
        %cond3A_495 = arith.constant 0 : i32
        %cond3A_496 = arith.cmpi ne, %convert_element_type3A_494, %cond3A_495 : i32
        scf.if %cond3A_496 {
          %ge3A = arith.constant 1 : i32
          %ge3A_517 = arith.cmpi sge, %scan3A_411, %ge3A : i32
          %convert_element_type3A_518 = arith.extui %ge3A_517 : i1 to i32
          %cond3A_519 = arith.constant 0 : i32
          %cond3A_520 = arith.cmpi ne, %convert_element_type3A_518, %cond3A_519 : i32
          scf.if %cond3A_520 {
            %sub3A_535 = arith.constant 1 : i32
            %sub3A_536 = arith.subi %scan3A_411, %sub3A_535 : i32
            %dma_wait3A_537 = arith.constant 0 : i32
            %dma_wait3A_538 = arith.constant 0 : i32
            %dma_wait3A_539 = tpu.memref_slice %arg9[%scan3A_163, %dma_wait3A_537, %dma_wait3A_538] : memref<4x64x128xf32, #tpu.memory_space<vmem>> -> memref<1x64x128xf32, #tpu.memory_space<vmem>>
            %dma_wait3A_540 = tpu.memref_squeeze %dma_wait3A_539 : memref<1x64x128xf32, #tpu.memory_space<vmem>> -> memref<64x128xf32, #tpu.memory_space<vmem>>
            %dma_wait3A_541 = arith.constant 0 : i32
            %dma_wait3A_542 = tpu.memref_slice %arg8[%sub3A_536, %dma_wait3A_541] : memref<40x64xi32, #tpu.memory_space<vmem>> -> memref<1x64xi32, #tpu.memory_space<vmem>>
            %dma_wait3A_543 = tpu.memref_squeeze %dma_wait3A_542 : memref<1x64xi32, #tpu.memory_space<vmem>> -> memref<64xi32, #tpu.memory_space<vmem>>
            %dma_wait3A_544 = arith.constant 0 : i32
            %dma_wait3A_545 = arith.constant 0 : i32
            %dma_wait3A_546 = tpu.memref_slice %arg10[%dma_wait3A_544, %dma_wait3A_545] : memref<10240x128xf32, #tpu.memory_space<vmem_shared>> -> memref<10240x128xf32, #tpu.memory_space<vmem_shared>>
            tpu.wait_indirect_dma semaphore(%arg16 : memref<!tpu.dma_semaphore, #tpu.memory_space<semaphore_mem>>) src(%dma_wait3A_540 : memref<64x128xf32, #tpu.memory_space<vmem>>) dst(%dma_wait3A_546 : memref<10240x128xf32, #tpu.memory_space<vmem_shared>>)
          } else {
          }
          %add3A_521 = arith.constant 4 : i32
          %add3A_522 = arith.addi %scan3A_411, %add3A_521 : i32
          %sub3A_523 = arith.constant 1 : i32
          %sub3A_524 = arith.subi %add3A_522, %sub3A_523 : i32
          %dma_start3A_525 = arith.constant 0 : i32
          %dma_start3A_526 = arith.constant 0 : i32
          %dma_start3A_527 = tpu.memref_slice %arg9[%scan3A_163, %dma_start3A_525, %dma_start3A_526] : memref<4x64x128xf32, #tpu.memory_space<vmem>> -> memref<1x64x128xf32, #tpu.memory_space<vmem>>
          %dma_start3A_528 = tpu.memref_squeeze %dma_start3A_527 : memref<1x64x128xf32, #tpu.memory_space<vmem>> -> memref<64x128xf32, #tpu.memory_space<vmem>>
          %dma_start3A_529 = arith.constant 0 : i32
          %dma_start3A_530 = tpu.memref_slice %arg7[%sub3A_524, %dma_start3A_529] : memref<40x64xi32, #tpu.memory_space<vmem>> -> memref<1x64xi32, #tpu.memory_space<vmem>>
          %dma_start3A_531 = tpu.memref_squeeze %dma_start3A_530 : memref<1x64xi32, #tpu.memory_space<vmem>> -> memref<64xi32, #tpu.memory_space<vmem>>
          %dma_start3A_532 = arith.constant 0 : i32
          %dma_start3A_533 = arith.constant 0 : i32
          %dma_start3A_534 = tpu.memref_slice %arg2[%dma_start3A_532, %dma_start3A_533] : memref<10240x128xf32, #tpu.memory_space<hbm>> -> memref<10240x128xf32, #tpu.memory_space<hbm>>
          tpu.enqueue_indirect_dma source(%dma_start3A_534 : memref<10240x128xf32, #tpu.memory_space<hbm>>) target(%dma_start3A_528 : memref<64x128xf32, #tpu.memory_space<vmem>>) offsets(%dma_start3A_531 : memref<64xi32, #tpu.memory_space<vmem>>) semaphore(%arg12 : memref<!tpu.dma_semaphore, #tpu.memory_space<semaphore_mem>>)
        } else {
        }
        %dma_wait3A_497 = arith.constant 0 : i32
        %dma_wait3A_498 = arith.constant 0 : i32
        %dma_wait3A_499 = tpu.memref_slice %arg9[%scan3A_164, %dma_wait3A_497, %dma_wait3A_498] : memref<4x64x128xf32, #tpu.memory_space<vmem>> -> memref<1x64x128xf32, #tpu.memory_space<vmem>>
        %dma_wait3A_500 = tpu.memref_squeeze %dma_wait3A_499 : memref<1x64x128xf32, #tpu.memory_space<vmem>> -> memref<64x128xf32, #tpu.memory_space<vmem>>
        %dma_wait3A_501 = arith.constant 0 : i32
        %dma_wait3A_502 = tpu.memref_slice %arg7[%scan3A_411, %dma_wait3A_501] : memref<40x64xi32, #tpu.memory_space<vmem>> -> memref<1x64xi32, #tpu.memory_space<vmem>>
        %dma_wait3A_503 = tpu.memref_squeeze %dma_wait3A_502 : memref<1x64xi32, #tpu.memory_space<vmem>> -> memref<64xi32, #tpu.memory_space<vmem>>
        %dma_wait3A_504 = arith.constant 0 : i32
        %dma_wait3A_505 = arith.constant 0 : i32
        %dma_wait3A_506 = tpu.memref_slice %arg2[%dma_wait3A_504, %dma_wait3A_505] : memref<10240x128xf32, #tpu.memory_space<hbm>> -> memref<10240x128xf32, #tpu.memory_space<hbm>>
        tpu.wait_indirect_dma semaphore(%arg13 : memref<!tpu.dma_semaphore, #tpu.memory_space<semaphore_mem>>) src(%dma_wait3A_506 : memref<10240x128xf32, #tpu.memory_space<hbm>>) dst(%dma_wait3A_500 : memref<64x128xf32, #tpu.memory_space<vmem>>)
        %dma_start3A_507 = arith.constant 0 : i32
        %dma_start3A_508 = arith.constant 0 : i32
        %dma_start3A_509 = tpu.memref_slice %arg9[%scan3A_164, %dma_start3A_507, %dma_start3A_508] : memref<4x64x128xf32, #tpu.memory_space<vmem>> -> memref<1x64x128xf32, #tpu.memory_space<vmem>>
        %dma_start3A_510 = tpu.memref_squeeze %dma_start3A_509 : memref<1x64x128xf32, #tpu.memory_space<vmem>> -> memref<64x128xf32, #tpu.memory_space<vmem>>
        %dma_start3A_511 = arith.constant 0 : i32
        %dma_start3A_512 = tpu.memref_slice %arg8[%scan3A_411, %dma_start3A_511] : memref<40x64xi32, #tpu.memory_space<vmem>> -> memref<1x64xi32, #tpu.memory_space<vmem>>
        %dma_start3A_513 = tpu.memref_squeeze %dma_start3A_512 : memref<1x64xi32, #tpu.memory_space<vmem>> -> memref<64xi32, #tpu.memory_space<vmem>>
        %dma_start3A_514 = arith.constant 0 : i32
        %dma_start3A_515 = arith.constant 0 : i32
        %dma_start3A_516 = tpu.memref_slice %arg10[%dma_start3A_514, %dma_start3A_515] : memref<10240x128xf32, #tpu.memory_space<vmem_shared>> -> memref<10240x128xf32, #tpu.memory_space<vmem_shared>>
        tpu.enqueue_indirect_dma source(%dma_start3A_510 : memref<64x128xf32, #tpu.memory_space<vmem>>) target(%dma_start3A_516 : memref<10240x128xf32, #tpu.memory_space<vmem_shared>>) offsets(%dma_start3A_513 : memref<64xi32, #tpu.memory_space<vmem>>) semaphore(%arg17 : memref<!tpu.dma_semaphore, #tpu.memory_space<semaphore_mem>>) {add = true}
      } else {
      }
      %jit3A_467 = arith.constant 4 : i32
      %eq3A_468 = arith.constant 0 : i32
      %eq3A_469 = arith.cmpi eq, %jit3A_467, %eq3A_468 : i32
      %jit3A_470 = arith.constant 1 : i32
      %select_n3A_471 = arith.select %eq3A_469, %jit3A_470, %jit3A_467 : i32
      %rem3A_472 = arith.remsi %scan3A_411, %select_n3A_471 : i32
      %ne3A_473 = arith.constant 0 : i32
      %ne3A_474 = arith.cmpi ne, %rem3A_472, %ne3A_473 : i32
      %lt3A_475 = arith.constant 0 : i32
      %lt3A_476 = arith.cmpi slt, %rem3A_472, %lt3A_475 : i32
      %lt3A_477 = arith.constant 0 : i32
      %lt3A_478 = arith.cmpi slt, %select_n3A_471, %lt3A_477 : i32
      %ne3A_479 = arith.xori %lt3A_476, %lt3A_478 : i1
      %and3A_480 = arith.andi %ne3A_479, %ne3A_474 : i1
      %add3A_481 = arith.addi %rem3A_472, %select_n3A_471 : i32
      %select_n3A_482 = arith.select %and3A_480, %add3A_481, %rem3A_472 : i32
      %eq3A_483 = arith.constant 3 : i32
      %eq3A_484 = arith.cmpi eq, %select_n3A_482, %eq3A_483 : i32
      %convert_element_type3A_485 = arith.extui %eq3A_484 : i1 to i32
      %cond3A_486 = arith.constant 0 : i32
      %cond3A_487 = arith.cmpi ne, %convert_element_type3A_485, %cond3A_486 : i32
      scf.if %cond3A_487 {
        %add3A_489 = arith.constant 4 : i32
        %add3A_490 = arith.addi %scan3A_411, %add3A_489 : i32
        %sub3A = arith.constant 1 : i32
        %sub3A_491 = arith.subi %add3A_490, %sub3A : i32
        %lt3A_492 = arith.constant 40 : i32
        %lt3A_493 = arith.cmpi slt, %sub3A_491, %lt3A_492 : i32
        %convert_element_type3A_494 = arith.extui %lt3A_493 : i1 to i32
        %cond3A_495 = arith.constant 0 : i32
        %cond3A_496 = arith.cmpi ne, %convert_element_type3A_494, %cond3A_495 : i32
        scf.if %cond3A_496 {
          %ge3A = arith.constant 1 : i32
          %ge3A_517 = arith.cmpi sge, %scan3A_411, %ge3A : i32
          %convert_element_type3A_518 = arith.extui %ge3A_517 : i1 to i32
          %cond3A_519 = arith.constant 0 : i32
          %cond3A_520 = arith.cmpi ne, %convert_element_type3A_518, %cond3A_519 : i32
          scf.if %cond3A_520 {
            %sub3A_535 = arith.constant 1 : i32
            %sub3A_536 = arith.subi %scan3A_411, %sub3A_535 : i32
            %dma_wait3A_537 = arith.constant 0 : i32
            %dma_wait3A_538 = arith.constant 0 : i32
            %dma_wait3A_539 = tpu.memref_slice %arg9[%scan3A_164, %dma_wait3A_537, %dma_wait3A_538] : memref<4x64x128xf32, #tpu.memory_space<vmem>> -> memref<1x64x128xf32, #tpu.memory_space<vmem>>
            %dma_wait3A_540 = tpu.memref_squeeze %dma_wait3A_539 : memref<1x64x128xf32, #tpu.memory_space<vmem>> -> memref<64x128xf32, #tpu.memory_space<vmem>>
            %dma_wait3A_541 = arith.constant 0 : i32
            %dma_wait3A_542 = tpu.memref_slice %arg8[%sub3A_536, %dma_wait3A_541] : memref<40x64xi32, #tpu.memory_space<vmem>> -> memref<1x64xi32, #tpu.memory_space<vmem>>
            %dma_wait3A_543 = tpu.memref_squeeze %dma_wait3A_542 : memref<1x64xi32, #tpu.memory_space<vmem>> -> memref<64xi32, #tpu.memory_space<vmem>>
            %dma_wait3A_544 = arith.constant 0 : i32
            %dma_wait3A_545 = arith.constant 0 : i32
            %dma_wait3A_546 = tpu.memref_slice %arg10[%dma_wait3A_544, %dma_wait3A_545] : memref<10240x128xf32, #tpu.memory_space<vmem_shared>> -> memref<10240x128xf32, #tpu.memory_space<vmem_shared>>
            tpu.wait_indirect_dma semaphore(%arg17 : memref<!tpu.dma_semaphore, #tpu.memory_space<semaphore_mem>>) src(%dma_wait3A_540 : memref<64x128xf32, #tpu.memory_space<vmem>>) dst(%dma_wait3A_546 : memref<10240x128xf32, #tpu.memory_space<vmem_shared>>)
          } else {
          }
          %add3A_521 = arith.constant 4 : i32
          %add3A_522 = arith.addi %scan3A_411, %add3A_521 : i32
          %sub3A_523 = arith.constant 1 : i32
          %sub3A_524 = arith.subi %add3A_522, %sub3A_523 : i32
          %dma_start3A_525 = arith.constant 0 : i32
          %dma_start3A_526 = arith.constant 0 : i32
          %dma_start3A_527 = tpu.memref_slice %arg9[%scan3A_164, %dma_start3A_525, %dma_start3A_526] : memref<4x64x128xf32, #tpu.memory_space<vmem>> -> memref<1x64x128xf32, #tpu.memory_space<vmem>>
          %dma_start3A_528 = tpu.memref_squeeze %dma_start3A_527 : memref<1x64x128xf32, #tpu.memory_space<vmem>> -> memref<64x128xf32, #tpu.memory_space<vmem>>
          %dma_start3A_529 = arith.constant 0 : i32
          %dma_start3A_530 = tpu.memref_slice %arg7[%sub3A_524, %dma_start3A_529] : memref<40x64xi32, #tpu.memory_space<vmem>> -> memref<1x64xi32, #tpu.memory_space<vmem>>
          %dma_start3A_531 = tpu.memref_squeeze %dma_start3A_530 : memref<1x64xi32, #tpu.memory_space<vmem>> -> memref<64xi32, #tpu.memory_space<vmem>>
          %dma_start3A_532 = arith.constant 0 : i32
          %dma_start3A_533 = arith.constant 0 : i32
          %dma_start3A_534 = tpu.memref_slice %arg2[%dma_start3A_532, %dma_start3A_533] : memref<10240x128xf32, #tpu.memory_space<hbm>> -> memref<10240x128xf32, #tpu.memory_space<hbm>>
          tpu.enqueue_indirect_dma source(%dma_start3A_534 : memref<10240x128xf32, #tpu.memory_space<hbm>>) target(%dma_start3A_528 : memref<64x128xf32, #tpu.memory_space<vmem>>) offsets(%dma_start3A_531 : memref<64xi32, #tpu.memory_space<vmem>>) semaphore(%arg13 : memref<!tpu.dma_semaphore, #tpu.memory_space<semaphore_mem>>)
        } else {
        }
        %dma_wait3A_497 = arith.constant 0 : i32
        %dma_wait3A_498 = arith.constant 0 : i32
        %dma_wait3A_499 = tpu.memref_slice %arg9[%scan3A_161, %dma_wait3A_497, %dma_wait3A_498] : memref<4x64x128xf32, #tpu.memory_space<vmem>> -> memref<1x64x128xf32, #tpu.memory_space<vmem>>
        %dma_wait3A_500 = tpu.memref_squeeze %dma_wait3A_499 : memref<1x64x128xf32, #tpu.memory_space<vmem>> -> memref<64x128xf32, #tpu.memory_space<vmem>>
        %dma_wait3A_501 = arith.constant 0 : i32
        %dma_wait3A_502 = tpu.memref_slice %arg7[%scan3A_411, %dma_wait3A_501] : memref<40x64xi32, #tpu.memory_space<vmem>> -> memref<1x64xi32, #tpu.memory_space<vmem>>
        %dma_wait3A_503 = tpu.memref_squeeze %dma_wait3A_502 : memref<1x64xi32, #tpu.memory_space<vmem>> -> memref<64xi32, #tpu.memory_space<vmem>>
        %dma_wait3A_504 = arith.constant 0 : i32
        %dma_wait3A_505 = arith.constant 0 : i32
        %dma_wait3A_506 = tpu.memref_slice %arg2[%dma_wait3A_504, %dma_wait3A_505] : memref<10240x128xf32, #tpu.memory_space<hbm>> -> memref<10240x128xf32, #tpu.memory_space<hbm>>
        tpu.wait_indirect_dma semaphore(%arg14 : memref<!tpu.dma_semaphore, #tpu.memory_space<semaphore_mem>>) src(%dma_wait3A_506 : memref<10240x128xf32, #tpu.memory_space<hbm>>) dst(%dma_wait3A_500 : memref<64x128xf32, #tpu.memory_space<vmem>>)
        %dma_start3A_507 = arith.constant 0 : i32
        %dma_start3A_508 = arith.constant 0 : i32
        %dma_start3A_509 = tpu.memref_slice %arg9[%scan3A_161, %dma_start3A_507, %dma_start3A_508] : memref<4x64x128xf32, #tpu.memory_space<vmem>> -> memref<1x64x128xf32, #tpu.memory_space<vmem>>
        %dma_start3A_510 = tpu.memref_squeeze %dma_start3A_509 : memref<1x64x128xf32, #tpu.memory_space<vmem>> -> memref<64x128xf32, #tpu.memory_space<vmem>>
        %dma_start3A_511 = arith.constant 0 : i32
        %dma_start3A_512 = tpu.memref_slice %arg8[%scan3A_411, %dma_start3A_511] : memref<40x64xi32, #tpu.memory_space<vmem>> -> memref<1x64xi32, #tpu.memory_space<vmem>>
        %dma_start3A_513 = tpu.memref_squeeze %dma_start3A_512 : memref<1x64xi32, #tpu.memory_space<vmem>> -> memref<64xi32, #tpu.memory_space<vmem>>
        %dma_start3A_514 = arith.constant 0 : i32
        %dma_start3A_515 = arith.constant 0 : i32
        %dma_start3A_516 = tpu.memref_slice %arg10[%dma_start3A_514, %dma_start3A_515] : memref<10240x128xf32, #tpu.memory_space<vmem_shared>> -> memref<10240x128xf32, #tpu.memory_space<vmem_shared>>
        tpu.enqueue_indirect_dma source(%dma_start3A_510 : memref<64x128xf32, #tpu.memory_space<vmem>>) target(%dma_start3A_516 : memref<10240x128xf32, #tpu.memory_space<vmem_shared>>) offsets(%dma_start3A_513 : memref<64xi32, #tpu.memory_space<vmem>>) semaphore(%arg18 : memref<!tpu.dma_semaphore, #tpu.memory_space<semaphore_mem>>) {add = true}
      } else {
      }
      %scan3A_488 = arith.constant 0 : i32
      scf.yield %scan3A_488 : i32
    }
    %scan3A_171 = arith.constant 40 : i32
    %dma_wait3A_172 = arith.constant 0 : i32
    %dma_wait3A_173 = arith.constant 36 : i32
    %dma_wait3A_174 = arith.constant 0 : i32
    %dma_wait3A_175 = arith.constant 0 : i32
    %dma_wait3A_176 = tpu.memref_slice %arg9[%dma_wait3A_172, %dma_wait3A_174, %dma_wait3A_175] : memref<4x64x128xf32, #tpu.memory_space<vmem>> -> memref<1x64x128xf32, #tpu.memory_space<vmem>>
    %dma_wait3A_177 = tpu.memref_squeeze %dma_wait3A_176 : memref<1x64x128xf32, #tpu.memory_space<vmem>> -> memref<64x128xf32, #tpu.memory_space<vmem>>
    %dma_wait3A_178 = arith.constant 0 : i32
    %dma_wait3A_179 = tpu.memref_slice %arg8[%dma_wait3A_173, %dma_wait3A_178] : memref<40x64xi32, #tpu.memory_space<vmem>> -> memref<1x64xi32, #tpu.memory_space<vmem>>
    %dma_wait3A_180 = tpu.memref_squeeze %dma_wait3A_179 : memref<1x64xi32, #tpu.memory_space<vmem>> -> memref<64xi32, #tpu.memory_space<vmem>>
    %dma_wait3A_181 = arith.constant 0 : i32
    %dma_wait3A_182 = arith.constant 0 : i32
    %dma_wait3A_183 = tpu.memref_slice %arg10[%dma_wait3A_181, %dma_wait3A_182] : memref<10240x128xf32, #tpu.memory_space<vmem_shared>> -> memref<10240x128xf32, #tpu.memory_space<vmem_shared>>
    tpu.wait_indirect_dma semaphore(%arg15 : memref<!tpu.dma_semaphore, #tpu.memory_space<semaphore_mem>>) src(%dma_wait3A_177 : memref<64x128xf32, #tpu.memory_space<vmem>>) dst(%dma_wait3A_183 : memref<10240x128xf32, #tpu.memory_space<vmem_shared>>)
    %dma_wait3A_184 = arith.constant 1 : i32
    %dma_wait3A_185 = arith.constant 37 : i32
    %dma_wait3A_186 = arith.constant 0 : i32
    %dma_wait3A_187 = arith.constant 0 : i32
    %dma_wait3A_188 = tpu.memref_slice %arg9[%dma_wait3A_184, %dma_wait3A_186, %dma_wait3A_187] : memref<4x64x128xf32, #tpu.memory_space<vmem>> -> memref<1x64x128xf32, #tpu.memory_space<vmem>>
    %dma_wait3A_189 = tpu.memref_squeeze %dma_wait3A_188 : memref<1x64x128xf32, #tpu.memory_space<vmem>> -> memref<64x128xf32, #tpu.memory_space<vmem>>
    %dma_wait3A_190 = arith.constant 0 : i32
    %dma_wait3A_191 = tpu.memref_slice %arg8[%dma_wait3A_185, %dma_wait3A_190] : memref<40x64xi32, #tpu.memory_space<vmem>> -> memref<1x64xi32, #tpu.memory_space<vmem>>
    %dma_wait3A_192 = tpu.memref_squeeze %dma_wait3A_191 : memref<1x64xi32, #tpu.memory_space<vmem>> -> memref<64xi32, #tpu.memory_space<vmem>>
    %dma_wait3A_193 = arith.constant 0 : i32
    %dma_wait3A_194 = arith.constant 0 : i32
    %dma_wait3A_195 = tpu.memref_slice %arg10[%dma_wait3A_193, %dma_wait3A_194] : memref<10240x128xf32, #tpu.memory_space<vmem_shared>> -> memref<10240x128xf32, #tpu.memory_space<vmem_shared>>
    tpu.wait_indirect_dma semaphore(%arg16 : memref<!tpu.dma_semaphore, #tpu.memory_space<semaphore_mem>>) src(%dma_wait3A_189 : memref<64x128xf32, #tpu.memory_space<vmem>>) dst(%dma_wait3A_195 : memref<10240x128xf32, #tpu.memory_space<vmem_shared>>)
    %dma_wait3A_196 = arith.constant 2 : i32
    %dma_wait3A_197 = arith.constant 38 : i32
    %dma_wait3A_198 = arith.constant 0 : i32
    %dma_wait3A_199 = arith.constant 0 : i32
    %dma_wait3A_200 = tpu.memref_slice %arg9[%dma_wait3A_196, %dma_wait3A_198, %dma_wait3A_199] : memref<4x64x128xf32, #tpu.memory_space<vmem>> -> memref<1x64x128xf32, #tpu.memory_space<vmem>>
    %dma_wait3A_201 = tpu.memref_squeeze %dma_wait3A_200 : memref<1x64x128xf32, #tpu.memory_space<vmem>> -> memref<64x128xf32, #tpu.memory_space<vmem>>
    %dma_wait3A_202 = arith.constant 0 : i32
    %dma_wait3A_203 = tpu.memref_slice %arg8[%dma_wait3A_197, %dma_wait3A_202] : memref<40x64xi32, #tpu.memory_space<vmem>> -> memref<1x64xi32, #tpu.memory_space<vmem>>
    %dma_wait3A_204 = tpu.memref_squeeze %dma_wait3A_203 : memref<1x64xi32, #tpu.memory_space<vmem>> -> memref<64xi32, #tpu.memory_space<vmem>>
    %dma_wait3A_205 = arith.constant 0 : i32
    %dma_wait3A_206 = arith.constant 0 : i32
    %dma_wait3A_207 = tpu.memref_slice %arg10[%dma_wait3A_205, %dma_wait3A_206] : memref<10240x128xf32, #tpu.memory_space<vmem_shared>> -> memref<10240x128xf32, #tpu.memory_space<vmem_shared>>
    tpu.wait_indirect_dma semaphore(%arg17 : memref<!tpu.dma_semaphore, #tpu.memory_space<semaphore_mem>>) src(%dma_wait3A_201 : memref<64x128xf32, #tpu.memory_space<vmem>>) dst(%dma_wait3A_207 : memref<10240x128xf32, #tpu.memory_space<vmem_shared>>)
    %dma_wait3A_208 = arith.constant 3 : i32
    %dma_wait3A_209 = arith.constant 39 : i32
    %dma_wait3A_210 = arith.constant 0 : i32
    %dma_wait3A_211 = arith.constant 0 : i32
    %dma_wait3A_212 = tpu.memref_slice %arg9[%dma_wait3A_208, %dma_wait3A_210, %dma_wait3A_211] : memref<4x64x128xf32, #tpu.memory_space<vmem>> -> memref<1x64x128xf32, #tpu.memory_space<vmem>>
    %dma_wait3A_213 = tpu.memref_squeeze %dma_wait3A_212 : memref<1x64x128xf32, #tpu.memory_space<vmem>> -> memref<64x128xf32, #tpu.memory_space<vmem>>
    %dma_wait3A_214 = arith.constant 0 : i32
    %dma_wait3A_215 = tpu.memref_slice %arg8[%dma_wait3A_209, %dma_wait3A_214] : memref<40x64xi32, #tpu.memory_space<vmem>> -> memref<1x64xi32, #tpu.memory_space<vmem>>
    %dma_wait3A_216 = tpu.memref_squeeze %dma_wait3A_215 : memref<1x64xi32, #tpu.memory_space<vmem>> -> memref<64xi32, #tpu.memory_space<vmem>>
    %dma_wait3A_217 = arith.constant 0 : i32
    %dma_wait3A_218 = arith.constant 0 : i32
    %dma_wait3A_219 = tpu.memref_slice %arg10[%dma_wait3A_217, %dma_wait3A_218] : memref<10240x128xf32, #tpu.memory_space<vmem_shared>> -> memref<10240x128xf32, #tpu.memory_space<vmem_shared>>
    tpu.wait_indirect_dma semaphore(%arg18 : memref<!tpu.dma_semaphore, #tpu.memory_space<semaphore_mem>>) src(%dma_wait3A_213 : memref<64x128xf32, #tpu.memory_space<vmem>>) dst(%dma_wait3A_219 : memref<10240x128xf32, #tpu.memory_space<vmem_shared>>)
    "tpu.region"() ({
      %run_scoped3A_411 = tpu.sem_alloc : memref<!tpu.dma_semaphore, #tpu.memory_space<semaphore_mem>>
      %dma_start3A_412 = arith.constant 0 : i32
      %dma_start3A_413 = arith.constant 0 : i32
      %dma_start3A_414 = tpu.memref_slice %arg7[%dma_start3A_412, %dma_start3A_413] : memref<40x64xi32, #tpu.memory_space<vmem>> -> memref<40x64xi32, #tpu.memory_space<vmem>>
      %dma_start3A_415 = arith.constant 0 : i32
      %dma_start3A_416 = arith.constant 0 : i32
      %dma_start3A_417 = tpu.memref_slice %arg3[%add3A, %dma_start3A_415, %dma_start3A_416] : memref<32x158x64xi32, #tpu.memory_space<hbm>> -> memref<1x158x64xi32, #tpu.memory_space<hbm>>
      %dma_start3A_418 = tpu.memref_squeeze %dma_start3A_417 : memref<1x158x64xi32, #tpu.memory_space<hbm>> -> memref<158x64xi32, #tpu.memory_space<hbm>>
      %dma_start3A_419 = arith.constant 80 : i32
      %dma_start3A_420 = arith.constant 0 : i32
      %dma_start3A_421 = tpu.memref_slice %dma_start3A_418[%dma_start3A_419, %dma_start3A_420] : memref<158x64xi32, #tpu.memory_space<hbm>> -> memref<40x64xi32, #tpu.memory_space<hbm>>
      %dma_start3A_422 = arith.constant 0 : i32
      %dma_start3A_423 = arith.constant 0 : i32
      %dma_start3A_424 = tpu.memref_slice %arg7[%dma_start3A_422, %dma_start3A_423] : memref<40x64xi32, #tpu.memory_space<vmem>> -> memref<40x64xi32, #tpu.memory_space<vmem>>
      %dma_start3A_425 = arith.constant 0 : i32
      %dma_start3A_426 = arith.constant 0 : i32
      %dma_start3A_427 = tpu.memref_slice %arg3[%add3A, %dma_start3A_425, %dma_start3A_426] : memref<32x158x64xi32, #tpu.memory_space<hbm>> -> memref<1x158x64xi32, #tpu.memory_space<hbm>>
      %dma_start3A_428 = tpu.memref_squeeze %dma_start3A_427 : memref<1x158x64xi32, #tpu.memory_space<hbm>> -> memref<158x64xi32, #tpu.memory_space<hbm>>
      %dma_start3A_429 = arith.constant 80 : i32
      %dma_start3A_430 = arith.constant 0 : i32
      %dma_start3A_431 = tpu.memref_slice %dma_start3A_428[%dma_start3A_429, %dma_start3A_430] : memref<158x64xi32, #tpu.memory_space<hbm>> -> memref<40x64xi32, #tpu.memory_space<hbm>>
      tpu.enqueue_dma source(%dma_start3A_431 : memref<40x64xi32, #tpu.memory_space<hbm>>) target(%dma_start3A_424 : memref<40x64xi32, #tpu.memory_space<vmem>>) target_semaphore(%run_scoped3A_411 : memref<!tpu.dma_semaphore, #tpu.memory_space<semaphore_mem>>)
      %dma_wait3A_432 = arith.constant 0 : i32
      %dma_wait3A_433 = arith.constant 0 : i32
      %dma_wait3A_434 = tpu.memref_slice %arg7[%dma_wait3A_432, %dma_wait3A_433] : memref<40x64xi32, #tpu.memory_space<vmem>> -> memref<40x64xi32, #tpu.memory_space<vmem>>
      %dma_wait3A_435 = arith.constant 0 : i32
      %dma_wait3A_436 = arith.constant 0 : i32
      %dma_wait3A_437 = tpu.memref_slice %arg3[%add3A, %dma_wait3A_435, %dma_wait3A_436] : memref<32x158x64xi32, #tpu.memory_space<hbm>> -> memref<1x158x64xi32, #tpu.memory_space<hbm>>
      %dma_wait3A_438 = tpu.memref_squeeze %dma_wait3A_437 : memref<1x158x64xi32, #tpu.memory_space<hbm>> -> memref<158x64xi32, #tpu.memory_space<hbm>>
      %dma_wait3A_439 = arith.constant 80 : i32
      %dma_wait3A_440 = arith.constant 0 : i32
      %dma_wait3A_441 = tpu.memref_slice %dma_wait3A_438[%dma_wait3A_439, %dma_wait3A_440] : memref<158x64xi32, #tpu.memory_space<hbm>> -> memref<40x64xi32, #tpu.memory_space<hbm>>
      %dma_wait3A_442 = arith.constant 0 : i32
      %dma_wait3A_443 = arith.constant 0 : i32
      %dma_wait3A_444 = tpu.memref_slice %arg7[%dma_wait3A_442, %dma_wait3A_443] : memref<40x64xi32, #tpu.memory_space<vmem>> -> memref<40x64xi32, #tpu.memory_space<vmem>>
      %dma_wait3A_445 = arith.constant 0 : i32
      %dma_wait3A_446 = arith.constant 0 : i32
      %dma_wait3A_447 = tpu.memref_slice %arg3[%add3A, %dma_wait3A_445, %dma_wait3A_446] : memref<32x158x64xi32, #tpu.memory_space<hbm>> -> memref<1x158x64xi32, #tpu.memory_space<hbm>>
      %dma_wait3A_448 = tpu.memref_squeeze %dma_wait3A_447 : memref<1x158x64xi32, #tpu.memory_space<hbm>> -> memref<158x64xi32, #tpu.memory_space<hbm>>
      %dma_wait3A_449 = arith.constant 80 : i32
      %dma_wait3A_450 = arith.constant 0 : i32
      %dma_wait3A_451 = tpu.memref_slice %dma_wait3A_448[%dma_wait3A_449, %dma_wait3A_450] : memref<158x64xi32, #tpu.memory_space<hbm>> -> memref<40x64xi32, #tpu.memory_space<hbm>>
      tpu.wait_dma2 semaphore(%run_scoped3A_411 : memref<!tpu.dma_semaphore, #tpu.memory_space<semaphore_mem>>) src(%dma_wait3A_451 : memref<40x64xi32, #tpu.memory_space<hbm>>) dst(%dma_wait3A_444 : memref<40x64xi32, #tpu.memory_space<vmem>>)
      tpu.yield
    }) : () -> ()
    "tpu.region"() ({
      %run_scoped3A_411 = tpu.sem_alloc : memref<!tpu.dma_semaphore, #tpu.memory_space<semaphore_mem>>
      %dma_start3A_412 = arith.constant 0 : i32
      %dma_start3A_413 = arith.constant 0 : i32
      %dma_start3A_414 = tpu.memref_slice %arg8[%dma_start3A_412, %dma_start3A_413] : memref<40x64xi32, #tpu.memory_space<vmem>> -> memref<40x64xi32, #tpu.memory_space<vmem>>
      %dma_start3A_415 = arith.constant 0 : i32
      %dma_start3A_416 = arith.constant 0 : i32
      %dma_start3A_417 = tpu.memref_slice %arg4[%add3A, %dma_start3A_415, %dma_start3A_416] : memref<32x158x64xi32, #tpu.memory_space<hbm>> -> memref<1x158x64xi32, #tpu.memory_space<hbm>>
      %dma_start3A_418 = tpu.memref_squeeze %dma_start3A_417 : memref<1x158x64xi32, #tpu.memory_space<hbm>> -> memref<158x64xi32, #tpu.memory_space<hbm>>
      %dma_start3A_419 = arith.constant 80 : i32
      %dma_start3A_420 = arith.constant 0 : i32
      %dma_start3A_421 = tpu.memref_slice %dma_start3A_418[%dma_start3A_419, %dma_start3A_420] : memref<158x64xi32, #tpu.memory_space<hbm>> -> memref<40x64xi32, #tpu.memory_space<hbm>>
      %dma_start3A_422 = arith.constant 0 : i32
      %dma_start3A_423 = arith.constant 0 : i32
      %dma_start3A_424 = tpu.memref_slice %arg8[%dma_start3A_422, %dma_start3A_423] : memref<40x64xi32, #tpu.memory_space<vmem>> -> memref<40x64xi32, #tpu.memory_space<vmem>>
      %dma_start3A_425 = arith.constant 0 : i32
      %dma_start3A_426 = arith.constant 0 : i32
      %dma_start3A_427 = tpu.memref_slice %arg4[%add3A, %dma_start3A_425, %dma_start3A_426] : memref<32x158x64xi32, #tpu.memory_space<hbm>> -> memref<1x158x64xi32, #tpu.memory_space<hbm>>
      %dma_start3A_428 = tpu.memref_squeeze %dma_start3A_427 : memref<1x158x64xi32, #tpu.memory_space<hbm>> -> memref<158x64xi32, #tpu.memory_space<hbm>>
      %dma_start3A_429 = arith.constant 80 : i32
      %dma_start3A_430 = arith.constant 0 : i32
      %dma_start3A_431 = tpu.memref_slice %dma_start3A_428[%dma_start3A_429, %dma_start3A_430] : memref<158x64xi32, #tpu.memory_space<hbm>> -> memref<40x64xi32, #tpu.memory_space<hbm>>
      tpu.enqueue_dma source(%dma_start3A_431 : memref<40x64xi32, #tpu.memory_space<hbm>>) target(%dma_start3A_424 : memref<40x64xi32, #tpu.memory_space<vmem>>) target_semaphore(%run_scoped3A_411 : memref<!tpu.dma_semaphore, #tpu.memory_space<semaphore_mem>>)
      %dma_wait3A_432 = arith.constant 0 : i32
      %dma_wait3A_433 = arith.constant 0 : i32
      %dma_wait3A_434 = tpu.memref_slice %arg8[%dma_wait3A_432, %dma_wait3A_433] : memref<40x64xi32, #tpu.memory_space<vmem>> -> memref<40x64xi32, #tpu.memory_space<vmem>>
      %dma_wait3A_435 = arith.constant 0 : i32
      %dma_wait3A_436 = arith.constant 0 : i32
      %dma_wait3A_437 = tpu.memref_slice %arg4[%add3A, %dma_wait3A_435, %dma_wait3A_436] : memref<32x158x64xi32, #tpu.memory_space<hbm>> -> memref<1x158x64xi32, #tpu.memory_space<hbm>>
      %dma_wait3A_438 = tpu.memref_squeeze %dma_wait3A_437 : memref<1x158x64xi32, #tpu.memory_space<hbm>> -> memref<158x64xi32, #tpu.memory_space<hbm>>
      %dma_wait3A_439 = arith.constant 80 : i32
      %dma_wait3A_440 = arith.constant 0 : i32
      %dma_wait3A_441 = tpu.memref_slice %dma_wait3A_438[%dma_wait3A_439, %dma_wait3A_440] : memref<158x64xi32, #tpu.memory_space<hbm>> -> memref<40x64xi32, #tpu.memory_space<hbm>>
      %dma_wait3A_442 = arith.constant 0 : i32
      %dma_wait3A_443 = arith.constant 0 : i32
      %dma_wait3A_444 = tpu.memref_slice %arg8[%dma_wait3A_442, %dma_wait3A_443] : memref<40x64xi32, #tpu.memory_space<vmem>> -> memref<40x64xi32, #tpu.memory_space<vmem>>
      %dma_wait3A_445 = arith.constant 0 : i32
      %dma_wait3A_446 = arith.constant 0 : i32
      %dma_wait3A_447 = tpu.memref_slice %arg4[%add3A, %dma_wait3A_445, %dma_wait3A_446] : memref<32x158x64xi32, #tpu.memory_space<hbm>> -> memref<1x158x64xi32, #tpu.memory_space<hbm>>
      %dma_wait3A_448 = tpu.memref_squeeze %dma_wait3A_447 : memref<1x158x64xi32, #tpu.memory_space<hbm>> -> memref<158x64xi32, #tpu.memory_space<hbm>>
      %dma_wait3A_449 = arith.constant 80 : i32
      %dma_wait3A_450 = arith.constant 0 : i32
      %dma_wait3A_451 = tpu.memref_slice %dma_wait3A_448[%dma_wait3A_449, %dma_wait3A_450] : memref<158x64xi32, #tpu.memory_space<hbm>> -> memref<40x64xi32, #tpu.memory_space<hbm>>
      tpu.wait_dma2 semaphore(%run_scoped3A_411 : memref<!tpu.dma_semaphore, #tpu.memory_space<semaphore_mem>>) src(%dma_wait3A_451 : memref<40x64xi32, #tpu.memory_space<hbm>>) dst(%dma_wait3A_444 : memref<40x64xi32, #tpu.memory_space<vmem>>)
      tpu.yield
    }) : () -> ()
    %dma_start3A_220 = arith.constant 0 : i32
    %dma_start3A_221 = arith.constant 0 : i32
    %dma_start3A_222 = arith.constant 0 : i32
    %dma_start3A_223 = arith.constant 0 : i32
    %dma_start3A_224 = tpu.memref_slice %arg9[%dma_start3A_221, %dma_start3A_222, %dma_start3A_223] : memref<4x64x128xf32, #tpu.memory_space<vmem>> -> memref<1x64x128xf32, #tpu.memory_space<vmem>>
    %dma_start3A_225 = tpu.memref_squeeze %dma_start3A_224 : memref<1x64x128xf32, #tpu.memory_space<vmem>> -> memref<64x128xf32, #tpu.memory_space<vmem>>
    %dma_start3A_226 = arith.constant 0 : i32
    %dma_start3A_227 = tpu.memref_slice %arg7[%dma_start3A_220, %dma_start3A_226] : memref<40x64xi32, #tpu.memory_space<vmem>> -> memref<1x64xi32, #tpu.memory_space<vmem>>
    %dma_start3A_228 = tpu.memref_squeeze %dma_start3A_227 : memref<1x64xi32, #tpu.memory_space<vmem>> -> memref<64xi32, #tpu.memory_space<vmem>>
    %dma_start3A_229 = arith.constant 0 : i32
    %dma_start3A_230 = arith.constant 0 : i32
    %dma_start3A_231 = tpu.memref_slice %arg2[%dma_start3A_229, %dma_start3A_230] : memref<10240x128xf32, #tpu.memory_space<hbm>> -> memref<10240x128xf32, #tpu.memory_space<hbm>>
    tpu.enqueue_indirect_dma source(%dma_start3A_231 : memref<10240x128xf32, #tpu.memory_space<hbm>>) target(%dma_start3A_225 : memref<64x128xf32, #tpu.memory_space<vmem>>) offsets(%dma_start3A_228 : memref<64xi32, #tpu.memory_space<vmem>>) semaphore(%arg11 : memref<!tpu.dma_semaphore, #tpu.memory_space<semaphore_mem>>)
    %dma_start3A_232 = arith.constant 1 : i32
    %dma_start3A_233 = arith.constant 1 : i32
    %dma_start3A_234 = arith.constant 0 : i32
    %dma_start3A_235 = arith.constant 0 : i32
    %dma_start3A_236 = tpu.memref_slice %arg9[%dma_start3A_233, %dma_start3A_234, %dma_start3A_235] : memref<4x64x128xf32, #tpu.memory_space<vmem>> -> memref<1x64x128xf32, #tpu.memory_space<vmem>>
    %dma_start3A_237 = tpu.memref_squeeze %dma_start3A_236 : memref<1x64x128xf32, #tpu.memory_space<vmem>> -> memref<64x128xf32, #tpu.memory_space<vmem>>
    %dma_start3A_238 = arith.constant 0 : i32
    %dma_start3A_239 = tpu.memref_slice %arg7[%dma_start3A_232, %dma_start3A_238] : memref<40x64xi32, #tpu.memory_space<vmem>> -> memref<1x64xi32, #tpu.memory_space<vmem>>
    %dma_start3A_240 = tpu.memref_squeeze %dma_start3A_239 : memref<1x64xi32, #tpu.memory_space<vmem>> -> memref<64xi32, #tpu.memory_space<vmem>>
    %dma_start3A_241 = arith.constant 0 : i32
    %dma_start3A_242 = arith.constant 0 : i32
    %dma_start3A_243 = tpu.memref_slice %arg2[%dma_start3A_241, %dma_start3A_242] : memref<10240x128xf32, #tpu.memory_space<hbm>> -> memref<10240x128xf32, #tpu.memory_space<hbm>>
    tpu.enqueue_indirect_dma source(%dma_start3A_243 : memref<10240x128xf32, #tpu.memory_space<hbm>>) target(%dma_start3A_237 : memref<64x128xf32, #tpu.memory_space<vmem>>) offsets(%dma_start3A_240 : memref<64xi32, #tpu.memory_space<vmem>>) semaphore(%arg12 : memref<!tpu.dma_semaphore, #tpu.memory_space<semaphore_mem>>)
    %dma_start3A_244 = arith.constant 2 : i32
    %dma_start3A_245 = arith.constant 2 : i32
    %dma_start3A_246 = arith.constant 0 : i32
    %dma_start3A_247 = arith.constant 0 : i32
    %dma_start3A_248 = tpu.memref_slice %arg9[%dma_start3A_245, %dma_start3A_246, %dma_start3A_247] : memref<4x64x128xf32, #tpu.memory_space<vmem>> -> memref<1x64x128xf32, #tpu.memory_space<vmem>>
    %dma_start3A_249 = tpu.memref_squeeze %dma_start3A_248 : memref<1x64x128xf32, #tpu.memory_space<vmem>> -> memref<64x128xf32, #tpu.memory_space<vmem>>
    %dma_start3A_250 = arith.constant 0 : i32
    %dma_start3A_251 = tpu.memref_slice %arg7[%dma_start3A_244, %dma_start3A_250] : memref<40x64xi32, #tpu.memory_space<vmem>> -> memref<1x64xi32, #tpu.memory_space<vmem>>
    %dma_start3A_252 = tpu.memref_squeeze %dma_start3A_251 : memref<1x64xi32, #tpu.memory_space<vmem>> -> memref<64xi32, #tpu.memory_space<vmem>>
    %dma_start3A_253 = arith.constant 0 : i32
    %dma_start3A_254 = arith.constant 0 : i32
    %dma_start3A_255 = tpu.memref_slice %arg2[%dma_start3A_253, %dma_start3A_254] : memref<10240x128xf32, #tpu.memory_space<hbm>> -> memref<10240x128xf32, #tpu.memory_space<hbm>>
    tpu.enqueue_indirect_dma source(%dma_start3A_255 : memref<10240x128xf32, #tpu.memory_space<hbm>>) target(%dma_start3A_249 : memref<64x128xf32, #tpu.memory_space<vmem>>) offsets(%dma_start3A_252 : memref<64xi32, #tpu.memory_space<vmem>>) semaphore(%arg13 : memref<!tpu.dma_semaphore, #tpu.memory_space<semaphore_mem>>)
    %scan3A_256 = arith.constant 3 : i32
    %scan3A_257 = arith.constant 0 : i32
    %scan3A_258 = arith.constant 1 : i32
    %scan3A_259 = arith.constant 2 : i32
    %scan3A_260 = arith.constant 0 : i32
    %scan3A_261 = arith.constant 0 : i32
    %scan3A_262 = arith.constant 40 : i32
    %scan3A_263 = arith.addi %scan3A_261, %scan3A_262 : i32
    %scan3A_264 = arith.constant 1 : i32
    %scan3A_265 = scf.for %scan3A_411 = %scan3A_261 to %scan3A_263 step %scan3A_264 iter_args(%scan3A_412 = %scan3A_260) -> (i32)  : i32 {
      %jit3A = arith.constant 4 : i32
      %eq3A = arith.constant 0 : i32
      %eq3A_413 = arith.cmpi eq, %jit3A, %eq3A : i32
      %jit3A_414 = arith.constant 1 : i32
      %select_n3A = arith.select %eq3A_413, %jit3A_414, %jit3A : i32
      %rem3A = arith.remsi %scan3A_411, %select_n3A : i32
      %ne3A = arith.constant 0 : i32
      %ne3A_415 = arith.cmpi ne, %rem3A, %ne3A : i32
      %lt3A = arith.constant 0 : i32
      %lt3A_416 = arith.cmpi slt, %rem3A, %lt3A : i32
      %lt3A_417 = arith.constant 0 : i32
      %lt3A_418 = arith.cmpi slt, %select_n3A, %lt3A_417 : i32
      %ne3A_419 = arith.xori %lt3A_416, %lt3A_418 : i1
      %and3A = arith.andi %ne3A_419, %ne3A_415 : i1
      %add3A_420 = arith.addi %rem3A, %select_n3A : i32
      %select_n3A_421 = arith.select %and3A, %add3A_420, %rem3A : i32
      %eq3A_422 = arith.constant 0 : i32
      %eq3A_423 = arith.cmpi eq, %select_n3A_421, %eq3A_422 : i32
      %convert_element_type3A = arith.extui %eq3A_423 : i1 to i32
      %cond3A = arith.constant 0 : i32
      %cond3A_424 = arith.cmpi ne, %convert_element_type3A, %cond3A : i32
      scf.if %cond3A_424 {
        %add3A_489 = arith.constant 4 : i32
        %add3A_490 = arith.addi %scan3A_411, %add3A_489 : i32
        %sub3A = arith.constant 1 : i32
        %sub3A_491 = arith.subi %add3A_490, %sub3A : i32
        %lt3A_492 = arith.constant 40 : i32
        %lt3A_493 = arith.cmpi slt, %sub3A_491, %lt3A_492 : i32
        %convert_element_type3A_494 = arith.extui %lt3A_493 : i1 to i32
        %cond3A_495 = arith.constant 0 : i32
        %cond3A_496 = arith.cmpi ne, %convert_element_type3A_494, %cond3A_495 : i32
        scf.if %cond3A_496 {
          %ge3A = arith.constant 1 : i32
          %ge3A_517 = arith.cmpi sge, %scan3A_411, %ge3A : i32
          %convert_element_type3A_518 = arith.extui %ge3A_517 : i1 to i32
          %cond3A_519 = arith.constant 0 : i32
          %cond3A_520 = arith.cmpi ne, %convert_element_type3A_518, %cond3A_519 : i32
          scf.if %cond3A_520 {
            %sub3A_535 = arith.constant 1 : i32
            %sub3A_536 = arith.subi %scan3A_411, %sub3A_535 : i32
            %dma_wait3A_537 = arith.constant 0 : i32
            %dma_wait3A_538 = arith.constant 0 : i32
            %dma_wait3A_539 = tpu.memref_slice %arg9[%scan3A_256, %dma_wait3A_537, %dma_wait3A_538] : memref<4x64x128xf32, #tpu.memory_space<vmem>> -> memref<1x64x128xf32, #tpu.memory_space<vmem>>
            %dma_wait3A_540 = tpu.memref_squeeze %dma_wait3A_539 : memref<1x64x128xf32, #tpu.memory_space<vmem>> -> memref<64x128xf32, #tpu.memory_space<vmem>>
            %dma_wait3A_541 = arith.constant 0 : i32
            %dma_wait3A_542 = tpu.memref_slice %arg8[%sub3A_536, %dma_wait3A_541] : memref<40x64xi32, #tpu.memory_space<vmem>> -> memref<1x64xi32, #tpu.memory_space<vmem>>
            %dma_wait3A_543 = tpu.memref_squeeze %dma_wait3A_542 : memref<1x64xi32, #tpu.memory_space<vmem>> -> memref<64xi32, #tpu.memory_space<vmem>>
            %dma_wait3A_544 = arith.constant 0 : i32
            %dma_wait3A_545 = arith.constant 0 : i32
            %dma_wait3A_546 = tpu.memref_slice %arg10[%dma_wait3A_544, %dma_wait3A_545] : memref<10240x128xf32, #tpu.memory_space<vmem_shared>> -> memref<10240x128xf32, #tpu.memory_space<vmem_shared>>
            tpu.wait_indirect_dma semaphore(%arg18 : memref<!tpu.dma_semaphore, #tpu.memory_space<semaphore_mem>>) src(%dma_wait3A_540 : memref<64x128xf32, #tpu.memory_space<vmem>>) dst(%dma_wait3A_546 : memref<10240x128xf32, #tpu.memory_space<vmem_shared>>)
          } else {
          }
          %add3A_521 = arith.constant 4 : i32
          %add3A_522 = arith.addi %scan3A_411, %add3A_521 : i32
          %sub3A_523 = arith.constant 1 : i32
          %sub3A_524 = arith.subi %add3A_522, %sub3A_523 : i32
          %dma_start3A_525 = arith.constant 0 : i32
          %dma_start3A_526 = arith.constant 0 : i32
          %dma_start3A_527 = tpu.memref_slice %arg9[%scan3A_256, %dma_start3A_525, %dma_start3A_526] : memref<4x64x128xf32, #tpu.memory_space<vmem>> -> memref<1x64x128xf32, #tpu.memory_space<vmem>>
          %dma_start3A_528 = tpu.memref_squeeze %dma_start3A_527 : memref<1x64x128xf32, #tpu.memory_space<vmem>> -> memref<64x128xf32, #tpu.memory_space<vmem>>
          %dma_start3A_529 = arith.constant 0 : i32
          %dma_start3A_530 = tpu.memref_slice %arg7[%sub3A_524, %dma_start3A_529] : memref<40x64xi32, #tpu.memory_space<vmem>> -> memref<1x64xi32, #tpu.memory_space<vmem>>
          %dma_start3A_531 = tpu.memref_squeeze %dma_start3A_530 : memref<1x64xi32, #tpu.memory_space<vmem>> -> memref<64xi32, #tpu.memory_space<vmem>>
          %dma_start3A_532 = arith.constant 0 : i32
          %dma_start3A_533 = arith.constant 0 : i32
          %dma_start3A_534 = tpu.memref_slice %arg2[%dma_start3A_532, %dma_start3A_533] : memref<10240x128xf32, #tpu.memory_space<hbm>> -> memref<10240x128xf32, #tpu.memory_space<hbm>>
          tpu.enqueue_indirect_dma source(%dma_start3A_534 : memref<10240x128xf32, #tpu.memory_space<hbm>>) target(%dma_start3A_528 : memref<64x128xf32, #tpu.memory_space<vmem>>) offsets(%dma_start3A_531 : memref<64xi32, #tpu.memory_space<vmem>>) semaphore(%arg14 : memref<!tpu.dma_semaphore, #tpu.memory_space<semaphore_mem>>)
        } else {
        }
        %dma_wait3A_497 = arith.constant 0 : i32
        %dma_wait3A_498 = arith.constant 0 : i32
        %dma_wait3A_499 = tpu.memref_slice %arg9[%scan3A_257, %dma_wait3A_497, %dma_wait3A_498] : memref<4x64x128xf32, #tpu.memory_space<vmem>> -> memref<1x64x128xf32, #tpu.memory_space<vmem>>
        %dma_wait3A_500 = tpu.memref_squeeze %dma_wait3A_499 : memref<1x64x128xf32, #tpu.memory_space<vmem>> -> memref<64x128xf32, #tpu.memory_space<vmem>>
        %dma_wait3A_501 = arith.constant 0 : i32
        %dma_wait3A_502 = tpu.memref_slice %arg7[%scan3A_411, %dma_wait3A_501] : memref<40x64xi32, #tpu.memory_space<vmem>> -> memref<1x64xi32, #tpu.memory_space<vmem>>
        %dma_wait3A_503 = tpu.memref_squeeze %dma_wait3A_502 : memref<1x64xi32, #tpu.memory_space<vmem>> -> memref<64xi32, #tpu.memory_space<vmem>>
        %dma_wait3A_504 = arith.constant 0 : i32
        %dma_wait3A_505 = arith.constant 0 : i32
        %dma_wait3A_506 = tpu.memref_slice %arg2[%dma_wait3A_504, %dma_wait3A_505] : memref<10240x128xf32, #tpu.memory_space<hbm>> -> memref<10240x128xf32, #tpu.memory_space<hbm>>
        tpu.wait_indirect_dma semaphore(%arg11 : memref<!tpu.dma_semaphore, #tpu.memory_space<semaphore_mem>>) src(%dma_wait3A_506 : memref<10240x128xf32, #tpu.memory_space<hbm>>) dst(%dma_wait3A_500 : memref<64x128xf32, #tpu.memory_space<vmem>>)
        %dma_start3A_507 = arith.constant 0 : i32
        %dma_start3A_508 = arith.constant 0 : i32
        %dma_start3A_509 = tpu.memref_slice %arg9[%scan3A_257, %dma_start3A_507, %dma_start3A_508] : memref<4x64x128xf32, #tpu.memory_space<vmem>> -> memref<1x64x128xf32, #tpu.memory_space<vmem>>
        %dma_start3A_510 = tpu.memref_squeeze %dma_start3A_509 : memref<1x64x128xf32, #tpu.memory_space<vmem>> -> memref<64x128xf32, #tpu.memory_space<vmem>>
        %dma_start3A_511 = arith.constant 0 : i32
        %dma_start3A_512 = tpu.memref_slice %arg8[%scan3A_411, %dma_start3A_511] : memref<40x64xi32, #tpu.memory_space<vmem>> -> memref<1x64xi32, #tpu.memory_space<vmem>>
        %dma_start3A_513 = tpu.memref_squeeze %dma_start3A_512 : memref<1x64xi32, #tpu.memory_space<vmem>> -> memref<64xi32, #tpu.memory_space<vmem>>
        %dma_start3A_514 = arith.constant 0 : i32
        %dma_start3A_515 = arith.constant 0 : i32
        %dma_start3A_516 = tpu.memref_slice %arg10[%dma_start3A_514, %dma_start3A_515] : memref<10240x128xf32, #tpu.memory_space<vmem_shared>> -> memref<10240x128xf32, #tpu.memory_space<vmem_shared>>
        tpu.enqueue_indirect_dma source(%dma_start3A_510 : memref<64x128xf32, #tpu.memory_space<vmem>>) target(%dma_start3A_516 : memref<10240x128xf32, #tpu.memory_space<vmem_shared>>) offsets(%dma_start3A_513 : memref<64xi32, #tpu.memory_space<vmem>>) semaphore(%arg15 : memref<!tpu.dma_semaphore, #tpu.memory_space<semaphore_mem>>) {add = true}
      } else {
      }
      %jit3A_425 = arith.constant 4 : i32
      %eq3A_426 = arith.constant 0 : i32
      %eq3A_427 = arith.cmpi eq, %jit3A_425, %eq3A_426 : i32
      %jit3A_428 = arith.constant 1 : i32
      %select_n3A_429 = arith.select %eq3A_427, %jit3A_428, %jit3A_425 : i32
      %rem3A_430 = arith.remsi %scan3A_411, %select_n3A_429 : i32
      %ne3A_431 = arith.constant 0 : i32
      %ne3A_432 = arith.cmpi ne, %rem3A_430, %ne3A_431 : i32
      %lt3A_433 = arith.constant 0 : i32
      %lt3A_434 = arith.cmpi slt, %rem3A_430, %lt3A_433 : i32
      %lt3A_435 = arith.constant 0 : i32
      %lt3A_436 = arith.cmpi slt, %select_n3A_429, %lt3A_435 : i32
      %ne3A_437 = arith.xori %lt3A_434, %lt3A_436 : i1
      %and3A_438 = arith.andi %ne3A_437, %ne3A_432 : i1
      %add3A_439 = arith.addi %rem3A_430, %select_n3A_429 : i32
      %select_n3A_440 = arith.select %and3A_438, %add3A_439, %rem3A_430 : i32
      %eq3A_441 = arith.constant 1 : i32
      %eq3A_442 = arith.cmpi eq, %select_n3A_440, %eq3A_441 : i32
      %convert_element_type3A_443 = arith.extui %eq3A_442 : i1 to i32
      %cond3A_444 = arith.constant 0 : i32
      %cond3A_445 = arith.cmpi ne, %convert_element_type3A_443, %cond3A_444 : i32
      scf.if %cond3A_445 {
        %add3A_489 = arith.constant 4 : i32
        %add3A_490 = arith.addi %scan3A_411, %add3A_489 : i32
        %sub3A = arith.constant 1 : i32
        %sub3A_491 = arith.subi %add3A_490, %sub3A : i32
        %lt3A_492 = arith.constant 40 : i32
        %lt3A_493 = arith.cmpi slt, %sub3A_491, %lt3A_492 : i32
        %convert_element_type3A_494 = arith.extui %lt3A_493 : i1 to i32
        %cond3A_495 = arith.constant 0 : i32
        %cond3A_496 = arith.cmpi ne, %convert_element_type3A_494, %cond3A_495 : i32
        scf.if %cond3A_496 {
          %ge3A = arith.constant 1 : i32
          %ge3A_517 = arith.cmpi sge, %scan3A_411, %ge3A : i32
          %convert_element_type3A_518 = arith.extui %ge3A_517 : i1 to i32
          %cond3A_519 = arith.constant 0 : i32
          %cond3A_520 = arith.cmpi ne, %convert_element_type3A_518, %cond3A_519 : i32
          scf.if %cond3A_520 {
            %sub3A_535 = arith.constant 1 : i32
            %sub3A_536 = arith.subi %scan3A_411, %sub3A_535 : i32
            %dma_wait3A_537 = arith.constant 0 : i32
            %dma_wait3A_538 = arith.constant 0 : i32
            %dma_wait3A_539 = tpu.memref_slice %arg9[%scan3A_257, %dma_wait3A_537, %dma_wait3A_538] : memref<4x64x128xf32, #tpu.memory_space<vmem>> -> memref<1x64x128xf32, #tpu.memory_space<vmem>>
            %dma_wait3A_540 = tpu.memref_squeeze %dma_wait3A_539 : memref<1x64x128xf32, #tpu.memory_space<vmem>> -> memref<64x128xf32, #tpu.memory_space<vmem>>
            %dma_wait3A_541 = arith.constant 0 : i32
            %dma_wait3A_542 = tpu.memref_slice %arg8[%sub3A_536, %dma_wait3A_541] : memref<40x64xi32, #tpu.memory_space<vmem>> -> memref<1x64xi32, #tpu.memory_space<vmem>>
            %dma_wait3A_543 = tpu.memref_squeeze %dma_wait3A_542 : memref<1x64xi32, #tpu.memory_space<vmem>> -> memref<64xi32, #tpu.memory_space<vmem>>
            %dma_wait3A_544 = arith.constant 0 : i32
            %dma_wait3A_545 = arith.constant 0 : i32
            %dma_wait3A_546 = tpu.memref_slice %arg10[%dma_wait3A_544, %dma_wait3A_545] : memref<10240x128xf32, #tpu.memory_space<vmem_shared>> -> memref<10240x128xf32, #tpu.memory_space<vmem_shared>>
            tpu.wait_indirect_dma semaphore(%arg15 : memref<!tpu.dma_semaphore, #tpu.memory_space<semaphore_mem>>) src(%dma_wait3A_540 : memref<64x128xf32, #tpu.memory_space<vmem>>) dst(%dma_wait3A_546 : memref<10240x128xf32, #tpu.memory_space<vmem_shared>>)
          } else {
          }
          %add3A_521 = arith.constant 4 : i32
          %add3A_522 = arith.addi %scan3A_411, %add3A_521 : i32
          %sub3A_523 = arith.constant 1 : i32
          %sub3A_524 = arith.subi %add3A_522, %sub3A_523 : i32
          %dma_start3A_525 = arith.constant 0 : i32
          %dma_start3A_526 = arith.constant 0 : i32
          %dma_start3A_527 = tpu.memref_slice %arg9[%scan3A_257, %dma_start3A_525, %dma_start3A_526] : memref<4x64x128xf32, #tpu.memory_space<vmem>> -> memref<1x64x128xf32, #tpu.memory_space<vmem>>
          %dma_start3A_528 = tpu.memref_squeeze %dma_start3A_527 : memref<1x64x128xf32, #tpu.memory_space<vmem>> -> memref<64x128xf32, #tpu.memory_space<vmem>>
          %dma_start3A_529 = arith.constant 0 : i32
          %dma_start3A_530 = tpu.memref_slice %arg7[%sub3A_524, %dma_start3A_529] : memref<40x64xi32, #tpu.memory_space<vmem>> -> memref<1x64xi32, #tpu.memory_space<vmem>>
          %dma_start3A_531 = tpu.memref_squeeze %dma_start3A_530 : memref<1x64xi32, #tpu.memory_space<vmem>> -> memref<64xi32, #tpu.memory_space<vmem>>
          %dma_start3A_532 = arith.constant 0 : i32
          %dma_start3A_533 = arith.constant 0 : i32
          %dma_start3A_534 = tpu.memref_slice %arg2[%dma_start3A_532, %dma_start3A_533] : memref<10240x128xf32, #tpu.memory_space<hbm>> -> memref<10240x128xf32, #tpu.memory_space<hbm>>
          tpu.enqueue_indirect_dma source(%dma_start3A_534 : memref<10240x128xf32, #tpu.memory_space<hbm>>) target(%dma_start3A_528 : memref<64x128xf32, #tpu.memory_space<vmem>>) offsets(%dma_start3A_531 : memref<64xi32, #tpu.memory_space<vmem>>) semaphore(%arg11 : memref<!tpu.dma_semaphore, #tpu.memory_space<semaphore_mem>>)
        } else {
        }
        %dma_wait3A_497 = arith.constant 0 : i32
        %dma_wait3A_498 = arith.constant 0 : i32
        %dma_wait3A_499 = tpu.memref_slice %arg9[%scan3A_258, %dma_wait3A_497, %dma_wait3A_498] : memref<4x64x128xf32, #tpu.memory_space<vmem>> -> memref<1x64x128xf32, #tpu.memory_space<vmem>>
        %dma_wait3A_500 = tpu.memref_squeeze %dma_wait3A_499 : memref<1x64x128xf32, #tpu.memory_space<vmem>> -> memref<64x128xf32, #tpu.memory_space<vmem>>
        %dma_wait3A_501 = arith.constant 0 : i32
        %dma_wait3A_502 = tpu.memref_slice %arg7[%scan3A_411, %dma_wait3A_501] : memref<40x64xi32, #tpu.memory_space<vmem>> -> memref<1x64xi32, #tpu.memory_space<vmem>>
        %dma_wait3A_503 = tpu.memref_squeeze %dma_wait3A_502 : memref<1x64xi32, #tpu.memory_space<vmem>> -> memref<64xi32, #tpu.memory_space<vmem>>
        %dma_wait3A_504 = arith.constant 0 : i32
        %dma_wait3A_505 = arith.constant 0 : i32
        %dma_wait3A_506 = tpu.memref_slice %arg2[%dma_wait3A_504, %dma_wait3A_505] : memref<10240x128xf32, #tpu.memory_space<hbm>> -> memref<10240x128xf32, #tpu.memory_space<hbm>>
        tpu.wait_indirect_dma semaphore(%arg12 : memref<!tpu.dma_semaphore, #tpu.memory_space<semaphore_mem>>) src(%dma_wait3A_506 : memref<10240x128xf32, #tpu.memory_space<hbm>>) dst(%dma_wait3A_500 : memref<64x128xf32, #tpu.memory_space<vmem>>)
        %dma_start3A_507 = arith.constant 0 : i32
        %dma_start3A_508 = arith.constant 0 : i32
        %dma_start3A_509 = tpu.memref_slice %arg9[%scan3A_258, %dma_start3A_507, %dma_start3A_508] : memref<4x64x128xf32, #tpu.memory_space<vmem>> -> memref<1x64x128xf32, #tpu.memory_space<vmem>>
        %dma_start3A_510 = tpu.memref_squeeze %dma_start3A_509 : memref<1x64x128xf32, #tpu.memory_space<vmem>> -> memref<64x128xf32, #tpu.memory_space<vmem>>
        %dma_start3A_511 = arith.constant 0 : i32
        %dma_start3A_512 = tpu.memref_slice %arg8[%scan3A_411, %dma_start3A_511] : memref<40x64xi32, #tpu.memory_space<vmem>> -> memref<1x64xi32, #tpu.memory_space<vmem>>
        %dma_start3A_513 = tpu.memref_squeeze %dma_start3A_512 : memref<1x64xi32, #tpu.memory_space<vmem>> -> memref<64xi32, #tpu.memory_space<vmem>>
        %dma_start3A_514 = arith.constant 0 : i32
        %dma_start3A_515 = arith.constant 0 : i32
        %dma_start3A_516 = tpu.memref_slice %arg10[%dma_start3A_514, %dma_start3A_515] : memref<10240x128xf32, #tpu.memory_space<vmem_shared>> -> memref<10240x128xf32, #tpu.memory_space<vmem_shared>>
        tpu.enqueue_indirect_dma source(%dma_start3A_510 : memref<64x128xf32, #tpu.memory_space<vmem>>) target(%dma_start3A_516 : memref<10240x128xf32, #tpu.memory_space<vmem_shared>>) offsets(%dma_start3A_513 : memref<64xi32, #tpu.memory_space<vmem>>) semaphore(%arg16 : memref<!tpu.dma_semaphore, #tpu.memory_space<semaphore_mem>>) {add = true}
      } else {
      }
      %jit3A_446 = arith.constant 4 : i32
      %eq3A_447 = arith.constant 0 : i32
      %eq3A_448 = arith.cmpi eq, %jit3A_446, %eq3A_447 : i32
      %jit3A_449 = arith.constant 1 : i32
      %select_n3A_450 = arith.select %eq3A_448, %jit3A_449, %jit3A_446 : i32
      %rem3A_451 = arith.remsi %scan3A_411, %select_n3A_450 : i32
      %ne3A_452 = arith.constant 0 : i32
      %ne3A_453 = arith.cmpi ne, %rem3A_451, %ne3A_452 : i32
      %lt3A_454 = arith.constant 0 : i32
      %lt3A_455 = arith.cmpi slt, %rem3A_451, %lt3A_454 : i32
      %lt3A_456 = arith.constant 0 : i32
      %lt3A_457 = arith.cmpi slt, %select_n3A_450, %lt3A_456 : i32
      %ne3A_458 = arith.xori %lt3A_455, %lt3A_457 : i1
      %and3A_459 = arith.andi %ne3A_458, %ne3A_453 : i1
      %add3A_460 = arith.addi %rem3A_451, %select_n3A_450 : i32
      %select_n3A_461 = arith.select %and3A_459, %add3A_460, %rem3A_451 : i32
      %eq3A_462 = arith.constant 2 : i32
      %eq3A_463 = arith.cmpi eq, %select_n3A_461, %eq3A_462 : i32
      %convert_element_type3A_464 = arith.extui %eq3A_463 : i1 to i32
      %cond3A_465 = arith.constant 0 : i32
      %cond3A_466 = arith.cmpi ne, %convert_element_type3A_464, %cond3A_465 : i32
      scf.if %cond3A_466 {
        %add3A_489 = arith.constant 4 : i32
        %add3A_490 = arith.addi %scan3A_411, %add3A_489 : i32
        %sub3A = arith.constant 1 : i32
        %sub3A_491 = arith.subi %add3A_490, %sub3A : i32
        %lt3A_492 = arith.constant 40 : i32
        %lt3A_493 = arith.cmpi slt, %sub3A_491, %lt3A_492 : i32
        %convert_element_type3A_494 = arith.extui %lt3A_493 : i1 to i32
        %cond3A_495 = arith.constant 0 : i32
        %cond3A_496 = arith.cmpi ne, %convert_element_type3A_494, %cond3A_495 : i32
        scf.if %cond3A_496 {
          %ge3A = arith.constant 1 : i32
          %ge3A_517 = arith.cmpi sge, %scan3A_411, %ge3A : i32
          %convert_element_type3A_518 = arith.extui %ge3A_517 : i1 to i32
          %cond3A_519 = arith.constant 0 : i32
          %cond3A_520 = arith.cmpi ne, %convert_element_type3A_518, %cond3A_519 : i32
          scf.if %cond3A_520 {
            %sub3A_535 = arith.constant 1 : i32
            %sub3A_536 = arith.subi %scan3A_411, %sub3A_535 : i32
            %dma_wait3A_537 = arith.constant 0 : i32
            %dma_wait3A_538 = arith.constant 0 : i32
            %dma_wait3A_539 = tpu.memref_slice %arg9[%scan3A_258, %dma_wait3A_537, %dma_wait3A_538] : memref<4x64x128xf32, #tpu.memory_space<vmem>> -> memref<1x64x128xf32, #tpu.memory_space<vmem>>
            %dma_wait3A_540 = tpu.memref_squeeze %dma_wait3A_539 : memref<1x64x128xf32, #tpu.memory_space<vmem>> -> memref<64x128xf32, #tpu.memory_space<vmem>>
            %dma_wait3A_541 = arith.constant 0 : i32
            %dma_wait3A_542 = tpu.memref_slice %arg8[%sub3A_536, %dma_wait3A_541] : memref<40x64xi32, #tpu.memory_space<vmem>> -> memref<1x64xi32, #tpu.memory_space<vmem>>
            %dma_wait3A_543 = tpu.memref_squeeze %dma_wait3A_542 : memref<1x64xi32, #tpu.memory_space<vmem>> -> memref<64xi32, #tpu.memory_space<vmem>>
            %dma_wait3A_544 = arith.constant 0 : i32
            %dma_wait3A_545 = arith.constant 0 : i32
            %dma_wait3A_546 = tpu.memref_slice %arg10[%dma_wait3A_544, %dma_wait3A_545] : memref<10240x128xf32, #tpu.memory_space<vmem_shared>> -> memref<10240x128xf32, #tpu.memory_space<vmem_shared>>
            tpu.wait_indirect_dma semaphore(%arg16 : memref<!tpu.dma_semaphore, #tpu.memory_space<semaphore_mem>>) src(%dma_wait3A_540 : memref<64x128xf32, #tpu.memory_space<vmem>>) dst(%dma_wait3A_546 : memref<10240x128xf32, #tpu.memory_space<vmem_shared>>)
          } else {
          }
          %add3A_521 = arith.constant 4 : i32
          %add3A_522 = arith.addi %scan3A_411, %add3A_521 : i32
          %sub3A_523 = arith.constant 1 : i32
          %sub3A_524 = arith.subi %add3A_522, %sub3A_523 : i32
          %dma_start3A_525 = arith.constant 0 : i32
          %dma_start3A_526 = arith.constant 0 : i32
          %dma_start3A_527 = tpu.memref_slice %arg9[%scan3A_258, %dma_start3A_525, %dma_start3A_526] : memref<4x64x128xf32, #tpu.memory_space<vmem>> -> memref<1x64x128xf32, #tpu.memory_space<vmem>>
          %dma_start3A_528 = tpu.memref_squeeze %dma_start3A_527 : memref<1x64x128xf32, #tpu.memory_space<vmem>> -> memref<64x128xf32, #tpu.memory_space<vmem>>
          %dma_start3A_529 = arith.constant 0 : i32
          %dma_start3A_530 = tpu.memref_slice %arg7[%sub3A_524, %dma_start3A_529] : memref<40x64xi32, #tpu.memory_space<vmem>> -> memref<1x64xi32, #tpu.memory_space<vmem>>
          %dma_start3A_531 = tpu.memref_squeeze %dma_start3A_530 : memref<1x64xi32, #tpu.memory_space<vmem>> -> memref<64xi32, #tpu.memory_space<vmem>>
          %dma_start3A_532 = arith.constant 0 : i32
          %dma_start3A_533 = arith.constant 0 : i32
          %dma_start3A_534 = tpu.memref_slice %arg2[%dma_start3A_532, %dma_start3A_533] : memref<10240x128xf32, #tpu.memory_space<hbm>> -> memref<10240x128xf32, #tpu.memory_space<hbm>>
          tpu.enqueue_indirect_dma source(%dma_start3A_534 : memref<10240x128xf32, #tpu.memory_space<hbm>>) target(%dma_start3A_528 : memref<64x128xf32, #tpu.memory_space<vmem>>) offsets(%dma_start3A_531 : memref<64xi32, #tpu.memory_space<vmem>>) semaphore(%arg12 : memref<!tpu.dma_semaphore, #tpu.memory_space<semaphore_mem>>)
        } else {
        }
        %dma_wait3A_497 = arith.constant 0 : i32
        %dma_wait3A_498 = arith.constant 0 : i32
        %dma_wait3A_499 = tpu.memref_slice %arg9[%scan3A_259, %dma_wait3A_497, %dma_wait3A_498] : memref<4x64x128xf32, #tpu.memory_space<vmem>> -> memref<1x64x128xf32, #tpu.memory_space<vmem>>
        %dma_wait3A_500 = tpu.memref_squeeze %dma_wait3A_499 : memref<1x64x128xf32, #tpu.memory_space<vmem>> -> memref<64x128xf32, #tpu.memory_space<vmem>>
        %dma_wait3A_501 = arith.constant 0 : i32
        %dma_wait3A_502 = tpu.memref_slice %arg7[%scan3A_411, %dma_wait3A_501] : memref<40x64xi32, #tpu.memory_space<vmem>> -> memref<1x64xi32, #tpu.memory_space<vmem>>
        %dma_wait3A_503 = tpu.memref_squeeze %dma_wait3A_502 : memref<1x64xi32, #tpu.memory_space<vmem>> -> memref<64xi32, #tpu.memory_space<vmem>>
        %dma_wait3A_504 = arith.constant 0 : i32
        %dma_wait3A_505 = arith.constant 0 : i32
        %dma_wait3A_506 = tpu.memref_slice %arg2[%dma_wait3A_504, %dma_wait3A_505] : memref<10240x128xf32, #tpu.memory_space<hbm>> -> memref<10240x128xf32, #tpu.memory_space<hbm>>
        tpu.wait_indirect_dma semaphore(%arg13 : memref<!tpu.dma_semaphore, #tpu.memory_space<semaphore_mem>>) src(%dma_wait3A_506 : memref<10240x128xf32, #tpu.memory_space<hbm>>) dst(%dma_wait3A_500 : memref<64x128xf32, #tpu.memory_space<vmem>>)
        %dma_start3A_507 = arith.constant 0 : i32
        %dma_start3A_508 = arith.constant 0 : i32
        %dma_start3A_509 = tpu.memref_slice %arg9[%scan3A_259, %dma_start3A_507, %dma_start3A_508] : memref<4x64x128xf32, #tpu.memory_space<vmem>> -> memref<1x64x128xf32, #tpu.memory_space<vmem>>
        %dma_start3A_510 = tpu.memref_squeeze %dma_start3A_509 : memref<1x64x128xf32, #tpu.memory_space<vmem>> -> memref<64x128xf32, #tpu.memory_space<vmem>>
        %dma_start3A_511 = arith.constant 0 : i32
        %dma_start3A_512 = tpu.memref_slice %arg8[%scan3A_411, %dma_start3A_511] : memref<40x64xi32, #tpu.memory_space<vmem>> -> memref<1x64xi32, #tpu.memory_space<vmem>>
        %dma_start3A_513 = tpu.memref_squeeze %dma_start3A_512 : memref<1x64xi32, #tpu.memory_space<vmem>> -> memref<64xi32, #tpu.memory_space<vmem>>
        %dma_start3A_514 = arith.constant 0 : i32
        %dma_start3A_515 = arith.constant 0 : i32
        %dma_start3A_516 = tpu.memref_slice %arg10[%dma_start3A_514, %dma_start3A_515] : memref<10240x128xf32, #tpu.memory_space<vmem_shared>> -> memref<10240x128xf32, #tpu.memory_space<vmem_shared>>
        tpu.enqueue_indirect_dma source(%dma_start3A_510 : memref<64x128xf32, #tpu.memory_space<vmem>>) target(%dma_start3A_516 : memref<10240x128xf32, #tpu.memory_space<vmem_shared>>) offsets(%dma_start3A_513 : memref<64xi32, #tpu.memory_space<vmem>>) semaphore(%arg17 : memref<!tpu.dma_semaphore, #tpu.memory_space<semaphore_mem>>) {add = true}
      } else {
      }
      %jit3A_467 = arith.constant 4 : i32
      %eq3A_468 = arith.constant 0 : i32
      %eq3A_469 = arith.cmpi eq, %jit3A_467, %eq3A_468 : i32
      %jit3A_470 = arith.constant 1 : i32
      %select_n3A_471 = arith.select %eq3A_469, %jit3A_470, %jit3A_467 : i32
      %rem3A_472 = arith.remsi %scan3A_411, %select_n3A_471 : i32
      %ne3A_473 = arith.constant 0 : i32
      %ne3A_474 = arith.cmpi ne, %rem3A_472, %ne3A_473 : i32
      %lt3A_475 = arith.constant 0 : i32
      %lt3A_476 = arith.cmpi slt, %rem3A_472, %lt3A_475 : i32
      %lt3A_477 = arith.constant 0 : i32
      %lt3A_478 = arith.cmpi slt, %select_n3A_471, %lt3A_477 : i32
      %ne3A_479 = arith.xori %lt3A_476, %lt3A_478 : i1
      %and3A_480 = arith.andi %ne3A_479, %ne3A_474 : i1
      %add3A_481 = arith.addi %rem3A_472, %select_n3A_471 : i32
      %select_n3A_482 = arith.select %and3A_480, %add3A_481, %rem3A_472 : i32
      %eq3A_483 = arith.constant 3 : i32
      %eq3A_484 = arith.cmpi eq, %select_n3A_482, %eq3A_483 : i32
      %convert_element_type3A_485 = arith.extui %eq3A_484 : i1 to i32
      %cond3A_486 = arith.constant 0 : i32
      %cond3A_487 = arith.cmpi ne, %convert_element_type3A_485, %cond3A_486 : i32
      scf.if %cond3A_487 {
        %add3A_489 = arith.constant 4 : i32
        %add3A_490 = arith.addi %scan3A_411, %add3A_489 : i32
        %sub3A = arith.constant 1 : i32
        %sub3A_491 = arith.subi %add3A_490, %sub3A : i32
        %lt3A_492 = arith.constant 40 : i32
        %lt3A_493 = arith.cmpi slt, %sub3A_491, %lt3A_492 : i32
        %convert_element_type3A_494 = arith.extui %lt3A_493 : i1 to i32
        %cond3A_495 = arith.constant 0 : i32
        %cond3A_496 = arith.cmpi ne, %convert_element_type3A_494, %cond3A_495 : i32
        scf.if %cond3A_496 {
          %ge3A = arith.constant 1 : i32
          %ge3A_517 = arith.cmpi sge, %scan3A_411, %ge3A : i32
          %convert_element_type3A_518 = arith.extui %ge3A_517 : i1 to i32
          %cond3A_519 = arith.constant 0 : i32
          %cond3A_520 = arith.cmpi ne, %convert_element_type3A_518, %cond3A_519 : i32
          scf.if %cond3A_520 {
            %sub3A_535 = arith.constant 1 : i32
            %sub3A_536 = arith.subi %scan3A_411, %sub3A_535 : i32
            %dma_wait3A_537 = arith.constant 0 : i32
            %dma_wait3A_538 = arith.constant 0 : i32
            %dma_wait3A_539 = tpu.memref_slice %arg9[%scan3A_259, %dma_wait3A_537, %dma_wait3A_538] : memref<4x64x128xf32, #tpu.memory_space<vmem>> -> memref<1x64x128xf32, #tpu.memory_space<vmem>>
            %dma_wait3A_540 = tpu.memref_squeeze %dma_wait3A_539 : memref<1x64x128xf32, #tpu.memory_space<vmem>> -> memref<64x128xf32, #tpu.memory_space<vmem>>
            %dma_wait3A_541 = arith.constant 0 : i32
            %dma_wait3A_542 = tpu.memref_slice %arg8[%sub3A_536, %dma_wait3A_541] : memref<40x64xi32, #tpu.memory_space<vmem>> -> memref<1x64xi32, #tpu.memory_space<vmem>>
            %dma_wait3A_543 = tpu.memref_squeeze %dma_wait3A_542 : memref<1x64xi32, #tpu.memory_space<vmem>> -> memref<64xi32, #tpu.memory_space<vmem>>
            %dma_wait3A_544 = arith.constant 0 : i32
            %dma_wait3A_545 = arith.constant 0 : i32
            %dma_wait3A_546 = tpu.memref_slice %arg10[%dma_wait3A_544, %dma_wait3A_545] : memref<10240x128xf32, #tpu.memory_space<vmem_shared>> -> memref<10240x128xf32, #tpu.memory_space<vmem_shared>>
            tpu.wait_indirect_dma semaphore(%arg17 : memref<!tpu.dma_semaphore, #tpu.memory_space<semaphore_mem>>) src(%dma_wait3A_540 : memref<64x128xf32, #tpu.memory_space<vmem>>) dst(%dma_wait3A_546 : memref<10240x128xf32, #tpu.memory_space<vmem_shared>>)
          } else {
          }
          %add3A_521 = arith.constant 4 : i32
          %add3A_522 = arith.addi %scan3A_411, %add3A_521 : i32
          %sub3A_523 = arith.constant 1 : i32
          %sub3A_524 = arith.subi %add3A_522, %sub3A_523 : i32
          %dma_start3A_525 = arith.constant 0 : i32
          %dma_start3A_526 = arith.constant 0 : i32
          %dma_start3A_527 = tpu.memref_slice %arg9[%scan3A_259, %dma_start3A_525, %dma_start3A_526] : memref<4x64x128xf32, #tpu.memory_space<vmem>> -> memref<1x64x128xf32, #tpu.memory_space<vmem>>
          %dma_start3A_528 = tpu.memref_squeeze %dma_start3A_527 : memref<1x64x128xf32, #tpu.memory_space<vmem>> -> memref<64x128xf32, #tpu.memory_space<vmem>>
          %dma_start3A_529 = arith.constant 0 : i32
          %dma_start3A_530 = tpu.memref_slice %arg7[%sub3A_524, %dma_start3A_529] : memref<40x64xi32, #tpu.memory_space<vmem>> -> memref<1x64xi32, #tpu.memory_space<vmem>>
          %dma_start3A_531 = tpu.memref_squeeze %dma_start3A_530 : memref<1x64xi32, #tpu.memory_space<vmem>> -> memref<64xi32, #tpu.memory_space<vmem>>
          %dma_start3A_532 = arith.constant 0 : i32
          %dma_start3A_533 = arith.constant 0 : i32
          %dma_start3A_534 = tpu.memref_slice %arg2[%dma_start3A_532, %dma_start3A_533] : memref<10240x128xf32, #tpu.memory_space<hbm>> -> memref<10240x128xf32, #tpu.memory_space<hbm>>
          tpu.enqueue_indirect_dma source(%dma_start3A_534 : memref<10240x128xf32, #tpu.memory_space<hbm>>) target(%dma_start3A_528 : memref<64x128xf32, #tpu.memory_space<vmem>>) offsets(%dma_start3A_531 : memref<64xi32, #tpu.memory_space<vmem>>) semaphore(%arg13 : memref<!tpu.dma_semaphore, #tpu.memory_space<semaphore_mem>>)
        } else {
        }
        %dma_wait3A_497 = arith.constant 0 : i32
        %dma_wait3A_498 = arith.constant 0 : i32
        %dma_wait3A_499 = tpu.memref_slice %arg9[%scan3A_256, %dma_wait3A_497, %dma_wait3A_498] : memref<4x64x128xf32, #tpu.memory_space<vmem>> -> memref<1x64x128xf32, #tpu.memory_space<vmem>>
        %dma_wait3A_500 = tpu.memref_squeeze %dma_wait3A_499 : memref<1x64x128xf32, #tpu.memory_space<vmem>> -> memref<64x128xf32, #tpu.memory_space<vmem>>
        %dma_wait3A_501 = arith.constant 0 : i32
        %dma_wait3A_502 = tpu.memref_slice %arg7[%scan3A_411, %dma_wait3A_501] : memref<40x64xi32, #tpu.memory_space<vmem>> -> memref<1x64xi32, #tpu.memory_space<vmem>>
        %dma_wait3A_503 = tpu.memref_squeeze %dma_wait3A_502 : memref<1x64xi32, #tpu.memory_space<vmem>> -> memref<64xi32, #tpu.memory_space<vmem>>
        %dma_wait3A_504 = arith.constant 0 : i32
        %dma_wait3A_505 = arith.constant 0 : i32
        %dma_wait3A_506 = tpu.memref_slice %arg2[%dma_wait3A_504, %dma_wait3A_505] : memref<10240x128xf32, #tpu.memory_space<hbm>> -> memref<10240x128xf32, #tpu.memory_space<hbm>>
        tpu.wait_indirect_dma semaphore(%arg14 : memref<!tpu.dma_semaphore, #tpu.memory_space<semaphore_mem>>) src(%dma_wait3A_506 : memref<10240x128xf32, #tpu.memory_space<hbm>>) dst(%dma_wait3A_500 : memref<64x128xf32, #tpu.memory_space<vmem>>)
        %dma_start3A_507 = arith.constant 0 : i32
        %dma_start3A_508 = arith.constant 0 : i32
        %dma_start3A_509 = tpu.memref_slice %arg9[%scan3A_256, %dma_start3A_507, %dma_start3A_508] : memref<4x64x128xf32, #tpu.memory_space<vmem>> -> memref<1x64x128xf32, #tpu.memory_space<vmem>>
        %dma_start3A_510 = tpu.memref_squeeze %dma_start3A_509 : memref<1x64x128xf32, #tpu.memory_space<vmem>> -> memref<64x128xf32, #tpu.memory_space<vmem>>
        %dma_start3A_511 = arith.constant 0 : i32
        %dma_start3A_512 = tpu.memref_slice %arg8[%scan3A_411, %dma_start3A_511] : memref<40x64xi32, #tpu.memory_space<vmem>> -> memref<1x64xi32, #tpu.memory_space<vmem>>
        %dma_start3A_513 = tpu.memref_squeeze %dma_start3A_512 : memref<1x64xi32, #tpu.memory_space<vmem>> -> memref<64xi32, #tpu.memory_space<vmem>>
        %dma_start3A_514 = arith.constant 0 : i32
        %dma_start3A_515 = arith.constant 0 : i32
        %dma_start3A_516 = tpu.memref_slice %arg10[%dma_start3A_514, %dma_start3A_515] : memref<10240x128xf32, #tpu.memory_space<vmem_shared>> -> memref<10240x128xf32, #tpu.memory_space<vmem_shared>>
        tpu.enqueue_indirect_dma source(%dma_start3A_510 : memref<64x128xf32, #tpu.memory_space<vmem>>) target(%dma_start3A_516 : memref<10240x128xf32, #tpu.memory_space<vmem_shared>>) offsets(%dma_start3A_513 : memref<64xi32, #tpu.memory_space<vmem>>) semaphore(%arg18 : memref<!tpu.dma_semaphore, #tpu.memory_space<semaphore_mem>>) {add = true}
      } else {
      }
      %scan3A_488 = arith.constant 0 : i32
      scf.yield %scan3A_488 : i32
    }
    %scan3A_266 = arith.constant 40 : i32
    %dma_wait3A_267 = arith.constant 0 : i32
    %dma_wait3A_268 = arith.constant 36 : i32
    %dma_wait3A_269 = arith.constant 0 : i32
    %dma_wait3A_270 = arith.constant 0 : i32
    %dma_wait3A_271 = tpu.memref_slice %arg9[%dma_wait3A_267, %dma_wait3A_269, %dma_wait3A_270] : memref<4x64x128xf32, #tpu.memory_space<vmem>> -> memref<1x64x128xf32, #tpu.memory_space<vmem>>
    %dma_wait3A_272 = tpu.memref_squeeze %dma_wait3A_271 : memref<1x64x128xf32, #tpu.memory_space<vmem>> -> memref<64x128xf32, #tpu.memory_space<vmem>>
    %dma_wait3A_273 = arith.constant 0 : i32
    %dma_wait3A_274 = tpu.memref_slice %arg8[%dma_wait3A_268, %dma_wait3A_273] : memref<40x64xi32, #tpu.memory_space<vmem>> -> memref<1x64xi32, #tpu.memory_space<vmem>>
    %dma_wait3A_275 = tpu.memref_squeeze %dma_wait3A_274 : memref<1x64xi32, #tpu.memory_space<vmem>> -> memref<64xi32, #tpu.memory_space<vmem>>
    %dma_wait3A_276 = arith.constant 0 : i32
    %dma_wait3A_277 = arith.constant 0 : i32
    %dma_wait3A_278 = tpu.memref_slice %arg10[%dma_wait3A_276, %dma_wait3A_277] : memref<10240x128xf32, #tpu.memory_space<vmem_shared>> -> memref<10240x128xf32, #tpu.memory_space<vmem_shared>>
    tpu.wait_indirect_dma semaphore(%arg15 : memref<!tpu.dma_semaphore, #tpu.memory_space<semaphore_mem>>) src(%dma_wait3A_272 : memref<64x128xf32, #tpu.memory_space<vmem>>) dst(%dma_wait3A_278 : memref<10240x128xf32, #tpu.memory_space<vmem_shared>>)
    %dma_wait3A_279 = arith.constant 1 : i32
    %dma_wait3A_280 = arith.constant 37 : i32
    %dma_wait3A_281 = arith.constant 0 : i32
    %dma_wait3A_282 = arith.constant 0 : i32
    %dma_wait3A_283 = tpu.memref_slice %arg9[%dma_wait3A_279, %dma_wait3A_281, %dma_wait3A_282] : memref<4x64x128xf32, #tpu.memory_space<vmem>> -> memref<1x64x128xf32, #tpu.memory_space<vmem>>
    %dma_wait3A_284 = tpu.memref_squeeze %dma_wait3A_283 : memref<1x64x128xf32, #tpu.memory_space<vmem>> -> memref<64x128xf32, #tpu.memory_space<vmem>>
    %dma_wait3A_285 = arith.constant 0 : i32
    %dma_wait3A_286 = tpu.memref_slice %arg8[%dma_wait3A_280, %dma_wait3A_285] : memref<40x64xi32, #tpu.memory_space<vmem>> -> memref<1x64xi32, #tpu.memory_space<vmem>>
    %dma_wait3A_287 = tpu.memref_squeeze %dma_wait3A_286 : memref<1x64xi32, #tpu.memory_space<vmem>> -> memref<64xi32, #tpu.memory_space<vmem>>
    %dma_wait3A_288 = arith.constant 0 : i32
    %dma_wait3A_289 = arith.constant 0 : i32
    %dma_wait3A_290 = tpu.memref_slice %arg10[%dma_wait3A_288, %dma_wait3A_289] : memref<10240x128xf32, #tpu.memory_space<vmem_shared>> -> memref<10240x128xf32, #tpu.memory_space<vmem_shared>>
    tpu.wait_indirect_dma semaphore(%arg16 : memref<!tpu.dma_semaphore, #tpu.memory_space<semaphore_mem>>) src(%dma_wait3A_284 : memref<64x128xf32, #tpu.memory_space<vmem>>) dst(%dma_wait3A_290 : memref<10240x128xf32, #tpu.memory_space<vmem_shared>>)
    %dma_wait3A_291 = arith.constant 2 : i32
    %dma_wait3A_292 = arith.constant 38 : i32
    %dma_wait3A_293 = arith.constant 0 : i32
    %dma_wait3A_294 = arith.constant 0 : i32
    %dma_wait3A_295 = tpu.memref_slice %arg9[%dma_wait3A_291, %dma_wait3A_293, %dma_wait3A_294] : memref<4x64x128xf32, #tpu.memory_space<vmem>> -> memref<1x64x128xf32, #tpu.memory_space<vmem>>
    %dma_wait3A_296 = tpu.memref_squeeze %dma_wait3A_295 : memref<1x64x128xf32, #tpu.memory_space<vmem>> -> memref<64x128xf32, #tpu.memory_space<vmem>>
    %dma_wait3A_297 = arith.constant 0 : i32
    %dma_wait3A_298 = tpu.memref_slice %arg8[%dma_wait3A_292, %dma_wait3A_297] : memref<40x64xi32, #tpu.memory_space<vmem>> -> memref<1x64xi32, #tpu.memory_space<vmem>>
    %dma_wait3A_299 = tpu.memref_squeeze %dma_wait3A_298 : memref<1x64xi32, #tpu.memory_space<vmem>> -> memref<64xi32, #tpu.memory_space<vmem>>
    %dma_wait3A_300 = arith.constant 0 : i32
    %dma_wait3A_301 = arith.constant 0 : i32
    %dma_wait3A_302 = tpu.memref_slice %arg10[%dma_wait3A_300, %dma_wait3A_301] : memref<10240x128xf32, #tpu.memory_space<vmem_shared>> -> memref<10240x128xf32, #tpu.memory_space<vmem_shared>>
    tpu.wait_indirect_dma semaphore(%arg17 : memref<!tpu.dma_semaphore, #tpu.memory_space<semaphore_mem>>) src(%dma_wait3A_296 : memref<64x128xf32, #tpu.memory_space<vmem>>) dst(%dma_wait3A_302 : memref<10240x128xf32, #tpu.memory_space<vmem_shared>>)
    %dma_wait3A_303 = arith.constant 3 : i32
    %dma_wait3A_304 = arith.constant 39 : i32
    %dma_wait3A_305 = arith.constant 0 : i32
    %dma_wait3A_306 = arith.constant 0 : i32
    %dma_wait3A_307 = tpu.memref_slice %arg9[%dma_wait3A_303, %dma_wait3A_305, %dma_wait3A_306] : memref<4x64x128xf32, #tpu.memory_space<vmem>> -> memref<1x64x128xf32, #tpu.memory_space<vmem>>
    %dma_wait3A_308 = tpu.memref_squeeze %dma_wait3A_307 : memref<1x64x128xf32, #tpu.memory_space<vmem>> -> memref<64x128xf32, #tpu.memory_space<vmem>>
    %dma_wait3A_309 = arith.constant 0 : i32
    %dma_wait3A_310 = tpu.memref_slice %arg8[%dma_wait3A_304, %dma_wait3A_309] : memref<40x64xi32, #tpu.memory_space<vmem>> -> memref<1x64xi32, #tpu.memory_space<vmem>>
    %dma_wait3A_311 = tpu.memref_squeeze %dma_wait3A_310 : memref<1x64xi32, #tpu.memory_space<vmem>> -> memref<64xi32, #tpu.memory_space<vmem>>
    %dma_wait3A_312 = arith.constant 0 : i32
    %dma_wait3A_313 = arith.constant 0 : i32
    %dma_wait3A_314 = tpu.memref_slice %arg10[%dma_wait3A_312, %dma_wait3A_313] : memref<10240x128xf32, #tpu.memory_space<vmem_shared>> -> memref<10240x128xf32, #tpu.memory_space<vmem_shared>>
    tpu.wait_indirect_dma semaphore(%arg18 : memref<!tpu.dma_semaphore, #tpu.memory_space<semaphore_mem>>) src(%dma_wait3A_308 : memref<64x128xf32, #tpu.memory_space<vmem>>) dst(%dma_wait3A_314 : memref<10240x128xf32, #tpu.memory_space<vmem_shared>>)
    "tpu.region"() ({
      %run_scoped3A_411 = tpu.sem_alloc : memref<!tpu.dma_semaphore, #tpu.memory_space<semaphore_mem>>
      %dma_start3A_412 = arith.constant 0 : i32
      %dma_start3A_413 = arith.constant 0 : i32
      %dma_start3A_414 = tpu.memref_slice %arg7[%dma_start3A_412, %dma_start3A_413] : memref<40x64xi32, #tpu.memory_space<vmem>> -> memref<38x64xi32, #tpu.memory_space<vmem>>
      %dma_start3A_415 = arith.constant 0 : i32
      %dma_start3A_416 = arith.constant 0 : i32
      %dma_start3A_417 = tpu.memref_slice %arg3[%add3A, %dma_start3A_415, %dma_start3A_416] : memref<32x158x64xi32, #tpu.memory_space<hbm>> -> memref<1x158x64xi32, #tpu.memory_space<hbm>>
      %dma_start3A_418 = tpu.memref_squeeze %dma_start3A_417 : memref<1x158x64xi32, #tpu.memory_space<hbm>> -> memref<158x64xi32, #tpu.memory_space<hbm>>
      %dma_start3A_419 = arith.constant 120 : i32
      %dma_start3A_420 = arith.constant 0 : i32
      %dma_start3A_421 = tpu.memref_slice %dma_start3A_418[%dma_start3A_419, %dma_start3A_420] : memref<158x64xi32, #tpu.memory_space<hbm>> -> memref<38x64xi32, #tpu.memory_space<hbm>>
      %dma_start3A_422 = arith.constant 0 : i32
      %dma_start3A_423 = arith.constant 0 : i32
      %dma_start3A_424 = tpu.memref_slice %arg7[%dma_start3A_422, %dma_start3A_423] : memref<40x64xi32, #tpu.memory_space<vmem>> -> memref<38x64xi32, #tpu.memory_space<vmem>>
      %dma_start3A_425 = arith.constant 0 : i32
      %dma_start3A_426 = arith.constant 0 : i32
      %dma_start3A_427 = tpu.memref_slice %arg3[%add3A, %dma_start3A_425, %dma_start3A_426] : memref<32x158x64xi32, #tpu.memory_space<hbm>> -> memref<1x158x64xi32, #tpu.memory_space<hbm>>
      %dma_start3A_428 = tpu.memref_squeeze %dma_start3A_427 : memref<1x158x64xi32, #tpu.memory_space<hbm>> -> memref<158x64xi32, #tpu.memory_space<hbm>>
      %dma_start3A_429 = arith.constant 120 : i32
      %dma_start3A_430 = arith.constant 0 : i32
      %dma_start3A_431 = tpu.memref_slice %dma_start3A_428[%dma_start3A_429, %dma_start3A_430] : memref<158x64xi32, #tpu.memory_space<hbm>> -> memref<38x64xi32, #tpu.memory_space<hbm>>
      tpu.enqueue_dma source(%dma_start3A_431 : memref<38x64xi32, #tpu.memory_space<hbm>>) target(%dma_start3A_424 : memref<38x64xi32, #tpu.memory_space<vmem>>) target_semaphore(%run_scoped3A_411 : memref<!tpu.dma_semaphore, #tpu.memory_space<semaphore_mem>>)
      %dma_wait3A_432 = arith.constant 0 : i32
      %dma_wait3A_433 = arith.constant 0 : i32
      %dma_wait3A_434 = tpu.memref_slice %arg7[%dma_wait3A_432, %dma_wait3A_433] : memref<40x64xi32, #tpu.memory_space<vmem>> -> memref<38x64xi32, #tpu.memory_space<vmem>>
      %dma_wait3A_435 = arith.constant 0 : i32
      %dma_wait3A_436 = arith.constant 0 : i32
      %dma_wait3A_437 = tpu.memref_slice %arg3[%add3A, %dma_wait3A_435, %dma_wait3A_436] : memref<32x158x64xi32, #tpu.memory_space<hbm>> -> memref<1x158x64xi32, #tpu.memory_space<hbm>>
      %dma_wait3A_438 = tpu.memref_squeeze %dma_wait3A_437 : memref<1x158x64xi32, #tpu.memory_space<hbm>> -> memref<158x64xi32, #tpu.memory_space<hbm>>
      %dma_wait3A_439 = arith.constant 120 : i32
      %dma_wait3A_440 = arith.constant 0 : i32
      %dma_wait3A_441 = tpu.memref_slice %dma_wait3A_438[%dma_wait3A_439, %dma_wait3A_440] : memref<158x64xi32, #tpu.memory_space<hbm>> -> memref<38x64xi32, #tpu.memory_space<hbm>>
      %dma_wait3A_442 = arith.constant 0 : i32
      %dma_wait3A_443 = arith.constant 0 : i32
      %dma_wait3A_444 = tpu.memref_slice %arg7[%dma_wait3A_442, %dma_wait3A_443] : memref<40x64xi32, #tpu.memory_space<vmem>> -> memref<38x64xi32, #tpu.memory_space<vmem>>
      %dma_wait3A_445 = arith.constant 0 : i32
      %dma_wait3A_446 = arith.constant 0 : i32
      %dma_wait3A_447 = tpu.memref_slice %arg3[%add3A, %dma_wait3A_445, %dma_wait3A_446] : memref<32x158x64xi32, #tpu.memory_space<hbm>> -> memref<1x158x64xi32, #tpu.memory_space<hbm>>
      %dma_wait3A_448 = tpu.memref_squeeze %dma_wait3A_447 : memref<1x158x64xi32, #tpu.memory_space<hbm>> -> memref<158x64xi32, #tpu.memory_space<hbm>>
      %dma_wait3A_449 = arith.constant 120 : i32
      %dma_wait3A_450 = arith.constant 0 : i32
      %dma_wait3A_451 = tpu.memref_slice %dma_wait3A_448[%dma_wait3A_449, %dma_wait3A_450] : memref<158x64xi32, #tpu.memory_space<hbm>> -> memref<38x64xi32, #tpu.memory_space<hbm>>
      tpu.wait_dma2 semaphore(%run_scoped3A_411 : memref<!tpu.dma_semaphore, #tpu.memory_space<semaphore_mem>>) src(%dma_wait3A_451 : memref<38x64xi32, #tpu.memory_space<hbm>>) dst(%dma_wait3A_444 : memref<38x64xi32, #tpu.memory_space<vmem>>)
      tpu.yield
    }) : () -> ()
    "tpu.region"() ({
      %run_scoped3A_411 = tpu.sem_alloc : memref<!tpu.dma_semaphore, #tpu.memory_space<semaphore_mem>>
      %dma_start3A_412 = arith.constant 0 : i32
      %dma_start3A_413 = arith.constant 0 : i32
      %dma_start3A_414 = tpu.memref_slice %arg8[%dma_start3A_412, %dma_start3A_413] : memref<40x64xi32, #tpu.memory_space<vmem>> -> memref<38x64xi32, #tpu.memory_space<vmem>>
      %dma_start3A_415 = arith.constant 0 : i32
      %dma_start3A_416 = arith.constant 0 : i32
      %dma_start3A_417 = tpu.memref_slice %arg4[%add3A, %dma_start3A_415, %dma_start3A_416] : memref<32x158x64xi32, #tpu.memory_space<hbm>> -> memref<1x158x64xi32, #tpu.memory_space<hbm>>
      %dma_start3A_418 = tpu.memref_squeeze %dma_start3A_417 : memref<1x158x64xi32, #tpu.memory_space<hbm>> -> memref<158x64xi32, #tpu.memory_space<hbm>>
      %dma_start3A_419 = arith.constant 120 : i32
      %dma_start3A_420 = arith.constant 0 : i32
      %dma_start3A_421 = tpu.memref_slice %dma_start3A_418[%dma_start3A_419, %dma_start3A_420] : memref<158x64xi32, #tpu.memory_space<hbm>> -> memref<38x64xi32, #tpu.memory_space<hbm>>
      %dma_start3A_422 = arith.constant 0 : i32
      %dma_start3A_423 = arith.constant 0 : i32
      %dma_start3A_424 = tpu.memref_slice %arg8[%dma_start3A_422, %dma_start3A_423] : memref<40x64xi32, #tpu.memory_space<vmem>> -> memref<38x64xi32, #tpu.memory_space<vmem>>
      %dma_start3A_425 = arith.constant 0 : i32
      %dma_start3A_426 = arith.constant 0 : i32
      %dma_start3A_427 = tpu.memref_slice %arg4[%add3A, %dma_start3A_425, %dma_start3A_426] : memref<32x158x64xi32, #tpu.memory_space<hbm>> -> memref<1x158x64xi32, #tpu.memory_space<hbm>>
      %dma_start3A_428 = tpu.memref_squeeze %dma_start3A_427 : memref<1x158x64xi32, #tpu.memory_space<hbm>> -> memref<158x64xi32, #tpu.memory_space<hbm>>
      %dma_start3A_429 = arith.constant 120 : i32
      %dma_start3A_430 = arith.constant 0 : i32
      %dma_start3A_431 = tpu.memref_slice %dma_start3A_428[%dma_start3A_429, %dma_start3A_430] : memref<158x64xi32, #tpu.memory_space<hbm>> -> memref<38x64xi32, #tpu.memory_space<hbm>>
      tpu.enqueue_dma source(%dma_start3A_431 : memref<38x64xi32, #tpu.memory_space<hbm>>) target(%dma_start3A_424 : memref<38x64xi32, #tpu.memory_space<vmem>>) target_semaphore(%run_scoped3A_411 : memref<!tpu.dma_semaphore, #tpu.memory_space<semaphore_mem>>)
      %dma_wait3A_432 = arith.constant 0 : i32
      %dma_wait3A_433 = arith.constant 0 : i32
      %dma_wait3A_434 = tpu.memref_slice %arg8[%dma_wait3A_432, %dma_wait3A_433] : memref<40x64xi32, #tpu.memory_space<vmem>> -> memref<38x64xi32, #tpu.memory_space<vmem>>
      %dma_wait3A_435 = arith.constant 0 : i32
      %dma_wait3A_436 = arith.constant 0 : i32
      %dma_wait3A_437 = tpu.memref_slice %arg4[%add3A, %dma_wait3A_435, %dma_wait3A_436] : memref<32x158x64xi32, #tpu.memory_space<hbm>> -> memref<1x158x64xi32, #tpu.memory_space<hbm>>
      %dma_wait3A_438 = tpu.memref_squeeze %dma_wait3A_437 : memref<1x158x64xi32, #tpu.memory_space<hbm>> -> memref<158x64xi32, #tpu.memory_space<hbm>>
      %dma_wait3A_439 = arith.constant 120 : i32
      %dma_wait3A_440 = arith.constant 0 : i32
      %dma_wait3A_441 = tpu.memref_slice %dma_wait3A_438[%dma_wait3A_439, %dma_wait3A_440] : memref<158x64xi32, #tpu.memory_space<hbm>> -> memref<38x64xi32, #tpu.memory_space<hbm>>
      %dma_wait3A_442 = arith.constant 0 : i32
      %dma_wait3A_443 = arith.constant 0 : i32
      %dma_wait3A_444 = tpu.memref_slice %arg8[%dma_wait3A_442, %dma_wait3A_443] : memref<40x64xi32, #tpu.memory_space<vmem>> -> memref<38x64xi32, #tpu.memory_space<vmem>>
      %dma_wait3A_445 = arith.constant 0 : i32
      %dma_wait3A_446 = arith.constant 0 : i32
      %dma_wait3A_447 = tpu.memref_slice %arg4[%add3A, %dma_wait3A_445, %dma_wait3A_446] : memref<32x158x64xi32, #tpu.memory_space<hbm>> -> memref<1x158x64xi32, #tpu.memory_space<hbm>>
      %dma_wait3A_448 = tpu.memref_squeeze %dma_wait3A_447 : memref<1x158x64xi32, #tpu.memory_space<hbm>> -> memref<158x64xi32, #tpu.memory_space<hbm>>
      %dma_wait3A_449 = arith.constant 120 : i32
      %dma_wait3A_450 = arith.constant 0 : i32
      %dma_wait3A_451 = tpu.memref_slice %dma_wait3A_448[%dma_wait3A_449, %dma_wait3A_450] : memref<158x64xi32, #tpu.memory_space<hbm>> -> memref<38x64xi32, #tpu.memory_space<hbm>>
      tpu.wait_dma2 semaphore(%run_scoped3A_411 : memref<!tpu.dma_semaphore, #tpu.memory_space<semaphore_mem>>) src(%dma_wait3A_451 : memref<38x64xi32, #tpu.memory_space<hbm>>) dst(%dma_wait3A_444 : memref<38x64xi32, #tpu.memory_space<vmem>>)
      tpu.yield
    }) : () -> ()
    %dma_start3A_315 = arith.constant 0 : i32
    %dma_start3A_316 = arith.constant 0 : i32
    %dma_start3A_317 = arith.constant 0 : i32
    %dma_start3A_318 = arith.constant 0 : i32
    %dma_start3A_319 = tpu.memref_slice %arg9[%dma_start3A_316, %dma_start3A_317, %dma_start3A_318] : memref<4x64x128xf32, #tpu.memory_space<vmem>> -> memref<1x64x128xf32, #tpu.memory_space<vmem>>
    %dma_start3A_320 = tpu.memref_squeeze %dma_start3A_319 : memref<1x64x128xf32, #tpu.memory_space<vmem>> -> memref<64x128xf32, #tpu.memory_space<vmem>>
    %dma_start3A_321 = arith.constant 0 : i32
    %dma_start3A_322 = tpu.memref_slice %arg7[%dma_start3A_315, %dma_start3A_321] : memref<40x64xi32, #tpu.memory_space<vmem>> -> memref<1x64xi32, #tpu.memory_space<vmem>>
    %dma_start3A_323 = tpu.memref_squeeze %dma_start3A_322 : memref<1x64xi32, #tpu.memory_space<vmem>> -> memref<64xi32, #tpu.memory_space<vmem>>
    %dma_start3A_324 = arith.constant 0 : i32
    %dma_start3A_325 = arith.constant 0 : i32
    %dma_start3A_326 = tpu.memref_slice %arg2[%dma_start3A_324, %dma_start3A_325] : memref<10240x128xf32, #tpu.memory_space<hbm>> -> memref<10240x128xf32, #tpu.memory_space<hbm>>
    tpu.enqueue_indirect_dma source(%dma_start3A_326 : memref<10240x128xf32, #tpu.memory_space<hbm>>) target(%dma_start3A_320 : memref<64x128xf32, #tpu.memory_space<vmem>>) offsets(%dma_start3A_323 : memref<64xi32, #tpu.memory_space<vmem>>) semaphore(%arg11 : memref<!tpu.dma_semaphore, #tpu.memory_space<semaphore_mem>>)
    %dma_start3A_327 = arith.constant 1 : i32
    %dma_start3A_328 = arith.constant 1 : i32
    %dma_start3A_329 = arith.constant 0 : i32
    %dma_start3A_330 = arith.constant 0 : i32
    %dma_start3A_331 = tpu.memref_slice %arg9[%dma_start3A_328, %dma_start3A_329, %dma_start3A_330] : memref<4x64x128xf32, #tpu.memory_space<vmem>> -> memref<1x64x128xf32, #tpu.memory_space<vmem>>
    %dma_start3A_332 = tpu.memref_squeeze %dma_start3A_331 : memref<1x64x128xf32, #tpu.memory_space<vmem>> -> memref<64x128xf32, #tpu.memory_space<vmem>>
    %dma_start3A_333 = arith.constant 0 : i32
    %dma_start3A_334 = tpu.memref_slice %arg7[%dma_start3A_327, %dma_start3A_333] : memref<40x64xi32, #tpu.memory_space<vmem>> -> memref<1x64xi32, #tpu.memory_space<vmem>>
    %dma_start3A_335 = tpu.memref_squeeze %dma_start3A_334 : memref<1x64xi32, #tpu.memory_space<vmem>> -> memref<64xi32, #tpu.memory_space<vmem>>
    %dma_start3A_336 = arith.constant 0 : i32
    %dma_start3A_337 = arith.constant 0 : i32
    %dma_start3A_338 = tpu.memref_slice %arg2[%dma_start3A_336, %dma_start3A_337] : memref<10240x128xf32, #tpu.memory_space<hbm>> -> memref<10240x128xf32, #tpu.memory_space<hbm>>
    tpu.enqueue_indirect_dma source(%dma_start3A_338 : memref<10240x128xf32, #tpu.memory_space<hbm>>) target(%dma_start3A_332 : memref<64x128xf32, #tpu.memory_space<vmem>>) offsets(%dma_start3A_335 : memref<64xi32, #tpu.memory_space<vmem>>) semaphore(%arg12 : memref<!tpu.dma_semaphore, #tpu.memory_space<semaphore_mem>>)
    %dma_start3A_339 = arith.constant 2 : i32
    %dma_start3A_340 = arith.constant 2 : i32
    %dma_start3A_341 = arith.constant 0 : i32
    %dma_start3A_342 = arith.constant 0 : i32
    %dma_start3A_343 = tpu.memref_slice %arg9[%dma_start3A_340, %dma_start3A_341, %dma_start3A_342] : memref<4x64x128xf32, #tpu.memory_space<vmem>> -> memref<1x64x128xf32, #tpu.memory_space<vmem>>
    %dma_start3A_344 = tpu.memref_squeeze %dma_start3A_343 : memref<1x64x128xf32, #tpu.memory_space<vmem>> -> memref<64x128xf32, #tpu.memory_space<vmem>>
    %dma_start3A_345 = arith.constant 0 : i32
    %dma_start3A_346 = tpu.memref_slice %arg7[%dma_start3A_339, %dma_start3A_345] : memref<40x64xi32, #tpu.memory_space<vmem>> -> memref<1x64xi32, #tpu.memory_space<vmem>>
    %dma_start3A_347 = tpu.memref_squeeze %dma_start3A_346 : memref<1x64xi32, #tpu.memory_space<vmem>> -> memref<64xi32, #tpu.memory_space<vmem>>
    %dma_start3A_348 = arith.constant 0 : i32
    %dma_start3A_349 = arith.constant 0 : i32
    %dma_start3A_350 = tpu.memref_slice %arg2[%dma_start3A_348, %dma_start3A_349] : memref<10240x128xf32, #tpu.memory_space<hbm>> -> memref<10240x128xf32, #tpu.memory_space<hbm>>
    tpu.enqueue_indirect_dma source(%dma_start3A_350 : memref<10240x128xf32, #tpu.memory_space<hbm>>) target(%dma_start3A_344 : memref<64x128xf32, #tpu.memory_space<vmem>>) offsets(%dma_start3A_347 : memref<64xi32, #tpu.memory_space<vmem>>) semaphore(%arg13 : memref<!tpu.dma_semaphore, #tpu.memory_space<semaphore_mem>>)
    %scan3A_351 = arith.constant 3 : i32
    %scan3A_352 = arith.constant 0 : i32
    %scan3A_353 = arith.constant 1 : i32
    %scan3A_354 = arith.constant 2 : i32
    %scan3A_355 = arith.constant 0 : i32
    %scan3A_356 = arith.constant 0 : i32
    %scan3A_357 = arith.constant 38 : i32
    %scan3A_358 = arith.addi %scan3A_356, %scan3A_357 : i32
    %scan3A_359 = arith.constant 1 : i32
    %scan3A_360 = scf.for %scan3A_411 = %scan3A_356 to %scan3A_358 step %scan3A_359 iter_args(%scan3A_412 = %scan3A_355) -> (i32)  : i32 {
      %jit3A = arith.constant 4 : i32
      %eq3A = arith.constant 0 : i32
      %eq3A_413 = arith.cmpi eq, %jit3A, %eq3A : i32
      %jit3A_414 = arith.constant 1 : i32
      %select_n3A = arith.select %eq3A_413, %jit3A_414, %jit3A : i32
      %rem3A = arith.remsi %scan3A_411, %select_n3A : i32
      %ne3A = arith.constant 0 : i32
      %ne3A_415 = arith.cmpi ne, %rem3A, %ne3A : i32
      %lt3A = arith.constant 0 : i32
      %lt3A_416 = arith.cmpi slt, %rem3A, %lt3A : i32
      %lt3A_417 = arith.constant 0 : i32
      %lt3A_418 = arith.cmpi slt, %select_n3A, %lt3A_417 : i32
      %ne3A_419 = arith.xori %lt3A_416, %lt3A_418 : i1
      %and3A = arith.andi %ne3A_419, %ne3A_415 : i1
      %add3A_420 = arith.addi %rem3A, %select_n3A : i32
      %select_n3A_421 = arith.select %and3A, %add3A_420, %rem3A : i32
      %eq3A_422 = arith.constant 0 : i32
      %eq3A_423 = arith.cmpi eq, %select_n3A_421, %eq3A_422 : i32
      %convert_element_type3A = arith.extui %eq3A_423 : i1 to i32
      %cond3A = arith.constant 0 : i32
      %cond3A_424 = arith.cmpi ne, %convert_element_type3A, %cond3A : i32
      scf.if %cond3A_424 {
        %add3A_489 = arith.constant 4 : i32
        %add3A_490 = arith.addi %scan3A_411, %add3A_489 : i32
        %sub3A = arith.constant 1 : i32
        %sub3A_491 = arith.subi %add3A_490, %sub3A : i32
        %lt3A_492 = arith.constant 38 : i32
        %lt3A_493 = arith.cmpi slt, %sub3A_491, %lt3A_492 : i32
        %convert_element_type3A_494 = arith.extui %lt3A_493 : i1 to i32
        %cond3A_495 = arith.constant 0 : i32
        %cond3A_496 = arith.cmpi ne, %convert_element_type3A_494, %cond3A_495 : i32
        scf.if %cond3A_496 {
          %ge3A = arith.constant 1 : i32
          %ge3A_517 = arith.cmpi sge, %scan3A_411, %ge3A : i32
          %convert_element_type3A_518 = arith.extui %ge3A_517 : i1 to i32
          %cond3A_519 = arith.constant 0 : i32
          %cond3A_520 = arith.cmpi ne, %convert_element_type3A_518, %cond3A_519 : i32
          scf.if %cond3A_520 {
            %sub3A_535 = arith.constant 1 : i32
            %sub3A_536 = arith.subi %scan3A_411, %sub3A_535 : i32
            %dma_wait3A_537 = arith.constant 0 : i32
            %dma_wait3A_538 = arith.constant 0 : i32
            %dma_wait3A_539 = tpu.memref_slice %arg9[%scan3A_351, %dma_wait3A_537, %dma_wait3A_538] : memref<4x64x128xf32, #tpu.memory_space<vmem>> -> memref<1x64x128xf32, #tpu.memory_space<vmem>>
            %dma_wait3A_540 = tpu.memref_squeeze %dma_wait3A_539 : memref<1x64x128xf32, #tpu.memory_space<vmem>> -> memref<64x128xf32, #tpu.memory_space<vmem>>
            %dma_wait3A_541 = arith.constant 0 : i32
            %dma_wait3A_542 = tpu.memref_slice %arg8[%sub3A_536, %dma_wait3A_541] : memref<40x64xi32, #tpu.memory_space<vmem>> -> memref<1x64xi32, #tpu.memory_space<vmem>>
            %dma_wait3A_543 = tpu.memref_squeeze %dma_wait3A_542 : memref<1x64xi32, #tpu.memory_space<vmem>> -> memref<64xi32, #tpu.memory_space<vmem>>
            %dma_wait3A_544 = arith.constant 0 : i32
            %dma_wait3A_545 = arith.constant 0 : i32
            %dma_wait3A_546 = tpu.memref_slice %arg10[%dma_wait3A_544, %dma_wait3A_545] : memref<10240x128xf32, #tpu.memory_space<vmem_shared>> -> memref<10240x128xf32, #tpu.memory_space<vmem_shared>>
            tpu.wait_indirect_dma semaphore(%arg18 : memref<!tpu.dma_semaphore, #tpu.memory_space<semaphore_mem>>) src(%dma_wait3A_540 : memref<64x128xf32, #tpu.memory_space<vmem>>) dst(%dma_wait3A_546 : memref<10240x128xf32, #tpu.memory_space<vmem_shared>>)
          } else {
          }
          %add3A_521 = arith.constant 4 : i32
          %add3A_522 = arith.addi %scan3A_411, %add3A_521 : i32
          %sub3A_523 = arith.constant 1 : i32
          %sub3A_524 = arith.subi %add3A_522, %sub3A_523 : i32
          %dma_start3A_525 = arith.constant 0 : i32
          %dma_start3A_526 = arith.constant 0 : i32
          %dma_start3A_527 = tpu.memref_slice %arg9[%scan3A_351, %dma_start3A_525, %dma_start3A_526] : memref<4x64x128xf32, #tpu.memory_space<vmem>> -> memref<1x64x128xf32, #tpu.memory_space<vmem>>
          %dma_start3A_528 = tpu.memref_squeeze %dma_start3A_527 : memref<1x64x128xf32, #tpu.memory_space<vmem>> -> memref<64x128xf32, #tpu.memory_space<vmem>>
          %dma_start3A_529 = arith.constant 0 : i32
          %dma_start3A_530 = tpu.memref_slice %arg7[%sub3A_524, %dma_start3A_529] : memref<40x64xi32, #tpu.memory_space<vmem>> -> memref<1x64xi32, #tpu.memory_space<vmem>>
          %dma_start3A_531 = tpu.memref_squeeze %dma_start3A_530 : memref<1x64xi32, #tpu.memory_space<vmem>> -> memref<64xi32, #tpu.memory_space<vmem>>
          %dma_start3A_532 = arith.constant 0 : i32
          %dma_start3A_533 = arith.constant 0 : i32
          %dma_start3A_534 = tpu.memref_slice %arg2[%dma_start3A_532, %dma_start3A_533] : memref<10240x128xf32, #tpu.memory_space<hbm>> -> memref<10240x128xf32, #tpu.memory_space<hbm>>
          tpu.enqueue_indirect_dma source(%dma_start3A_534 : memref<10240x128xf32, #tpu.memory_space<hbm>>) target(%dma_start3A_528 : memref<64x128xf32, #tpu.memory_space<vmem>>) offsets(%dma_start3A_531 : memref<64xi32, #tpu.memory_space<vmem>>) semaphore(%arg14 : memref<!tpu.dma_semaphore, #tpu.memory_space<semaphore_mem>>)
        } else {
        }
        %dma_wait3A_497 = arith.constant 0 : i32
        %dma_wait3A_498 = arith.constant 0 : i32
        %dma_wait3A_499 = tpu.memref_slice %arg9[%scan3A_352, %dma_wait3A_497, %dma_wait3A_498] : memref<4x64x128xf32, #tpu.memory_space<vmem>> -> memref<1x64x128xf32, #tpu.memory_space<vmem>>
        %dma_wait3A_500 = tpu.memref_squeeze %dma_wait3A_499 : memref<1x64x128xf32, #tpu.memory_space<vmem>> -> memref<64x128xf32, #tpu.memory_space<vmem>>
        %dma_wait3A_501 = arith.constant 0 : i32
        %dma_wait3A_502 = tpu.memref_slice %arg7[%scan3A_411, %dma_wait3A_501] : memref<40x64xi32, #tpu.memory_space<vmem>> -> memref<1x64xi32, #tpu.memory_space<vmem>>
        %dma_wait3A_503 = tpu.memref_squeeze %dma_wait3A_502 : memref<1x64xi32, #tpu.memory_space<vmem>> -> memref<64xi32, #tpu.memory_space<vmem>>
        %dma_wait3A_504 = arith.constant 0 : i32
        %dma_wait3A_505 = arith.constant 0 : i32
        %dma_wait3A_506 = tpu.memref_slice %arg2[%dma_wait3A_504, %dma_wait3A_505] : memref<10240x128xf32, #tpu.memory_space<hbm>> -> memref<10240x128xf32, #tpu.memory_space<hbm>>
        tpu.wait_indirect_dma semaphore(%arg11 : memref<!tpu.dma_semaphore, #tpu.memory_space<semaphore_mem>>) src(%dma_wait3A_506 : memref<10240x128xf32, #tpu.memory_space<hbm>>) dst(%dma_wait3A_500 : memref<64x128xf32, #tpu.memory_space<vmem>>)
        %dma_start3A_507 = arith.constant 0 : i32
        %dma_start3A_508 = arith.constant 0 : i32
        %dma_start3A_509 = tpu.memref_slice %arg9[%scan3A_352, %dma_start3A_507, %dma_start3A_508] : memref<4x64x128xf32, #tpu.memory_space<vmem>> -> memref<1x64x128xf32, #tpu.memory_space<vmem>>
        %dma_start3A_510 = tpu.memref_squeeze %dma_start3A_509 : memref<1x64x128xf32, #tpu.memory_space<vmem>> -> memref<64x128xf32, #tpu.memory_space<vmem>>
        %dma_start3A_511 = arith.constant 0 : i32
        %dma_start3A_512 = tpu.memref_slice %arg8[%scan3A_411, %dma_start3A_511] : memref<40x64xi32, #tpu.memory_space<vmem>> -> memref<1x64xi32, #tpu.memory_space<vmem>>
        %dma_start3A_513 = tpu.memref_squeeze %dma_start3A_512 : memref<1x64xi32, #tpu.memory_space<vmem>> -> memref<64xi32, #tpu.memory_space<vmem>>
        %dma_start3A_514 = arith.constant 0 : i32
        %dma_start3A_515 = arith.constant 0 : i32
        %dma_start3A_516 = tpu.memref_slice %arg10[%dma_start3A_514, %dma_start3A_515] : memref<10240x128xf32, #tpu.memory_space<vmem_shared>> -> memref<10240x128xf32, #tpu.memory_space<vmem_shared>>
        tpu.enqueue_indirect_dma source(%dma_start3A_510 : memref<64x128xf32, #tpu.memory_space<vmem>>) target(%dma_start3A_516 : memref<10240x128xf32, #tpu.memory_space<vmem_shared>>) offsets(%dma_start3A_513 : memref<64xi32, #tpu.memory_space<vmem>>) semaphore(%arg15 : memref<!tpu.dma_semaphore, #tpu.memory_space<semaphore_mem>>) {add = true}
      } else {
      }
      %jit3A_425 = arith.constant 4 : i32
      %eq3A_426 = arith.constant 0 : i32
      %eq3A_427 = arith.cmpi eq, %jit3A_425, %eq3A_426 : i32
      %jit3A_428 = arith.constant 1 : i32
      %select_n3A_429 = arith.select %eq3A_427, %jit3A_428, %jit3A_425 : i32
      %rem3A_430 = arith.remsi %scan3A_411, %select_n3A_429 : i32
      %ne3A_431 = arith.constant 0 : i32
      %ne3A_432 = arith.cmpi ne, %rem3A_430, %ne3A_431 : i32
      %lt3A_433 = arith.constant 0 : i32
      %lt3A_434 = arith.cmpi slt, %rem3A_430, %lt3A_433 : i32
      %lt3A_435 = arith.constant 0 : i32
      %lt3A_436 = arith.cmpi slt, %select_n3A_429, %lt3A_435 : i32
      %ne3A_437 = arith.xori %lt3A_434, %lt3A_436 : i1
      %and3A_438 = arith.andi %ne3A_437, %ne3A_432 : i1
      %add3A_439 = arith.addi %rem3A_430, %select_n3A_429 : i32
      %select_n3A_440 = arith.select %and3A_438, %add3A_439, %rem3A_430 : i32
      %eq3A_441 = arith.constant 1 : i32
      %eq3A_442 = arith.cmpi eq, %select_n3A_440, %eq3A_441 : i32
      %convert_element_type3A_443 = arith.extui %eq3A_442 : i1 to i32
      %cond3A_444 = arith.constant 0 : i32
      %cond3A_445 = arith.cmpi ne, %convert_element_type3A_443, %cond3A_444 : i32
      scf.if %cond3A_445 {
        %add3A_489 = arith.constant 4 : i32
        %add3A_490 = arith.addi %scan3A_411, %add3A_489 : i32
        %sub3A = arith.constant 1 : i32
        %sub3A_491 = arith.subi %add3A_490, %sub3A : i32
        %lt3A_492 = arith.constant 38 : i32
        %lt3A_493 = arith.cmpi slt, %sub3A_491, %lt3A_492 : i32
        %convert_element_type3A_494 = arith.extui %lt3A_493 : i1 to i32
        %cond3A_495 = arith.constant 0 : i32
        %cond3A_496 = arith.cmpi ne, %convert_element_type3A_494, %cond3A_495 : i32
        scf.if %cond3A_496 {
          %ge3A = arith.constant 1 : i32
          %ge3A_517 = arith.cmpi sge, %scan3A_411, %ge3A : i32
          %convert_element_type3A_518 = arith.extui %ge3A_517 : i1 to i32
          %cond3A_519 = arith.constant 0 : i32
          %cond3A_520 = arith.cmpi ne, %convert_element_type3A_518, %cond3A_519 : i32
          scf.if %cond3A_520 {
            %sub3A_535 = arith.constant 1 : i32
            %sub3A_536 = arith.subi %scan3A_411, %sub3A_535 : i32
            %dma_wait3A_537 = arith.constant 0 : i32
            %dma_wait3A_538 = arith.constant 0 : i32
            %dma_wait3A_539 = tpu.memref_slice %arg9[%scan3A_352, %dma_wait3A_537, %dma_wait3A_538] : memref<4x64x128xf32, #tpu.memory_space<vmem>> -> memref<1x64x128xf32, #tpu.memory_space<vmem>>
            %dma_wait3A_540 = tpu.memref_squeeze %dma_wait3A_539 : memref<1x64x128xf32, #tpu.memory_space<vmem>> -> memref<64x128xf32, #tpu.memory_space<vmem>>
            %dma_wait3A_541 = arith.constant 0 : i32
            %dma_wait3A_542 = tpu.memref_slice %arg8[%sub3A_536, %dma_wait3A_541] : memref<40x64xi32, #tpu.memory_space<vmem>> -> memref<1x64xi32, #tpu.memory_space<vmem>>
            %dma_wait3A_543 = tpu.memref_squeeze %dma_wait3A_542 : memref<1x64xi32, #tpu.memory_space<vmem>> -> memref<64xi32, #tpu.memory_space<vmem>>
            %dma_wait3A_544 = arith.constant 0 : i32
            %dma_wait3A_545 = arith.constant 0 : i32
            %dma_wait3A_546 = tpu.memref_slice %arg10[%dma_wait3A_544, %dma_wait3A_545] : memref<10240x128xf32, #tpu.memory_space<vmem_shared>> -> memref<10240x128xf32, #tpu.memory_space<vmem_shared>>
            tpu.wait_indirect_dma semaphore(%arg15 : memref<!tpu.dma_semaphore, #tpu.memory_space<semaphore_mem>>) src(%dma_wait3A_540 : memref<64x128xf32, #tpu.memory_space<vmem>>) dst(%dma_wait3A_546 : memref<10240x128xf32, #tpu.memory_space<vmem_shared>>)
          } else {
          }
          %add3A_521 = arith.constant 4 : i32
          %add3A_522 = arith.addi %scan3A_411, %add3A_521 : i32
          %sub3A_523 = arith.constant 1 : i32
          %sub3A_524 = arith.subi %add3A_522, %sub3A_523 : i32
          %dma_start3A_525 = arith.constant 0 : i32
          %dma_start3A_526 = arith.constant 0 : i32
          %dma_start3A_527 = tpu.memref_slice %arg9[%scan3A_352, %dma_start3A_525, %dma_start3A_526] : memref<4x64x128xf32, #tpu.memory_space<vmem>> -> memref<1x64x128xf32, #tpu.memory_space<vmem>>
          %dma_start3A_528 = tpu.memref_squeeze %dma_start3A_527 : memref<1x64x128xf32, #tpu.memory_space<vmem>> -> memref<64x128xf32, #tpu.memory_space<vmem>>
          %dma_start3A_529 = arith.constant 0 : i32
          %dma_start3A_530 = tpu.memref_slice %arg7[%sub3A_524, %dma_start3A_529] : memref<40x64xi32, #tpu.memory_space<vmem>> -> memref<1x64xi32, #tpu.memory_space<vmem>>
          %dma_start3A_531 = tpu.memref_squeeze %dma_start3A_530 : memref<1x64xi32, #tpu.memory_space<vmem>> -> memref<64xi32, #tpu.memory_space<vmem>>
          %dma_start3A_532 = arith.constant 0 : i32
          %dma_start3A_533 = arith.constant 0 : i32
          %dma_start3A_534 = tpu.memref_slice %arg2[%dma_start3A_532, %dma_start3A_533] : memref<10240x128xf32, #tpu.memory_space<hbm>> -> memref<10240x128xf32, #tpu.memory_space<hbm>>
          tpu.enqueue_indirect_dma source(%dma_start3A_534 : memref<10240x128xf32, #tpu.memory_space<hbm>>) target(%dma_start3A_528 : memref<64x128xf32, #tpu.memory_space<vmem>>) offsets(%dma_start3A_531 : memref<64xi32, #tpu.memory_space<vmem>>) semaphore(%arg11 : memref<!tpu.dma_semaphore, #tpu.memory_space<semaphore_mem>>)
        } else {
        }
        %dma_wait3A_497 = arith.constant 0 : i32
        %dma_wait3A_498 = arith.constant 0 : i32
        %dma_wait3A_499 = tpu.memref_slice %arg9[%scan3A_353, %dma_wait3A_497, %dma_wait3A_498] : memref<4x64x128xf32, #tpu.memory_space<vmem>> -> memref<1x64x128xf32, #tpu.memory_space<vmem>>
        %dma_wait3A_500 = tpu.memref_squeeze %dma_wait3A_499 : memref<1x64x128xf32, #tpu.memory_space<vmem>> -> memref<64x128xf32, #tpu.memory_space<vmem>>
        %dma_wait3A_501 = arith.constant 0 : i32
        %dma_wait3A_502 = tpu.memref_slice %arg7[%scan3A_411, %dma_wait3A_501] : memref<40x64xi32, #tpu.memory_space<vmem>> -> memref<1x64xi32, #tpu.memory_space<vmem>>
        %dma_wait3A_503 = tpu.memref_squeeze %dma_wait3A_502 : memref<1x64xi32, #tpu.memory_space<vmem>> -> memref<64xi32, #tpu.memory_space<vmem>>
        %dma_wait3A_504 = arith.constant 0 : i32
        %dma_wait3A_505 = arith.constant 0 : i32
        %dma_wait3A_506 = tpu.memref_slice %arg2[%dma_wait3A_504, %dma_wait3A_505] : memref<10240x128xf32, #tpu.memory_space<hbm>> -> memref<10240x128xf32, #tpu.memory_space<hbm>>
        tpu.wait_indirect_dma semaphore(%arg12 : memref<!tpu.dma_semaphore, #tpu.memory_space<semaphore_mem>>) src(%dma_wait3A_506 : memref<10240x128xf32, #tpu.memory_space<hbm>>) dst(%dma_wait3A_500 : memref<64x128xf32, #tpu.memory_space<vmem>>)
        %dma_start3A_507 = arith.constant 0 : i32
        %dma_start3A_508 = arith.constant 0 : i32
        %dma_start3A_509 = tpu.memref_slice %arg9[%scan3A_353, %dma_start3A_507, %dma_start3A_508] : memref<4x64x128xf32, #tpu.memory_space<vmem>> -> memref<1x64x128xf32, #tpu.memory_space<vmem>>
        %dma_start3A_510 = tpu.memref_squeeze %dma_start3A_509 : memref<1x64x128xf32, #tpu.memory_space<vmem>> -> memref<64x128xf32, #tpu.memory_space<vmem>>
        %dma_start3A_511 = arith.constant 0 : i32
        %dma_start3A_512 = tpu.memref_slice %arg8[%scan3A_411, %dma_start3A_511] : memref<40x64xi32, #tpu.memory_space<vmem>> -> memref<1x64xi32, #tpu.memory_space<vmem>>
        %dma_start3A_513 = tpu.memref_squeeze %dma_start3A_512 : memref<1x64xi32, #tpu.memory_space<vmem>> -> memref<64xi32, #tpu.memory_space<vmem>>
        %dma_start3A_514 = arith.constant 0 : i32
        %dma_start3A_515 = arith.constant 0 : i32
        %dma_start3A_516 = tpu.memref_slice %arg10[%dma_start3A_514, %dma_start3A_515] : memref<10240x128xf32, #tpu.memory_space<vmem_shared>> -> memref<10240x128xf32, #tpu.memory_space<vmem_shared>>
        tpu.enqueue_indirect_dma source(%dma_start3A_510 : memref<64x128xf32, #tpu.memory_space<vmem>>) target(%dma_start3A_516 : memref<10240x128xf32, #tpu.memory_space<vmem_shared>>) offsets(%dma_start3A_513 : memref<64xi32, #tpu.memory_space<vmem>>) semaphore(%arg16 : memref<!tpu.dma_semaphore, #tpu.memory_space<semaphore_mem>>) {add = true}
      } else {
      }
      %jit3A_446 = arith.constant 4 : i32
      %eq3A_447 = arith.constant 0 : i32
      %eq3A_448 = arith.cmpi eq, %jit3A_446, %eq3A_447 : i32
      %jit3A_449 = arith.constant 1 : i32
      %select_n3A_450 = arith.select %eq3A_448, %jit3A_449, %jit3A_446 : i32
      %rem3A_451 = arith.remsi %scan3A_411, %select_n3A_450 : i32
      %ne3A_452 = arith.constant 0 : i32
      %ne3A_453 = arith.cmpi ne, %rem3A_451, %ne3A_452 : i32
      %lt3A_454 = arith.constant 0 : i32
      %lt3A_455 = arith.cmpi slt, %rem3A_451, %lt3A_454 : i32
      %lt3A_456 = arith.constant 0 : i32
      %lt3A_457 = arith.cmpi slt, %select_n3A_450, %lt3A_456 : i32
      %ne3A_458 = arith.xori %lt3A_455, %lt3A_457 : i1
      %and3A_459 = arith.andi %ne3A_458, %ne3A_453 : i1
      %add3A_460 = arith.addi %rem3A_451, %select_n3A_450 : i32
      %select_n3A_461 = arith.select %and3A_459, %add3A_460, %rem3A_451 : i32
      %eq3A_462 = arith.constant 2 : i32
      %eq3A_463 = arith.cmpi eq, %select_n3A_461, %eq3A_462 : i32
      %convert_element_type3A_464 = arith.extui %eq3A_463 : i1 to i32
      %cond3A_465 = arith.constant 0 : i32
      %cond3A_466 = arith.cmpi ne, %convert_element_type3A_464, %cond3A_465 : i32
      scf.if %cond3A_466 {
        %add3A_489 = arith.constant 4 : i32
        %add3A_490 = arith.addi %scan3A_411, %add3A_489 : i32
        %sub3A = arith.constant 1 : i32
        %sub3A_491 = arith.subi %add3A_490, %sub3A : i32
        %lt3A_492 = arith.constant 38 : i32
        %lt3A_493 = arith.cmpi slt, %sub3A_491, %lt3A_492 : i32
        %convert_element_type3A_494 = arith.extui %lt3A_493 : i1 to i32
        %cond3A_495 = arith.constant 0 : i32
        %cond3A_496 = arith.cmpi ne, %convert_element_type3A_494, %cond3A_495 : i32
        scf.if %cond3A_496 {
          %ge3A = arith.constant 1 : i32
          %ge3A_517 = arith.cmpi sge, %scan3A_411, %ge3A : i32
          %convert_element_type3A_518 = arith.extui %ge3A_517 : i1 to i32
          %cond3A_519 = arith.constant 0 : i32
          %cond3A_520 = arith.cmpi ne, %convert_element_type3A_518, %cond3A_519 : i32
          scf.if %cond3A_520 {
            %sub3A_535 = arith.constant 1 : i32
            %sub3A_536 = arith.subi %scan3A_411, %sub3A_535 : i32
            %dma_wait3A_537 = arith.constant 0 : i32
            %dma_wait3A_538 = arith.constant 0 : i32
            %dma_wait3A_539 = tpu.memref_slice %arg9[%scan3A_353, %dma_wait3A_537, %dma_wait3A_538] : memref<4x64x128xf32, #tpu.memory_space<vmem>> -> memref<1x64x128xf32, #tpu.memory_space<vmem>>
            %dma_wait3A_540 = tpu.memref_squeeze %dma_wait3A_539 : memref<1x64x128xf32, #tpu.memory_space<vmem>> -> memref<64x128xf32, #tpu.memory_space<vmem>>
            %dma_wait3A_541 = arith.constant 0 : i32
            %dma_wait3A_542 = tpu.memref_slice %arg8[%sub3A_536, %dma_wait3A_541] : memref<40x64xi32, #tpu.memory_space<vmem>> -> memref<1x64xi32, #tpu.memory_space<vmem>>
            %dma_wait3A_543 = tpu.memref_squeeze %dma_wait3A_542 : memref<1x64xi32, #tpu.memory_space<vmem>> -> memref<64xi32, #tpu.memory_space<vmem>>
            %dma_wait3A_544 = arith.constant 0 : i32
            %dma_wait3A_545 = arith.constant 0 : i32
            %dma_wait3A_546 = tpu.memref_slice %arg10[%dma_wait3A_544, %dma_wait3A_545] : memref<10240x128xf32, #tpu.memory_space<vmem_shared>> -> memref<10240x128xf32, #tpu.memory_space<vmem_shared>>
            tpu.wait_indirect_dma semaphore(%arg16 : memref<!tpu.dma_semaphore, #tpu.memory_space<semaphore_mem>>) src(%dma_wait3A_540 : memref<64x128xf32, #tpu.memory_space<vmem>>) dst(%dma_wait3A_546 : memref<10240x128xf32, #tpu.memory_space<vmem_shared>>)
          } else {
          }
          %add3A_521 = arith.constant 4 : i32
          %add3A_522 = arith.addi %scan3A_411, %add3A_521 : i32
          %sub3A_523 = arith.constant 1 : i32
          %sub3A_524 = arith.subi %add3A_522, %sub3A_523 : i32
          %dma_start3A_525 = arith.constant 0 : i32
          %dma_start3A_526 = arith.constant 0 : i32
          %dma_start3A_527 = tpu.memref_slice %arg9[%scan3A_353, %dma_start3A_525, %dma_start3A_526] : memref<4x64x128xf32, #tpu.memory_space<vmem>> -> memref<1x64x128xf32, #tpu.memory_space<vmem>>
          %dma_start3A_528 = tpu.memref_squeeze %dma_start3A_527 : memref<1x64x128xf32, #tpu.memory_space<vmem>> -> memref<64x128xf32, #tpu.memory_space<vmem>>
          %dma_start3A_529 = arith.constant 0 : i32
          %dma_start3A_530 = tpu.memref_slice %arg7[%sub3A_524, %dma_start3A_529] : memref<40x64xi32, #tpu.memory_space<vmem>> -> memref<1x64xi32, #tpu.memory_space<vmem>>
          %dma_start3A_531 = tpu.memref_squeeze %dma_start3A_530 : memref<1x64xi32, #tpu.memory_space<vmem>> -> memref<64xi32, #tpu.memory_space<vmem>>
          %dma_start3A_532 = arith.constant 0 : i32
          %dma_start3A_533 = arith.constant 0 : i32
          %dma_start3A_534 = tpu.memref_slice %arg2[%dma_start3A_532, %dma_start3A_533] : memref<10240x128xf32, #tpu.memory_space<hbm>> -> memref<10240x128xf32, #tpu.memory_space<hbm>>
          tpu.enqueue_indirect_dma source(%dma_start3A_534 : memref<10240x128xf32, #tpu.memory_space<hbm>>) target(%dma_start3A_528 : memref<64x128xf32, #tpu.memory_space<vmem>>) offsets(%dma_start3A_531 : memref<64xi32, #tpu.memory_space<vmem>>) semaphore(%arg12 : memref<!tpu.dma_semaphore, #tpu.memory_space<semaphore_mem>>)
        } else {
        }
        %dma_wait3A_497 = arith.constant 0 : i32
        %dma_wait3A_498 = arith.constant 0 : i32
        %dma_wait3A_499 = tpu.memref_slice %arg9[%scan3A_354, %dma_wait3A_497, %dma_wait3A_498] : memref<4x64x128xf32, #tpu.memory_space<vmem>> -> memref<1x64x128xf32, #tpu.memory_space<vmem>>
        %dma_wait3A_500 = tpu.memref_squeeze %dma_wait3A_499 : memref<1x64x128xf32, #tpu.memory_space<vmem>> -> memref<64x128xf32, #tpu.memory_space<vmem>>
        %dma_wait3A_501 = arith.constant 0 : i32
        %dma_wait3A_502 = tpu.memref_slice %arg7[%scan3A_411, %dma_wait3A_501] : memref<40x64xi32, #tpu.memory_space<vmem>> -> memref<1x64xi32, #tpu.memory_space<vmem>>
        %dma_wait3A_503 = tpu.memref_squeeze %dma_wait3A_502 : memref<1x64xi32, #tpu.memory_space<vmem>> -> memref<64xi32, #tpu.memory_space<vmem>>
        %dma_wait3A_504 = arith.constant 0 : i32
        %dma_wait3A_505 = arith.constant 0 : i32
        %dma_wait3A_506 = tpu.memref_slice %arg2[%dma_wait3A_504, %dma_wait3A_505] : memref<10240x128xf32, #tpu.memory_space<hbm>> -> memref<10240x128xf32, #tpu.memory_space<hbm>>
        tpu.wait_indirect_dma semaphore(%arg13 : memref<!tpu.dma_semaphore, #tpu.memory_space<semaphore_mem>>) src(%dma_wait3A_506 : memref<10240x128xf32, #tpu.memory_space<hbm>>) dst(%dma_wait3A_500 : memref<64x128xf32, #tpu.memory_space<vmem>>)
        %dma_start3A_507 = arith.constant 0 : i32
        %dma_start3A_508 = arith.constant 0 : i32
        %dma_start3A_509 = tpu.memref_slice %arg9[%scan3A_354, %dma_start3A_507, %dma_start3A_508] : memref<4x64x128xf32, #tpu.memory_space<vmem>> -> memref<1x64x128xf32, #tpu.memory_space<vmem>>
        %dma_start3A_510 = tpu.memref_squeeze %dma_start3A_509 : memref<1x64x128xf32, #tpu.memory_space<vmem>> -> memref<64x128xf32, #tpu.memory_space<vmem>>
        %dma_start3A_511 = arith.constant 0 : i32
        %dma_start3A_512 = tpu.memref_slice %arg8[%scan3A_411, %dma_start3A_511] : memref<40x64xi32, #tpu.memory_space<vmem>> -> memref<1x64xi32, #tpu.memory_space<vmem>>
        %dma_start3A_513 = tpu.memref_squeeze %dma_start3A_512 : memref<1x64xi32, #tpu.memory_space<vmem>> -> memref<64xi32, #tpu.memory_space<vmem>>
        %dma_start3A_514 = arith.constant 0 : i32
        %dma_start3A_515 = arith.constant 0 : i32
        %dma_start3A_516 = tpu.memref_slice %arg10[%dma_start3A_514, %dma_start3A_515] : memref<10240x128xf32, #tpu.memory_space<vmem_shared>> -> memref<10240x128xf32, #tpu.memory_space<vmem_shared>>
        tpu.enqueue_indirect_dma source(%dma_start3A_510 : memref<64x128xf32, #tpu.memory_space<vmem>>) target(%dma_start3A_516 : memref<10240x128xf32, #tpu.memory_space<vmem_shared>>) offsets(%dma_start3A_513 : memref<64xi32, #tpu.memory_space<vmem>>) semaphore(%arg17 : memref<!tpu.dma_semaphore, #tpu.memory_space<semaphore_mem>>) {add = true}
      } else {
      }
      %jit3A_467 = arith.constant 4 : i32
      %eq3A_468 = arith.constant 0 : i32
      %eq3A_469 = arith.cmpi eq, %jit3A_467, %eq3A_468 : i32
      %jit3A_470 = arith.constant 1 : i32
      %select_n3A_471 = arith.select %eq3A_469, %jit3A_470, %jit3A_467 : i32
      %rem3A_472 = arith.remsi %scan3A_411, %select_n3A_471 : i32
      %ne3A_473 = arith.constant 0 : i32
      %ne3A_474 = arith.cmpi ne, %rem3A_472, %ne3A_473 : i32
      %lt3A_475 = arith.constant 0 : i32
      %lt3A_476 = arith.cmpi slt, %rem3A_472, %lt3A_475 : i32
      %lt3A_477 = arith.constant 0 : i32
      %lt3A_478 = arith.cmpi slt, %select_n3A_471, %lt3A_477 : i32
      %ne3A_479 = arith.xori %lt3A_476, %lt3A_478 : i1
      %and3A_480 = arith.andi %ne3A_479, %ne3A_474 : i1
      %add3A_481 = arith.addi %rem3A_472, %select_n3A_471 : i32
      %select_n3A_482 = arith.select %and3A_480, %add3A_481, %rem3A_472 : i32
      %eq3A_483 = arith.constant 3 : i32
      %eq3A_484 = arith.cmpi eq, %select_n3A_482, %eq3A_483 : i32
      %convert_element_type3A_485 = arith.extui %eq3A_484 : i1 to i32
      %cond3A_486 = arith.constant 0 : i32
      %cond3A_487 = arith.cmpi ne, %convert_element_type3A_485, %cond3A_486 : i32
      scf.if %cond3A_487 {
        %add3A_489 = arith.constant 4 : i32
        %add3A_490 = arith.addi %scan3A_411, %add3A_489 : i32
        %sub3A = arith.constant 1 : i32
        %sub3A_491 = arith.subi %add3A_490, %sub3A : i32
        %lt3A_492 = arith.constant 38 : i32
        %lt3A_493 = arith.cmpi slt, %sub3A_491, %lt3A_492 : i32
        %convert_element_type3A_494 = arith.extui %lt3A_493 : i1 to i32
        %cond3A_495 = arith.constant 0 : i32
        %cond3A_496 = arith.cmpi ne, %convert_element_type3A_494, %cond3A_495 : i32
        scf.if %cond3A_496 {
          %ge3A = arith.constant 1 : i32
          %ge3A_517 = arith.cmpi sge, %scan3A_411, %ge3A : i32
          %convert_element_type3A_518 = arith.extui %ge3A_517 : i1 to i32
          %cond3A_519 = arith.constant 0 : i32
          %cond3A_520 = arith.cmpi ne, %convert_element_type3A_518, %cond3A_519 : i32
          scf.if %cond3A_520 {
            %sub3A_535 = arith.constant 1 : i32
            %sub3A_536 = arith.subi %scan3A_411, %sub3A_535 : i32
            %dma_wait3A_537 = arith.constant 0 : i32
            %dma_wait3A_538 = arith.constant 0 : i32
            %dma_wait3A_539 = tpu.memref_slice %arg9[%scan3A_354, %dma_wait3A_537, %dma_wait3A_538] : memref<4x64x128xf32, #tpu.memory_space<vmem>> -> memref<1x64x128xf32, #tpu.memory_space<vmem>>
            %dma_wait3A_540 = tpu.memref_squeeze %dma_wait3A_539 : memref<1x64x128xf32, #tpu.memory_space<vmem>> -> memref<64x128xf32, #tpu.memory_space<vmem>>
            %dma_wait3A_541 = arith.constant 0 : i32
            %dma_wait3A_542 = tpu.memref_slice %arg8[%sub3A_536, %dma_wait3A_541] : memref<40x64xi32, #tpu.memory_space<vmem>> -> memref<1x64xi32, #tpu.memory_space<vmem>>
            %dma_wait3A_543 = tpu.memref_squeeze %dma_wait3A_542 : memref<1x64xi32, #tpu.memory_space<vmem>> -> memref<64xi32, #tpu.memory_space<vmem>>
            %dma_wait3A_544 = arith.constant 0 : i32
            %dma_wait3A_545 = arith.constant 0 : i32
            %dma_wait3A_546 = tpu.memref_slice %arg10[%dma_wait3A_544, %dma_wait3A_545] : memref<10240x128xf32, #tpu.memory_space<vmem_shared>> -> memref<10240x128xf32, #tpu.memory_space<vmem_shared>>
            tpu.wait_indirect_dma semaphore(%arg17 : memref<!tpu.dma_semaphore, #tpu.memory_space<semaphore_mem>>) src(%dma_wait3A_540 : memref<64x128xf32, #tpu.memory_space<vmem>>) dst(%dma_wait3A_546 : memref<10240x128xf32, #tpu.memory_space<vmem_shared>>)
          } else {
          }
          %add3A_521 = arith.constant 4 : i32
          %add3A_522 = arith.addi %scan3A_411, %add3A_521 : i32
          %sub3A_523 = arith.constant 1 : i32
          %sub3A_524 = arith.subi %add3A_522, %sub3A_523 : i32
          %dma_start3A_525 = arith.constant 0 : i32
          %dma_start3A_526 = arith.constant 0 : i32
          %dma_start3A_527 = tpu.memref_slice %arg9[%scan3A_354, %dma_start3A_525, %dma_start3A_526] : memref<4x64x128xf32, #tpu.memory_space<vmem>> -> memref<1x64x128xf32, #tpu.memory_space<vmem>>
          %dma_start3A_528 = tpu.memref_squeeze %dma_start3A_527 : memref<1x64x128xf32, #tpu.memory_space<vmem>> -> memref<64x128xf32, #tpu.memory_space<vmem>>
          %dma_start3A_529 = arith.constant 0 : i32
          %dma_start3A_530 = tpu.memref_slice %arg7[%sub3A_524, %dma_start3A_529] : memref<40x64xi32, #tpu.memory_space<vmem>> -> memref<1x64xi32, #tpu.memory_space<vmem>>
          %dma_start3A_531 = tpu.memref_squeeze %dma_start3A_530 : memref<1x64xi32, #tpu.memory_space<vmem>> -> memref<64xi32, #tpu.memory_space<vmem>>
          %dma_start3A_532 = arith.constant 0 : i32
          %dma_start3A_533 = arith.constant 0 : i32
          %dma_start3A_534 = tpu.memref_slice %arg2[%dma_start3A_532, %dma_start3A_533] : memref<10240x128xf32, #tpu.memory_space<hbm>> -> memref<10240x128xf32, #tpu.memory_space<hbm>>
          tpu.enqueue_indirect_dma source(%dma_start3A_534 : memref<10240x128xf32, #tpu.memory_space<hbm>>) target(%dma_start3A_528 : memref<64x128xf32, #tpu.memory_space<vmem>>) offsets(%dma_start3A_531 : memref<64xi32, #tpu.memory_space<vmem>>) semaphore(%arg13 : memref<!tpu.dma_semaphore, #tpu.memory_space<semaphore_mem>>)
        } else {
        }
        %dma_wait3A_497 = arith.constant 0 : i32
        %dma_wait3A_498 = arith.constant 0 : i32
        %dma_wait3A_499 = tpu.memref_slice %arg9[%scan3A_351, %dma_wait3A_497, %dma_wait3A_498] : memref<4x64x128xf32, #tpu.memory_space<vmem>> -> memref<1x64x128xf32, #tpu.memory_space<vmem>>
        %dma_wait3A_500 = tpu.memref_squeeze %dma_wait3A_499 : memref<1x64x128xf32, #tpu.memory_space<vmem>> -> memref<64x128xf32, #tpu.memory_space<vmem>>
        %dma_wait3A_501 = arith.constant 0 : i32
        %dma_wait3A_502 = tpu.memref_slice %arg7[%scan3A_411, %dma_wait3A_501] : memref<40x64xi32, #tpu.memory_space<vmem>> -> memref<1x64xi32, #tpu.memory_space<vmem>>
        %dma_wait3A_503 = tpu.memref_squeeze %dma_wait3A_502 : memref<1x64xi32, #tpu.memory_space<vmem>> -> memref<64xi32, #tpu.memory_space<vmem>>
        %dma_wait3A_504 = arith.constant 0 : i32
        %dma_wait3A_505 = arith.constant 0 : i32
        %dma_wait3A_506 = tpu.memref_slice %arg2[%dma_wait3A_504, %dma_wait3A_505] : memref<10240x128xf32, #tpu.memory_space<hbm>> -> memref<10240x128xf32, #tpu.memory_space<hbm>>
        tpu.wait_indirect_dma semaphore(%arg14 : memref<!tpu.dma_semaphore, #tpu.memory_space<semaphore_mem>>) src(%dma_wait3A_506 : memref<10240x128xf32, #tpu.memory_space<hbm>>) dst(%dma_wait3A_500 : memref<64x128xf32, #tpu.memory_space<vmem>>)
        %dma_start3A_507 = arith.constant 0 : i32
        %dma_start3A_508 = arith.constant 0 : i32
        %dma_start3A_509 = tpu.memref_slice %arg9[%scan3A_351, %dma_start3A_507, %dma_start3A_508] : memref<4x64x128xf32, #tpu.memory_space<vmem>> -> memref<1x64x128xf32, #tpu.memory_space<vmem>>
        %dma_start3A_510 = tpu.memref_squeeze %dma_start3A_509 : memref<1x64x128xf32, #tpu.memory_space<vmem>> -> memref<64x128xf32, #tpu.memory_space<vmem>>
        %dma_start3A_511 = arith.constant 0 : i32
        %dma_start3A_512 = tpu.memref_slice %arg8[%scan3A_411, %dma_start3A_511] : memref<40x64xi32, #tpu.memory_space<vmem>> -> memref<1x64xi32, #tpu.memory_space<vmem>>
        %dma_start3A_513 = tpu.memref_squeeze %dma_start3A_512 : memref<1x64xi32, #tpu.memory_space<vmem>> -> memref<64xi32, #tpu.memory_space<vmem>>
        %dma_start3A_514 = arith.constant 0 : i32
        %dma_start3A_515 = arith.constant 0 : i32
        %dma_start3A_516 = tpu.memref_slice %arg10[%dma_start3A_514, %dma_start3A_515] : memref<10240x128xf32, #tpu.memory_space<vmem_shared>> -> memref<10240x128xf32, #tpu.memory_space<vmem_shared>>
        tpu.enqueue_indirect_dma source(%dma_start3A_510 : memref<64x128xf32, #tpu.memory_space<vmem>>) target(%dma_start3A_516 : memref<10240x128xf32, #tpu.memory_space<vmem_shared>>) offsets(%dma_start3A_513 : memref<64xi32, #tpu.memory_space<vmem>>) semaphore(%arg18 : memref<!tpu.dma_semaphore, #tpu.memory_space<semaphore_mem>>) {add = true}
      } else {
      }
      %scan3A_488 = arith.constant 0 : i32
      scf.yield %scan3A_488 : i32
    }
    %scan3A_361 = arith.constant 38 : i32
    %dma_wait3A_362 = arith.constant 2 : i32
    %dma_wait3A_363 = arith.constant 34 : i32
    %dma_wait3A_364 = arith.constant 0 : i32
    %dma_wait3A_365 = arith.constant 0 : i32
    %dma_wait3A_366 = tpu.memref_slice %arg9[%dma_wait3A_362, %dma_wait3A_364, %dma_wait3A_365] : memref<4x64x128xf32, #tpu.memory_space<vmem>> -> memref<1x64x128xf32, #tpu.memory_space<vmem>>
    %dma_wait3A_367 = tpu.memref_squeeze %dma_wait3A_366 : memref<1x64x128xf32, #tpu.memory_space<vmem>> -> memref<64x128xf32, #tpu.memory_space<vmem>>
    %dma_wait3A_368 = arith.constant 0 : i32
    %dma_wait3A_369 = tpu.memref_slice %arg8[%dma_wait3A_363, %dma_wait3A_368] : memref<40x64xi32, #tpu.memory_space<vmem>> -> memref<1x64xi32, #tpu.memory_space<vmem>>
    %dma_wait3A_370 = tpu.memref_squeeze %dma_wait3A_369 : memref<1x64xi32, #tpu.memory_space<vmem>> -> memref<64xi32, #tpu.memory_space<vmem>>
    %dma_wait3A_371 = arith.constant 0 : i32
    %dma_wait3A_372 = arith.constant 0 : i32
    %dma_wait3A_373 = tpu.memref_slice %arg10[%dma_wait3A_371, %dma_wait3A_372] : memref<10240x128xf32, #tpu.memory_space<vmem_shared>> -> memref<10240x128xf32, #tpu.memory_space<vmem_shared>>
    tpu.wait_indirect_dma semaphore(%arg17 : memref<!tpu.dma_semaphore, #tpu.memory_space<semaphore_mem>>) src(%dma_wait3A_367 : memref<64x128xf32, #tpu.memory_space<vmem>>) dst(%dma_wait3A_373 : memref<10240x128xf32, #tpu.memory_space<vmem_shared>>)
    %dma_wait3A_374 = arith.constant 3 : i32
    %dma_wait3A_375 = arith.constant 35 : i32
    %dma_wait3A_376 = arith.constant 0 : i32
    %dma_wait3A_377 = arith.constant 0 : i32
    %dma_wait3A_378 = tpu.memref_slice %arg9[%dma_wait3A_374, %dma_wait3A_376, %dma_wait3A_377] : memref<4x64x128xf32, #tpu.memory_space<vmem>> -> memref<1x64x128xf32, #tpu.memory_space<vmem>>
    %dma_wait3A_379 = tpu.memref_squeeze %dma_wait3A_378 : memref<1x64x128xf32, #tpu.memory_space<vmem>> -> memref<64x128xf32, #tpu.memory_space<vmem>>
    %dma_wait3A_380 = arith.constant 0 : i32
    %dma_wait3A_381 = tpu.memref_slice %arg8[%dma_wait3A_375, %dma_wait3A_380] : memref<40x64xi32, #tpu.memory_space<vmem>> -> memref<1x64xi32, #tpu.memory_space<vmem>>
    %dma_wait3A_382 = tpu.memref_squeeze %dma_wait3A_381 : memref<1x64xi32, #tpu.memory_space<vmem>> -> memref<64xi32, #tpu.memory_space<vmem>>
    %dma_wait3A_383 = arith.constant 0 : i32
    %dma_wait3A_384 = arith.constant 0 : i32
    %dma_wait3A_385 = tpu.memref_slice %arg10[%dma_wait3A_383, %dma_wait3A_384] : memref<10240x128xf32, #tpu.memory_space<vmem_shared>> -> memref<10240x128xf32, #tpu.memory_space<vmem_shared>>
    tpu.wait_indirect_dma semaphore(%arg18 : memref<!tpu.dma_semaphore, #tpu.memory_space<semaphore_mem>>) src(%dma_wait3A_379 : memref<64x128xf32, #tpu.memory_space<vmem>>) dst(%dma_wait3A_385 : memref<10240x128xf32, #tpu.memory_space<vmem_shared>>)
    %dma_wait3A_386 = arith.constant 0 : i32
    %dma_wait3A_387 = arith.constant 36 : i32
    %dma_wait3A_388 = arith.constant 0 : i32
    %dma_wait3A_389 = arith.constant 0 : i32
    %dma_wait3A_390 = tpu.memref_slice %arg9[%dma_wait3A_386, %dma_wait3A_388, %dma_wait3A_389] : memref<4x64x128xf32, #tpu.memory_space<vmem>> -> memref<1x64x128xf32, #tpu.memory_space<vmem>>
    %dma_wait3A_391 = tpu.memref_squeeze %dma_wait3A_390 : memref<1x64x128xf32, #tpu.memory_space<vmem>> -> memref<64x128xf32, #tpu.memory_space<vmem>>
    %dma_wait3A_392 = arith.constant 0 : i32
    %dma_wait3A_393 = tpu.memref_slice %arg8[%dma_wait3A_387, %dma_wait3A_392] : memref<40x64xi32, #tpu.memory_space<vmem>> -> memref<1x64xi32, #tpu.memory_space<vmem>>
    %dma_wait3A_394 = tpu.memref_squeeze %dma_wait3A_393 : memref<1x64xi32, #tpu.memory_space<vmem>> -> memref<64xi32, #tpu.memory_space<vmem>>
    %dma_wait3A_395 = arith.constant 0 : i32
    %dma_wait3A_396 = arith.constant 0 : i32
    %dma_wait3A_397 = tpu.memref_slice %arg10[%dma_wait3A_395, %dma_wait3A_396] : memref<10240x128xf32, #tpu.memory_space<vmem_shared>> -> memref<10240x128xf32, #tpu.memory_space<vmem_shared>>
    tpu.wait_indirect_dma semaphore(%arg15 : memref<!tpu.dma_semaphore, #tpu.memory_space<semaphore_mem>>) src(%dma_wait3A_391 : memref<64x128xf32, #tpu.memory_space<vmem>>) dst(%dma_wait3A_397 : memref<10240x128xf32, #tpu.memory_space<vmem_shared>>)
    %dma_wait3A_398 = arith.constant 1 : i32
    %dma_wait3A_399 = arith.constant 37 : i32
    %dma_wait3A_400 = arith.constant 0 : i32
    %dma_wait3A_401 = arith.constant 0 : i32
    %dma_wait3A_402 = tpu.memref_slice %arg9[%dma_wait3A_398, %dma_wait3A_400, %dma_wait3A_401] : memref<4x64x128xf32, #tpu.memory_space<vmem>> -> memref<1x64x128xf32, #tpu.memory_space<vmem>>
    %dma_wait3A_403 = tpu.memref_squeeze %dma_wait3A_402 : memref<1x64x128xf32, #tpu.memory_space<vmem>> -> memref<64x128xf32, #tpu.memory_space<vmem>>
    %dma_wait3A_404 = arith.constant 0 : i32
    %dma_wait3A_405 = tpu.memref_slice %arg8[%dma_wait3A_399, %dma_wait3A_404] : memref<40x64xi32, #tpu.memory_space<vmem>> -> memref<1x64xi32, #tpu.memory_space<vmem>>
    %dma_wait3A_406 = tpu.memref_squeeze %dma_wait3A_405 : memref<1x64xi32, #tpu.memory_space<vmem>> -> memref<64xi32, #tpu.memory_space<vmem>>
    %dma_wait3A_407 = arith.constant 0 : i32
    %dma_wait3A_408 = arith.constant 0 : i32
    %dma_wait3A_409 = tpu.memref_slice %arg10[%dma_wait3A_407, %dma_wait3A_408] : memref<10240x128xf32, #tpu.memory_space<vmem_shared>> -> memref<10240x128xf32, #tpu.memory_space<vmem_shared>>
    tpu.wait_indirect_dma semaphore(%arg16 : memref<!tpu.dma_semaphore, #tpu.memory_space<semaphore_mem>>) src(%dma_wait3A_403 : memref<64x128xf32, #tpu.memory_space<vmem>>) dst(%dma_wait3A_409 : memref<10240x128xf32, #tpu.memory_space<vmem_shared>>)
    %barrier3A_410 = arith.constant 0 : index
    tpu.barrier barrier_id(%barrier3A_410)
    "tpu.region"() ({
      %run_scoped3A_411 = tpu.sem_alloc : memref<!tpu.dma_semaphore, #tpu.memory_space<semaphore_mem>>
      %dma_start3A_412 = arith.constant 0 : i32
      %dma_start3A_413 = arith.constant 0 : i32
      %dma_start3A_414 = tpu.memref_slice %arg6[%arg0, %dma_start3A_412, %dma_start3A_413] : memref<2x10240x128xf32, #tpu.memory_space<hbm>> -> memref<1x10240x128xf32, #tpu.memory_space<hbm>>
      %dma_start3A_415 = tpu.memref_squeeze %dma_start3A_414 : memref<1x10240x128xf32, #tpu.memory_space<hbm>> -> memref<10240x128xf32, #tpu.memory_space<hbm>>
      %dma_start3A_416 = arith.constant 0 : i32
      %dma_start3A_417 = tpu.memref_slice %dma_start3A_415[%mul3A_2, %dma_start3A_416] : memref<10240x128xf32, #tpu.memory_space<hbm>> -> memref<640x128xf32, #tpu.memory_space<hbm>>
      %dma_start3A_418 = arith.constant 0 : i32
      %dma_start3A_419 = tpu.memref_slice %arg10[%mul3A_2, %dma_start3A_418] : memref<10240x128xf32, #tpu.memory_space<vmem_shared>> -> memref<640x128xf32, #tpu.memory_space<vmem_shared>>
      tpu.enqueue_dma source(%dma_start3A_419 : memref<640x128xf32, #tpu.memory_space<vmem_shared>>) target(%dma_start3A_417 : memref<640x128xf32, #tpu.memory_space<hbm>>) target_semaphore(%run_scoped3A_411 : memref<!tpu.dma_semaphore, #tpu.memory_space<semaphore_mem>>)
      %dma_wait3A_420 = arith.constant 0 : i32
      %dma_wait3A_421 = arith.constant 0 : i32
      %dma_wait3A_422 = tpu.memref_slice %arg6[%arg0, %dma_wait3A_420, %dma_wait3A_421] : memref<2x10240x128xf32, #tpu.memory_space<hbm>> -> memref<1x10240x128xf32, #tpu.memory_space<hbm>>
      %dma_wait3A_423 = tpu.memref_squeeze %dma_wait3A_422 : memref<1x10240x128xf32, #tpu.memory_space<hbm>> -> memref<10240x128xf32, #tpu.memory_space<hbm>>
      %dma_wait3A_424 = arith.constant 0 : i32
      %dma_wait3A_425 = tpu.memref_slice %dma_wait3A_423[%mul3A_2, %dma_wait3A_424] : memref<10240x128xf32, #tpu.memory_space<hbm>> -> memref<640x128xf32, #tpu.memory_space<hbm>>
      %dma_wait3A_426 = arith.constant 0 : i32
      %dma_wait3A_427 = tpu.memref_slice %arg10[%mul3A_2, %dma_wait3A_426] : memref<10240x128xf32, #tpu.memory_space<vmem_shared>> -> memref<640x128xf32, #tpu.memory_space<vmem_shared>>
      tpu.wait_dma2 semaphore(%run_scoped3A_411 : memref<!tpu.dma_semaphore, #tpu.memory_space<semaphore_mem>>) src(%dma_wait3A_427 : memref<640x128xf32, #tpu.memory_space<vmem_shared>>) dst(%dma_wait3A_425 : memref<640x128xf32, #tpu.memory_space<hbm>>)
      tpu.yield
    }) : () -> ()
    return
  }
}

#map = affine_map<(d0, d1) -> (0, 0)>
#map1 = affine_map<(d0, d1) -> (0)>
module attributes {stable_mosaic.version = 14 : i64} {
  func.func @_sc_scalar_scatter(%arg0: i32, %arg1: i32, %arg2: memref<32x10112xi32, #tpu.memory_space<hbm>>, %arg3: memref<32x10112xi32, #tpu.memory_space<hbm>>, %arg4: memref<10240xf32, #tpu.memory_space<hbm>>, %arg5: memref<10240xf32, #tpu.memory_space<hbm>>, %arg6: memref<32x10240xf32, #tpu.memory_space<hbm>>, %arg7: memref<10112xi32, #tpu.memory_space<vmem>>, %arg8: memref<10112xi32, #tpu.memory_space<vmem>>, %arg9: memref<10240xf32, #tpu.memory_space<vmem>>, %arg10: memref<10240xf32, #tpu.memory_space<vmem>>) attributes {dimension_semantics = [#tpu.dimension_semantics<core_parallel>, #tpu.dimension_semantics<subcore_parallel>], iteration_bounds = array<i64: 2, 16>, scalar_prefetch = 0 : i64, scratch_operands = 4 : i64, tpu.core_type = #tpu.core_type<sc_vector_subcore>, window_params = [{transform_indices = #map}, {transform_indices = #map}, {transform_indices = #map1}, {transform_indices = #map1}, {transform_indices = #map}]} {
    %mul3A = arith.constant 16 : i32
    %mul3A_0 = arith.muli %arg0, %mul3A : i32
    %add3A = arith.addi %mul3A_0, %arg1 : i32
    "tpu.region"() ({
      %run_scoped3A = tpu.sem_alloc : memref<!tpu.dma_semaphore, #tpu.memory_space<semaphore_mem>>
      %dma_start3A = arith.constant 0 : i32
      %dma_start3A_7 = tpu.memref_slice %arg2[%add3A, %dma_start3A] : memref<32x10112xi32, #tpu.memory_space<hbm>> -> memref<1x10112xi32, #tpu.memory_space<hbm>>
      %dma_start3A_8 = tpu.memref_squeeze %dma_start3A_7 : memref<1x10112xi32, #tpu.memory_space<hbm>> -> memref<10112xi32, #tpu.memory_space<hbm>>
      %dma_start3A_9 = arith.constant 0 : i32
      %dma_start3A_10 = tpu.memref_slice %arg2[%add3A, %dma_start3A_9] : memref<32x10112xi32, #tpu.memory_space<hbm>> -> memref<1x10112xi32, #tpu.memory_space<hbm>>
      %dma_start3A_11 = tpu.memref_squeeze %dma_start3A_10 : memref<1x10112xi32, #tpu.memory_space<hbm>> -> memref<10112xi32, #tpu.memory_space<hbm>>
      tpu.enqueue_dma source(%dma_start3A_11 : memref<10112xi32, #tpu.memory_space<hbm>>) target(%arg7 : memref<10112xi32, #tpu.memory_space<vmem>>) target_semaphore(%run_scoped3A : memref<!tpu.dma_semaphore, #tpu.memory_space<semaphore_mem>>)
      %dma_wait3A = arith.constant 0 : i32
      %dma_wait3A_12 = tpu.memref_slice %arg2[%add3A, %dma_wait3A] : memref<32x10112xi32, #tpu.memory_space<hbm>> -> memref<1x10112xi32, #tpu.memory_space<hbm>>
      %dma_wait3A_13 = tpu.memref_squeeze %dma_wait3A_12 : memref<1x10112xi32, #tpu.memory_space<hbm>> -> memref<10112xi32, #tpu.memory_space<hbm>>
      %dma_wait3A_14 = arith.constant 0 : i32
      %dma_wait3A_15 = tpu.memref_slice %arg2[%add3A, %dma_wait3A_14] : memref<32x10112xi32, #tpu.memory_space<hbm>> -> memref<1x10112xi32, #tpu.memory_space<hbm>>
      %dma_wait3A_16 = tpu.memref_squeeze %dma_wait3A_15 : memref<1x10112xi32, #tpu.memory_space<hbm>> -> memref<10112xi32, #tpu.memory_space<hbm>>
      tpu.wait_dma2 semaphore(%run_scoped3A : memref<!tpu.dma_semaphore, #tpu.memory_space<semaphore_mem>>) src(%dma_wait3A_16 : memref<10112xi32, #tpu.memory_space<hbm>>) dst(%arg7 : memref<10112xi32, #tpu.memory_space<vmem>>)
      tpu.yield
    }) : () -> ()
    "tpu.region"() ({
      %run_scoped3A = tpu.sem_alloc : memref<!tpu.dma_semaphore, #tpu.memory_space<semaphore_mem>>
      %dma_start3A = arith.constant 0 : i32
      %dma_start3A_7 = tpu.memref_slice %arg3[%add3A, %dma_start3A] : memref<32x10112xi32, #tpu.memory_space<hbm>> -> memref<1x10112xi32, #tpu.memory_space<hbm>>
      %dma_start3A_8 = tpu.memref_squeeze %dma_start3A_7 : memref<1x10112xi32, #tpu.memory_space<hbm>> -> memref<10112xi32, #tpu.memory_space<hbm>>
      %dma_start3A_9 = arith.constant 0 : i32
      %dma_start3A_10 = tpu.memref_slice %arg3[%add3A, %dma_start3A_9] : memref<32x10112xi32, #tpu.memory_space<hbm>> -> memref<1x10112xi32, #tpu.memory_space<hbm>>
      %dma_start3A_11 = tpu.memref_squeeze %dma_start3A_10 : memref<1x10112xi32, #tpu.memory_space<hbm>> -> memref<10112xi32, #tpu.memory_space<hbm>>
      tpu.enqueue_dma source(%dma_start3A_11 : memref<10112xi32, #tpu.memory_space<hbm>>) target(%arg8 : memref<10112xi32, #tpu.memory_space<vmem>>) target_semaphore(%run_scoped3A : memref<!tpu.dma_semaphore, #tpu.memory_space<semaphore_mem>>)
      %dma_wait3A = arith.constant 0 : i32
      %dma_wait3A_12 = tpu.memref_slice %arg3[%add3A, %dma_wait3A] : memref<32x10112xi32, #tpu.memory_space<hbm>> -> memref<1x10112xi32, #tpu.memory_space<hbm>>
      %dma_wait3A_13 = tpu.memref_squeeze %dma_wait3A_12 : memref<1x10112xi32, #tpu.memory_space<hbm>> -> memref<10112xi32, #tpu.memory_space<hbm>>
      %dma_wait3A_14 = arith.constant 0 : i32
      %dma_wait3A_15 = tpu.memref_slice %arg3[%add3A, %dma_wait3A_14] : memref<32x10112xi32, #tpu.memory_space<hbm>> -> memref<1x10112xi32, #tpu.memory_space<hbm>>
      %dma_wait3A_16 = tpu.memref_squeeze %dma_wait3A_15 : memref<1x10112xi32, #tpu.memory_space<hbm>> -> memref<10112xi32, #tpu.memory_space<hbm>>
      tpu.wait_dma2 semaphore(%run_scoped3A : memref<!tpu.dma_semaphore, #tpu.memory_space<semaphore_mem>>) src(%dma_wait3A_16 : memref<10112xi32, #tpu.memory_space<hbm>>) dst(%arg8 : memref<10112xi32, #tpu.memory_space<vmem>>)
      tpu.yield
    }) : () -> ()
    "tpu.region"() ({
      %run_scoped3A = tpu.sem_alloc : memref<!tpu.dma_semaphore, #tpu.memory_space<semaphore_mem>>
      tpu.enqueue_dma source(%arg4 : memref<10240xf32, #tpu.memory_space<hbm>>) target(%arg9 : memref<10240xf32, #tpu.memory_space<vmem>>) target_semaphore(%run_scoped3A : memref<!tpu.dma_semaphore, #tpu.memory_space<semaphore_mem>>)
      tpu.wait_dma2 semaphore(%run_scoped3A : memref<!tpu.dma_semaphore, #tpu.memory_space<semaphore_mem>>) src(%arg4 : memref<10240xf32, #tpu.memory_space<hbm>>) dst(%arg9 : memref<10240xf32, #tpu.memory_space<vmem>>)
      tpu.yield
    }) : () -> ()
    "tpu.region"() ({
      %run_scoped3A = tpu.sem_alloc : memref<!tpu.dma_semaphore, #tpu.memory_space<semaphore_mem>>
      tpu.enqueue_dma source(%arg5 : memref<10240xf32, #tpu.memory_space<hbm>>) target(%arg10 : memref<10240xf32, #tpu.memory_space<vmem>>) target_semaphore(%run_scoped3A : memref<!tpu.dma_semaphore, #tpu.memory_space<semaphore_mem>>)
      tpu.wait_dma2 semaphore(%run_scoped3A : memref<!tpu.dma_semaphore, #tpu.memory_space<semaphore_mem>>) src(%arg5 : memref<10240xf32, #tpu.memory_space<hbm>>) dst(%arg10 : memref<10240xf32, #tpu.memory_space<vmem>>)
      tpu.yield
    }) : () -> ()
    %scan3A = arith.constant 0 : i32
    %scan3A_1 = arith.constant 0 : i32
    %scan3A_2 = arith.constant 632 : i32
    %scan3A_3 = arith.addi %scan3A_1, %scan3A_2 : i32
    %scan3A_4 = arith.constant 1 : i32
    %scan3A_5 = scf.for %scan3A_7 = %scan3A_1 to %scan3A_3 step %scan3A_4 iter_args(%scan3A_8 = %scan3A) -> (i32)  : i32 {
      %mul3A_9 = arith.constant 16 : i32
      %mul3A_10 = arith.muli %scan3A_7, %mul3A_9 : i32
      %get3A = arith.index_cast %mul3A_10 : i32 to index
      %get3A_11 = tpu.vector_load %arg7[%get3A] {strides = array<i32>} : memref<10112xi32, #tpu.memory_space<vmem>>, vector<16xi32>,
      %gather3A = tpu.vector_load_idx %arg9[%get3A_11] : memref<10240xf32, #tpu.memory_space<vmem>>[vector<16xi32>], vector<16xf32>,
      %mul3A_12 = arith.constant 16 : i32
      %mul3A_13 = arith.muli %scan3A_7, %mul3A_12 : i32
      %get3A_14 = arith.index_cast %mul3A_13 : i32 to index
      %get3A_15 = tpu.vector_load %arg8[%get3A_14] {strides = array<i32>} : memref<10112xi32, #tpu.memory_space<vmem>>, vector<16xi32>,
      tpu.vector_store_idx %arg10[%get3A_15], %gather3A {add = true} : memref<10240xf32, #tpu.memory_space<vmem>>[vector<16xi32>], vector<16xf32>,
      %scan3A_16 = arith.constant 0 : i32
      scf.yield %scan3A_16 : i32
    }
    %scan3A_6 = arith.constant 632 : i32
    "tpu.region"() ({
      %run_scoped3A = tpu.sem_alloc : memref<!tpu.dma_semaphore, #tpu.memory_space<semaphore_mem>>
      %dma_start3A = arith.constant 0 : i32
      %dma_start3A_7 = tpu.memref_slice %arg6[%add3A, %dma_start3A] : memref<32x10240xf32, #tpu.memory_space<hbm>> -> memref<1x10240xf32, #tpu.memory_space<hbm>>
      %dma_start3A_8 = tpu.memref_squeeze %dma_start3A_7 : memref<1x10240xf32, #tpu.memory_space<hbm>> -> memref<10240xf32, #tpu.memory_space<hbm>>
      %dma_start3A_9 = arith.constant 0 : i32
      %dma_start3A_10 = tpu.memref_slice %arg6[%add3A, %dma_start3A_9] : memref<32x10240xf32, #tpu.memory_space<hbm>> -> memref<1x10240xf32, #tpu.memory_space<hbm>>
      %dma_start3A_11 = tpu.memref_squeeze %dma_start3A_10 : memref<1x10240xf32, #tpu.memory_space<hbm>> -> memref<10240xf32, #tpu.memory_space<hbm>>
      tpu.enqueue_dma source(%arg10 : memref<10240xf32, #tpu.memory_space<vmem>>) target(%dma_start3A_11 : memref<10240xf32, #tpu.memory_space<hbm>>) target_semaphore(%run_scoped3A : memref<!tpu.dma_semaphore, #tpu.memory_space<semaphore_mem>>)
      %dma_wait3A = arith.constant 0 : i32
      %dma_wait3A_12 = tpu.memref_slice %arg6[%add3A, %dma_wait3A] : memref<32x10240xf32, #tpu.memory_space<hbm>> -> memref<1x10240xf32, #tpu.memory_space<hbm>>
      %dma_wait3A_13 = tpu.memref_squeeze %dma_wait3A_12 : memref<1x10240xf32, #tpu.memory_space<hbm>> -> memref<10240xf32, #tpu.memory_space<hbm>>
      %dma_wait3A_14 = arith.constant 0 : i32
      %dma_wait3A_15 = tpu.memref_slice %arg6[%add3A, %dma_wait3A_14] : memref<32x10240xf32, #tpu.memory_space<hbm>> -> memref<1x10240xf32, #tpu.memory_space<hbm>>
      %dma_wait3A_16 = tpu.memref_squeeze %dma_wait3A_15 : memref<1x10240xf32, #tpu.memory_space<hbm>> -> memref<10240xf32, #tpu.memory_space<hbm>>
      tpu.wait_dma2 semaphore(%run_scoped3A : memref<!tpu.dma_semaphore, #tpu.memory_space<semaphore_mem>>) src(%arg10 : memref<10240xf32, #tpu.memory_space<vmem>>) dst(%dma_wait3A_16 : memref<10240xf32, #tpu.memory_space<hbm>>)
      tpu.yield
    }) : () -> ()
    return
  }
}

#map = affine_map<(d0, d1) -> (0, 0)>
#map1 = affine_map<(d0, d1) -> (0)>
module attributes {stable_mosaic.version = 14 : i64} {
  func.func @_sc_scalar_scatter(%arg0: i32, %arg1: i32, %arg2: memref<32x10112xi32, #tpu.memory_space<hbm>>, %arg3: memref<32x10112xi32, #tpu.memory_space<hbm>>, %arg4: memref<10240xf32, #tpu.memory_space<hbm>>, %arg5: memref<10240xf32, #tpu.memory_space<hbm>>, %arg6: memref<32x10240xf32, #tpu.memory_space<hbm>>, %arg7: memref<10112xi32, #tpu.memory_space<vmem>>, %arg8: memref<10112xi32, #tpu.memory_space<vmem>>, %arg9: memref<10240xf32, #tpu.memory_space<vmem>>, %arg10: memref<10240xf32, #tpu.memory_space<vmem>>) attributes {dimension_semantics = [#tpu.dimension_semantics<core_parallel>, #tpu.dimension_semantics<subcore_parallel>], iteration_bounds = array<i64: 2, 16>, scalar_prefetch = 0 : i64, scratch_operands = 4 : i64, tpu.core_type = #tpu.core_type<sc_vector_subcore>, window_params = [{transform_indices = #map}, {transform_indices = #map}, {transform_indices = #map1}, {transform_indices = #map1}, {transform_indices = #map}]} {
    %mul3A = arith.constant 16 : i32
    %mul3A_0 = arith.muli %arg0, %mul3A : i32
    %add3A = arith.addi %mul3A_0, %arg1 : i32
    "tpu.region"() ({
      %run_scoped3A = tpu.sem_alloc : memref<!tpu.dma_semaphore, #tpu.memory_space<semaphore_mem>>
      %dma_start3A = arith.constant 0 : i32
      %dma_start3A_7 = tpu.memref_slice %arg2[%add3A, %dma_start3A] : memref<32x10112xi32, #tpu.memory_space<hbm>> -> memref<1x10112xi32, #tpu.memory_space<hbm>>
      %dma_start3A_8 = tpu.memref_squeeze %dma_start3A_7 : memref<1x10112xi32, #tpu.memory_space<hbm>> -> memref<10112xi32, #tpu.memory_space<hbm>>
      %dma_start3A_9 = arith.constant 0 : i32
      %dma_start3A_10 = tpu.memref_slice %arg2[%add3A, %dma_start3A_9] : memref<32x10112xi32, #tpu.memory_space<hbm>> -> memref<1x10112xi32, #tpu.memory_space<hbm>>
      %dma_start3A_11 = tpu.memref_squeeze %dma_start3A_10 : memref<1x10112xi32, #tpu.memory_space<hbm>> -> memref<10112xi32, #tpu.memory_space<hbm>>
      tpu.enqueue_dma source(%dma_start3A_11 : memref<10112xi32, #tpu.memory_space<hbm>>) target(%arg7 : memref<10112xi32, #tpu.memory_space<vmem>>) target_semaphore(%run_scoped3A : memref<!tpu.dma_semaphore, #tpu.memory_space<semaphore_mem>>)
      %dma_wait3A = arith.constant 0 : i32
      %dma_wait3A_12 = tpu.memref_slice %arg2[%add3A, %dma_wait3A] : memref<32x10112xi32, #tpu.memory_space<hbm>> -> memref<1x10112xi32, #tpu.memory_space<hbm>>
      %dma_wait3A_13 = tpu.memref_squeeze %dma_wait3A_12 : memref<1x10112xi32, #tpu.memory_space<hbm>> -> memref<10112xi32, #tpu.memory_space<hbm>>
      %dma_wait3A_14 = arith.constant 0 : i32
      %dma_wait3A_15 = tpu.memref_slice %arg2[%add3A, %dma_wait3A_14] : memref<32x10112xi32, #tpu.memory_space<hbm>> -> memref<1x10112xi32, #tpu.memory_space<hbm>>
      %dma_wait3A_16 = tpu.memref_squeeze %dma_wait3A_15 : memref<1x10112xi32, #tpu.memory_space<hbm>> -> memref<10112xi32, #tpu.memory_space<hbm>>
      tpu.wait_dma2 semaphore(%run_scoped3A : memref<!tpu.dma_semaphore, #tpu.memory_space<semaphore_mem>>) src(%dma_wait3A_16 : memref<10112xi32, #tpu.memory_space<hbm>>) dst(%arg7 : memref<10112xi32, #tpu.memory_space<vmem>>)
      tpu.yield
    }) : () -> ()
    "tpu.region"() ({
      %run_scoped3A = tpu.sem_alloc : memref<!tpu.dma_semaphore, #tpu.memory_space<semaphore_mem>>
      %dma_start3A = arith.constant 0 : i32
      %dma_start3A_7 = tpu.memref_slice %arg3[%add3A, %dma_start3A] : memref<32x10112xi32, #tpu.memory_space<hbm>> -> memref<1x10112xi32, #tpu.memory_space<hbm>>
      %dma_start3A_8 = tpu.memref_squeeze %dma_start3A_7 : memref<1x10112xi32, #tpu.memory_space<hbm>> -> memref<10112xi32, #tpu.memory_space<hbm>>
      %dma_start3A_9 = arith.constant 0 : i32
      %dma_start3A_10 = tpu.memref_slice %arg3[%add3A, %dma_start3A_9] : memref<32x10112xi32, #tpu.memory_space<hbm>> -> memref<1x10112xi32, #tpu.memory_space<hbm>>
      %dma_start3A_11 = tpu.memref_squeeze %dma_start3A_10 : memref<1x10112xi32, #tpu.memory_space<hbm>> -> memref<10112xi32, #tpu.memory_space<hbm>>
      tpu.enqueue_dma source(%dma_start3A_11 : memref<10112xi32, #tpu.memory_space<hbm>>) target(%arg8 : memref<10112xi32, #tpu.memory_space<vmem>>) target_semaphore(%run_scoped3A : memref<!tpu.dma_semaphore, #tpu.memory_space<semaphore_mem>>)
      %dma_wait3A = arith.constant 0 : i32
      %dma_wait3A_12 = tpu.memref_slice %arg3[%add3A, %dma_wait3A] : memref<32x10112xi32, #tpu.memory_space<hbm>> -> memref<1x10112xi32, #tpu.memory_space<hbm>>
      %dma_wait3A_13 = tpu.memref_squeeze %dma_wait3A_12 : memref<1x10112xi32, #tpu.memory_space<hbm>> -> memref<10112xi32, #tpu.memory_space<hbm>>
      %dma_wait3A_14 = arith.constant 0 : i32
      %dma_wait3A_15 = tpu.memref_slice %arg3[%add3A, %dma_wait3A_14] : memref<32x10112xi32, #tpu.memory_space<hbm>> -> memref<1x10112xi32, #tpu.memory_space<hbm>>
      %dma_wait3A_16 = tpu.memref_squeeze %dma_wait3A_15 : memref<1x10112xi32, #tpu.memory_space<hbm>> -> memref<10112xi32, #tpu.memory_space<hbm>>
      tpu.wait_dma2 semaphore(%run_scoped3A : memref<!tpu.dma_semaphore, #tpu.memory_space<semaphore_mem>>) src(%dma_wait3A_16 : memref<10112xi32, #tpu.memory_space<hbm>>) dst(%arg8 : memref<10112xi32, #tpu.memory_space<vmem>>)
      tpu.yield
    }) : () -> ()
    "tpu.region"() ({
      %run_scoped3A = tpu.sem_alloc : memref<!tpu.dma_semaphore, #tpu.memory_space<semaphore_mem>>
      tpu.enqueue_dma source(%arg4 : memref<10240xf32, #tpu.memory_space<hbm>>) target(%arg9 : memref<10240xf32, #tpu.memory_space<vmem>>) target_semaphore(%run_scoped3A : memref<!tpu.dma_semaphore, #tpu.memory_space<semaphore_mem>>)
      tpu.wait_dma2 semaphore(%run_scoped3A : memref<!tpu.dma_semaphore, #tpu.memory_space<semaphore_mem>>) src(%arg4 : memref<10240xf32, #tpu.memory_space<hbm>>) dst(%arg9 : memref<10240xf32, #tpu.memory_space<vmem>>)
      tpu.yield
    }) : () -> ()
    "tpu.region"() ({
      %run_scoped3A = tpu.sem_alloc : memref<!tpu.dma_semaphore, #tpu.memory_space<semaphore_mem>>
      tpu.enqueue_dma source(%arg5 : memref<10240xf32, #tpu.memory_space<hbm>>) target(%arg10 : memref<10240xf32, #tpu.memory_space<vmem>>) target_semaphore(%run_scoped3A : memref<!tpu.dma_semaphore, #tpu.memory_space<semaphore_mem>>)
      tpu.wait_dma2 semaphore(%run_scoped3A : memref<!tpu.dma_semaphore, #tpu.memory_space<semaphore_mem>>) src(%arg5 : memref<10240xf32, #tpu.memory_space<hbm>>) dst(%arg10 : memref<10240xf32, #tpu.memory_space<vmem>>)
      tpu.yield
    }) : () -> ()
    %scan3A = arith.constant 0 : i32
    %scan3A_1 = arith.constant 0 : i32
    %scan3A_2 = arith.constant 632 : i32
    %scan3A_3 = arith.addi %scan3A_1, %scan3A_2 : i32
    %scan3A_4 = arith.constant 1 : i32
    %scan3A_5 = scf.for %scan3A_7 = %scan3A_1 to %scan3A_3 step %scan3A_4 iter_args(%scan3A_8 = %scan3A) -> (i32)  : i32 {
      %mul3A_9 = arith.constant 16 : i32
      %mul3A_10 = arith.muli %scan3A_7, %mul3A_9 : i32
      %get3A = arith.index_cast %mul3A_10 : i32 to index
      %get3A_11 = tpu.vector_load %arg7[%get3A] {strides = array<i32>} : memref<10112xi32, #tpu.memory_space<vmem>>, vector<16xi32>,
      %gather3A = tpu.vector_load_idx %arg9[%get3A_11] : memref<10240xf32, #tpu.memory_space<vmem>>[vector<16xi32>], vector<16xf32>,
      %mul3A_12 = arith.constant 16 : i32
      %mul3A_13 = arith.muli %scan3A_7, %mul3A_12 : i32
      %get3A_14 = arith.index_cast %mul3A_13 : i32 to index
      %get3A_15 = tpu.vector_load %arg8[%get3A_14] {strides = array<i32>} : memref<10112xi32, #tpu.memory_space<vmem>>, vector<16xi32>,
      tpu.vector_store_idx %arg10[%get3A_15], %gather3A {add = true} : memref<10240xf32, #tpu.memory_space<vmem>>[vector<16xi32>], vector<16xf32>,
      %scan3A_16 = arith.constant 0 : i32
      scf.yield %scan3A_16 : i32
    }
    %scan3A_6 = arith.constant 632 : i32
    "tpu.region"() ({
      %run_scoped3A = tpu.sem_alloc : memref<!tpu.dma_semaphore, #tpu.memory_space<semaphore_mem>>
      %dma_start3A = arith.constant 0 : i32
      %dma_start3A_7 = tpu.memref_slice %arg6[%add3A, %dma_start3A] : memref<32x10240xf32, #tpu.memory_space<hbm>> -> memref<1x10240xf32, #tpu.memory_space<hbm>>
      %dma_start3A_8 = tpu.memref_squeeze %dma_start3A_7 : memref<1x10240xf32, #tpu.memory_space<hbm>> -> memref<10240xf32, #tpu.memory_space<hbm>>
      %dma_start3A_9 = arith.constant 0 : i32
      %dma_start3A_10 = tpu.memref_slice %arg6[%add3A, %dma_start3A_9] : memref<32x10240xf32, #tpu.memory_space<hbm>> -> memref<1x10240xf32, #tpu.memory_space<hbm>>
      %dma_start3A_11 = tpu.memref_squeeze %dma_start3A_10 : memref<1x10240xf32, #tpu.memory_space<hbm>> -> memref<10240xf32, #tpu.memory_space<hbm>>
      tpu.enqueue_dma source(%arg10 : memref<10240xf32, #tpu.memory_space<vmem>>) target(%dma_start3A_11 : memref<10240xf32, #tpu.memory_space<hbm>>) target_semaphore(%run_scoped3A : memref<!tpu.dma_semaphore, #tpu.memory_space<semaphore_mem>>)
      %dma_wait3A = arith.constant 0 : i32
      %dma_wait3A_12 = tpu.memref_slice %arg6[%add3A, %dma_wait3A] : memref<32x10240xf32, #tpu.memory_space<hbm>> -> memref<1x10240xf32, #tpu.memory_space<hbm>>
      %dma_wait3A_13 = tpu.memref_squeeze %dma_wait3A_12 : memref<1x10240xf32, #tpu.memory_space<hbm>> -> memref<10240xf32, #tpu.memory_space<hbm>>
      %dma_wait3A_14 = arith.constant 0 : i32
      %dma_wait3A_15 = tpu.memref_slice %arg6[%add3A, %dma_wait3A_14] : memref<32x10240xf32, #tpu.memory_space<hbm>> -> memref<1x10240xf32, #tpu.memory_space<hbm>>
      %dma_wait3A_16 = tpu.memref_squeeze %dma_wait3A_15 : memref<1x10240xf32, #tpu.memory_space<hbm>> -> memref<10240xf32, #tpu.memory_space<hbm>>
      tpu.wait_dma2 semaphore(%run_scoped3A : memref<!tpu.dma_semaphore, #tpu.memory_space<semaphore_mem>>) src(%arg10 : memref<10240xf32, #tpu.memory_space<vmem>>) dst(%dma_wait3A_16 : memref<10240xf32, #tpu.memory_space<hbm>>)
      tpu.yield
    }) : () -> ()
    return
  }
}

module attributes {stable_mosaic.version = 14 : i64} {
  func.func @_tc_w_body(%arg0: memref<32x80x128xf32, #tpu.memory_space<vmem>>, %arg1: memref<80x128xf32, #tpu.memory_space<vmem>>, %arg2: memref<80x128xf32, #tpu.memory_space<vmem>>) attributes {dimension_semantics = [], scalar_prefetch = 0 : i64, scratch_operands = 0 : i64, tpu.core_type = #tpu.core_type<tc>} {
    %get3A = arith.constant 0 : index
    %get3A_0 = arith.constant 0 : index
    %get3A_1 = arith.constant 0 : index
    %get3A_2 = vector.load %arg0[%get3A, %get3A_0, %get3A_1] : memref<32x80x128xf32, #tpu.memory_space<vmem>>, vector<32x80x128xf32>
    %reduce_sum3A = arith.constant dense<0.000000e+00> : vector<80x128xf32>
    %reduce_sum3A_3 = vector.multi_reduction <add>, %get3A_2, %reduce_sum3A [0] : vector<32x80x128xf32> to vector<80x128xf32>
    %swap3A = arith.constant 0 : index
    %swap3A_4 = arith.constant 0 : index
    %swap3A_5 = vector.load %arg1[%swap3A, %swap3A_4] : memref<80x128xf32, #tpu.memory_space<vmem>>, vector<80x128xf32>
    tpu.vector_store %arg1[%swap3A, %swap3A_4], %reduce_sum3A_3 {strides = array<i32>} : memref<80x128xf32, #tpu.memory_space<vmem>>, vector<80x128xf32>,
    %gt3A = arith.constant 0.000000e+00 : f32
    %gt3A_6 = vector.broadcast %gt3A : f32 to vector<80x128xf32>
    %gt3A_7 = arith.cmpf ogt, %reduce_sum3A_3, %gt3A_6 : vector<80x128xf32>
    %div3A = arith.constant 1.000000e+00 : f32
    %div3A_8 = vector.broadcast %div3A : f32 to vector<80x128xf32>
    %div3A_9 = arith.divf %div3A_8, %reduce_sum3A_3 : vector<80x128xf32>
    %jit3A = arith.constant 0.000000e+00 : f32
    %broadcast_in_dim3A = vector.broadcast %jit3A : f32 to vector<80x128xf32>
    %select_n3A = arith.select %gt3A_7, %div3A_9, %broadcast_in_dim3A : vector<80x128xi1>, vector<80x128xf32>
    %swap3A_10 = arith.constant 0 : index
    %swap3A_11 = arith.constant 0 : index
    %swap3A_12 = vector.load %arg2[%swap3A_10, %swap3A_11] : memref<80x128xf32, #tpu.memory_space<vmem>>, vector<80x128xf32>
    tpu.vector_store %arg2[%swap3A_10, %swap3A_11], %select_n3A {strides = array<i32>} : memref<80x128xf32, #tpu.memory_space<vmem>>, vector<80x128xf32>,
    return
  }
}

module attributes {stable_mosaic.version = 14 : i64} {
  func.func @_tc_c_body(%arg0: memref<32x80x128xf32, #tpu.memory_space<vmem>>, %arg1: memref<80x128xf32, #tpu.memory_space<vmem>>, %arg2: memref<80x128xf32, #tpu.memory_space<vmem>>, %arg3: memref<80x128xf32, #tpu.memory_space<vmem>>, %arg4: memref<80x128xf32, #tpu.memory_space<vmem>>) attributes {dimension_semantics = [], scalar_prefetch = 0 : i64, scratch_operands = 0 : i64, tpu.core_type = #tpu.core_type<tc>} {
    %get3A = arith.constant 0 : index
    %get3A_0 = arith.constant 0 : index
    %get3A_1 = arith.constant 0 : index
    %get3A_2 = vector.load %arg0[%get3A, %get3A_0, %get3A_1] : memref<32x80x128xf32, #tpu.memory_space<vmem>>, vector<32x80x128xf32>
    %reduce_sum3A = arith.constant dense<0.000000e+00> : vector<80x128xf32>
    %reduce_sum3A_3 = vector.multi_reduction <add>, %get3A_2, %reduce_sum3A [0] : vector<32x80x128xf32> to vector<80x128xf32>
    %get3A_4 = arith.constant 0 : index
    %get3A_5 = arith.constant 0 : index
    %get3A_6 = vector.load %arg2[%get3A_4, %get3A_5] : memref<80x128xf32, #tpu.memory_space<vmem>>, vector<80x128xf32>
    %mul3A = arith.mulf %get3A_6, %reduce_sum3A_3 : vector<80x128xf32>
    %add3A = arith.constant 1.000000e+00 : f32
    %add3A_7 = vector.broadcast %add3A : f32 to vector<80x128xf32>
    %add3A_8 = arith.addf %mul3A, %add3A_7 : vector<80x128xf32>
    %div3A = arith.constant 1.000000e+00 : f32
    %div3A_9 = vector.broadcast %div3A : f32 to vector<80x128xf32>
    %div3A_10 = arith.divf %div3A_9, %add3A_8 : vector<80x128xf32>
    %rsqrt3A = math.rsqrt %add3A_8 : vector<80x128xf32>
    %mul3A_11 = arith.mulf %rsqrt3A, %get3A_6 : vector<80x128xf32>
    %swap3A = arith.constant 0 : index
    %swap3A_12 = arith.constant 0 : index
    %swap3A_13 = vector.load %arg3[%swap3A, %swap3A_12] : memref<80x128xf32, #tpu.memory_space<vmem>>, vector<80x128xf32>
    tpu.vector_store %arg3[%swap3A, %swap3A_12], %mul3A_11 {strides = array<i32>} : memref<80x128xf32, #tpu.memory_space<vmem>>, vector<80x128xf32>,
    %swap3A_14 = arith.constant 0 : index
    %swap3A_15 = arith.constant 0 : index
    %swap3A_16 = vector.load %arg4[%swap3A_14, %swap3A_15] : memref<80x128xf32, #tpu.memory_space<vmem>>, vector<80x128xf32>
    tpu.vector_store %arg4[%swap3A_14, %swap3A_15], %div3A_10 {strides = array<i32>} : memref<80x128xf32, #tpu.memory_space<vmem>>, vector<80x128xf32>,
    return
  }
}

module attributes {stable_mosaic.version = 14 : i64} {
  func.func @_tc_h_body(%arg0: i32, %arg1: memref<512x128xf32, #tpu.memory_space<vmem>>, %arg2: memref<128x128xf32, #tpu.memory_space<vmem>>, %arg3: memref<512x1xf32, #tpu.memory_space<vmem>>, %arg4: memref<512x128xf32, #tpu.memory_space<vmem>>, %arg5: memref<512x128xf32, #tpu.memory_space<vmem>>) attributes {dimension_semantics = [#tpu.dimension_semantics<arbitrary>], iteration_bounds = array<i64: 20>, scalar_prefetch = 0 : i64, scratch_operands = 0 : i64, tpu.core_type = #tpu.core_type<tc>, window_params = [{transform_indices = @transform_0, window_bounds = array<i64: 512, 128>}, {pipeline_mode = #tpu.pipeline_mode<synchronous>, transform_indices = @transform_1, window_bounds = array<i64: 128, 128>}, {transform_indices = @transform_2, window_bounds = array<i64: 512, 1>}, {transform_indices = @transform_3, window_bounds = array<i64: 512, 128>}, {transform_indices = @transform_4, window_bounds = array<i64: 512, 128>}]} {
    %get3A = arith.constant 0 : index
    %get3A_0 = arith.constant 0 : index
    %get3A_1 = vector.load %arg1[%get3A, %get3A_0] : memref<512x128xf32, #tpu.memory_space<vmem>>, vector<512x128xf32>
    %reduce_sum3A = arith.constant dense<0.000000e+00> : vector<512xf32>
    %reduce_sum3A_2 = vector.multi_reduction <add>, %get3A_1, %reduce_sum3A [1] : vector<512x128xf32> to vector<512xf32>
    %broadcast_in_dim3A = vector.shape_cast %reduce_sum3A_2 : vector<512xf32> to vector<512x1xf32>
    %div3A = vector.broadcast %broadcast_in_dim3A : vector<512x1xf32> to vector<512x128xf32>
    %div3A_3 = arith.divf %get3A_1, %div3A : vector<512x128xf32>
    %get3A_4 = arith.constant 0 : index
    %get3A_5 = arith.constant 0 : index
    %get3A_6 = vector.load %arg2[%get3A_4, %get3A_5] : memref<128x128xf32, #tpu.memory_space<vmem>>, vector<128x128xf32>
    %dot_general3A = arith.constant dense<0.000000e+00> : vector<512x128xf32>
    %dot_general3A_7 = tpu.matmul %div3A_3, %get3A_6, %dot_general3A {dimension_numbers = #tpu.dot_dimension_numbers<[1], [0], [0], [1], [0, 0, 1, 1], [], []>, transpose_lhs_hint = false} : vector<512x128xf32>, vector<128x128xf32>, vector<512x128xf32> -> vector<512x128xf32>
    %swap3A = arith.constant 0 : index
    %swap3A_8 = arith.constant 0 : index
    %swap3A_9 = vector.load %arg4[%swap3A, %swap3A_8] : memref<512x128xf32, #tpu.memory_space<vmem>>, vector<512x128xf32>
    tpu.vector_store %arg4[%swap3A, %swap3A_8], %dot_general3A_7 {strides = array<i32>} : memref<512x128xf32, #tpu.memory_space<vmem>>, vector<512x128xf32>,
    %get3A_10 = arith.constant 0 : index
    %get3A_11 = arith.constant 0 : index
    %get3A_12 = vector.load %arg3[%get3A_10, %get3A_11] : memref<512x1xf32, #tpu.memory_space<vmem>>, vector<512x1xf32>
    %mul3A = vector.broadcast %get3A_12 : vector<512x1xf32> to vector<512x128xf32>
    %mul3A_13 = arith.mulf %mul3A, %dot_general3A_7 : vector<512x128xf32>
    %swap3A_14 = arith.constant 0 : index
    %swap3A_15 = arith.constant 0 : index
    %swap3A_16 = vector.load %arg5[%swap3A_14, %swap3A_15] : memref<512x128xf32, #tpu.memory_space<vmem>>, vector<512x128xf32>
    tpu.vector_store %arg5[%swap3A_14, %swap3A_15], %mul3A_13 {strides = array<i32>} : memref<512x128xf32, #tpu.memory_space<vmem>>, vector<512x128xf32>,
    return
  }
  func.func @transform_0(%arg0: i32) -> (i32, i32) {
    %c0_i32 = arith.constant 0 : i32
    %c0_i32_0 = arith.constant 0 : i32
    return %arg0, %c0_i32 : i32, i32
  }
  func.func @transform_1(%arg0: i32) -> (i32, i32) {
    %c0_i32 = arith.constant 0 : i32
    %c0_i32_0 = arith.constant 0 : i32
    %c0_i32_1 = arith.constant 0 : i32
    return %c0_i32, %c0_i32_0 : i32, i32
  }
  func.func @transform_2(%arg0: i32) -> (i32, i32) {
    %c0_i32 = arith.constant 0 : i32
    %c0_i32_0 = arith.constant 0 : i32
    return %arg0, %c0_i32 : i32, i32
  }
  func.func @transform_3(%arg0: i32) -> (i32, i32) {
    %c0_i32 = arith.constant 0 : i32
    %c0_i32_0 = arith.constant 0 : i32
    return %arg0, %c0_i32 : i32, i32
  }
  func.func @transform_4(%arg0: i32) -> (i32, i32) {
    %c0_i32 = arith.constant 0 : i32
    %c0_i32_0 = arith.constant 0 : i32
    return %arg0, %c0_i32 : i32, i32
  }
}

module attributes {stable_mosaic.version = 14 : i64} {
  func.func @_tc_z_body(%arg0: i32, %arg1: memref<2x512x128xf32, #tpu.memory_space<vmem>>, %arg2: memref<512x128xf32, #tpu.memory_space<vmem>>, %arg3: memref<512x1xf32, #tpu.memory_space<vmem>>, %arg4: memref<512x1xf32, #tpu.memory_space<vmem>>, %arg5: memref<1x128xf32, #tpu.memory_space<vmem>>, %arg6: memref<128x1xf32, #tpu.memory_space<vmem>>, %arg7: memref<512x1xf32, #tpu.memory_space<vmem>>, %arg8: memref<512x1xf32, #tpu.memory_space<vmem>>) attributes {dimension_semantics = [#tpu.dimension_semantics<arbitrary>], iteration_bounds = array<i64: 20>, scalar_prefetch = 0 : i64, scratch_operands = 0 : i64, tpu.core_type = #tpu.core_type<tc>, window_params = [{transform_indices = @transform_0, window_bounds = array<i64: 2, 512, 128>}, {transform_indices = @transform_1, window_bounds = array<i64: 512, 128>}, {transform_indices = @transform_2, window_bounds = array<i64: 512, 1>}, {transform_indices = @transform_3, window_bounds = array<i64: 512, 1>}, {pipeline_mode = #tpu.pipeline_mode<synchronous>, transform_indices = @transform_4, window_bounds = array<i64: 1, 128>}, {pipeline_mode = #tpu.pipeline_mode<synchronous>, transform_indices = @transform_5, window_bounds = array<i64: 128, 1>}, {transform_indices = @transform_6, window_bounds = array<i64: 512, 1>}, {transform_indices = @transform_7, window_bounds = array<i64: 512, 1>}]} {
    %get3A = arith.constant 0 : index
    %get3A_0 = arith.constant 0 : index
    %get3A_1 = arith.constant 0 : index
    %get3A_2 = vector.load %arg1[%get3A, %get3A_0, %get3A_1] : memref<2x512x128xf32, #tpu.memory_space<vmem>>, vector<2x512x128xf32>
    %get3A_3 = arith.constant 0 : index
    %get3A_4 = arith.constant 0 : index
    %get3A_5 = vector.load %arg3[%get3A_3, %get3A_4] : memref<512x1xf32, #tpu.memory_space<vmem>>, vector<512x1xf32>
    %slice3A = vector.extract_strided_slice %get3A_2 {offsets = [0, 0, 0], sizes = [1, 512, 128], strides = [1, 1, 1]} : vector<2x512x128xf32> to vector<1x512x128xf32>
    %squeeze3A = vector.shape_cast %slice3A : vector<1x512x128xf32> to vector<512x128xf32>
    %slice3A_6 = vector.extract_strided_slice %get3A_2 {offsets = [1, 0, 0], sizes = [1, 512, 128], strides = [1, 1, 1]} : vector<2x512x128xf32> to vector<1x512x128xf32>
    %squeeze3A_7 = vector.shape_cast %slice3A_6 : vector<1x512x128xf32> to vector<512x128xf32>
    %add3A = arith.addf %squeeze3A, %squeeze3A_7 : vector<512x128xf32>
    %mul3A = vector.broadcast %get3A_5 : vector<512x1xf32> to vector<512x128xf32>
    %mul3A_8 = arith.mulf %mul3A, %add3A : vector<512x128xf32>
    %get3A_9 = arith.constant 0 : index
    %get3A_10 = arith.constant 0 : index
    %get3A_11 = vector.load %arg4[%get3A_9, %get3A_10] : memref<512x1xf32, #tpu.memory_space<vmem>>, vector<512x1xf32>
    %get3A_12 = arith.constant 0 : index
    %get3A_13 = arith.constant 0 : index
    %get3A_14 = vector.load %arg2[%get3A_12, %get3A_13] : memref<512x128xf32, #tpu.memory_space<vmem>>, vector<512x128xf32>
    %mul3A_15 = vector.broadcast %get3A_11 : vector<512x1xf32> to vector<512x128xf32>
    %mul3A_16 = arith.mulf %mul3A_15, %get3A_14 : vector<512x128xf32>
    %add3A_17 = arith.addf %mul3A_8, %mul3A_16 : vector<512x128xf32>
    %get3A_18 = arith.constant 0 : index
    %get3A_19 = arith.constant 0 : index
    %get3A_20 = vector.load %arg5[%get3A_18, %get3A_19] : memref<1x128xf32, #tpu.memory_space<vmem>>, vector<1x128xf32>
    %add3A_21 = vector.broadcast %get3A_20 : vector<1x128xf32> to vector<512x128xf32>
    %add3A_22 = arith.addf %add3A_17, %add3A_21 : vector<512x128xf32>
    %max3A = arith.constant 0.000000e+00 : f32
    %max3A_23 = vector.broadcast %max3A : f32 to vector<512x128xf32>
    %max3A_24 = arith.maximumf %add3A_22, %max3A_23 : vector<512x128xf32>
    %get3A_25 = arith.constant 0 : index
    %get3A_26 = arith.constant 0 : index
    %get3A_27 = vector.load %arg6[%get3A_25, %get3A_26] : memref<128x1xf32, #tpu.memory_space<vmem>>, vector<128x1xf32>
    %dot_general3A = arith.constant dense<0.000000e+00> : vector<512x1xf32>
    %dot_general3A_28 = tpu.matmul %max3A_24, %get3A_27, %dot_general3A {dimension_numbers = #tpu.dot_dimension_numbers<[1], [0], [0], [1], [0, 0, 1, 1], [], []>, transpose_lhs_hint = false} : vector<512x128xf32>, vector<128x1xf32>, vector<512x1xf32> -> vector<512x1xf32>
    %get3A_29 = arith.constant 0 : index
    %get3A_30 = arith.constant 0 : index
    %get3A_31 = vector.load %arg3[%get3A_29, %get3A_30] : memref<512x1xf32, #tpu.memory_space<vmem>>, vector<512x1xf32>
    %mul3A_32 = arith.mulf %get3A_31, %dot_general3A_28 : vector<512x1xf32>
    %swap3A = arith.constant 0 : index
    %swap3A_33 = arith.constant 0 : index
    %swap3A_34 = vector.load %arg7[%swap3A, %swap3A_33] : memref<512x1xf32, #tpu.memory_space<vmem>>, vector<512x1xf32>
    tpu.vector_store %arg7[%swap3A, %swap3A_33], %mul3A_32 {strides = array<i32>} : memref<512x1xf32, #tpu.memory_space<vmem>>, vector<512x1xf32>,
    %get3A_35 = arith.constant 0 : index
    %get3A_36 = arith.constant 0 : index
    %get3A_37 = vector.load %arg4[%get3A_35, %get3A_36] : memref<512x1xf32, #tpu.memory_space<vmem>>, vector<512x1xf32>
    %mul3A_38 = arith.mulf %get3A_37, %dot_general3A_28 : vector<512x1xf32>
    %swap3A_39 = arith.constant 0 : index
    %swap3A_40 = arith.constant 0 : index
    %swap3A_41 = vector.load %arg8[%swap3A_39, %swap3A_40] : memref<512x1xf32, #tpu.memory_space<vmem>>, vector<512x1xf32>
    tpu.vector_store %arg8[%swap3A_39, %swap3A_40], %mul3A_38 {strides = array<i32>} : memref<512x1xf32, #tpu.memory_space<vmem>>, vector<512x1xf32>,
    return
  }
  func.func @transform_0(%arg0: i32) -> (i32, i32, i32) {
    %c0_i32 = arith.constant 0 : i32
    %c0_i32_0 = arith.constant 0 : i32
    %c0_i32_1 = arith.constant 0 : i32
    return %c0_i32, %arg0, %c0_i32_0 : i32, i32, i32
  }
  func.func @transform_1(%arg0: i32) -> (i32, i32) {
    %c0_i32 = arith.constant 0 : i32
    %c0_i32_0 = arith.constant 0 : i32
    return %arg0, %c0_i32 : i32, i32
  }
  func.func @transform_2(%arg0: i32) -> (i32, i32) {
    %c0_i32 = arith.constant 0 : i32
    %c0_i32_0 = arith.constant 0 : i32
    return %arg0, %c0_i32 : i32, i32
  }
  func.func @transform_3(%arg0: i32) -> (i32, i32) {
    %c0_i32 = arith.constant 0 : i32
    %c0_i32_0 = arith.constant 0 : i32
    return %arg0, %c0_i32 : i32, i32
  }
  func.func @transform_4(%arg0: i32) -> (i32, i32) {
    %c0_i32 = arith.constant 0 : i32
    %c0_i32_0 = arith.constant 0 : i32
    %c0_i32_1 = arith.constant 0 : i32
    return %c0_i32, %c0_i32_0 : i32, i32
  }
  func.func @transform_5(%arg0: i32) -> (i32, i32) {
    %c0_i32 = arith.constant 0 : i32
    %c0_i32_0 = arith.constant 0 : i32
    %c0_i32_1 = arith.constant 0 : i32
    return %c0_i32, %c0_i32_0 : i32, i32
  }
  func.func @transform_6(%arg0: i32) -> (i32, i32) {
    %c0_i32 = arith.constant 0 : i32
    %c0_i32_0 = arith.constant 0 : i32
    return %arg0, %c0_i32 : i32, i32
  }
  func.func @transform_7(%arg0: i32) -> (i32, i32) {
    %c0_i32 = arith.constant 0 : i32
    %c0_i32_0 = arith.constant 0 : i32
    return %arg0, %c0_i32 : i32, i32
  }
}

module attributes {stable_mosaic.version = 14 : i64} {
  func.func @_tc_out_body(%arg0: memref<32x80x128xf32, #tpu.memory_space<vmem>>, %arg1: memref<80x128xf32, #tpu.memory_space<vmem>>, %arg2: memref<80x128xf32, #tpu.memory_space<vmem>>, %arg3: memref<1x1xf32, #tpu.memory_space<vmem>>, %arg4: memref<80x128xf32, #tpu.memory_space<vmem>>) attributes {dimension_semantics = [], scalar_prefetch = 0 : i64, scratch_operands = 0 : i64, tpu.core_type = #tpu.core_type<tc>} {
    %get3A = arith.constant 0 : index
    %get3A_0 = arith.constant 0 : index
    %get3A_1 = arith.constant 0 : index
    %get3A_2 = vector.load %arg0[%get3A, %get3A_0, %get3A_1] : memref<32x80x128xf32, #tpu.memory_space<vmem>>, vector<32x80x128xf32>
    %reduce_sum3A = arith.constant dense<0.000000e+00> : vector<80x128xf32>
    %reduce_sum3A_3 = vector.multi_reduction <add>, %get3A_2, %reduce_sum3A [0] : vector<32x80x128xf32> to vector<80x128xf32>
    %get3A_4 = arith.constant 0 : index
    %get3A_5 = arith.constant 0 : index
    %get3A_6 = vector.load %arg1[%get3A_4, %get3A_5] : memref<80x128xf32, #tpu.memory_space<vmem>>, vector<80x128xf32>
    %mul3A = arith.mulf %get3A_6, %reduce_sum3A_3 : vector<80x128xf32>
    %get3A_7 = arith.constant 0 : index
    %get3A_8 = arith.constant 0 : index
    %get3A_9 = vector.load %arg2[%get3A_7, %get3A_8] : memref<80x128xf32, #tpu.memory_space<vmem>>, vector<80x128xf32>
    %add3A = arith.addf %mul3A, %get3A_9 : vector<80x128xf32>
    %get3A_10 = arith.constant 0 : index
    %get3A_11 = arith.constant 0 : index
    %get3A_12 = vector.load %arg3[%get3A_10, %get3A_11] : memref<1x1xf32, #tpu.memory_space<vmem>>, vector<1x1xf32>
    %get3A_13 = vector.extract %get3A_12[0, 0] : f32 from vector<1x1xf32>
    %add3A_14 = vector.broadcast %get3A_13 : f32 to vector<80x128xf32>
    %add3A_15 = arith.addf %add3A, %add3A_14 : vector<80x128xf32>
    %swap3A = arith.constant 0 : index
    %swap3A_16 = arith.constant 0 : index
    %swap3A_17 = vector.load %arg4[%swap3A, %swap3A_16] : memref<80x128xf32, #tpu.memory_space<vmem>>, vector<80x128xf32>
    tpu.vector_store %arg4[%swap3A, %swap3A_16], %add3A_15 {strides = array<i32>} : memref<80x128xf32, #tpu.memory_space<vmem>>, vector<80x128xf32>,
    return
  }
}

</mosaic_0001>

<sc_bundles>
// kernel: kernel.11.cloned.1.call-start
scs
__scs_entry_jumppad:
0x0: {  	(pc) =	sbr.rel $0x88, $3  }
0x1: {  	(tag) =	ssettag $0x0;
	lr =	simm.s32 $0x1  }
0x2: {  	[smem:$0x3F9B] =	sst lr;
	_ =	strace $0xD0000000  }
0x3: {  	_ = 	snop  }
0x4: {  	_ = 	snop  }
0x5: {  	_ = 	snop  }
0x6: {  	_ = 	snop  }
0x7: {  	_ = 	snop  }
__scs_overlays_trampoline_lowered:
0x8: {  	[smem:$0x3FAA] =	sst s0  }
0x9: {  	[smem:$0x3FAB] =	sst s1  }
0xa: {  	[smem:$0x3FAC] =	sst s2  }
0xb: {  	[smem:$0x3FAD] =	sst s3  }
0xc: {  	[smem:$0x3FAE] =	sst s4  }
0xd: {  	[smem:$0x3FAF] =	sst s5  }
0xe: {  	[smem:$0x3FB0] =	sst s6  }
0xf: {  	[smem:$0x3FB1] =	sst s7  }
0x10: {  	[smem:$0x3FB2] =	sst s8  }
0x11: {  	[smem:$0x3FB3] =	sst s9;
	s0 =	simm.s32 @!p0 $0x0  }
0x12: {  	s1 =	sld [smem:$0x3F99];
	s0 =	simm.s32 @p0 $0x1  }
0x13: {  	[smem:$0x3FB4] =	sst s0;
	s0 =	simm.s32 @!p1 $0x0  }
0x14: {  	s2 =	sld [smem:$0x3F98];
	s0 =	simm.s32 @p1 $0x1  }
0x15: {  	[smem:$0x3FB5] =	sst s0;
	s0 =	simm.s32 @!p2 $0x0  }
0x16: {  	s3 =	sld [smem:$0x3FDB];
	s0 =	simm.s32 @p2 $0x1  }
0x17: {  	s4 =	simm.s32 $0x1BF5;
	[smem:$0x3FB7] =	sst s0  }
0x18: {  	s0 =	sld [smem:$0x3F9A];
	_ =	swait.ge [sflag:s4], $0x0  }
0x19: {  	s7 =	sld [smem:$0x3F9B]  }
0x1a: {  	s8 =	sadd.s32 $0xFFFFE003, lr  }
0x1b: {  	s9 =	sadd.s32 $0xFFFFFEF7, lr;
	s5 =	simm.s32 $0xFFFFFFFF;
	p2 =	slt.u32 s8, $0xFFFFF086  }
0x1c: {  	p1 =	slt.u32 s9, $0xF7A;
	s5 =	simm.s32 @!p2 $0x0  }
0x1d: {  	s5 =	simm.s32 @p1 $0x1;
	p0 =	seq.s32 s7, s2  }
0x1e: {  	s7 =	smul.u32 @!p0 $0xF7A, s2;
	p2 =	seq.s32 @!p0 s5, $0x0  }
0x1f: {  	s9 =	smul.u32 $0xF7A, s1;
	s8 =	simm.s32 @!p0 $0x1BF5;
	p2 =	por !p2, p0  }
0x20: {  	[sflag:s8] =	ssyncset.s32 @!p0 $0xFFFFF086;
	s6 =	sadd.s32 @!p0 s3, s7;
	s7 =	simm.s32 @!p0 $0x108  }
0x21: {  	s3 =	sadd.s32 s3, s9;
	s6 =	sadd.s32 @!p0 $0x88, s6;
	s7 =	simm.s32 @p2 $0x1082  }
0x22: {  	[simem:s7], [sflag:s8] =	dma.local @!p0 [hbm:s6], $0xF7A  }
0x23: {  	s9 =	sor.u32 $0xD0000000, s2;
	s6 =	simm.s32 $0x108;
	_ =	swait.ge @!p0 [sflag:s8], $0x0  }
0x24: {  	s3 =	sadd.s32 $0x88, s3;
	s6 =	simm.s32 @!p1 $0x1082;
	[sflag:s4] =	ssyncset.s32 $0xFFFFF086  }
0x25: {  	[simem:s6], [sflag:s4] =	dma.local [hbm:s3], $0xF7A  }
0x26: {  	[smem:$0x3F9B] =	sst s1;
	(tag) =	ssettag s2;
	_ =	strace s9  }
0x27: {  	s1 =	sld [smem:$0x3FAB]  }
0x28: {  	s2 =	sld [smem:$0x3FAC]  }
0x29: {  	s4 =	sld [smem:$0x3FAE]  }
0x2a: {  	p0 =	seq.s32 s5, $0x0;
	s5 =	sld [smem:$0x3FAF]  }
0x2b: {  	s6 =	sld [smem:$0x3FB0]  }
0x2c: {  	s7 =	sld [smem:$0x3FB1]  }
0x2d: {  	s3 =	simm.s32 $0x108;
	s8 =	sld [smem:$0x3FB2]  }
0x2e: {  	s3 =	simm.s32 @!p0 $0x1082;
	s9 =	sld [smem:$0x3FB3]  }
0x2f: {  	lr =	sadd.s32 s0, s3;
	s0 =	sld [smem:$0x3FAA]  }
0x30: {  	s3 =	sld [smem:$0x3FAD]  }
0x31: {  	[smem:$0x3FB6] =	sst s10  }
0x32: {  	s10 =	sld [smem:$0x3FB4];
	_ =	sdelay $0x3  }
0x33: {  	p0 =	seq.s32 s10, $0x1;
	s10 =	sld [smem:$0x3FB6];
	_ =	sdelay $0x3  }
0x34: {  	[smem:$0x3FB6] =	sst s10  }
0x35: {  	s10 =	sld [smem:$0x3FB5];
	_ =	sdelay $0x3  }
0x36: {  	p1 =	seq.s32 s10, $0x1;
	s10 =	sld [smem:$0x3FB6];
	_ =	sdelay $0x3  }
0x37: {  	[smem:$0x3FB6] =	sst s10  }
0x38: {  	s10 =	sld [smem:$0x3FB7]  }
0x39: {  	_ = 	snop;
	(pc) =	sbr.ind lr, $3  }
0x3a: {  	_ = 	snop  }
0x3b: {  	_ = 	snop  }
0x3c: {  	p2 =	seq.s32 s10, $0x1;
	s10 =	sld [smem:$0x3FB6]  }
0x3d: {  	_ =	shalt  }
0x3e: {  	_ =	shalt  }
0x3f: {  	_ =	shalt  }
0x40: {  	_ =	shalt  }
0x41: {  	_ =	shalt  }
0x42: {  	_ =	shalt  }
0x43: {  	_ =	shalt  }
0x44: {  	_ =	shalt  }
0x45: {  	_ =	shalt  }
0x46: {  	_ =	shalt  }
0x47: {  	_ =	shalt  }
0x48: {  	_ =	shalt  }
0x49: {  	_ =	shalt  }
0x4a: {  	_ =	shalt  }
0x4b: {  	_ =	shalt  }
0x4c: {  	_ =	shalt  }
0x4d: {  	_ =	shalt  }
0x4e: {  	_ =	shalt  }
0x4f: {  	_ =	shalt  }
0x50: {  	_ =	shalt  }
0x51: {  	_ =	shalt  }
0x52: {  	_ =	shalt  }
0x53: {  	_ =	shalt  }
0x54: {  	_ =	shalt  }
0x55: {  	_ =	shalt  }
0x56: {  	_ =	shalt  }
0x57: {  	_ =	shalt  }
0x58: {  	_ =	shalt  }
0x59: {  	_ =	shalt  }
0x5a: {  	_ =	shalt  }
0x5b: {  	_ =	shalt  }
0x5c: {  	_ =	shalt  }
0x5d: {  	_ =	shalt  }
0x5e: {  	_ =	shalt  }
0x5f: {  	_ =	shalt  }
0x60: {  	_ =	shalt  }
0x61: {  	_ =	shalt  }
0x62: {  	_ =	shalt  }
0x63: {  	_ =	shalt  }
0x64: {  	_ =	shalt  }
0x65: {  	_ =	shalt  }
0x66: {  	_ =	shalt  }
0x67: {  	_ =	shalt  }
0x68: {  	_ =	shalt  }
0x69: {  	_ =	shalt  }
0x6a: {  	_ =	shalt  }
0x6b: {  	_ =	shalt  }
0x6c: {  	_ =	shalt  }
0x6d: {  	_ =	shalt  }
0x6e: {  	_ =	shalt  }
0x6f: {  	_ =	shalt  }
0x70: {  	_ =	shalt  }
0x71: {  	_ =	shalt  }
0x72: {  	_ =	shalt  }
0x73: {  	_ =	shalt  }
0x74: {  	_ =	shalt  }
0x75: {  	_ =	shalt  }
0x76: {  	_ =	shalt  }
0x77: {  	_ =	shalt  }
0x78: {  	_ =	shalt  }
0x79: {  	_ =	shalt  }
0x7a: {  	_ =	shalt  }
0x7b: {  	_ =	shalt  }
0x7c: {  	_ =	shalt  }
0x7d: {  	_ =	shalt  }
0x7e: {  	_ =	shalt  }
0x7f: {  	_ =	shalt  }
0x80: {  	_ =	shalt  }
0x81: {  	_ =	shalt  }
0x82: {  	_ =	shalt  }
0x83: {  	_ =	shalt  }
0x84: {  	_ =	shalt  }
0x85: {  	_ =	shalt  }
0x86: {  	_ =	shalt  }
0x87: {  	_ =	shalt  }
.Lfunc_end0:
.L_simem_size_0:
called_computation_lowered:
.L_overlay_start_0:
0x88: {  	s2 =	sld [smem:$0x3FD9]  }
0x89: {  	s3 =	sld [smem:$0x3FFE];
	_ =	sdelay $0x1  }
0x8a: {  	s1 =	srdreg.scid  }
0x8b: {  	s0 =	sand.u32 $0x1, s1  }
0x8c: {  	s16 =	sshll.u32 s0, $0xA;
	s2 =	sadd.s32 s3, s2  }
0x8d: {  	s2 =	sadd.s32 s2, s16  }
0x8e: {  	[smem:$0x3FC2] =	sst s2  }
0x8f: {  	_ = 	snop  }
0x90: {  	(tm) =	ssettm $0x1  }
0x91: {  	s17 =	sld [smem:$0x3FFB];
	_ =	sdelay $0x3  }
0x92: {  	_ =	strace s17  }
0x93: {  	s2 =	sld [smem:$0x3FFC];
	_ =	sdelay $0x3  }
0x94: {  	_ =	strace s2  }
0x95: {  	s2 =	sld [smem:$0x3FFD];
	_ =	sdelay $0x3  }
0x96: {  	_ =	strace s2  }
0x97: {  	_ =	strace $0x8FFFFFFF  }
0x98: {  	s18 =	sld [smem:$0x3FDB];
	_ =	sdelay $0x1  }
0x99: {  	s19 =	simm.s32 $_scs_section_size  }
0x9a: {  	s4 =	simm.s32 $_size__tile_overlayer_lowered;
	s5 =	simm.s32 $_tile_overlayer_lowered  }
0x9b: {  	s22 =	simm.s32 $0x1BFF;
	s21 =	sshll.u32 s5, $0x1;
	s2 =	sadd.s32 s19, s18  }
0x9c: {  	s6 =	simm.s32 $0x0;
	s20 =	sshll.u32 s4, $0x1;
	s4 =	sadd.s32 s21, s2  }
0x9d: {  	[timem:s6], [sflag:s22] =	dma.local [hbm:s4], s20  }
0x9e: {  	_ =	swait.ge [sflag:s22], s20  }
0x9f: {  	s3 =	ssub.s32 $0x0, s20;
	[sflag:s22] =	ssyncset.done $0x0  }
0xa0: {  	[sflag:s22] =	ssyncadd.s32 s3;
	_ =	sdelay $0x1  }
0xa1: {  	s23 =	simm.s32 $0x1B8B  }
0xa2: {  	_ =	swait.ge [sflag:s23], $0x1  }
0xa3: {  	[sflag:s23] =	ssyncset.done $0x0  }
0xa4: {  	s25 =	simm.s32 $0x1B8E;
	s24 =	sld [smem:$0x3FFE];
	[sflag:s23] =	ssyncadd.s32 $0xFFFFFFFF  }
0xa5: {  	s26 =	simm.s32 $execute0_lowered;
	[smem:$0x3FD2] =	sst s25  }
0xa6: {  	s4 =	sshll.u32 s26, $0x1;
	_ =	strace $0x80000046;
	[dreg:$0x1] =	wrdreg $0xFFFFFFFF  }
0xa7: {  	s28 =	simm.s32 $_size_execute0_lowered;
	s2 =	sadd.s32 s2, s4;
	[dreg:$0x0] =	wrdreg $0x0  }
0xa8: {  	s4 =	sshll.u32 s28, $0x1;
	[dreg:$0x2] =	wrdreg s2  }
0xa9: {  	[dreg:$0x3] =	wrdreg s4  }
0xaa: {  	[dreg:$0x4] =	wrdreg $0xC0  }
0xab: {  	_ =	task [dreg:s6], $0x5FFFF  }
0xac: {  	[dreg:$0x1] =	wrdreg $0xFFFFFFFF  }
0xad: {  	[dreg:$0x0] =	wrdreg $0x60  }
0xae: {  	[dreg:$0x2] =	wrdreg s24  }
0xaf: {  	[dreg:$0x3] =	wrdreg $0x9  }
0xb0: {  	_ =	task.clear_ibuf [dreg:s6], $0x4FFFF;
	_ =	strace $0x90000046  }
0xb1: {  	s29 =	simm.s32 $0x9;
	_ =	strace $0x80000048  }
0xb2: {  	_ =	swait.ge [sflag:s29], $0x1  }
0xb3: {  	[sflag:s29] =	ssyncadd.s32 $0xFFFFFFFF  }
0xb4: {  	_ =	strace $0x90000048  }
0xb5: {  	_ =	sfence  }
0xb6: {  	s30 =	sld [smem:$0x0];
	_ =	sdelay $0x2  }
0xb7: {  	s31 =	sshll.u32 s1, $0xD;
	s1 =	sshrl.u32 s1, $0x2  }
0xb8: {  	s3 =	sand.u32 $0x4000, s31;
	s1 =	sadd.s32 s1, s30  }
0xb9: {  	s0 =	sor.u32 s3, s0;
	s1 =	sshll.u32 s1, $0x11  }
0xba: {  	s0 =	sor.u32 s1, s0  }
0xbb: {  	s0 =	sadd.s32 $0x8F2B, s0  }
0xbc: {  	[sflag:s0] =	ssyncadd.remote.s32 $0x1  }
0xbd: {  	_ =	sfence.sel $0xFFFF  }
0xbe: {  	[dreg:$0x0] =	wrdreg $0xFFFFFFFF;
	(pc) =	sbr.abs _section_cstart, $3  }
0xbf: {  	[dreg:$0x1] =	wrdreg $0xFFFFFFFF  }
0xc0: {  	_ =	task.clear_ibuf [dreg:s6], $0x2FFFF;
	_ =	strace $0x9FFFFFFF  }
0xc1: {  	(tm) =	ssettm $0x7FFFFFFF  }
tec
execute0_lowered:
.L_overlay_start_1:
0x0: {  	(tag) =	ssettag $0x1  }
0x1: {  	s0 =	srdreg.scid;
	s6 =	rddreg [dreg:$0x0];
	s2 =	simm.s32 $0x0  }
0x2: {  	s10 =	simm.s32 $0x1;
	s11 =	simm.s32 $0x2780;
	s4 =	sand.u32 $0x1, s0  }
0x3: {  	s12 =	simm.s32 $0x4F00;
	s0 =	stileid.u32;
	s1 =	sshll.u32 s4, $0x4  }
0x4: {  	s13 =	simm.s32 $0x7700;
	s14 =	simm.s32 $0x0;
	s1 =	sor.u32 s0, s1  }
0x5: {  	[smem:$0x7FF] =	sst s2;
	s29 =	sshll.u32 s0, $0x7;
	s3 =	sshrl.u32 s1, $0x3  }
0x6: {  	s30 =	ssub.s32 $0x2, s4;
	s4 =	sadd.s32 $0xB800, s6;
	s5 =	smul.u32 $0x13C00, s3  }
0x7: {  	s7 =	sand.u32 $0x380, s29;
	s9 =	sshrl.u32 s30, $0x1;
	s8 =	smul.u32 $0x14000, s3  }
0x8: {  	s1 =	rddreg [dreg:$0x1];
	_ =	strace $0x80000047;
	s31 =	ssub.s32 s30, s9  }
0x9: {  	s9 =	simm.s32 $0x400;
	s5 =	sor.u32 s7, s5;
	s7 =	sor.u32 s7, s8  }
0xa: {  	s3 =	sadd.s32 $0xBE00, s6;
	s5 =	sshrl.u32 s5, $0x3;
	s7 =	sshrl.u32 s7, $0x3  }
0xb: {  	s8 =	simm.s32 $0x80;
	s5 =	sadd.s32 s5, s6;
	s6 =	sadd.s32 s7, s6  }
0xc: {  	s7 =	smax.u32 s31, $0x1;
	s5 =	sadd.s32 $0x1A00, s5;
	s6 =	sadd.s32 $0xC400, s6  }
.LBB2_1:
0xd: {  	[tilespmem:s2], [sflag:$0x1] =	stream.strided.gather [hbm4b:s5+s8], $0x2780, s9, s8, $0x38;
	[tilespmem:$0x9F00] =	vst v63  }
0xe: {  	_ =	swait.ge [sflag:s10], $0x2780  }
0xf: {  	[sflag:s10] =	ssyncset.done $0x0  }
0x10: {  	[sflag:s10] =	ssyncadd.s32 $0xFFFFD880  }
0x11: {  	[tilespmem:s11], [sflag:$0x1] =	stream.strided.gather [hbm4b:s5+s8], $0x2780, s9, s8, $0x38;
	[tilespmem:$0x9F00] =	vst v63  }
0x12: {  	_ =	swait.ge [sflag:s10], $0x2780  }
0x13: {  	[sflag:s10] =	ssyncset.done $0x0  }
0x14: {  	[sflag:s10] =	ssyncadd.s32 $0xFFFFD880  }
0x15: {  	[tilespmem:s12], [sflag:$0x1] =	stream.linear.gather [hbm4b:s3+s2], $0x2800, $0x38;
	[tilespmem:$0x9F00] =	vst v63  }
0x16: {  	_ =	swait.ge [sflag:s10], $0x2800  }
0x17: {  	[sflag:s10] =	ssyncset.done $0x0  }
0x18: {  	[sflag:s10] =	ssyncadd.s32 $0xFFFFD800  }
0x19: {  	[tilespmem:s13], [sflag:$0x1] =	stream.linear.gather [hbm4b:s4+s2], $0x2800, $0x38;
	[tilespmem:$0x9F00] =	vst v63  }
0x1a: {  	_ =	swait.ge [sflag:s10], $0x2800  }
0x1b: {  	[sflag:s10] =	ssyncset.done $0x0  }
0x1c: {  	s16 =	simm.s32 $0x0;
	s15 =	simm.s32 $0x40;
	[sflag:s10] =	ssyncadd.s32 $0xFFFFD800  }
.LBB2_2:
0x1d: {  	p0 =	sne.s32 s15, $0x9DC0;
	v0 =	vld [tilespmem:s16+$0x0];
	_ =	sdelay $0x5  }
0x1e: {  	v1 =	vld [tilespmem:s16+$0x2780];
	_ =	sdelay $0x1  }
0x1f: {  	v0 =	vld.idx.msk [tilespmem:v0+s12+$0x0], $0xffff;
	_ =	sdelay $0x1  }
.Ltmp0:
0x20: {  	(pc) =	sbr.rel @p0 .LBB2_2-.Ltmp0, $2  }
0x21: {  	_ =	sdelay $0x2  }
0x22: {  	s16 =	sshra.s32 s15, $0x2;
	s15 =	sadd.s32 $0x40, s15;
	[tilespmem:v1+s13+$0x0] =	vst.idx.add.f32.msk $0xffff, v0  }
0x23: {  	v0 =	vld [tilespmem:s16+$0x0];
	_ =	sdelay $0x4  }
0x24: {  	v1 =	vld [tilespmem:s16+$0x2780];
	_ =	sdelay $0x2  }
0x25: {  	v0 =	vld.idx.msk [tilespmem:v0+s12+$0x0], $0xffff;
	_ =	sdelay $0x2  }
0x26: {  	s14 =	sadd.s32 $0x1, s14  }
0x27: {  	p0 =	sne.s32 s14, s7  }
.Ltmp1:
0x28: {  	[tilespmem:v1+s13+$0x0] =	vst.idx.add.f32.msk $0xffff, v0;
	(pc) =	sbr.rel @p0 .LBB2_1-.Ltmp1, $4  }
0x29: {  	[hbm4b:s6+s8] =	stream.strided.scatter [tilespmem:s13], [sflag:$0x1], $0x2800, s9, s8, $0x38;
	[tilespmem:$0x9F00] =	vst v63  }
0x2a: {  	_ =	swait.ge [sflag:s10], $0x2800  }
0x2b: {  	[sflag:s10] =	ssyncset.done $0x0  }
0x2c: {  	[sflag:s10] =	ssyncadd.s32 $0xFFFFD800  }
0x2d: {  	_ =	sfence.sel $0x180000  }
0x2e: {  	[bflag:$0x0] =	sbarrier.arrive $0xFFFF  }
0x2f: {  	p0 =	sne.s32 s0, $0x0;
	_ =	strace $0x90000047  }
0x30: {  	s0 =	sadd.s32 @!p0 $0x100000, s1;
	[bflag:$0x2] =	sbarrier.arrive $0xFFFF  }
0x31: {  	[sflag:s0] =	ssyncadd.tile.s32 @!p0 $0x1;
	_ =	shalt  }
.Lfunc_end2:
_tile_overlayer_lowered:
.L_overlay_start_2:
0x32: {  	(tag) =	ssettag $0x2  }
0x33: {  	s0 =	rddreg [dreg:$0x0];
	s2 =	stileid.u32  }
0x34: {  	s1 =	rddreg [dreg:$0x1];
	p0 =	sne.s32 s2, $0x0  }
0x35: {  	s3 =	rddreg [dreg:$0x2];
	[bflag:$0x3] =	sbarrier.arrive $0xFFFF;
	s2 =	simm.s32 @!p0 $0x1C01  }
0x36: {  	[timem:s3], [sflag:s2] =	dma.local @!p0 [hbm:s0], s1  }
0x37: {  	s0 =	simm.s32 @!p0 $0x1  }
0x38: {  	_ =	swait.ge @!p0 [sflag:s0], s1  }
0x39: {  	s1 =	ssub.s32 @!p0 $0x0, s1;
	[sflag:s0] =	ssyncset.done @!p0 $0x0  }
0x3a: {  	[sflag:s0] =	ssyncadd.s32 @!p0 s1  }
0x3b: {  	[bflag:$0x3] =	sbarrier.arrive $0xFFFF  }
0x3c: {  	_ =	shalt  }

// kernel: kernel.14.cloned.1.call-start
scs
__scs_entry_jumppad:
0x0: {  	(pc) =	sbr.rel $0x88, $3  }
0x1: {  	(tag) =	ssettag $0x0;
	lr =	simm.s32 $0x1  }
0x2: {  	[smem:$0x3F9B] =	sst lr;
	_ =	strace $0xD0000000  }
0x3: {  	_ = 	snop  }
0x4: {  	_ = 	snop  }
0x5: {  	_ = 	snop  }
0x6: {  	_ = 	snop  }
0x7: {  	_ = 	snop  }
__scs_overlays_trampoline_lowered:
0x8: {  	[smem:$0x3FAA] =	sst s0  }
0x9: {  	[smem:$0x3FAB] =	sst s1  }
0xa: {  	[smem:$0x3FAC] =	sst s2  }
0xb: {  	[smem:$0x3FAD] =	sst s3  }
0xc: {  	[smem:$0x3FAE] =	sst s4  }
0xd: {  	[smem:$0x3FAF] =	sst s5  }
0xe: {  	[smem:$0x3FB0] =	sst s6  }
0xf: {  	[smem:$0x3FB1] =	sst s7  }
0x10: {  	[smem:$0x3FB2] =	sst s8  }
0x11: {  	[smem:$0x3FB3] =	sst s9;
	s0 =	simm.s32 @!p0 $0x0  }
0x12: {  	s1 =	sld [smem:$0x3F99];
	s0 =	simm.s32 @p0 $0x1  }
0x13: {  	[smem:$0x3FB4] =	sst s0;
	s0 =	simm.s32 @!p1 $0x0  }
0x14: {  	s2 =	sld [smem:$0x3F98];
	s0 =	simm.s32 @p1 $0x1  }
0x15: {  	[smem:$0x3FB5] =	sst s0;
	s0 =	simm.s32 @!p2 $0x0  }
0x16: {  	s3 =	sld [smem:$0x3FDB];
	s0 =	simm.s32 @p2 $0x1  }
0x17: {  	s4 =	simm.s32 $0x1BF5;
	[smem:$0x3FB7] =	sst s0  }
0x18: {  	s0 =	sld [smem:$0x3F9A];
	_ =	swait.ge [sflag:s4], $0x0  }
0x19: {  	s7 =	sld [smem:$0x3F9B]  }
0x1a: {  	s8 =	sadd.s32 $0xFFFFE003, lr  }
0x1b: {  	s9 =	sadd.s32 $0xFFFFFEF7, lr;
	s5 =	simm.s32 $0xFFFFFFFF;
	p2 =	slt.u32 s8, $0xFFFFF086  }
0x1c: {  	p1 =	slt.u32 s9, $0xF7A;
	s5 =	simm.s32 @!p2 $0x0  }
0x1d: {  	s5 =	simm.s32 @p1 $0x1;
	p0 =	seq.s32 s7, s2  }
0x1e: {  	s7 =	smul.u32 @!p0 $0xF7A, s2;
	p2 =	seq.s32 @!p0 s5, $0x0  }
0x1f: {  	s9 =	smul.u32 $0xF7A, s1;
	s8 =	simm.s32 @!p0 $0x1BF5;
	p2 =	por !p2, p0  }
0x20: {  	[sflag:s8] =	ssyncset.s32 @!p0 $0xFFFFF086;
	s6 =	sadd.s32 @!p0 s3, s7;
	s7 =	simm.s32 @!p0 $0x108  }
0x21: {  	s3 =	sadd.s32 s3, s9;
	s6 =	sadd.s32 @!p0 $0x88, s6;
	s7 =	simm.s32 @p2 $0x1082  }
0x22: {  	[simem:s7], [sflag:s8] =	dma.local @!p0 [hbm:s6], $0xF7A  }
0x23: {  	s9 =	sor.u32 $0xD0000000, s2;
	s6 =	simm.s32 $0x108;
	_ =	swait.ge @!p0 [sflag:s8], $0x0  }
0x24: {  	s3 =	sadd.s32 $0x88, s3;
	s6 =	simm.s32 @!p1 $0x1082;
	[sflag:s4] =	ssyncset.s32 $0xFFFFF086  }
0x25: {  	[simem:s6], [sflag:s4] =	dma.local [hbm:s3], $0xF7A  }
0x26: {  	[smem:$0x3F9B] =	sst s1;
	(tag) =	ssettag s2;
	_ =	strace s9  }
0x27: {  	s1 =	sld [smem:$0x3FAB]  }
0x28: {  	s2 =	sld [smem:$0x3FAC]  }
0x29: {  	s4 =	sld [smem:$0x3FAE]  }
0x2a: {  	p0 =	seq.s32 s5, $0x0;
	s5 =	sld [smem:$0x3FAF]  }
0x2b: {  	s6 =	sld [smem:$0x3FB0]  }
0x2c: {  	s7 =	sld [smem:$0x3FB1]  }
0x2d: {  	s3 =	simm.s32 $0x108;
	s8 =	sld [smem:$0x3FB2]  }
0x2e: {  	s3 =	simm.s32 @!p0 $0x1082;
	s9 =	sld [smem:$0x3FB3]  }
0x2f: {  	lr =	sadd.s32 s0, s3;
	s0 =	sld [smem:$0x3FAA]  }
0x30: {  	s3 =	sld [smem:$0x3FAD]  }
0x31: {  	[smem:$0x3FB6] =	sst s10  }
0x32: {  	s10 =	sld [smem:$0x3FB4];
	_ =	sdelay $0x3  }
0x33: {  	p0 =	seq.s32 s10, $0x1;
	s10 =	sld [smem:$0x3FB6];
	_ =	sdelay $0x3  }
0x34: {  	[smem:$0x3FB6] =	sst s10  }
0x35: {  	s10 =	sld [smem:$0x3FB5];
	_ =	sdelay $0x3  }
0x36: {  	p1 =	seq.s32 s10, $0x1;
	s10 =	sld [smem:$0x3FB6];
	_ =	sdelay $0x3  }
0x37: {  	[smem:$0x3FB6] =	sst s10  }
0x38: {  	s10 =	sld [smem:$0x3FB7]  }
0x39: {  	_ = 	snop;
	(pc) =	sbr.ind lr, $3  }
0x3a: {  	_ = 	snop  }
0x3b: {  	_ = 	snop  }
0x3c: {  	p2 =	seq.s32 s10, $0x1;
	s10 =	sld [smem:$0x3FB6]  }
0x3d: {  	_ =	shalt  }
0x3e: {  	_ =	shalt  }
0x3f: {  	_ =	shalt  }
0x40: {  	_ =	shalt  }
0x41: {  	_ =	shalt  }
0x42: {  	_ =	shalt  }
0x43: {  	_ =	shalt  }
0x44: {  	_ =	shalt  }
0x45: {  	_ =	shalt  }
0x46: {  	_ =	shalt  }
0x47: {  	_ =	shalt  }
0x48: {  	_ =	shalt  }
0x49: {  	_ =	shalt  }
0x4a: {  	_ =	shalt  }
0x4b: {  	_ =	shalt  }
0x4c: {  	_ =	shalt  }
0x4d: {  	_ =	shalt  }
0x4e: {  	_ =	shalt  }
0x4f: {  	_ =	shalt  }
0x50: {  	_ =	shalt  }
0x51: {  	_ =	shalt  }
0x52: {  	_ =	shalt  }
0x53: {  	_ =	shalt  }
0x54: {  	_ =	shalt  }
0x55: {  	_ =	shalt  }
0x56: {  	_ =	shalt  }
0x57: {  	_ =	shalt  }
0x58: {  	_ =	shalt  }
0x59: {  	_ =	shalt  }
0x5a: {  	_ =	shalt  }
0x5b: {  	_ =	shalt  }
0x5c: {  	_ =	shalt  }
0x5d: {  	_ =	shalt  }
0x5e: {  	_ =	shalt  }
0x5f: {  	_ =	shalt  }
0x60: {  	_ =	shalt  }
0x61: {  	_ =	shalt  }
0x62: {  	_ =	shalt  }
0x63: {  	_ =	shalt  }
0x64: {  	_ =	shalt  }
0x65: {  	_ =	shalt  }
0x66: {  	_ =	shalt  }
0x67: {  	_ =	shalt  }
0x68: {  	_ =	shalt  }
0x69: {  	_ =	shalt  }
0x6a: {  	_ =	shalt  }
0x6b: {  	_ =	shalt  }
0x6c: {  	_ =	shalt  }
0x6d: {  	_ =	shalt  }
0x6e: {  	_ =	shalt  }
0x6f: {  	_ =	shalt  }
0x70: {  	_ =	shalt  }
0x71: {  	_ =	shalt  }
0x72: {  	_ =	shalt  }
0x73: {  	_ =	shalt  }
0x74: {  	_ =	shalt  }
0x75: {  	_ =	shalt  }
0x76: {  	_ =	shalt  }
0x77: {  	_ =	shalt  }
0x78: {  	_ =	shalt  }
0x79: {  	_ =	shalt  }
0x7a: {  	_ =	shalt  }
0x7b: {  	_ =	shalt  }
0x7c: {  	_ =	shalt  }
0x7d: {  	_ =	shalt  }
0x7e: {  	_ =	shalt  }
0x7f: {  	_ =	shalt  }
0x80: {  	_ =	shalt  }
0x81: {  	_ =	shalt  }
0x82: {  	_ =	shalt  }
0x83: {  	_ =	shalt  }
0x84: {  	_ =	shalt  }
0x85: {  	_ =	shalt  }
0x86: {  	_ =	shalt  }
0x87: {  	_ =	shalt  }
.Lfunc_end0:
.L_simem_size_0:
called_computation.1_lowered:
.L_overlay_start_0:
0x88: {  	s2 =	sld [smem:$0x3FD9]  }
0x89: {  	s3 =	sld [smem:$0x3FFE];
	_ =	sdelay $0x1  }
0x8a: {  	s1 =	srdreg.scid  }
0x8b: {  	s0 =	sand.u32 $0x1, s1  }
0x8c: {  	s16 =	sshll.u32 s0, $0xA;
	s2 =	sadd.s32 s3, s2  }
0x8d: {  	s2 =	sadd.s32 s2, s16  }
0x8e: {  	[smem:$0x3FC2] =	sst s2  }
0x8f: {  	_ = 	snop  }
0x90: {  	(tm) =	ssettm $0x1  }
0x91: {  	s17 =	sld [smem:$0x3FFB];
	_ =	sdelay $0x3  }
0x92: {  	_ =	strace s17  }
0x93: {  	s2 =	sld [smem:$0x3FFC];
	_ =	sdelay $0x3  }
0x94: {  	_ =	strace s2  }
0x95: {  	s2 =	sld [smem:$0x3FFD];
	_ =	sdelay $0x3  }
0x96: {  	_ =	strace s2  }
0x97: {  	_ =	strace $0x8FFFFFFF  }
0x98: {  	s18 =	sld [smem:$0x3FDB];
	_ =	sdelay $0x1  }
0x99: {  	s19 =	simm.s32 $_scs_section_size  }
0x9a: {  	s4 =	simm.s32 $_size__tile_overlayer_lowered;
	s5 =	simm.s32 $_tile_overlayer_lowered  }
0x9b: {  	s22 =	simm.s32 $0x1BFF;
	s21 =	sshll.u32 s5, $0x1;
	s2 =	sadd.s32 s19, s18  }
0x9c: {  	s6 =	simm.s32 $0x0;
	s20 =	sshll.u32 s4, $0x1;
	s4 =	sadd.s32 s21, s2  }
0x9d: {  	[timem:s6], [sflag:s22] =	dma.local [hbm:s4], s20  }
0x9e: {  	_ =	swait.ge [sflag:s22], s20  }
0x9f: {  	s3 =	ssub.s32 $0x0, s20;
	[sflag:s22] =	ssyncset.done $0x0  }
0xa0: {  	[sflag:s22] =	ssyncadd.s32 s3;
	_ =	sdelay $0x1  }
0xa1: {  	s23 =	simm.s32 $0x1B8B  }
0xa2: {  	_ =	swait.ge [sflag:s23], $0x1  }
0xa3: {  	[sflag:s23] =	ssyncset.done $0x0  }
0xa4: {  	s25 =	simm.s32 $0x1B8E;
	s24 =	sld [smem:$0x3FFE];
	[sflag:s23] =	ssyncadd.s32 $0xFFFFFFFF  }
0xa5: {  	s26 =	simm.s32 $execute0_lowered;
	[smem:$0x3FD2] =	sst s25  }
0xa6: {  	s4 =	sshll.u32 s26, $0x1;
	_ =	strace $0x80000049;
	[dreg:$0x1] =	wrdreg $0xFFFFFFFF  }
0xa7: {  	s28 =	simm.s32 $_size_execute0_lowered;
	s2 =	sadd.s32 s2, s4;
	[dreg:$0x0] =	wrdreg $0x0  }
0xa8: {  	s4 =	sshll.u32 s28, $0x1;
	[dreg:$0x2] =	wrdreg s2  }
0xa9: {  	[dreg:$0x3] =	wrdreg s4  }
0xaa: {  	[dreg:$0x4] =	wrdreg $0xC0  }
0xab: {  	_ =	task [dreg:s6], $0x5FFFF  }
0xac: {  	[dreg:$0x1] =	wrdreg $0xFFFFFFFF  }
0xad: {  	[dreg:$0x0] =	wrdreg $0x60  }
0xae: {  	[dreg:$0x2] =	wrdreg s24  }
0xaf: {  	[dreg:$0x3] =	wrdreg $0x9  }
0xb0: {  	_ =	task.clear_ibuf [dreg:s6], $0x4FFFF;
	_ =	strace $0x90000049  }
0xb1: {  	s29 =	simm.s32 $0x9;
	_ =	strace $0x8000004B  }
0xb2: {  	_ =	swait.ge [sflag:s29], $0x1  }
0xb3: {  	[sflag:s29] =	ssyncadd.s32 $0xFFFFFFFF  }
0xb4: {  	_ =	strace $0x9000004B  }
0xb5: {  	_ =	sfence  }
0xb6: {  	s30 =	sld [smem:$0x0];
	_ =	sdelay $0x2  }
0xb7: {  	s31 =	sshll.u32 s1, $0xD;
	s1 =	sshrl.u32 s1, $0x2  }
0xb8: {  	s3 =	sand.u32 $0x4000, s31;
	s1 =	sadd.s32 s1, s30  }
0xb9: {  	s0 =	sor.u32 s3, s0;
	s1 =	sshll.u32 s1, $0x11  }
0xba: {  	s0 =	sor.u32 s1, s0  }
0xbb: {  	s0 =	sadd.s32 $0x8F2B, s0  }
0xbc: {  	[sflag:s0] =	ssyncadd.remote.s32 $0x1  }
0xbd: {  	_ =	sfence.sel $0xFFFF  }
0xbe: {  	[dreg:$0x0] =	wrdreg $0xFFFFFFFF;
	(pc) =	sbr.abs _section_cstart, $3  }
0xbf: {  	[dreg:$0x1] =	wrdreg $0xFFFFFFFF  }
0xc0: {  	_ =	task.clear_ibuf [dreg:s6], $0x2FFFF;
	_ =	strace $0x9FFFFFFF  }
0xc1: {  	(tm) =	ssettm $0x7FFFFFFF  }
tec
execute0_lowered:
.L_overlay_start_1:
0x0: {  	(tag) =	ssettag $0x1  }
0x1: {  	s0 =	srdreg.scid  }
0x2: {  	s5 =	rddreg [dreg:$0x0];
	s9 =	simm.s32 $0x80;
	s10 =	simm.s32 $0x400  }
0x3: {  	s11 =	simm.s32 $0x1;
	s12 =	simm.s32 $0x2780;
	s4 =	sand.u32 $0x1, s0  }
0x4: {  	s13 =	simm.s32 $0x4F00;
	s0 =	stileid.u32;
	s1 =	sshll.u32 s4, $0x4  }
0x5: {  	s14 =	simm.s32 $0x7700;
	s15 =	simm.s32 $0x0;
	s1 =	sor.u32 s0, s1  }
0x6: {  	s2 =	sshll.u32 s0, $0x7;
	s8 =	ssub.s32 $0x2, s4;
	s3 =	sshrl.u32 s1, $0x3  }
0x7: {  	s7 =	sand.u32 $0x380, s2;
	s2 =	simm.s32 $0x0;
	s6 =	smul.u32 $0x13C00, s3  }
0x8: {  	s31 =	sshrl.u32 s8, $0x1;
	s1 =	rddreg [dreg:$0x1];
	s3 =	smul.u32 $0x14000, s3  }
0x9: {  	s4 =	sadd.s32 $0xB800, s5;
	[smem:$0x7FF] =	sst s2;
	s8 =	ssub.s32 s8, s31  }
0xa: {  	_ =	strace $0x8000004A;
	s6 =	sor.u32 s7, s6;
	s7 =	sor.u32 s7, s3  }
0xb: {  	s8 =	smax.u32 s8, $0x1;
	s6 =	sshrl.u32 s6, $0x3;
	s7 =	sshrl.u32 s7, $0x3  }
0xc: {  	s3 =	sadd.s32 $0xBE00, s5;
	s6 =	sadd.s32 s6, s5;
	s7 =	sadd.s32 s7, s5  }
0xd: {  	s5 =	sadd.s32 $0x1A00, s6;
	s6 =	sadd.s32 $0x16400, s6;
	s7 =	sadd.s32 $0xC400, s7  }
.LBB2_1:
0xe: {  	[tilespmem:s2], [sflag:$0x1] =	stream.strided.gather [hbm4b:s5+s9], $0x2780, s10, s9, $0x38;
	[tilespmem:$0x9F00] =	vst v63  }
0xf: {  	_ =	swait.ge [sflag:s11], $0x2780  }
0x10: {  	[sflag:s11] =	ssyncset.done $0x0  }
0x11: {  	[sflag:s11] =	ssyncadd.s32 $0xFFFFD880  }
0x12: {  	[tilespmem:s12], [sflag:$0x1] =	stream.strided.gather [hbm4b:s6+s9], $0x2780, s10, s9, $0x38;
	[tilespmem:$0x9F00] =	vst v63  }
0x13: {  	_ =	swait.ge [sflag:s11], $0x2780  }
0x14: {  	[sflag:s11] =	ssyncset.done $0x0  }
0x15: {  	[sflag:s11] =	ssyncadd.s32 $0xFFFFD880  }
0x16: {  	[tilespmem:s13], [sflag:$0x1] =	stream.linear.gather [hbm4b:s3+s2], $0x2800, $0x38;
	[tilespmem:$0x9F00] =	vst v63  }
0x17: {  	_ =	swait.ge [sflag:s11], $0x2800  }
0x18: {  	[sflag:s11] =	ssyncset.done $0x0  }
0x19: {  	[sflag:s11] =	ssyncadd.s32 $0xFFFFD800  }
0x1a: {  	[tilespmem:s14], [sflag:$0x1] =	stream.linear.gather [hbm4b:s4+s2], $0x2800, $0x38;
	[tilespmem:$0x9F00] =	vst v63  }
0x1b: {  	_ =	swait.ge [sflag:s11], $0x2800  }
0x1c: {  	[sflag:s11] =	ssyncset.done $0x0  }
0x1d: {  	s17 =	simm.s32 $0x0;
	s16 =	simm.s32 $0x40;
	[sflag:s11] =	ssyncadd.s32 $0xFFFFD800  }
.LBB2_2:
0x1e: {  	p0 =	sne.s32 s16, $0x9DC0;
	v0 =	vld [tilespmem:s17+$0x0];
	_ =	sdelay $0x5  }
0x1f: {  	v1 =	vld [tilespmem:s17+$0x2780];
	_ =	sdelay $0x1  }
0x20: {  	v0 =	vld.idx.msk [tilespmem:v0+s13+$0x0], $0xffff;
	_ =	sdelay $0x1  }
.Ltmp0:
0x21: {  	(pc) =	sbr.rel @p0 .LBB2_2-.Ltmp0, $2  }
0x22: {  	_ =	sdelay $0x2  }
0x23: {  	s17 =	sshra.s32 s16, $0x2;
	s16 =	sadd.s32 $0x40, s16;
	[tilespmem:v1+s14+$0x0] =	vst.idx.add.f32.msk $0xffff, v0  }
0x24: {  	v0 =	vld [tilespmem:s17+$0x0];
	_ =	sdelay $0x4  }
0x25: {  	v1 =	vld [tilespmem:s17+$0x2780];
	_ =	sdelay $0x2  }
0x26: {  	v0 =	vld.idx.msk [tilespmem:v0+s13+$0x0], $0xffff;
	_ =	sdelay $0x2  }
0x27: {  	s15 =	sadd.s32 $0x1, s15  }
0x28: {  	p0 =	sne.s32 s15, s8  }
.Ltmp1:
0x29: {  	[tilespmem:v1+s14+$0x0] =	vst.idx.add.f32.msk $0xffff, v0;
	(pc) =	sbr.rel @p0 .LBB2_1-.Ltmp1, $4  }
0x2a: {  	[hbm4b:s7+s9] =	stream.strided.scatter [tilespmem:s14], [sflag:$0x1], $0x2800, s10, s9, $0x38;
	[tilespmem:$0x9F00] =	vst v63  }
0x2b: {  	_ =	swait.ge [sflag:s11], $0x2800  }
0x2c: {  	[sflag:s11] =	ssyncset.done $0x0  }
0x2d: {  	[sflag:s11] =	ssyncadd.s32 $0xFFFFD800  }
0x2e: {  	_ =	sfence.sel $0x180000  }
0x2f: {  	[bflag:$0x0] =	sbarrier.arrive $0xFFFF  }
0x30: {  	p0 =	sne.s32 s0, $0x0;
	_ =	strace $0x9000004A  }
0x31: {  	s0 =	sadd.s32 @!p0 $0x100000, s1;
	[bflag:$0x2] =	sbarrier.arrive $0xFFFF  }
0x32: {  	[sflag:s0] =	ssyncadd.tile.s32 @!p0 $0x1;
	_ =	shalt  }
.Lfunc_end2:
_tile_overlayer_lowered:
.L_overlay_start_2:
0x33: {  	(tag) =	ssettag $0x2  }
0x34: {  	s0 =	rddreg [dreg:$0x0];
	s2 =	stileid.u32  }
0x35: {  	s1 =	rddreg [dreg:$0x1];
	p0 =	sne.s32 s2, $0x0  }
0x36: {  	s3 =	rddreg [dreg:$0x2];
	[bflag:$0x3] =	sbarrier.arrive $0xFFFF;
	s2 =	simm.s32 @!p0 $0x1C01  }
0x37: {  	[timem:s3], [sflag:s2] =	dma.local @!p0 [hbm:s0], s1  }
0x38: {  	s0 =	simm.s32 @!p0 $0x1  }
0x39: {  	_ =	swait.ge @!p0 [sflag:s0], s1  }
0x3a: {  	s1 =	ssub.s32 @!p0 $0x0, s1;
	[sflag:s0] =	ssyncset.done @!p0 $0x0  }
0x3b: {  	[sflag:s0] =	ssyncadd.s32 @!p0 s1  }
0x3c: {  	[bflag:$0x3] =	sbarrier.arrive $0xFFFF  }
0x3d: {  	_ =	shalt  }

// kernel: kernel.17.cloned.1.call-start
scs
__scs_entry_jumppad:
0x0: {  	(pc) =	sbr.rel $0x88, $3  }
0x1: {  	(tag) =	ssettag $0x0;
	lr =	simm.s32 $0x1  }
0x2: {  	[smem:$0x3F9B] =	sst lr;
	_ =	strace $0xD0000000  }
0x3: {  	_ = 	snop  }
0x4: {  	_ = 	snop  }
0x5: {  	_ = 	snop  }
0x6: {  	_ = 	snop  }
0x7: {  	_ = 	snop  }
__scs_overlays_trampoline_lowered:
0x8: {  	[smem:$0x3FAA] =	sst s0  }
0x9: {  	[smem:$0x3FAB] =	sst s1  }
0xa: {  	[smem:$0x3FAC] =	sst s2  }
0xb: {  	[smem:$0x3FAD] =	sst s3  }
0xc: {  	[smem:$0x3FAE] =	sst s4  }
0xd: {  	[smem:$0x3FAF] =	sst s5  }
0xe: {  	[smem:$0x3FB0] =	sst s6  }
0xf: {  	[smem:$0x3FB1] =	sst s7  }
0x10: {  	[smem:$0x3FB2] =	sst s8  }
0x11: {  	[smem:$0x3FB3] =	sst s9;
	s0 =	simm.s32 @!p0 $0x0  }
0x12: {  	s1 =	sld [smem:$0x3F99];
	s0 =	simm.s32 @p0 $0x1  }
0x13: {  	[smem:$0x3FB4] =	sst s0;
	s0 =	simm.s32 @!p1 $0x0  }
0x14: {  	s2 =	sld [smem:$0x3F98];
	s0 =	simm.s32 @p1 $0x1  }
0x15: {  	[smem:$0x3FB5] =	sst s0;
	s0 =	simm.s32 @!p2 $0x0  }
0x16: {  	s3 =	sld [smem:$0x3FDB];
	s0 =	simm.s32 @p2 $0x1  }
0x17: {  	s4 =	simm.s32 $0x1BF5;
	[smem:$0x3FB7] =	sst s0  }
0x18: {  	s0 =	sld [smem:$0x3F9A];
	_ =	swait.ge [sflag:s4], $0x0  }
0x19: {  	s7 =	sld [smem:$0x3F9B]  }
0x1a: {  	s8 =	sadd.s32 $0xFFFFE003, lr  }
0x1b: {  	s9 =	sadd.s32 $0xFFFFFEF7, lr;
	s5 =	simm.s32 $0xFFFFFFFF;
	p2 =	slt.u32 s8, $0xFFFFF086  }
0x1c: {  	p1 =	slt.u32 s9, $0xF7A;
	s5 =	simm.s32 @!p2 $0x0  }
0x1d: {  	s5 =	simm.s32 @p1 $0x1;
	p0 =	seq.s32 s7, s2  }
0x1e: {  	s7 =	smul.u32 @!p0 $0xF7A, s2;
	p2 =	seq.s32 @!p0 s5, $0x0  }
0x1f: {  	s9 =	smul.u32 $0xF7A, s1;
	s8 =	simm.s32 @!p0 $0x1BF5;
	p2 =	por !p2, p0  }
0x20: {  	[sflag:s8] =	ssyncset.s32 @!p0 $0xFFFFF086;
	s6 =	sadd.s32 @!p0 s3, s7;
	s7 =	simm.s32 @!p0 $0x108  }
0x21: {  	s3 =	sadd.s32 s3, s9;
	s6 =	sadd.s32 @!p0 $0x88, s6;
	s7 =	simm.s32 @p2 $0x1082  }
0x22: {  	[simem:s7], [sflag:s8] =	dma.local @!p0 [hbm:s6], $0xF7A  }
0x23: {  	s9 =	sor.u32 $0xD0000000, s2;
	s6 =	simm.s32 $0x108;
	_ =	swait.ge @!p0 [sflag:s8], $0x0  }
0x24: {  	s3 =	sadd.s32 $0x88, s3;
	s6 =	simm.s32 @!p1 $0x1082;
	[sflag:s4] =	ssyncset.s32 $0xFFFFF086  }
0x25: {  	[simem:s6], [sflag:s4] =	dma.local [hbm:s3], $0xF7A  }
0x26: {  	[smem:$0x3F9B] =	sst s1;
	(tag) =	ssettag s2;
	_ =	strace s9  }
0x27: {  	s1 =	sld [smem:$0x3FAB]  }
0x28: {  	s2 =	sld [smem:$0x3FAC]  }
0x29: {  	s4 =	sld [smem:$0x3FAE]  }
0x2a: {  	p0 =	seq.s32 s5, $0x0;
	s5 =	sld [smem:$0x3FAF]  }
0x2b: {  	s6 =	sld [smem:$0x3FB0]  }
0x2c: {  	s7 =	sld [smem:$0x3FB1]  }
0x2d: {  	s3 =	simm.s32 $0x108;
	s8 =	sld [smem:$0x3FB2]  }
0x2e: {  	s3 =	simm.s32 @!p0 $0x1082;
	s9 =	sld [smem:$0x3FB3]  }
0x2f: {  	lr =	sadd.s32 s0, s3;
	s0 =	sld [smem:$0x3FAA]  }
0x30: {  	s3 =	sld [smem:$0x3FAD]  }
0x31: {  	[smem:$0x3FB6] =	sst s10  }
0x32: {  	s10 =	sld [smem:$0x3FB4];
	_ =	sdelay $0x3  }
0x33: {  	p0 =	seq.s32 s10, $0x1;
	s10 =	sld [smem:$0x3FB6];
	_ =	sdelay $0x3  }
0x34: {  	[smem:$0x3FB6] =	sst s10  }
0x35: {  	s10 =	sld [smem:$0x3FB5];
	_ =	sdelay $0x3  }
0x36: {  	p1 =	seq.s32 s10, $0x1;
	s10 =	sld [smem:$0x3FB6];
	_ =	sdelay $0x3  }
0x37: {  	[smem:$0x3FB6] =	sst s10  }
0x38: {  	s10 =	sld [smem:$0x3FB7]  }
0x39: {  	_ = 	snop;
	(pc) =	sbr.ind lr, $3  }
0x3a: {  	_ = 	snop  }
0x3b: {  	_ = 	snop  }
0x3c: {  	p2 =	seq.s32 s10, $0x1;
	s10 =	sld [smem:$0x3FB6]  }
0x3d: {  	_ =	shalt  }
0x3e: {  	_ =	shalt  }
0x3f: {  	_ =	shalt  }
0x40: {  	_ =	shalt  }
0x41: {  	_ =	shalt  }
0x42: {  	_ =	shalt  }
0x43: {  	_ =	shalt  }
0x44: {  	_ =	shalt  }
0x45: {  	_ =	shalt  }
0x46: {  	_ =	shalt  }
0x47: {  	_ =	shalt  }
0x48: {  	_ =	shalt  }
0x49: {  	_ =	shalt  }
0x4a: {  	_ =	shalt  }
0x4b: {  	_ =	shalt  }
0x4c: {  	_ =	shalt  }
0x4d: {  	_ =	shalt  }
0x4e: {  	_ =	shalt  }
0x4f: {  	_ =	shalt  }
0x50: {  	_ =	shalt  }
0x51: {  	_ =	shalt  }
0x52: {  	_ =	shalt  }
0x53: {  	_ =	shalt  }
0x54: {  	_ =	shalt  }
0x55: {  	_ =	shalt  }
0x56: {  	_ =	shalt  }
0x57: {  	_ =	shalt  }
0x58: {  	_ =	shalt  }
0x59: {  	_ =	shalt  }
0x5a: {  	_ =	shalt  }
0x5b: {  	_ =	shalt  }
0x5c: {  	_ =	shalt  }
0x5d: {  	_ =	shalt  }
0x5e: {  	_ =	shalt  }
0x5f: {  	_ =	shalt  }
0x60: {  	_ =	shalt  }
0x61: {  	_ =	shalt  }
0x62: {  	_ =	shalt  }
0x63: {  	_ =	shalt  }
0x64: {  	_ =	shalt  }
0x65: {  	_ =	shalt  }
0x66: {  	_ =	shalt  }
0x67: {  	_ =	shalt  }
0x68: {  	_ =	shalt  }
0x69: {  	_ =	shalt  }
0x6a: {  	_ =	shalt  }
0x6b: {  	_ =	shalt  }
0x6c: {  	_ =	shalt  }
0x6d: {  	_ =	shalt  }
0x6e: {  	_ =	shalt  }
0x6f: {  	_ =	shalt  }
0x70: {  	_ =	shalt  }
0x71: {  	_ =	shalt  }
0x72: {  	_ =	shalt  }
0x73: {  	_ =	shalt  }
0x74: {  	_ =	shalt  }
0x75: {  	_ =	shalt  }
0x76: {  	_ =	shalt  }
0x77: {  	_ =	shalt  }
0x78: {  	_ =	shalt  }
0x79: {  	_ =	shalt  }
0x7a: {  	_ =	shalt  }
0x7b: {  	_ =	shalt  }
0x7c: {  	_ =	shalt  }
0x7d: {  	_ =	shalt  }
0x7e: {  	_ =	shalt  }
0x7f: {  	_ =	shalt  }
0x80: {  	_ =	shalt  }
0x81: {  	_ =	shalt  }
0x82: {  	_ =	shalt  }
0x83: {  	_ =	shalt  }
0x84: {  	_ =	shalt  }
0x85: {  	_ =	shalt  }
0x86: {  	_ =	shalt  }
0x87: {  	_ =	shalt  }
.Lfunc_end0:
.L_simem_size_0:
called_computation.2_lowered:
.L_overlay_start_0:
0x88: {  	s2 =	sld [smem:$0x3FD9]  }
0x89: {  	s3 =	sld [smem:$0x3FFE];
	_ =	sdelay $0x1  }
0x8a: {  	s1 =	srdreg.scid  }
0x8b: {  	s0 =	sand.u32 $0x1, s1  }
0x8c: {  	s17 =	sshll.u32 s0, $0xA;
	s2 =	sadd.s32 s3, s2  }
0x8d: {  	s2 =	sadd.s32 s2, s17  }
0x8e: {  	[smem:$0x3FC2] =	sst s2  }
0x8f: {  	_ = 	snop  }
0x90: {  	s2 =	sld [smem:$0x3FD0];
	(tm) =	ssettm $0x1  }
0x91: {  	s18 =	sld [smem:$0x3FFB];
	_ =	sdelay $0x3  }
0x92: {  	_ =	strace s18  }
0x93: {  	s3 =	sld [smem:$0x3FFC];
	_ =	sdelay $0x3  }
0x94: {  	_ =	strace s3  }
0x95: {  	s3 =	sld [smem:$0x3FFD];
	_ =	sdelay $0x3  }
0x96: {  	_ =	strace s3  }
0x97: {  	_ =	strace $0x8FFFFFFF  }
0x98: {  	s19 =	sld [smem:$0x3FDB];
	_ =	sdelay $0x1  }
0x99: {  	s4 =	simm.s32 $_scs_section_size  }
0x9a: {  	s5 =	simm.s32 $_size__tile_overlayer_lowered;
	s6 =	simm.s32 $_tile_overlayer_lowered  }
0x9b: {  	s22 =	simm.s32 $0x1BFF;
	s21 =	sshll.u32 s6, $0x1;
	s3 =	sadd.s32 s4, s19  }
0x9c: {  	s7 =	simm.s32 $0x0;
	s20 =	sshll.u32 s5, $0x1;
	s5 =	sadd.s32 s21, s3  }
0x9d: {  	[timem:s7], [sflag:s22] =	dma.local [hbm:s5], s20  }
0x9e: {  	_ =	swait.ge [sflag:s22], s20  }
0x9f: {  	s4 =	ssub.s32 $0x0, s20;
	[sflag:s22] =	ssyncset.done $0x0  }
0xa0: {  	[sflag:s22] =	ssyncadd.s32 s4;
	_ =	sdelay $0x1  }
0xa1: {  	s23 =	simm.s32 $0x1B8B  }
0xa2: {  	_ =	swait.ge [sflag:s23], $0x1  }
0xa3: {  	[sflag:s23] =	ssyncset.done $0x0  }
0xa4: {  	s25 =	simm.s32 $0x1B8E;
	s24 =	sld [smem:$0x3FFE];
	[sflag:s23] =	ssyncadd.s32 $0xFFFFFFFF  }
0xa5: {  	s26 =	simm.s32 $execute0_lowered;
	[smem:$0x3FD2] =	sst s25  }
0xa6: {  	s5 =	sshll.u32 s26, $0x1;
	_ =	strace $0x8000004C;
	[dreg:$0x1] =	wrdreg $0xFFFFFFFF  }
0xa7: {  	s28 =	simm.s32 $_size_execute0_lowered;
	s3 =	sadd.s32 s3, s5;
	[dreg:$0x0] =	wrdreg $0x0  }
0xa8: {  	s5 =	sshll.u32 s28, $0x1;
	[dreg:$0x2] =	wrdreg s3  }
0xa9: {  	[dreg:$0x3] =	wrdreg s5  }
0xaa: {  	[dreg:$0x4] =	wrdreg $0xC0  }
0xab: {  	_ =	task [dreg:s7], $0x5FFFF  }
0xac: {  	[dreg:$0x1] =	wrdreg $0xFFFFFFFF  }
0xad: {  	[dreg:$0x0] =	wrdreg $0x60  }
0xae: {  	[dreg:$0x2] =	wrdreg s24  }
0xaf: {  	[dreg:$0x3] =	wrdreg s2  }
0xb0: {  	[dreg:$0x4] =	wrdreg $0xA8000  }
0xb1: {  	[dreg:$0x5] =	wrdreg $0x9  }
0xb2: {  	_ =	task.clear_ibuf [dreg:s7], $0x6FFFF;
	_ =	strace $0x9000004C  }
0xb3: {  	s29 =	simm.s32 $0x9;
	_ =	strace $0x8000004E  }
0xb4: {  	_ =	swait.ge [sflag:s29], $0x1  }
0xb5: {  	[sflag:s29] =	ssyncadd.s32 $0xFFFFFFFF  }
0xb6: {  	_ =	strace $0x9000004E  }
0xb7: {  	_ =	sfence  }
0xb8: {  	s30 =	sld [smem:$0x0];
	_ =	sdelay $0x2  }
0xb9: {  	s31 =	sshll.u32 s1, $0xD;
	s1 =	sshrl.u32 s1, $0x2  }
0xba: {  	s3 =	sand.u32 $0x4000, s31;
	s1 =	sadd.s32 s1, s30  }
0xbb: {  	s0 =	sor.u32 s3, s0;
	s1 =	sshll.u32 s1, $0x11  }
0xbc: {  	s0 =	sor.u32 s1, s0  }
0xbd: {  	s0 =	sadd.s32 $0x8F2B, s0  }
0xbe: {  	[sflag:s0] =	ssyncadd.remote.s32 $0x1  }
0xbf: {  	_ =	sfence.sel $0xFFFF  }
0xc0: {  	[dreg:$0x0] =	wrdreg $0xFFFFFFFF;
	(pc) =	sbr.abs _section_cstart, $3  }
0xc1: {  	[dreg:$0x1] =	wrdreg $0xFFFFFFFF  }
0xc2: {  	_ =	task.clear_ibuf [dreg:s7], $0x2FFFF;
	_ =	strace $0x9FFFFFFF  }
0xc3: {  	(tm) =	ssettm $0x7FFFFFFF  }
tec
execute0_lowered:
.L_overlay_start_1:
0x0: {  	(tag) =	ssettag $0x1  }
0x1: {  	s0 =	rddreg [dreg:$0x0];
	s1 =	srdreg.scid  }
0x2: {  	s3 =	rddreg [dreg:$0x2];
	s9 =	stileid.u32  }
0x3: {  	s4 =	simm.s32 $0x0;
	s19 =	simm.s32 $0x2800;
	s20 =	simm.s32 $0x9  }
0x4: {  	s21 =	simm.s32 $0x40;
	s22 =	simm.s32 $0x80;
	s28 =	simm.s32 $0x5  }
0x5: {  	s29 =	simm.s32 $0x6;
	s30 =	simm.s32 $0x7;
	s31 =	simm.s32 $0x8  }
0x6: {  	s1 =	sand.u32 $0x1, s1;
	[smem:$0x7FF] =	sst s4;
	s6 =	smul.u32 $0x50000, s9  }
0x7: {  	s5 =	sadd.s32 $0x48200, s0;
	s26 =	smul.u32 $0x2800, s9;
	s2 =	sshll.u32 s1, $0x4  }
0x8: {  	_ =	strace $0x8000004D;
	s7 =	smul.u32 $0x28000, s1;
	s1 =	ssub.s32 $0x2, s1  }
0x9: {  	s2 =	sor.u32 s9, s2;
	s8 =	sshrl.u32 s1, $0x1;
	s6 =	sshrl.u32 s6, $0x2  }
0xa: {  	s2 =	smul.u32 $0xA00, s2;
	s1 =	ssub.s32 s1, s8;
	s6 =	sadd.s32 s6, s3  }
0xb: {  	s23 =	sadd.s32 $0x2000, s6;
	s24 =	sadd.s32 $0x4000, s6;
	s25 =	sadd.s32 $0x6000, s6  }
0xc: {  	s10 =	sadd.s32 $0x8000, s6;
	s11 =	sadd.s32 $0xA000, s6;
	s12 =	sadd.s32 $0xC000, s6  }
0xd: {  	s13 =	sadd.s32 $0xE000, s6;
	s14 =	sadd.s32 $0x10000, s6;
	s15 =	sadd.s32 $0x12000, s6  }
.Ltmp0:
0xe: {  	s18 =	smax.u32 s1, $0x1;
	[dreg:$0x4] =	wrdreg s23;
	(pc) =	sbr.rel .LBB2_1-.Ltmp0, $4  }
0xf: {  	s2 =	sadd.s32 s2, s0;
	s0 =	sadd.s32 s7, s0;
	[dreg:$0x5] =	wrdreg s24  }
0x10: {  	[dreg:$0x6] =	wrdreg s25;
	s23 =	simm.s32 $0x4800;
	s25 =	simm.s32 $0x100  }
0x11: {  	s16 =	sadd.s32 $0x20200, s2;
	s17 =	sadd.s32 $0x34200, s2;
	s0 =	sadd.s32 $0x70200, s0  }
0x12: {  	s24 =	sadd.s32 s26, s0;
	s26 =	simm.s32 $0x6800;
	s0 =	simm.s32 $0x0  }
.LBB2_21:
0x13: {  	_ =	swait.ge [sflag:s30], $0x2000  }
0x14: {  	[sflag:s30] =	ssyncset.done $0x0  }
0x15: {  	[sflag:s30] =	ssyncadd.s32 $0xFFFFE000  }
0x16: {  	_ =	swait.ge [sflag:s31], $0x2000  }
0x17: {  	[sflag:s31] =	ssyncset.done $0x0  }
0x18: {  	[sflag:s31] =	ssyncadd.s32 $0xFFFFE000  }
0x19: {  	_ =	swait.ge [sflag:s28], $0x2000  }
0x1a: {  	[sflag:s28] =	ssyncset.done $0x0  }
0x1b: {  	[sflag:s28] =	ssyncadd.s32 $0xFFFFE000  }
0x1c: {  	s1 =	stileid.u32;
	_ =	swait.ge [sflag:s29], $0x2000  }
0x1d: {  	s2 =	sshrl.u32 s6, $0x3;
	s0 =	sadd.s32 $0x1, s0;
	[sflag:s29] =	ssyncset.done $0x0  }
0x1e: {  	s1 =	sshll.u32 s1, $0x6;
	p0 =	sne.s32 s0, s18;
	[sflag:s29] =	ssyncadd.s32 $0xFFFFE000  }
.Ltmp1:
0x1f: {  	s1 =	sor.u32 $0x1C09, s1;
	[bflag:$0x0] =	sbarrier.arrive $0xFFFF;
	(pc) =	sbr.rel @!p0 .LBB2_22-.Ltmp1, $4  }
0x20: {  	[hbm:s24], [sflag:s1] =	dma.local [spmem:s2], $0x2800  }
0x21: {  	_ =	swait.ge [sflag:s20], $0x2800  }
0x22: {  	[sflag:s20] =	ssyncset.done $0x0  }
0x23: {  	[sflag:s20] =	ssyncadd.s32 $0xFFFFD800  }
.LBB2_1:
0x24: {  	s1 =	rddreg [dreg:$0x1]  }
0x25: {  	[tilespmem:s19], [sflag:$0x9] =	stream.linear.gather [hbm4b:s1+s4], $0x2000, $0x38;
	[tilespmem:$0x1E800] =	vst v63  }
0x26: {  	_ =	swait.ge [sflag:s20], $0x2000  }
0x27: {  	[sflag:s20] =	ssyncset.done $0x0  }
0x28: {  	[sflag:s20] =	ssyncadd.s32 $0xFFFFE000  }
0x29: {  	[spmem:s6] =	stream.linear.scatter [tilespmem:s19], [sflag:$0x9], $0x2000, $0x38;
	[tilespmem:$0x1E800] =	vst v63  }
0x2a: {  	_ =	swait.ge [sflag:s20], $0x2000  }
0x2b: {  	[sflag:s20] =	ssyncset.done $0x0  }
0x2c: {  	s7 =	rddreg [dreg:$0x4];
	[sflag:s20] =	ssyncadd.s32 $0xFFFFE000  }
0x2d: {  	[spmem:s7] =	stream.linear.scatter [tilespmem:s19], [sflag:$0x9], $0x2000, $0x38;
	[tilespmem:$0x1E800] =	vst v63  }
0x2e: {  	_ =	swait.ge [sflag:s20], $0x2000  }
0x2f: {  	[sflag:s20] =	ssyncset.done $0x0  }
0x30: {  	s8 =	rddreg [dreg:$0x5];
	[sflag:s20] =	ssyncadd.s32 $0xFFFFE000  }
0x31: {  	[spmem:s8] =	stream.linear.scatter [tilespmem:s19], [sflag:$0x9], $0x2000, $0x38;
	[tilespmem:$0x1E800] =	vst v63  }
0x32: {  	_ =	swait.ge [sflag:s20], $0x2000  }
0x33: {  	[sflag:s20] =	ssyncset.done $0x0  }
0x34: {  	s9 =	rddreg [dreg:$0x6];
	[sflag:s20] =	ssyncadd.s32 $0xFFFFE000  }
0x35: {  	[spmem:s9] =	stream.linear.scatter [tilespmem:s19], [sflag:$0x9], $0x2000, $0x38;
	[tilespmem:$0x1E800] =	vst v63  }
0x36: {  	_ =	swait.ge [sflag:s20], $0x2000  }
0x37: {  	[sflag:s20] =	ssyncset.done $0x0  }
0x38: {  	[sflag:s20] =	ssyncadd.s32 $0xFFFFE000  }
0x39: {  	[spmem:s10] =	stream.linear.scatter [tilespmem:s19], [sflag:$0x9], $0x2000, $0x38;
	[tilespmem:$0x1E800] =	vst v63  }
0x3a: {  	_ =	swait.ge [sflag:s20], $0x2000  }
0x3b: {  	[sflag:s20] =	ssyncset.done $0x0  }
0x3c: {  	[sflag:s20] =	ssyncadd.s32 $0xFFFFE000  }
0x3d: {  	[spmem:s11] =	stream.linear.scatter [tilespmem:s19], [sflag:$0x9], $0x2000, $0x38;
	[tilespmem:$0x1E800] =	vst v63  }
0x3e: {  	_ =	swait.ge [sflag:s20], $0x2000  }
0x3f: {  	[sflag:s20] =	ssyncset.done $0x0  }
0x40: {  	[sflag:s20] =	ssyncadd.s32 $0xFFFFE000  }
0x41: {  	[spmem:s12] =	stream.linear.scatter [tilespmem:s19], [sflag:$0x9], $0x2000, $0x38;
	[tilespmem:$0x1E800] =	vst v63  }
0x42: {  	_ =	swait.ge [sflag:s20], $0x2000  }
0x43: {  	[sflag:s20] =	ssyncset.done $0x0  }
0x44: {  	[sflag:s20] =	ssyncadd.s32 $0xFFFFE000  }
0x45: {  	[spmem:s13] =	stream.linear.scatter [tilespmem:s19], [sflag:$0x9], $0x2000, $0x38;
	[tilespmem:$0x1E800] =	vst v63  }
0x46: {  	_ =	swait.ge [sflag:s20], $0x2000  }
0x47: {  	[sflag:s20] =	ssyncset.done $0x0  }
0x48: {  	[sflag:s20] =	ssyncadd.s32 $0xFFFFE000  }
0x49: {  	[spmem:s14] =	stream.linear.scatter [tilespmem:s19], [sflag:$0x9], $0x2000, $0x38;
	[tilespmem:$0x1E800] =	vst v63  }
0x4a: {  	_ =	swait.ge [sflag:s20], $0x2000  }
0x4b: {  	[sflag:s20] =	ssyncset.done $0x0  }
0x4c: {  	[sflag:s20] =	ssyncadd.s32 $0xFFFFE000  }
0x4d: {  	[spmem:s15] =	stream.linear.scatter [tilespmem:s19], [sflag:$0x9], $0x2000, $0x38;
	[tilespmem:$0x1E800] =	vst v63  }
0x4e: {  	_ =	swait.ge [sflag:s20], $0x2000  }
0x4f: {  	[sflag:s20] =	ssyncset.done $0x0  }
0x50: {  	[sflag:s20] =	ssyncadd.s32 $0xFFFFE000  }
0x51: {  	[bflag:$0x0] =	sbarrier.arrive $0xFFFF  }
0x52: {  	[tilespmem:s4], [sflag:$0x9] =	stream.linear.gather [hbm4b:s16+s4], $0x1400, $0x38;
	[tilespmem:$0x1E800] =	vst v63  }
0x53: {  	_ =	swait.ge [sflag:s20], $0x1400  }
0x54: {  	[sflag:s20] =	ssyncset.done $0x0  }
0x55: {  	s2 =	simm.s32 $0x1400;
	[sflag:s20] =	ssyncadd.s32 $0xFFFFEC00  }
0x56: {  	[tilespmem:s2], [sflag:$0x9] =	stream.linear.gather [hbm4b:s17+s4], $0x1400, $0x38;
	[tilespmem:$0x1E800] =	vst v63  }
0x57: {  	_ =	swait.ge [sflag:s20], $0x1400  }
0x58: {  	[sflag:s20] =	ssyncset.done $0x0  }
0x59: {  	[sflag:s20] =	ssyncadd.s32 $0xFFFFEC00  }
0x5a: {  	[tilespmem:s19], [sflag:$0x1] =	stream.indirect.gather [hbm4b:s5+s21], $0x80, s4, s21, $0xb8;
	[tilespmem:$0x1E800] =	vst v63  }
.Ltmp2:
0x5b: {  	_ = 	snop;
	(pc) =	sbr.rel .LBB2_2-.Ltmp2, $4  }
0x5c: {  	_ = 	snop  }
0x5d: {  	[tilespmem:s23], [sflag:$0x2] =	stream.indirect.gather [hbm4b:s5+s21], $0x80, s22, s21, $0xb8;
	[tilespmem:$0x1E800] =	vst v63  }
0x5e: {  	s1 =	simm.s32 $0x180;
	s7 =	simm.s32 $0x0  }
0x5f: {  	[tilespmem:s26], [sflag:$0x3] =	stream.indirect.gather [hbm4b:s5+s21], $0x80, s25, s21, $0xb8;
	[tilespmem:$0x1E800] =	vst v63  }
.LBB2_4:
0x60: {  	p0 =	seq.s32 s8, $0x2  }
0x61: {  	p1 =	sgt.u32 @p0 s7, $0x24  }
0x62: {  	p2 =	por p1, !p0  }
0x63: {  	p3 =	seq.s32 @!p2 s7, $0x0  }
0x64: {  	p1 =	por @p0 p3, p1  }
0x65: {  	p1 =	por p1, !p0  }
0x66: {  	s8 =	simm.s32 @!p1 $0x6  }
0x67: {  	_ =	swait.ge @!p1 [sflag:s8], $0x2000  }
0x68: {  	s9 =	simm.s32 @!p2 $0x4800;
	[sflag:s8] =	ssyncset.done @!p1 $0x0  }
0x69: {  	[sflag:s8] =	ssyncadd.s32 @!p1 $0xFFFFE000;
	s8 =	simm.s32 @!p2 $0x40;
	p1 =	sgt.u32 @!p0 s7, $0x24  }
0x6a: {  	[tilespmem:s9], [sflag:$0x2] =	stream.indirect.gather @!p2 [hbm4b:s5+s8], $0x80, s1, s8, $0xb8;
	[tilespmem:$0x1E800] =	vst v63  }
0x6b: {  	s8 =	simm.s32 @p0 $0x3;
	p2 =	por p1, p0  }
0x6c: {  	_ =	swait.ge @p0 [sflag:s8], $0x2000;
	p3 =	seq.s32 @!p2 s7, $0x0  }
0x6d: {  	s9 =	simm.s32 @p0 $0x6800;
	[sflag:s8] =	ssyncset.done @p0 $0x0;
	p1 =	por @!p0 p3, p1  }
0x6e: {  	[sflag:s8] =	ssyncadd.s32 @p0 $0xFFFFE000;
	s8 =	simm.s32 @p0 $0x40;
	p1 =	por p1, p0  }
0x6f: {  	[spmem:s3] =	stream.indirect.scatter.add.f32 @p0 [tilespmem:s9], [sflag:$0x7], $0x80, s2, s8, $0xb8;
	[tilespmem:$0x1E800] =	vst v63  }
0x70: {  	s8 =	simm.s32 @!p1 $0x7  }
0x71: {  	_ =	swait.ge @!p1 [sflag:s8], $0x2000  }
0x72: {  	[sflag:s8] =	ssyncset.done @!p1 $0x0  }
0x73: {  	s9 =	simm.s32 @!p2 $0x6800;
	[sflag:s8] =	ssyncadd.s32 @!p1 $0xFFFFE000;
	s8 =	simm.s32 @!p2 $0x40  }
0x74: {  	[tilespmem:s9], [sflag:$0x3] =	stream.indirect.gather @!p2 [hbm4b:s5+s8], $0x80, s1, s8, $0xb8;
	[tilespmem:$0x1E800] =	vst v63  }
0x75: {  	s8 =	simm.s32 @!p0 $0x4  }
0x76: {  	_ =	swait.ge @!p0 [sflag:s8], $0x2000  }
0x77: {  	[sflag:s8] =	ssyncset.done @!p0 $0x0  }
0x78: {  	s9 =	simm.s32 @!p0 $0x8800;
	[sflag:s8] =	ssyncadd.s32 @!p0 $0xFFFFE000;
	s8 =	simm.s32 @!p0 $0x40  }
0x79: {  	[spmem:s3] =	stream.indirect.scatter.add.f32 @!p0 [tilespmem:s9], [sflag:$0x8], $0x80, s2, s8, $0xb8;
	[tilespmem:$0x1E800] =	vst v63  }
.LBB2_5:
0x7a: {  	s7 =	sadd.s32 $0x1, s7  }
0x7b: {  	p0 =	sne.s32 s7, $0x28  }
.Ltmp3:
0x7c: {  	_ = 	snop;
	(pc) =	sbr.rel @!p0 .LBB2_6-.Ltmp3, $2  }
0x7d: {  	_ =	sdelay $0x2  }
0x7e: {  	s2 =	sadd.s32 $0x80, s2;
	s1 =	sadd.s32 $0x80, s1  }
.LBB2_2:
0x7f: {  	s8 =	sand.u32 $0x3, s7  }
0x80: {  	p0 =	sgt.s32 s8, $0x1  }
.Ltmp4:
0x81: {  	_ = 	snop;
	(pc) =	sbr.rel @p0 .LBB2_4-.Ltmp4, $1  }
0x82: {  	_ =	sdelay $0x3  }
0x83: {  	p0 =	seq.s32 s8, $0x0  }
0x84: {  	p1 =	sgt.u32 @p0 s7, $0x24  }
0x85: {  	p2 =	por p1, !p0  }
0x86: {  	p3 =	seq.s32 @!p2 s7, $0x0  }
0x87: {  	p1 =	por @p0 p3, p1  }
0x88: {  	p1 =	por p1, !p0  }
0x89: {  	s8 =	simm.s32 @!p1 $0x8  }
0x8a: {  	_ =	swait.ge @!p1 [sflag:s8], $0x2000  }
0x8b: {  	s9 =	simm.s32 @!p2 $0x8800;
	[sflag:s8] =	ssyncset.done @!p1 $0x0  }
0x8c: {  	[sflag:s8] =	ssyncadd.s32 @!p1 $0xFFFFE000;
	s8 =	simm.s32 @!p2 $0x40;
	p1 =	slt.u32 @!p0 s7, $0x25  }
0x8d: {  	[tilespmem:s9], [sflag:$0x4] =	stream.indirect.gather @!p2 [hbm4b:s5+s8], $0x80, s1, s8, $0xb8;
	[tilespmem:$0x1E800] =	vst v63  }
0x8e: {  	s8 =	simm.s32 @p0 $0x1;
	p2 =	por !p1, p0  }
0x8f: {  	_ =	swait.ge @p0 [sflag:s8], $0x2000;
	p3 =	seq.s32 @!p2 s7, $0x0  }
0x90: {  	s9 =	simm.s32 @p0 $0x2800;
	[sflag:s8] =	ssyncset.done @p0 $0x0;
	p3 =	por @!p0 p3, !p1  }
0x91: {  	[sflag:s8] =	ssyncadd.s32 @p0 $0xFFFFE000;
	s8 =	simm.s32 @p0 $0x40;
	p3 =	por p3, p0  }
0x92: {  	[spmem:s3] =	stream.indirect.scatter.add.f32 @p0 [tilespmem:s9], [sflag:$0x5], $0x80, s2, s8, $0xb8;
	[tilespmem:$0x1E800] =	vst v63  }
0x93: {  	s8 =	simm.s32 @!p3 $0x5  }
0x94: {  	_ =	swait.ge @!p3 [sflag:s8], $0x2000  }
0x95: {  	[sflag:s8] =	ssyncset.done @!p3 $0x0  }
0x96: {  	s9 =	simm.s32 @!p2 $0x2800;
	[sflag:s8] =	ssyncadd.s32 @!p3 $0xFFFFE000;
	s8 =	simm.s32 @!p2 $0x40  }
0x97: {  	[tilespmem:s9], [sflag:$0x1] =	stream.indirect.gather @!p2 [hbm4b:s5+s8], $0x80, s1, s8, $0xb8;
	[tilespmem:$0x1E800] =	vst v63  }
0x98: {  	s9 =	simm.s32 @!p2 $0x2  }
0x99: {  	_ =	swait.ge @!p2 [sflag:s9], $0x2000  }
0x9a: {  	[sflag:s9] =	ssyncset.done @!p2 $0x0  }
0x9b: {  	p0 =	por p1, p0;
	[sflag:s9] =	ssyncadd.s32 @!p2 $0xFFFFE000;
	s9 =	simm.s32 @!p2 $0x4800  }
0x9c: {  	[spmem:s3] =	stream.indirect.scatter.add.f32 @!p2 [tilespmem:s9], [sflag:$0x6], $0x80, s2, s8, $0xb8;
	[tilespmem:$0x1E800] =	vst v63  }
.Ltmp5:
0x9d: {  	s8 =	simm.s32 @!p0 $0x2;
	(pc) =	sbr.rel .LBB2_5-.Ltmp5, $4  }
0x9e: {  	_ =	swait.ge @!p0 [sflag:s8], $0x2000  }
0x9f: {  	[sflag:s8] =	ssyncset.done @!p0 $0x0  }
0xa0: {  	s9 =	simm.s32 @!p0 $0x4800;
	[sflag:s8] =	ssyncadd.s32 @!p0 $0xFFFFE000;
	s8 =	simm.s32 @!p0 $0x40  }
0xa1: {  	[spmem:s3] =	stream.indirect.scatter.add.f32 @!p0 [tilespmem:s9], [sflag:$0x6], $0x80, s2, s8, $0xb8;
	[tilespmem:$0x1E800] =	vst v63  }
.LBB2_6:
0xa2: {  	_ =	swait.ge [sflag:s28], $0x2000  }
0xa3: {  	[sflag:s28] =	ssyncset.done $0x0  }
0xa4: {  	[sflag:s28] =	ssyncadd.s32 $0xFFFFE000  }
0xa5: {  	_ =	swait.ge [sflag:s29], $0x2000  }
0xa6: {  	[sflag:s29] =	ssyncset.done $0x0  }
0xa7: {  	[sflag:s29] =	ssyncadd.s32 $0xFFFFE000  }
0xa8: {  	_ =	swait.ge [sflag:s30], $0x2000  }
0xa9: {  	[sflag:s30] =	ssyncset.done $0x0  }
0xaa: {  	[sflag:s30] =	ssyncadd.s32 $0xFFFFE000  }
0xab: {  	_ =	swait.ge [sflag:s31], $0x2000  }
0xac: {  	[sflag:s31] =	ssyncset.done $0x0  }
0xad: {  	s1 =	sadd.s32 $0x280, s16;
	s2 =	simm.s32 $0x0;
	[sflag:s31] =	ssyncadd.s32 $0xFFFFE000  }
0xae: {  	[tilespmem:s2], [sflag:$0x9] =	stream.linear.gather [hbm4b:s1+s2], $0x1400, $0x38;
	[tilespmem:$0x1E800] =	vst v63  }
0xaf: {  	_ =	swait.ge [sflag:s20], $0x1400  }
0xb0: {  	[sflag:s20] =	ssyncset.done $0x0  }
0xb1: {  	s7 =	sadd.s32 $0x280, s17;
	s1 =	simm.s32 $0x1400;
	[sflag:s20] =	ssyncadd.s32 $0xFFFFEC00  }
0xb2: {  	[tilespmem:s1], [sflag:$0x9] =	stream.linear.gather [hbm4b:s7+s2], $0x1400, $0x38;
	[tilespmem:$0x1E800] =	vst v63  }
0xb3: {  	_ =	swait.ge [sflag:s20], $0x1400  }
0xb4: {  	[sflag:s20] =	ssyncset.done $0x0  }
0xb5: {  	[sflag:s20] =	ssyncadd.s32 $0xFFFFEC00  }
0xb6: {  	[tilespmem:s19], [sflag:$0x1] =	stream.indirect.gather [hbm4b:s5+s21], $0x80, s2, s21, $0xb8;
	[tilespmem:$0x1E800] =	vst v63  }
.Ltmp6:
0xb7: {  	_ = 	snop;
	(pc) =	sbr.rel .LBB2_7-.Ltmp6, $4  }
0xb8: {  	_ = 	snop  }
0xb9: {  	[tilespmem:s23], [sflag:$0x2] =	stream.indirect.gather [hbm4b:s5+s21], $0x80, s22, s21, $0xb8;
	[tilespmem:$0x1E800] =	vst v63  }
0xba: {  	s7 =	simm.s32 $0x180  }
0xbb: {  	[tilespmem:s26], [sflag:$0x3] =	stream.indirect.gather [hbm4b:s5+s21], $0x80, s25, s21, $0xb8;
	[tilespmem:$0x1E800] =	vst v63  }
.LBB2_9:
0xbc: {  	p0 =	seq.s32 s8, $0x2  }
0xbd: {  	p1 =	sgt.u32 @p0 s2, $0x24  }
0xbe: {  	p2 =	por p1, !p0  }
0xbf: {  	p3 =	seq.s32 @!p2 s2, $0x0  }
0xc0: {  	p1 =	por @p0 p3, p1  }
0xc1: {  	p1 =	por p1, !p0  }
0xc2: {  	s8 =	simm.s32 @!p1 $0x6  }
0xc3: {  	_ =	swait.ge @!p1 [sflag:s8], $0x2000  }
0xc4: {  	s9 =	simm.s32 @!p2 $0x4800;
	[sflag:s8] =	ssyncset.done @!p1 $0x0  }
0xc5: {  	[sflag:s8] =	ssyncadd.s32 @!p1 $0xFFFFE000;
	s8 =	simm.s32 @!p2 $0x40;
	p1 =	sgt.u32 @!p0 s2, $0x24  }
0xc6: {  	[tilespmem:s9], [sflag:$0x2] =	stream.indirect.gather @!p2 [hbm4b:s5+s8], $0x80, s7, s8, $0xb8;
	[tilespmem:$0x1E800] =	vst v63  }
0xc7: {  	s8 =	simm.s32 @p0 $0x3;
	p2 =	por p1, p0  }
0xc8: {  	_ =	swait.ge @p0 [sflag:s8], $0x2000;
	p3 =	seq.s32 @!p2 s2, $0x0  }
0xc9: {  	s9 =	simm.s32 @p0 $0x6800;
	[sflag:s8] =	ssyncset.done @p0 $0x0;
	p1 =	por @!p0 p3, p1  }
0xca: {  	[sflag:s8] =	ssyncadd.s32 @p0 $0xFFFFE000;
	s8 =	simm.s32 @p0 $0x40;
	p1 =	por p1, p0  }
0xcb: {  	[spmem:s3] =	stream.indirect.scatter.add.f32 @p0 [tilespmem:s9], [sflag:$0x7], $0x80, s1, s8, $0xb8;
	[tilespmem:$0x1E800] =	vst v63  }
0xcc: {  	s8 =	simm.s32 @!p1 $0x7  }
0xcd: {  	_ =	swait.ge @!p1 [sflag:s8], $0x2000  }
0xce: {  	[sflag:s8] =	ssyncset.done @!p1 $0x0  }
0xcf: {  	s9 =	simm.s32 @!p2 $0x6800;
	[sflag:s8] =	ssyncadd.s32 @!p1 $0xFFFFE000;
	s8 =	simm.s32 @!p2 $0x40  }
0xd0: {  	[tilespmem:s9], [sflag:$0x3] =	stream.indirect.gather @!p2 [hbm4b:s5+s8], $0x80, s7, s8, $0xb8;
	[tilespmem:$0x1E800] =	vst v63  }
0xd1: {  	s8 =	simm.s32 @!p0 $0x4  }
0xd2: {  	_ =	swait.ge @!p0 [sflag:s8], $0x2000  }
0xd3: {  	[sflag:s8] =	ssyncset.done @!p0 $0x0  }
0xd4: {  	s9 =	simm.s32 @!p0 $0x8800;
	[sflag:s8] =	ssyncadd.s32 @!p0 $0xFFFFE000;
	s8 =	simm.s32 @!p0 $0x40  }
0xd5: {  	[spmem:s3] =	stream.indirect.scatter.add.f32 @!p0 [tilespmem:s9], [sflag:$0x8], $0x80, s1, s8, $0xb8;
	[tilespmem:$0x1E800] =	vst v63  }
.LBB2_10:
0xd6: {  	s2 =	sadd.s32 $0x1, s2  }
0xd7: {  	p0 =	sne.s32 s2, $0x28  }
.Ltmp7:
0xd8: {  	_ = 	snop;
	(pc) =	sbr.rel @!p0 .LBB2_11-.Ltmp7, $2  }
0xd9: {  	_ =	sdelay $0x2  }
0xda: {  	s1 =	sadd.s32 $0x80, s1;
	s7 =	sadd.s32 $0x80, s7  }
.LBB2_7:
0xdb: {  	s8 =	sand.u32 $0x3, s2  }
0xdc: {  	p0 =	sgt.s32 s8, $0x1  }
.Ltmp8:
0xdd: {  	_ = 	snop;
	(pc) =	sbr.rel @p0 .LBB2_9-.Ltmp8, $1  }
0xde: {  	_ =	sdelay $0x3  }
0xdf: {  	p0 =	seq.s32 s8, $0x0  }
0xe0: {  	p1 =	sgt.u32 @p0 s2, $0x24  }
0xe1: {  	p2 =	por p1, !p0  }
0xe2: {  	p3 =	seq.s32 @!p2 s2, $0x0  }
0xe3: {  	p1 =	por @p0 p3, p1  }
0xe4: {  	p1 =	por p1, !p0  }
0xe5: {  	s8 =	simm.s32 @!p1 $0x8  }
0xe6: {  	_ =	swait.ge @!p1 [sflag:s8], $0x2000  }
0xe7: {  	s9 =	simm.s32 @!p2 $0x8800;
	[sflag:s8] =	ssyncset.done @!p1 $0x0  }
0xe8: {  	[sflag:s8] =	ssyncadd.s32 @!p1 $0xFFFFE000;
	s8 =	simm.s32 @!p2 $0x40;
	p1 =	slt.u32 @!p0 s2, $0x25  }
0xe9: {  	[tilespmem:s9], [sflag:$0x4] =	stream.indirect.gather @!p2 [hbm4b:s5+s8], $0x80, s7, s8, $0xb8;
	[tilespmem:$0x1E800] =	vst v63  }
0xea: {  	s8 =	simm.s32 @p0 $0x1;
	p2 =	por !p1, p0  }
0xeb: {  	_ =	swait.ge @p0 [sflag:s8], $0x2000;
	p3 =	seq.s32 @!p2 s2, $0x0  }
0xec: {  	s9 =	simm.s32 @p0 $0x2800;
	[sflag:s8] =	ssyncset.done @p0 $0x0;
	p3 =	por @!p0 p3, !p1  }
0xed: {  	[sflag:s8] =	ssyncadd.s32 @p0 $0xFFFFE000;
	s8 =	simm.s32 @p0 $0x40;
	p3 =	por p3, p0  }
0xee: {  	[spmem:s3] =	stream.indirect.scatter.add.f32 @p0 [tilespmem:s9], [sflag:$0x5], $0x80, s1, s8, $0xb8;
	[tilespmem:$0x1E800] =	vst v63  }
0xef: {  	s8 =	simm.s32 @!p3 $0x5  }
0xf0: {  	_ =	swait.ge @!p3 [sflag:s8], $0x2000  }
0xf1: {  	[sflag:s8] =	ssyncset.done @!p3 $0x0  }
0xf2: {  	s9 =	simm.s32 @!p2 $0x2800;
	[sflag:s8] =	ssyncadd.s32 @!p3 $0xFFFFE000;
	s8 =	simm.s32 @!p2 $0x40  }
0xf3: {  	[tilespmem:s9], [sflag:$0x1] =	stream.indirect.gather @!p2 [hbm4b:s5+s8], $0x80, s7, s8, $0xb8;
	[tilespmem:$0x1E800] =	vst v63  }
0xf4: {  	s9 =	simm.s32 @!p2 $0x2  }
0xf5: {  	_ =	swait.ge @!p2 [sflag:s9], $0x2000  }
0xf6: {  	[sflag:s9] =	ssyncset.done @!p2 $0x0  }
0xf7: {  	p0 =	por p1, p0;
	[sflag:s9] =	ssyncadd.s32 @!p2 $0xFFFFE000;
	s9 =	simm.s32 @!p2 $0x4800  }
0xf8: {  	[spmem:s3] =	stream.indirect.scatter.add.f32 @!p2 [tilespmem:s9], [sflag:$0x6], $0x80, s1, s8, $0xb8;
	[tilespmem:$0x1E800] =	vst v63  }
.Ltmp9:
0xf9: {  	s8 =	simm.s32 @!p0 $0x2;
	(pc) =	sbr.rel .LBB2_10-.Ltmp9, $4  }
0xfa: {  	_ =	swait.ge @!p0 [sflag:s8], $0x2000  }
0xfb: {  	[sflag:s8] =	ssyncset.done @!p0 $0x0  }
0xfc: {  	s9 =	simm.s32 @!p0 $0x4800;
	[sflag:s8] =	ssyncadd.s32 @!p0 $0xFFFFE000;
	s8 =	simm.s32 @!p0 $0x40  }
0xfd: {  	[spmem:s3] =	stream.indirect.scatter.add.f32 @!p0 [tilespmem:s9], [sflag:$0x6], $0x80, s1, s8, $0xb8;
	[tilespmem:$0x1E800] =	vst v63  }
.LBB2_11:
0xfe: {  	_ =	swait.ge [sflag:s28], $0x2000  }
0xff: {  	[sflag:s28] =	ssyncset.done $0x0  }
0x100: {  	[sflag:s28] =	ssyncadd.s32 $0xFFFFE000  }
0x101: {  	_ =	swait.ge [sflag:s29], $0x2000  }
0x102: {  	[sflag:s29] =	ssyncset.done $0x0  }
0x103: {  	[sflag:s29] =	ssyncadd.s32 $0xFFFFE000  }
0x104: {  	_ =	swait.ge [sflag:s30], $0x2000  }
0x105: {  	[sflag:s30] =	ssyncset.done $0x0  }
0x106: {  	[sflag:s30] =	ssyncadd.s32 $0xFFFFE000  }
0x107: {  	_ =	swait.ge [sflag:s31], $0x2000  }
0x108: {  	[sflag:s31] =	ssyncset.done $0x0  }
0x109: {  	s1 =	sadd.s32 $0x500, s16;
	s2 =	simm.s32 $0x0;
	[sflag:s31] =	ssyncadd.s32 $0xFFFFE000  }
0x10a: {  	[tilespmem:s2], [sflag:$0x9] =	stream.linear.gather [hbm4b:s1+s2], $0x1400, $0x38;
	[tilespmem:$0x1E800] =	vst v63  }
0x10b: {  	_ =	swait.ge [sflag:s20], $0x1400  }
0x10c: {  	[sflag:s20] =	ssyncset.done $0x0  }
0x10d: {  	s7 =	sadd.s32 $0x500, s17;
	s1 =	simm.s32 $0x1400;
	[sflag:s20] =	ssyncadd.s32 $0xFFFFEC00  }
0x10e: {  	[tilespmem:s1], [sflag:$0x9] =	stream.linear.gather [hbm4b:s7+s2], $0x1400, $0x38;
	[tilespmem:$0x1E800] =	vst v63  }
0x10f: {  	_ =	swait.ge [sflag:s20], $0x1400  }
0x110: {  	[sflag:s20] =	ssyncset.done $0x0  }
0x111: {  	[sflag:s20] =	ssyncadd.s32 $0xFFFFEC00  }
0x112: {  	[tilespmem:s19], [sflag:$0x1] =	stream.indirect.gather [hbm4b:s5+s21], $0x80, s2, s21, $0xb8;
	[tilespmem:$0x1E800] =	vst v63  }
.Ltmp10:
0x113: {  	_ = 	snop;
	(pc) =	sbr.rel .LBB2_12-.Ltmp10, $4  }
0x114: {  	_ = 	snop  }
0x115: {  	[tilespmem:s23], [sflag:$0x2] =	stream.indirect.gather [hbm4b:s5+s21], $0x80, s22, s21, $0xb8;
	[tilespmem:$0x1E800] =	vst v63  }
0x116: {  	s7 =	simm.s32 $0x180  }
0x117: {  	[tilespmem:s26], [sflag:$0x3] =	stream.indirect.gather [hbm4b:s5+s21], $0x80, s25, s21, $0xb8;
	[tilespmem:$0x1E800] =	vst v63  }
.LBB2_14:
0x118: {  	p0 =	seq.s32 s8, $0x2  }
0x119: {  	p1 =	sgt.u32 @p0 s2, $0x24  }
0x11a: {  	p2 =	por p1, !p0  }
0x11b: {  	p3 =	seq.s32 @!p2 s2, $0x0  }
0x11c: {  	p1 =	por @p0 p3, p1  }
0x11d: {  	p1 =	por p1, !p0  }
0x11e: {  	s8 =	simm.s32 @!p1 $0x6  }
0x11f: {  	_ =	swait.ge @!p1 [sflag:s8], $0x2000  }
0x120: {  	s9 =	simm.s32 @!p2 $0x4800;
	[sflag:s8] =	ssyncset.done @!p1 $0x0  }
0x121: {  	[sflag:s8] =	ssyncadd.s32 @!p1 $0xFFFFE000;
	s8 =	simm.s32 @!p2 $0x40;
	p1 =	sgt.u32 @!p0 s2, $0x24  }
0x122: {  	[tilespmem:s9], [sflag:$0x2] =	stream.indirect.gather @!p2 [hbm4b:s5+s8], $0x80, s7, s8, $0xb8;
	[tilespmem:$0x1E800] =	vst v63  }
0x123: {  	s8 =	simm.s32 @p0 $0x3;
	p2 =	por p1, p0  }
0x124: {  	_ =	swait.ge @p0 [sflag:s8], $0x2000;
	p3 =	seq.s32 @!p2 s2, $0x0  }
0x125: {  	s9 =	simm.s32 @p0 $0x6800;
	[sflag:s8] =	ssyncset.done @p0 $0x0;
	p1 =	por @!p0 p3, p1  }
0x126: {  	[sflag:s8] =	ssyncadd.s32 @p0 $0xFFFFE000;
	s8 =	simm.s32 @p0 $0x40;
	p1 =	por p1, p0  }
0x127: {  	[spmem:s3] =	stream.indirect.scatter.add.f32 @p0 [tilespmem:s9], [sflag:$0x7], $0x80, s1, s8, $0xb8;
	[tilespmem:$0x1E800] =	vst v63  }
0x128: {  	s8 =	simm.s32 @!p1 $0x7  }
0x129: {  	_ =	swait.ge @!p1 [sflag:s8], $0x2000  }
0x12a: {  	[sflag:s8] =	ssyncset.done @!p1 $0x0  }
0x12b: {  	s9 =	simm.s32 @!p2 $0x6800;
	[sflag:s8] =	ssyncadd.s32 @!p1 $0xFFFFE000;
	s8 =	simm.s32 @!p2 $0x40  }
0x12c: {  	[tilespmem:s9], [sflag:$0x3] =	stream.indirect.gather @!p2 [hbm4b:s5+s8], $0x80, s7, s8, $0xb8;
	[tilespmem:$0x1E800] =	vst v63  }
0x12d: {  	s8 =	simm.s32 @!p0 $0x4  }
0x12e: {  	_ =	swait.ge @!p0 [sflag:s8], $0x2000  }
0x12f: {  	[sflag:s8] =	ssyncset.done @!p0 $0x0  }
0x130: {  	s9 =	simm.s32 @!p0 $0x8800;
	[sflag:s8] =	ssyncadd.s32 @!p0 $0xFFFFE000;
	s8 =	simm.s32 @!p0 $0x40  }
0x131: {  	[spmem:s3] =	stream.indirect.scatter.add.f32 @!p0 [tilespmem:s9], [sflag:$0x8], $0x80, s1, s8, $0xb8;
	[tilespmem:$0x1E800] =	vst v63  }
.LBB2_15:
0x132: {  	s2 =	sadd.s32 $0x1, s2  }
0x133: {  	p0 =	sne.s32 s2, $0x28  }
.Ltmp11:
0x134: {  	_ = 	snop;
	(pc) =	sbr.rel @!p0 .LBB2_16-.Ltmp11, $2  }
0x135: {  	_ =	sdelay $0x2  }
0x136: {  	s1 =	sadd.s32 $0x80, s1;
	s7 =	sadd.s32 $0x80, s7  }
.LBB2_12:
0x137: {  	s8 =	sand.u32 $0x3, s2  }
0x138: {  	p0 =	sgt.s32 s8, $0x1  }
.Ltmp12:
0x139: {  	_ = 	snop;
	(pc) =	sbr.rel @p0 .LBB2_14-.Ltmp12, $1  }
0x13a: {  	_ =	sdelay $0x3  }
0x13b: {  	p0 =	seq.s32 s8, $0x0  }
0x13c: {  	p1 =	sgt.u32 @p0 s2, $0x24  }
0x13d: {  	p2 =	por p1, !p0  }
0x13e: {  	p3 =	seq.s32 @!p2 s2, $0x0  }
0x13f: {  	p1 =	por @p0 p3, p1  }
0x140: {  	p1 =	por p1, !p0  }
0x141: {  	s8 =	simm.s32 @!p1 $0x8  }
0x142: {  	_ =	swait.ge @!p1 [sflag:s8], $0x2000  }
0x143: {  	s9 =	simm.s32 @!p2 $0x8800;
	[sflag:s8] =	ssyncset.done @!p1 $0x0  }
0x144: {  	[sflag:s8] =	ssyncadd.s32 @!p1 $0xFFFFE000;
	s8 =	simm.s32 @!p2 $0x40;
	p1 =	slt.u32 @!p0 s2, $0x25  }
0x145: {  	[tilespmem:s9], [sflag:$0x4] =	stream.indirect.gather @!p2 [hbm4b:s5+s8], $0x80, s7, s8, $0xb8;
	[tilespmem:$0x1E800] =	vst v63  }
0x146: {  	s8 =	simm.s32 @p0 $0x1;
	p2 =	por !p1, p0  }
0x147: {  	_ =	swait.ge @p0 [sflag:s8], $0x2000;
	p3 =	seq.s32 @!p2 s2, $0x0  }
0x148: {  	s9 =	simm.s32 @p0 $0x2800;
	[sflag:s8] =	ssyncset.done @p0 $0x0;
	p3 =	por @!p0 p3, !p1  }
0x149: {  	[sflag:s8] =	ssyncadd.s32 @p0 $0xFFFFE000;
	s8 =	simm.s32 @p0 $0x40;
	p3 =	por p3, p0  }
0x14a: {  	[spmem:s3] =	stream.indirect.scatter.add.f32 @p0 [tilespmem:s9], [sflag:$0x5], $0x80, s1, s8, $0xb8;
	[tilespmem:$0x1E800] =	vst v63  }
0x14b: {  	s8 =	simm.s32 @!p3 $0x5  }
0x14c: {  	_ =	swait.ge @!p3 [sflag:s8], $0x2000  }
0x14d: {  	[sflag:s8] =	ssyncset.done @!p3 $0x0  }
0x14e: {  	s9 =	simm.s32 @!p2 $0x2800;
	[sflag:s8] =	ssyncadd.s32 @!p3 $0xFFFFE000;
	s8 =	simm.s32 @!p2 $0x40  }
0x14f: {  	[tilespmem:s9], [sflag:$0x1] =	stream.indirect.gather @!p2 [hbm4b:s5+s8], $0x80, s7, s8, $0xb8;
	[tilespmem:$0x1E800] =	vst v63  }
0x150: {  	s9 =	simm.s32 @!p2 $0x2  }
0x151: {  	_ =	swait.ge @!p2 [sflag:s9], $0x2000  }
0x152: {  	[sflag:s9] =	ssyncset.done @!p2 $0x0  }
0x153: {  	p0 =	por p1, p0;
	[sflag:s9] =	ssyncadd.s32 @!p2 $0xFFFFE000;
	s9 =	simm.s32 @!p2 $0x4800  }
0x154: {  	[spmem:s3] =	stream.indirect.scatter.add.f32 @!p2 [tilespmem:s9], [sflag:$0x6], $0x80, s1, s8, $0xb8;
	[tilespmem:$0x1E800] =	vst v63  }
.Ltmp13:
0x155: {  	s8 =	simm.s32 @!p0 $0x2;
	(pc) =	sbr.rel .LBB2_15-.Ltmp13, $4  }
0x156: {  	_ =	swait.ge @!p0 [sflag:s8], $0x2000  }
0x157: {  	[sflag:s8] =	ssyncset.done @!p0 $0x0  }
0x158: {  	s9 =	simm.s32 @!p0 $0x4800;
	[sflag:s8] =	ssyncadd.s32 @!p0 $0xFFFFE000;
	s8 =	simm.s32 @!p0 $0x40  }
0x159: {  	[spmem:s3] =	stream.indirect.scatter.add.f32 @!p0 [tilespmem:s9], [sflag:$0x6], $0x80, s1, s8, $0xb8;
	[tilespmem:$0x1E800] =	vst v63  }
.LBB2_16:
0x15a: {  	_ =	swait.ge [sflag:s28], $0x2000  }
0x15b: {  	[sflag:s28] =	ssyncset.done $0x0  }
0x15c: {  	[sflag:s28] =	ssyncadd.s32 $0xFFFFE000  }
0x15d: {  	_ =	swait.ge [sflag:s29], $0x2000  }
0x15e: {  	[sflag:s29] =	ssyncset.done $0x0  }
0x15f: {  	[sflag:s29] =	ssyncadd.s32 $0xFFFFE000  }
0x160: {  	_ =	swait.ge [sflag:s30], $0x2000  }
0x161: {  	[sflag:s30] =	ssyncset.done $0x0  }
0x162: {  	[sflag:s30] =	ssyncadd.s32 $0xFFFFE000  }
0x163: {  	_ =	swait.ge [sflag:s31], $0x2000  }
0x164: {  	[sflag:s31] =	ssyncset.done $0x0  }
0x165: {  	s1 =	sadd.s32 $0x780, s16;
	s2 =	simm.s32 $0x0;
	[sflag:s31] =	ssyncadd.s32 $0xFFFFE000  }
0x166: {  	[tilespmem:s2], [sflag:$0x9] =	stream.linear.gather [hbm4b:s1+s2], $0x1300, $0x38;
	[tilespmem:$0x1E800] =	vst v63  }
0x167: {  	_ =	swait.ge [sflag:s20], $0x1300  }
0x168: {  	[sflag:s20] =	ssyncset.done $0x0  }
0x169: {  	s7 =	sadd.s32 $0x780, s17;
	s1 =	simm.s32 $0x1400;
	[sflag:s20] =	ssyncadd.s32 $0xFFFFED00  }
0x16a: {  	[tilespmem:s1], [sflag:$0x9] =	stream.linear.gather [hbm4b:s7+s2], $0x1300, $0x38;
	[tilespmem:$0x1E800] =	vst v63  }
0x16b: {  	_ =	swait.ge [sflag:s20], $0x1300  }
0x16c: {  	[sflag:s20] =	ssyncset.done $0x0  }
0x16d: {  	[sflag:s20] =	ssyncadd.s32 $0xFFFFED00  }
0x16e: {  	[tilespmem:s19], [sflag:$0x1] =	stream.indirect.gather [hbm4b:s5+s21], $0x80, s2, s21, $0xb8;
	[tilespmem:$0x1E800] =	vst v63  }
.Ltmp14:
0x16f: {  	_ = 	snop;
	(pc) =	sbr.rel .LBB2_17-.Ltmp14, $4  }
0x170: {  	_ = 	snop  }
0x171: {  	[tilespmem:s23], [sflag:$0x2] =	stream.indirect.gather [hbm4b:s5+s21], $0x80, s22, s21, $0xb8;
	[tilespmem:$0x1E800] =	vst v63  }
0x172: {  	s7 =	simm.s32 $0x180  }
0x173: {  	[tilespmem:s26], [sflag:$0x3] =	stream.indirect.gather [hbm4b:s5+s21], $0x80, s25, s21, $0xb8;
	[tilespmem:$0x1E800] =	vst v63  }
.LBB2_19:
0x174: {  	p0 =	seq.s32 s8, $0x2  }
0x175: {  	p1 =	sgt.u32 @p0 s2, $0x22  }
0x176: {  	p2 =	por p1, !p0  }
0x177: {  	p3 =	seq.s32 @!p2 s2, $0x0  }
0x178: {  	p1 =	por @p0 p3, p1  }
0x179: {  	p1 =	por p1, !p0  }
0x17a: {  	s8 =	simm.s32 @!p1 $0x6  }
0x17b: {  	_ =	swait.ge @!p1 [sflag:s8], $0x2000  }
0x17c: {  	s9 =	simm.s32 @!p2 $0x4800;
	[sflag:s8] =	ssyncset.done @!p1 $0x0  }
0x17d: {  	[sflag:s8] =	ssyncadd.s32 @!p1 $0xFFFFE000;
	s8 =	simm.s32 @!p2 $0x40;
	p1 =	sgt.u32 @!p0 s2, $0x22  }
0x17e: {  	[tilespmem:s9], [sflag:$0x2] =	stream.indirect.gather @!p2 [hbm4b:s5+s8], $0x80, s7, s8, $0xb8;
	[tilespmem:$0x1E800] =	vst v63  }
0x17f: {  	s8 =	simm.s32 @p0 $0x3;
	p2 =	por p1, p0  }
0x180: {  	_ =	swait.ge @p0 [sflag:s8], $0x2000;
	p3 =	seq.s32 @!p2 s2, $0x0  }
0x181: {  	s9 =	simm.s32 @p0 $0x6800;
	[sflag:s8] =	ssyncset.done @p0 $0x0;
	p1 =	por @!p0 p3, p1  }
0x182: {  	[sflag:s8] =	ssyncadd.s32 @p0 $0xFFFFE000;
	s8 =	simm.s32 @p0 $0x40;
	p1 =	por p1, p0  }
0x183: {  	[spmem:s3] =	stream.indirect.scatter.add.f32 @p0 [tilespmem:s9], [sflag:$0x7], $0x80, s1, s8, $0xb8;
	[tilespmem:$0x1E800] =	vst v63  }
0x184: {  	s8 =	simm.s32 @!p1 $0x7  }
0x185: {  	_ =	swait.ge @!p1 [sflag:s8], $0x2000  }
0x186: {  	[sflag:s8] =	ssyncset.done @!p1 $0x0  }
0x187: {  	s9 =	simm.s32 @!p2 $0x6800;
	[sflag:s8] =	ssyncadd.s32 @!p1 $0xFFFFE000;
	s8 =	simm.s32 @!p2 $0x40  }
0x188: {  	[tilespmem:s9], [sflag:$0x3] =	stream.indirect.gather @!p2 [hbm4b:s5+s8], $0x80, s7, s8, $0xb8;
	[tilespmem:$0x1E800] =	vst v63  }
0x189: {  	s8 =	simm.s32 @!p0 $0x4  }
0x18a: {  	_ =	swait.ge @!p0 [sflag:s8], $0x2000  }
0x18b: {  	[sflag:s8] =	ssyncset.done @!p0 $0x0  }
0x18c: {  	s9 =	simm.s32 @!p0 $0x8800;
	[sflag:s8] =	ssyncadd.s32 @!p0 $0xFFFFE000;
	s8 =	simm.s32 @!p0 $0x40  }
0x18d: {  	[spmem:s3] =	stream.indirect.scatter.add.f32 @!p0 [tilespmem:s9], [sflag:$0x8], $0x80, s1, s8, $0xb8;
	[tilespmem:$0x1E800] =	vst v63  }
.LBB2_20:
0x18e: {  	s2 =	sadd.s32 $0x1, s2  }
0x18f: {  	p0 =	sne.s32 s2, $0x26  }
.Ltmp15:
0x190: {  	_ = 	snop;
	(pc) =	sbr.rel @!p0 .LBB2_21-.Ltmp15, $2  }
0x191: {  	_ =	sdelay $0x2  }
0x192: {  	s1 =	sadd.s32 $0x80, s1;
	s7 =	sadd.s32 $0x80, s7  }
.LBB2_17:
0x193: {  	s8 =	sand.u32 $0x3, s2  }
0x194: {  	p0 =	sgt.s32 s8, $0x1  }
.Ltmp16:
0x195: {  	_ = 	snop;
	(pc) =	sbr.rel @p0 .LBB2_19-.Ltmp16, $1  }
0x196: {  	_ =	sdelay $0x3  }
0x197: {  	p0 =	seq.s32 s8, $0x0  }
0x198: {  	p1 =	sgt.u32 @p0 s2, $0x22  }
0x199: {  	p2 =	por p1, !p0  }
0x19a: {  	p3 =	seq.s32 @!p2 s2, $0x0  }
0x19b: {  	p1 =	por @p0 p3, p1  }
0x19c: {  	p1 =	por p1, !p0  }
0x19d: {  	s8 =	simm.s32 @!p1 $0x8  }
0x19e: {  	_ =	swait.ge @!p1 [sflag:s8], $0x2000  }
0x19f: {  	s9 =	simm.s32 @!p2 $0x8800;
	[sflag:s8] =	ssyncset.done @!p1 $0x0  }
0x1a0: {  	[sflag:s8] =	ssyncadd.s32 @!p1 $0xFFFFE000;
	s8 =	simm.s32 @!p2 $0x40;
	p1 =	slt.u32 @!p0 s2, $0x23  }
0x1a1: {  	[tilespmem:s9], [sflag:$0x4] =	stream.indirect.gather @!p2 [hbm4b:s5+s8], $0x80, s7, s8, $0xb8;
	[tilespmem:$0x1E800] =	vst v63  }
0x1a2: {  	s8 =	simm.s32 @p0 $0x1;
	p2 =	por !p1, p0  }
0x1a3: {  	_ =	swait.ge @p0 [sflag:s8], $0x2000;
	p3 =	seq.s32 @!p2 s2, $0x0  }
0x1a4: {  	s9 =	simm.s32 @p0 $0x2800;
	[sflag:s8] =	ssyncset.done @p0 $0x0;
	p3 =	por @!p0 p3, !p1  }
0x1a5: {  	[sflag:s8] =	ssyncadd.s32 @p0 $0xFFFFE000;
	s8 =	simm.s32 @p0 $0x40;
	p3 =	por p3, p0  }
0x1a6: {  	[spmem:s3] =	stream.indirect.scatter.add.f32 @p0 [tilespmem:s9], [sflag:$0x5], $0x80, s1, s8, $0xb8;
	[tilespmem:$0x1E800] =	vst v63  }
0x1a7: {  	s8 =	simm.s32 @!p3 $0x5  }
0x1a8: {  	_ =	swait.ge @!p3 [sflag:s8], $0x2000  }
0x1a9: {  	[sflag:s8] =	ssyncset.done @!p3 $0x0  }
0x1aa: {  	s9 =	simm.s32 @!p2 $0x2800;
	[sflag:s8] =	ssyncadd.s32 @!p3 $0xFFFFE000;
	s8 =	simm.s32 @!p2 $0x40  }
0x1ab: {  	[tilespmem:s9], [sflag:$0x1] =	stream.indirect.gather @!p2 [hbm4b:s5+s8], $0x80, s7, s8, $0xb8;
	[tilespmem:$0x1E800] =	vst v63  }
0x1ac: {  	s9 =	simm.s32 @!p2 $0x2  }
0x1ad: {  	_ =	swait.ge @!p2 [sflag:s9], $0x2000  }
0x1ae: {  	[sflag:s9] =	ssyncset.done @!p2 $0x0  }
0x1af: {  	p0 =	por p1, p0;
	[sflag:s9] =	ssyncadd.s32 @!p2 $0xFFFFE000;
	s9 =	simm.s32 @!p2 $0x4800  }
0x1b0: {  	[spmem:s3] =	stream.indirect.scatter.add.f32 @!p2 [tilespmem:s9], [sflag:$0x6], $0x80, s1, s8, $0xb8;
	[tilespmem:$0x1E800] =	vst v63  }
.Ltmp17:
0x1b1: {  	s8 =	simm.s32 @!p0 $0x2;
	(pc) =	sbr.rel .LBB2_20-.Ltmp17, $4  }
0x1b2: {  	_ =	swait.ge @!p0 [sflag:s8], $0x2000  }
0x1b3: {  	[sflag:s8] =	ssyncset.done @!p0 $0x0  }
0x1b4: {  	s9 =	simm.s32 @!p0 $0x4800;
	[sflag:s8] =	ssyncadd.s32 @!p0 $0xFFFFE000;
	s8 =	simm.s32 @!p0 $0x40  }
0x1b5: {  	[spmem:s3] =	stream.indirect.scatter.add.f32 @!p0 [tilespmem:s9], [sflag:$0x6], $0x80, s1, s8, $0xb8;
	[tilespmem:$0x1E800] =	vst v63  }
.LBB2_22:
0x1b6: {  	_ =	sfence.sel $0x180000  }
0x1b7: {  	[bflag:$0x0] =	sbarrier.arrive $0xFFFF  }
0x1b8: {  	_ =	strace $0x9000004D  }
0x1b9: {  	s0 =	stileid.u32;
	[bflag:$0x2] =	sbarrier.arrive $0xFFFF  }
0x1ba: {  	p0 =	sne.s32 s0, $0x0;
	s0 =	rddreg [dreg:$0x3]  }
0x1bb: {  	s0 =	sadd.s32 @!p0 $0x100000, s0  }
0x1bc: {  	[sflag:s0] =	ssyncadd.tile.s32 @!p0 $0x1;
	_ =	shalt  }
.Lfunc_end2:
_tile_overlayer_lowered:
.L_overlay_start_2:
0x1bd: {  	(tag) =	ssettag $0x2  }
0x1be: {  	s0 =	rddreg [dreg:$0x0];
	s2 =	stileid.u32  }
0x1bf: {  	s1 =	rddreg [dreg:$0x1];
	p0 =	sne.s32 s2, $0x0  }
0x1c0: {  	s3 =	rddreg [dreg:$0x2];
	[bflag:$0x3] =	sbarrier.arrive $0xFFFF;
	s2 =	simm.s32 @!p0 $0x1C09  }
0x1c1: {  	[timem:s3], [sflag:s2] =	dma.local @!p0 [hbm:s0], s1  }
0x1c2: {  	s0 =	simm.s32 @!p0 $0x9  }
0x1c3: {  	_ =	swait.ge @!p0 [sflag:s0], s1  }
0x1c4: {  	s1 =	ssub.s32 @!p0 $0x0, s1;
	[sflag:s0] =	ssyncset.done @!p0 $0x0  }
0x1c5: {  	[sflag:s0] =	ssyncadd.s32 @!p0 s1  }
0x1c6: {  	[bflag:$0x3] =	sbarrier.arrive $0xFFFF  }
0x1c7: {  	_ =	shalt  }

// kernel: kernel.20.cloned.1.call-start
scs
__scs_entry_jumppad:
0x0: {  	(pc) =	sbr.rel $0x88, $3  }
0x1: {  	(tag) =	ssettag $0x0;
	lr =	simm.s32 $0x1  }
0x2: {  	[smem:$0x3F9B] =	sst lr;
	_ =	strace $0xD0000000  }
0x3: {  	_ = 	snop  }
0x4: {  	_ = 	snop  }
0x5: {  	_ = 	snop  }
0x6: {  	_ = 	snop  }
0x7: {  	_ = 	snop  }
__scs_overlays_trampoline_lowered:
0x8: {  	[smem:$0x3FAA] =	sst s0  }
0x9: {  	[smem:$0x3FAB] =	sst s1  }
0xa: {  	[smem:$0x3FAC] =	sst s2  }
0xb: {  	[smem:$0x3FAD] =	sst s3  }
0xc: {  	[smem:$0x3FAE] =	sst s4  }
0xd: {  	[smem:$0x3FAF] =	sst s5  }
0xe: {  	[smem:$0x3FB0] =	sst s6  }
0xf: {  	[smem:$0x3FB1] =	sst s7  }
0x10: {  	[smem:$0x3FB2] =	sst s8  }
0x11: {  	[smem:$0x3FB3] =	sst s9;
	s0 =	simm.s32 @!p0 $0x0  }
0x12: {  	s1 =	sld [smem:$0x3F99];
	s0 =	simm.s32 @p0 $0x1  }
0x13: {  	[smem:$0x3FB4] =	sst s0;
	s0 =	simm.s32 @!p1 $0x0  }
0x14: {  	s2 =	sld [smem:$0x3F98];
	s0 =	simm.s32 @p1 $0x1  }
0x15: {  	[smem:$0x3FB5] =	sst s0;
	s0 =	simm.s32 @!p2 $0x0  }
0x16: {  	s3 =	sld [smem:$0x3FDB];
	s0 =	simm.s32 @p2 $0x1  }
0x17: {  	s4 =	simm.s32 $0x1BF5;
	[smem:$0x3FB7] =	sst s0  }
0x18: {  	s0 =	sld [smem:$0x3F9A];
	_ =	swait.ge [sflag:s4], $0x0  }
0x19: {  	s7 =	sld [smem:$0x3F9B]  }
0x1a: {  	s8 =	sadd.s32 $0xFFFFE003, lr  }
0x1b: {  	s9 =	sadd.s32 $0xFFFFFEF7, lr;
	s5 =	simm.s32 $0xFFFFFFFF;
	p2 =	slt.u32 s8, $0xFFFFF086  }
0x1c: {  	p1 =	slt.u32 s9, $0xF7A;
	s5 =	simm.s32 @!p2 $0x0  }
0x1d: {  	s5 =	simm.s32 @p1 $0x1;
	p0 =	seq.s32 s7, s2  }
0x1e: {  	s7 =	smul.u32 @!p0 $0xF7A, s2;
	p2 =	seq.s32 @!p0 s5, $0x0  }
0x1f: {  	s9 =	smul.u32 $0xF7A, s1;
	s8 =	simm.s32 @!p0 $0x1BF5;
	p2 =	por !p2, p0  }
0x20: {  	[sflag:s8] =	ssyncset.s32 @!p0 $0xFFFFF086;
	s6 =	sadd.s32 @!p0 s3, s7;
	s7 =	simm.s32 @!p0 $0x108  }
0x21: {  	s3 =	sadd.s32 s3, s9;
	s6 =	sadd.s32 @!p0 $0x88, s6;
	s7 =	simm.s32 @p2 $0x1082  }
0x22: {  	[simem:s7], [sflag:s8] =	dma.local @!p0 [hbm:s6], $0xF7A  }
0x23: {  	s9 =	sor.u32 $0xD0000000, s2;
	s6 =	simm.s32 $0x108;
	_ =	swait.ge @!p0 [sflag:s8], $0x0  }
0x24: {  	s3 =	sadd.s32 $0x88, s3;
	s6 =	simm.s32 @!p1 $0x1082;
	[sflag:s4] =	ssyncset.s32 $0xFFFFF086  }
0x25: {  	[simem:s6], [sflag:s4] =	dma.local [hbm:s3], $0xF7A  }
0x26: {  	[smem:$0x3F9B] =	sst s1;
	(tag) =	ssettag s2;
	_ =	strace s9  }
0x27: {  	s1 =	sld [smem:$0x3FAB]  }
0x28: {  	s2 =	sld [smem:$0x3FAC]  }
0x29: {  	s4 =	sld [smem:$0x3FAE]  }
0x2a: {  	p0 =	seq.s32 s5, $0x0;
	s5 =	sld [smem:$0x3FAF]  }
0x2b: {  	s6 =	sld [smem:$0x3FB0]  }
0x2c: {  	s7 =	sld [smem:$0x3FB1]  }
0x2d: {  	s3 =	simm.s32 $0x108;
	s8 =	sld [smem:$0x3FB2]  }
0x2e: {  	s3 =	simm.s32 @!p0 $0x1082;
	s9 =	sld [smem:$0x3FB3]  }
0x2f: {  	lr =	sadd.s32 s0, s3;
	s0 =	sld [smem:$0x3FAA]  }
0x30: {  	s3 =	sld [smem:$0x3FAD]  }
0x31: {  	[smem:$0x3FB6] =	sst s10  }
0x32: {  	s10 =	sld [smem:$0x3FB4];
	_ =	sdelay $0x3  }
0x33: {  	p0 =	seq.s32 s10, $0x1;
	s10 =	sld [smem:$0x3FB6];
	_ =	sdelay $0x3  }
0x34: {  	[smem:$0x3FB6] =	sst s10  }
0x35: {  	s10 =	sld [smem:$0x3FB5];
	_ =	sdelay $0x3  }
0x36: {  	p1 =	seq.s32 s10, $0x1;
	s10 =	sld [smem:$0x3FB6];
	_ =	sdelay $0x3  }
0x37: {  	[smem:$0x3FB6] =	sst s10  }
0x38: {  	s10 =	sld [smem:$0x3FB7]  }
0x39: {  	_ = 	snop;
	(pc) =	sbr.ind lr, $3  }
0x3a: {  	_ = 	snop  }
0x3b: {  	_ = 	snop  }
0x3c: {  	p2 =	seq.s32 s10, $0x1;
	s10 =	sld [smem:$0x3FB6]  }
0x3d: {  	_ =	shalt  }
0x3e: {  	_ =	shalt  }
0x3f: {  	_ =	shalt  }
0x40: {  	_ =	shalt  }
0x41: {  	_ =	shalt  }
0x42: {  	_ =	shalt  }
0x43: {  	_ =	shalt  }
0x44: {  	_ =	shalt  }
0x45: {  	_ =	shalt  }
0x46: {  	_ =	shalt  }
0x47: {  	_ =	shalt  }
0x48: {  	_ =	shalt  }
0x49: {  	_ =	shalt  }
0x4a: {  	_ =	shalt  }
0x4b: {  	_ =	shalt  }
0x4c: {  	_ =	shalt  }
0x4d: {  	_ =	shalt  }
0x4e: {  	_ =	shalt  }
0x4f: {  	_ =	shalt  }
0x50: {  	_ =	shalt  }
0x51: {  	_ =	shalt  }
0x52: {  	_ =	shalt  }
0x53: {  	_ =	shalt  }
0x54: {  	_ =	shalt  }
0x55: {  	_ =	shalt  }
0x56: {  	_ =	shalt  }
0x57: {  	_ =	shalt  }
0x58: {  	_ =	shalt  }
0x59: {  	_ =	shalt  }
0x5a: {  	_ =	shalt  }
0x5b: {  	_ =	shalt  }
0x5c: {  	_ =	shalt  }
0x5d: {  	_ =	shalt  }
0x5e: {  	_ =	shalt  }
0x5f: {  	_ =	shalt  }
0x60: {  	_ =	shalt  }
0x61: {  	_ =	shalt  }
0x62: {  	_ =	shalt  }
0x63: {  	_ =	shalt  }
0x64: {  	_ =	shalt  }
0x65: {  	_ =	shalt  }
0x66: {  	_ =	shalt  }
0x67: {  	_ =	shalt  }
0x68: {  	_ =	shalt  }
0x69: {  	_ =	shalt  }
0x6a: {  	_ =	shalt  }
0x6b: {  	_ =	shalt  }
0x6c: {  	_ =	shalt  }
0x6d: {  	_ =	shalt  }
0x6e: {  	_ =	shalt  }
0x6f: {  	_ =	shalt  }
0x70: {  	_ =	shalt  }
0x71: {  	_ =	shalt  }
0x72: {  	_ =	shalt  }
0x73: {  	_ =	shalt  }
0x74: {  	_ =	shalt  }
0x75: {  	_ =	shalt  }
0x76: {  	_ =	shalt  }
0x77: {  	_ =	shalt  }
0x78: {  	_ =	shalt  }
0x79: {  	_ =	shalt  }
0x7a: {  	_ =	shalt  }
0x7b: {  	_ =	shalt  }
0x7c: {  	_ =	shalt  }
0x7d: {  	_ =	shalt  }
0x7e: {  	_ =	shalt  }
0x7f: {  	_ =	shalt  }
0x80: {  	_ =	shalt  }
0x81: {  	_ =	shalt  }
0x82: {  	_ =	shalt  }
0x83: {  	_ =	shalt  }
0x84: {  	_ =	shalt  }
0x85: {  	_ =	shalt  }
0x86: {  	_ =	shalt  }
0x87: {  	_ =	shalt  }
.Lfunc_end0:
.L_simem_size_0:
called_computation.3_lowered:
.L_overlay_start_0:
0x88: {  	s2 =	sld [smem:$0x3FD9]  }
0x89: {  	s3 =	sld [smem:$0x3FFE];
	_ =	sdelay $0x1  }
0x8a: {  	s1 =	srdreg.scid  }
0x8b: {  	s0 =	sand.u32 $0x1, s1  }
0x8c: {  	s16 =	sshll.u32 s0, $0xA;
	s2 =	sadd.s32 s3, s2  }
0x8d: {  	s2 =	sadd.s32 s2, s16  }
0x8e: {  	[smem:$0x3FC2] =	sst s2  }
0x8f: {  	_ = 	snop  }
0x90: {  	(tm) =	ssettm $0x1  }
0x91: {  	s17 =	sld [smem:$0x3FFB];
	_ =	sdelay $0x3  }
0x92: {  	_ =	strace s17  }
0x93: {  	s2 =	sld [smem:$0x3FFC];
	_ =	sdelay $0x3  }
0x94: {  	_ =	strace s2  }
0x95: {  	s2 =	sld [smem:$0x3FFD];
	_ =	sdelay $0x3  }
0x96: {  	_ =	strace s2  }
0x97: {  	_ =	strace $0x8FFFFFFF  }
0x98: {  	s18 =	sld [smem:$0x3FDB];
	_ =	sdelay $0x1  }
0x99: {  	s19 =	simm.s32 $_scs_section_size  }
0x9a: {  	s4 =	simm.s32 $_size__tile_overlayer_lowered;
	s5 =	simm.s32 $_tile_overlayer_lowered  }
0x9b: {  	s22 =	simm.s32 $0x1BFF;
	s21 =	sshll.u32 s5, $0x1;
	s2 =	sadd.s32 s19, s18  }
0x9c: {  	s6 =	simm.s32 $0x0;
	s20 =	sshll.u32 s4, $0x1;
	s4 =	sadd.s32 s21, s2  }
0x9d: {  	[timem:s6], [sflag:s22] =	dma.local [hbm:s4], s20  }
0x9e: {  	_ =	swait.ge [sflag:s22], s20  }
0x9f: {  	s3 =	ssub.s32 $0x0, s20;
	[sflag:s22] =	ssyncset.done $0x0  }
0xa0: {  	[sflag:s22] =	ssyncadd.s32 s3;
	_ =	sdelay $0x1  }
0xa1: {  	s23 =	simm.s32 $0x1B8B  }
0xa2: {  	_ =	swait.ge [sflag:s23], $0x1  }
0xa3: {  	[sflag:s23] =	ssyncset.done $0x0  }
0xa4: {  	s25 =	simm.s32 $0x1B8E;
	s24 =	sld [smem:$0x3FFE];
	[sflag:s23] =	ssyncadd.s32 $0xFFFFFFFF  }
0xa5: {  	s26 =	simm.s32 $execute0_lowered;
	[smem:$0x3FD2] =	sst s25  }
0xa6: {  	s4 =	sshll.u32 s26, $0x1;
	_ =	strace $0x8000004F;
	[dreg:$0x1] =	wrdreg $0xFFFFFFFF  }
0xa7: {  	s28 =	simm.s32 $_size_execute0_lowered;
	s2 =	sadd.s32 s2, s4;
	[dreg:$0x0] =	wrdreg $0x0  }
0xa8: {  	s4 =	sshll.u32 s28, $0x1;
	[dreg:$0x2] =	wrdreg s2  }
0xa9: {  	[dreg:$0x3] =	wrdreg s4  }
0xaa: {  	[dreg:$0x4] =	wrdreg $0xC0  }
0xab: {  	_ =	task [dreg:s6], $0x5FFFF  }
0xac: {  	[dreg:$0x1] =	wrdreg $0xFFFFFFFF  }
0xad: {  	[dreg:$0x0] =	wrdreg $0x60  }
0xae: {  	[dreg:$0x2] =	wrdreg s24  }
0xaf: {  	[dreg:$0x3] =	wrdreg $0x9  }
0xb0: {  	_ =	task.clear_ibuf [dreg:s6], $0x4FFFF;
	_ =	strace $0x9000004F  }
0xb1: {  	s29 =	simm.s32 $0x9;
	_ =	strace $0x80000051  }
0xb2: {  	_ =	swait.ge [sflag:s29], $0x1  }
0xb3: {  	[sflag:s29] =	ssyncadd.s32 $0xFFFFFFFF  }
0xb4: {  	_ =	strace $0x90000051  }
0xb5: {  	_ =	sfence  }
0xb6: {  	s30 =	sld [smem:$0x0];
	_ =	sdelay $0x2  }
0xb7: {  	s31 =	sshll.u32 s1, $0xD;
	s1 =	sshrl.u32 s1, $0x2  }
0xb8: {  	s3 =	sand.u32 $0x4000, s31;
	s1 =	sadd.s32 s1, s30  }
0xb9: {  	s0 =	sor.u32 s3, s0;
	s1 =	sshll.u32 s1, $0x11  }
0xba: {  	s0 =	sor.u32 s1, s0  }
0xbb: {  	s0 =	sadd.s32 $0x8F2B, s0  }
0xbc: {  	[sflag:s0] =	ssyncadd.remote.s32 $0x1  }
0xbd: {  	_ =	sfence.sel $0xFFFF  }
0xbe: {  	[dreg:$0x0] =	wrdreg $0xFFFFFFFF;
	(pc) =	sbr.abs _section_cstart, $3  }
0xbf: {  	[dreg:$0x1] =	wrdreg $0xFFFFFFFF  }
0xc0: {  	_ =	task.clear_ibuf [dreg:s6], $0x2FFFF;
	_ =	strace $0x9FFFFFFF  }
0xc1: {  	(tm) =	ssettm $0x7FFFFFFF  }
tec
execute0_lowered:
.L_overlay_start_1:
0x0: {  	(tag) =	ssettag $0x1  }
0x1: {  	s0 =	srdreg.scid  }
0x2: {  	s5 =	rddreg [dreg:$0x0];
	s9 =	simm.s32 $0x80;
	s10 =	simm.s32 $0x400  }
0x3: {  	s11 =	simm.s32 $0x1;
	s12 =	simm.s32 $0x2780;
	s4 =	sand.u32 $0x1, s0  }
0x4: {  	s13 =	simm.s32 $0x4F00;
	s0 =	stileid.u32;
	s1 =	sshll.u32 s4, $0x4  }
0x5: {  	s14 =	simm.s32 $0x7700;
	s15 =	simm.s32 $0x0;
	s1 =	sor.u32 s0, s1  }
0x6: {  	s2 =	sshll.u32 s0, $0x7;
	s8 =	ssub.s32 $0x2, s4;
	s3 =	sshrl.u32 s1, $0x3  }
0x7: {  	s7 =	sand.u32 $0x380, s2;
	s2 =	simm.s32 $0x0;
	s6 =	smul.u32 $0x13C00, s3  }
0x8: {  	s31 =	sshrl.u32 s8, $0x1;
	s1 =	rddreg [dreg:$0x1];
	s3 =	smul.u32 $0x14000, s3  }
0x9: {  	s4 =	sadd.s32 $0xB800, s5;
	[smem:$0x7FF] =	sst s2;
	s8 =	ssub.s32 s8, s31  }
0xa: {  	_ =	strace $0x80000050;
	s6 =	sor.u32 s7, s6;
	s7 =	sor.u32 s7, s3  }
0xb: {  	s8 =	smax.u32 s8, $0x1;
	s6 =	sshrl.u32 s6, $0x3;
	s7 =	sshrl.u32 s7, $0x3  }
0xc: {  	s3 =	sadd.s32 $0xBE00, s5;
	s6 =	sadd.s32 s6, s5;
	s7 =	sadd.s32 s7, s5  }
0xd: {  	s5 =	sadd.s32 $0x1A00, s6;
	s6 =	sadd.s32 $0x16400, s6;
	s7 =	sadd.s32 $0xC400, s7  }
.LBB2_1:
0xe: {  	[tilespmem:s2], [sflag:$0x1] =	stream.strided.gather [hbm4b:s5+s9], $0x2780, s10, s9, $0x38;
	[tilespmem:$0x9F00] =	vst v63  }
0xf: {  	_ =	swait.ge [sflag:s11], $0x2780  }
0x10: {  	[sflag:s11] =	ssyncset.done $0x0  }
0x11: {  	[sflag:s11] =	ssyncadd.s32 $0xFFFFD880  }
0x12: {  	[tilespmem:s12], [sflag:$0x1] =	stream.strided.gather [hbm4b:s6+s9], $0x2780, s10, s9, $0x38;
	[tilespmem:$0x9F00] =	vst v63  }
0x13: {  	_ =	swait.ge [sflag:s11], $0x2780  }
0x14: {  	[sflag:s11] =	ssyncset.done $0x0  }
0x15: {  	[sflag:s11] =	ssyncadd.s32 $0xFFFFD880  }
0x16: {  	[tilespmem:s13], [sflag:$0x1] =	stream.linear.gather [hbm4b:s3+s2], $0x2800, $0x38;
	[tilespmem:$0x9F00] =	vst v63  }
0x17: {  	_ =	swait.ge [sflag:s11], $0x2800  }
0x18: {  	[sflag:s11] =	ssyncset.done $0x0  }
0x19: {  	[sflag:s11] =	ssyncadd.s32 $0xFFFFD800  }
0x1a: {  	[tilespmem:s14], [sflag:$0x1] =	stream.linear.gather [hbm4b:s4+s2], $0x2800, $0x38;
	[tilespmem:$0x9F00] =	vst v63  }
0x1b: {  	_ =	swait.ge [sflag:s11], $0x2800  }
0x1c: {  	[sflag:s11] =	ssyncset.done $0x0  }
0x1d: {  	s17 =	simm.s32 $0x0;
	s16 =	simm.s32 $0x40;
	[sflag:s11] =	ssyncadd.s32 $0xFFFFD800  }
.LBB2_2:
0x1e: {  	p0 =	sne.s32 s16, $0x9DC0;
	v0 =	vld [tilespmem:s17+$0x0];
	_ =	sdelay $0x5  }
0x1f: {  	v1 =	vld [tilespmem:s17+$0x2780];
	_ =	sdelay $0x1  }
0x20: {  	v0 =	vld.idx.msk [tilespmem:v0+s13+$0x0], $0xffff;
	_ =	sdelay $0x1  }
.Ltmp0:
0x21: {  	(pc) =	sbr.rel @p0 .LBB2_2-.Ltmp0, $2  }
0x22: {  	_ =	sdelay $0x2  }
0x23: {  	s17 =	sshra.s32 s16, $0x2;
	s16 =	sadd.s32 $0x40, s16;
	[tilespmem:v1+s14+$0x0] =	vst.idx.add.f32.msk $0xffff, v0  }
0x24: {  	v0 =	vld [tilespmem:s17+$0x0];
	_ =	sdelay $0x4  }
0x25: {  	v1 =	vld [tilespmem:s17+$0x2780];
	_ =	sdelay $0x2  }
0x26: {  	v0 =	vld.idx.msk [tilespmem:v0+s13+$0x0], $0xffff;
	_ =	sdelay $0x2  }
0x27: {  	s15 =	sadd.s32 $0x1, s15  }
0x28: {  	p0 =	sne.s32 s15, s8  }
.Ltmp1:
0x29: {  	[tilespmem:v1+s14+$0x0] =	vst.idx.add.f32.msk $0xffff, v0;
	(pc) =	sbr.rel @p0 .LBB2_1-.Ltmp1, $4  }
0x2a: {  	[hbm4b:s7+s9] =	stream.strided.scatter [tilespmem:s14], [sflag:$0x1], $0x2800, s10, s9, $0x38;
	[tilespmem:$0x9F00] =	vst v63  }
0x2b: {  	_ =	swait.ge [sflag:s11], $0x2800  }
0x2c: {  	[sflag:s11] =	ssyncset.done $0x0  }
0x2d: {  	[sflag:s11] =	ssyncadd.s32 $0xFFFFD800  }
0x2e: {  	_ =	sfence.sel $0x180000  }
0x2f: {  	[bflag:$0x0] =	sbarrier.arrive $0xFFFF  }
0x30: {  	p0 =	sne.s32 s0, $0x0;
	_ =	strace $0x90000050  }
0x31: {  	s0 =	sadd.s32 @!p0 $0x100000, s1;
	[bflag:$0x2] =	sbarrier.arrive $0xFFFF  }
0x32: {  	[sflag:s0] =	ssyncadd.tile.s32 @!p0 $0x1;
	_ =	shalt  }
.Lfunc_end2:
_tile_overlayer_lowered:
.L_overlay_start_2:
0x33: {  	(tag) =	ssettag $0x2  }
0x34: {  	s0 =	rddreg [dreg:$0x0];
	s2 =	stileid.u32  }
0x35: {  	s1 =	rddreg [dreg:$0x1];
	p0 =	sne.s32 s2, $0x0  }
0x36: {  	s3 =	rddreg [dreg:$0x2];
	[bflag:$0x3] =	sbarrier.arrive $0xFFFF;
	s2 =	simm.s32 @!p0 $0x1C01  }
0x37: {  	[timem:s3], [sflag:s2] =	dma.local @!p0 [hbm:s0], s1  }
0x38: {  	s0 =	simm.s32 @!p0 $0x1  }
0x39: {  	_ =	swait.ge @!p0 [sflag:s0], s1  }
0x3a: {  	s1 =	ssub.s32 @!p0 $0x0, s1;
	[sflag:s0] =	ssyncset.done @!p0 $0x0  }
0x3b: {  	[sflag:s0] =	ssyncadd.s32 @!p0 s1  }
0x3c: {  	[bflag:$0x3] =	sbarrier.arrive $0xFFFF  }
0x3d: {  	_ =	shalt  }

</sc_bundles>
